<compile_context>
chip_gen: v7x
topology: tpu7x:2x2x1
jax: 0.10.2.dev20260603
libtpu: 0.0.44.dev20260713+nightly
codegen_flags: <defaults>
</compile_context>

<pallas_src>
import functools

import jax
import jax.numpy as jnp
from jax import lax
from jax.experimental import pallas as pl
from jax.experimental.pallas import tpu as pltpu
from jax.experimental.pallas import tpu_sc as plsc

_EPS = 1e-12
_D = 64


def _make_sc_gather(B, b_per_w, num_cores):
    mesh = plsc.VectorSubcoreMesh(core_axis_name="c", subcore_axis_name="s")

    @functools.partial(
        pl.kernel,
        mesh=mesh,
        out_type=[jax.ShapeDtypeStruct((B, _D), jnp.float32)] * 6,
        scratch_types=[
            pltpu.VMEM((b_per_w,), jnp.int32),
            pltpu.VMEM((b_per_w // 2, _D), jnp.float32),
            pltpu.VMEM((b_per_w // 2, _D), jnp.float32),
            pltpu.SemaphoreType.DMA,
            pltpu.SemaphoreType.DMA,
        ],
    )
    def sc_gather(ent_hbm, rel_hbm, phs, pts, nhs, nts, prs, nrs,
                  o_ph, o_pt, o_nh, o_nt, o_pr, o_nr,
                  idx_v, buf0, buf1, sem0, sem1):
        wid = lax.axis_index("s") * num_cores + lax.axis_index("c")
        base = wid * b_per_w
        half = b_per_w // 2
        bufs = (buf0, buf1)
        sems = (sem0, sem1)
        sets = (
            (phs, ent_hbm, o_ph), (pts, ent_hbm, o_pt),
            (nhs, ent_hbm, o_nh), (nts, ent_hbm, o_nt),
            (prs, rel_hbm, o_pr), (nrs, rel_hbm, o_nr),
        )
        units = [(si, h) for si in range(6) for h in range(2)]

        def drain(ui):
            si, h = units[ui]
            out = sets[si][2]
            lo = base + h * half
            pltpu.make_async_copy(
                out.at[pl.ds(lo, half)], bufs[ui % 2], sems[ui % 2]).wait()
            pltpu.sync_copy(bufs[ui % 2], out.at[pl.ds(lo, half)])

        for ui, (si, h) in enumerate(units):
            idx_hbm, table, out = sets[si]
            if h == 0:
                pltpu.sync_copy(idx_hbm.at[pl.ds(base, b_per_w)], idx_v)
            buf, sem = bufs[ui % 2], sems[ui % 2]

            def fire_group(g, _, table=table, buf=buf, sem=sem, h=h):
                o = h * half + g * 16
                iv = idx_v[pl.ds(o, 16)]
                for j in range(16):
                    pltpu.async_copy(
                        table.at[pl.ds(iv[j], 1)],
                        buf.at[pl.ds(g * 16 + j, 1)], sem)
                return _

            lax.fori_loop(0, half // 16, fire_group, None)
            if ui >= 1:
                drain(ui - 1)
        drain(len(units) - 1)

    return sc_gather


def _tc_body(ph_ref, pt_ref, nh_ref, nt_ref, pr_ref, nr_ref, wt_ref, b_ref,
             o_ph, o_pe, o_pt, o_nh, o_ne, o_nt):
    def nrm(x):
        s = jnp.sum(x * x, axis=1, keepdims=True)
        return x * lax.rsqrt(jnp.maximum(s, _EPS * _EPS))

    ph = nrm(ph_ref[...])
    pt = nrm(pt_ref[...])
    nh = nrm(nh_ref[...])
    nt = nrm(nt_ref[...])
    pr = nrm(pr_ref[...])
    nr = nrm(nr_ref[...])
    wt = wt_ref[...]
    bb = b_ref[...]

    def edge(h, t, r):
        cat = nrm(jnp.concatenate([h, t], axis=1))
        z = jnp.tanh(jnp.dot(cat, wt, preferred_element_type=jnp.float32) + bb)
        z = nrm(z)
        d = jnp.sum(r * z, axis=1, keepdims=True)
        return nrm(r - d * z)

    o_ph[...] = ph.T
    o_pt[...] = pt.T
    o_nh[...] = nh.T
    o_nt[...] = nt.T
    o_pe[...] = edge(ph, pt, pr).T
    o_ne[...] = edge(nh, nt, nr).T


def _tc_transform(ph_r, pt_r, nh_r, nt_r, pr_r, nr_r, Wt, b2d, block_b):
    B, D = ph_r.shape
    grid = (B // block_b,)
    row_spec = pl.BlockSpec((block_b, D), lambda i: (i, 0))
    col_spec = pl.BlockSpec((D, block_b), lambda i: (0, i))
    outs = pl.pallas_call(
        _tc_body,
        grid=grid,
        in_specs=[row_spec] * 6 + [
            pl.BlockSpec(Wt.shape, lambda i: (0, 0)),
            pl.BlockSpec(b2d.shape, lambda i: (0, 0)),
        ],
        out_specs=[col_spec] * 6,
        out_shape=[jax.ShapeDtypeStruct((D, B), jnp.float32)] * 6,
    )(ph_r, pt_r, nh_r, nt_r, pr_r, nr_r, Wt, b2d)
    return tuple(jnp.transpose(o) for o in outs)


def kernel(ent_embed, rel_embed, W, b, phs, prs, pts, nhs, nrs, nts):
    B = phs.shape[0]
    D = ent_embed.shape[1]
    info = plsc.get_sparse_core_info()
    nw = info.num_cores * info.num_subcores
    b_per_w = B // nw

    gat = _make_sc_gather(B, b_per_w, info.num_cores)
    ph_r, pt_r, nh_r, nt_r, pr_r, nr_r = gat(
        ent_embed, rel_embed, phs, pts, nhs, nts, prs, nrs)

    Wt = W.T
    b2d = b.reshape(1, D)
    return _tc_transform(
        ph_r, pt_r, nh_r, nt_r, pr_r, nr_r, Wt, b2d, block_b=2048)

# --- scband reference (transcript-rebuilt; emitter-appended) ---
"""Pipeline reference for scband-model-90434831385284 (READ-ONLY COPY).

The authoritative reference and input builder live on the scoring server;
editing this copy changes nothing except your own understanding.
"""

import jax, jax.numpy as jnp
import numpy as np


def _normalize(x, eps=1e-12):
    n = jnp.linalg.norm(x, ord=2, axis=1, keepdims=True)
    return x / jnp.maximum(n, eps)


def setup_inputs(seed: int = 0) -> dict:
    key = jax.random.key(seed)
    ks = jax.random.split(key, 12)
    ent_num, rel_num, dim, batch = 1000000, 1000, 64, 16384
    ent_embed = jax.random.normal(ks[0], (ent_num, dim), dtype=jnp.float32)
    phs = jax.random.randint(ks[1], (batch,), 0, ent_num, dtype=jnp.int32)
    prs = jax.random.randint(ks[2], (batch,), 0, rel_num, dtype=jnp.int32)
    pts = jax.random.randint(ks[3], (batch,), 0, ent_num, dtype=jnp.int32)
    nhs = jax.random.randint(ks[4], (batch,), 0, ent_num, dtype=jnp.int32)
    nrs = jax.random.randint(ks[5], (batch,), 0, rel_num, dtype=jnp.int32)
    nts = jax.random.randint(ks[6], (batch,), 0, ent_num, dtype=jnp.int32)
    # learned parameters
    rel_embed = jax.random.normal(ks[7], (rel_num, dim), dtype=jnp.float32)  # xavier_normal_ approx
    # context_projection linear: trunc_norm_init approximated by truncated normal
    W = jax.random.truncated_normal(ks[8], -2.0, 2.0, (dim, 2 * dim), dtype=jnp.float32) * 0.02
    b = jax.random.truncated_normal(ks[9], -2.0, 2.0, (dim,), dtype=jnp.float32) * 0.02
    return {"ent_embed": ent_embed, "rel_embed": rel_embed, "W": W, "b": b,
            "phs": phs, "prs": prs, "pts": pts, "nhs": nhs, "nrs": nrs, "nts": nts}


def reference(ent_embed, rel_embed, W, b, phs, prs, pts, nhs, nrs, nts):
    act = jnp.tanh
    ent_embed = _normalize(ent_embed)
    rel_embed = _normalize(rel_embed)
    ph_batch = jnp.take(ent_embed, phs, axis=0)
    pr_batch = jnp.take(rel_embed, prs, axis=0)
    pt_batch = jnp.take(ent_embed, pts, axis=0)
    nh_batch = jnp.take(ent_embed, nhs, axis=0)
    nr_batch = jnp.take(rel_embed, nrs, axis=0)
    nt_batch = jnp.take(ent_embed, nts, axis=0)
    phc_batch = jnp.take(ent_embed, phs, axis=0)
    ptc_batch = jnp.take(ent_embed, pts, axis=0)
    nhc_batch = jnp.take(ent_embed, nhs, axis=0)
    ntc_batch = jnp.take(ent_embed, nts, axis=0)
    # operator == 'projection'
    pht_batch = jnp.concatenate((phc_batch, ptc_batch), axis=1)
    pht_batch = _normalize(pht_batch)
    pht_batch = act(pht_batch @ W.T + b)
    pht_batch = _normalize(pht_batch)
    p_bias = jnp.sum(pr_batch * pht_batch, axis=1, keepdims=True) * pht_batch
    p_edges = _normalize(pr_batch - p_bias)
    nht_batch = jnp.concatenate((nhc_batch, ntc_batch), axis=1)
    nht_batch = _normalize(nht_batch)
    nht_batch = act(nht_batch @ W.T + b)
    nht_batch = _normalize(nht_batch)
    n_bias = jnp.sum(nr_batch * nht_batch, axis=1, keepdims=True) * nht_batch
    n_edges = _normalize(nr_batch - n_bias)
    return (ph_batch, p_edges, pt_batch, nh_batch, n_edges, nt_batch)

if __name__ == "__main__":
    import jax
    _d = setup_inputs()
    print(jax.jit(kernel)(*tuple(_d.values())))

</pallas_src>

<mosaic_0001>
#map = affine_map<(d0, d1) -> (0, 0)>
#map1 = affine_map<(d0, d1) -> (0)>
module attributes {stable_mosaic.version = 14 : i64} {
  func.func @sc_gather(%arg0: i32, %arg1: i32, %arg2: memref<1000000x64xf32, #tpu.memory_space<hbm>>, %arg3: memref<1000x64xf32, #tpu.memory_space<hbm>>, %arg4: memref<16384xi32, #tpu.memory_space<hbm>>, %arg5: memref<16384xi32, #tpu.memory_space<hbm>>, %arg6: memref<16384xi32, #tpu.memory_space<hbm>>, %arg7: memref<16384xi32, #tpu.memory_space<hbm>>, %arg8: memref<16384xi32, #tpu.memory_space<hbm>>, %arg9: memref<16384xi32, #tpu.memory_space<hbm>>, %arg10: memref<16384x64xf32, #tpu.memory_space<hbm>>, %arg11: memref<16384x64xf32, #tpu.memory_space<hbm>>, %arg12: memref<16384x64xf32, #tpu.memory_space<hbm>>, %arg13: memref<16384x64xf32, #tpu.memory_space<hbm>>, %arg14: memref<16384x64xf32, #tpu.memory_space<hbm>>, %arg15: memref<16384x64xf32, #tpu.memory_space<hbm>>, %arg16: memref<512xi32, #tpu.memory_space<vmem>>, %arg17: memref<256x64xf32, #tpu.memory_space<vmem>>, %arg18: memref<256x64xf32, #tpu.memory_space<vmem>>, %arg19: memref<!tpu.dma_semaphore, #tpu.memory_space<semaphore_mem>>, %arg20: memref<!tpu.dma_semaphore, #tpu.memory_space<semaphore_mem>>) attributes {dimension_semantics = [#tpu.dimension_semantics<core_parallel>, #tpu.dimension_semantics<subcore_parallel>], iteration_bounds = array<i64: 2, 16>, scalar_prefetch = 0 : i64, scratch_operands = 5 : i64, tpu.core_type = #tpu.core_type<sc_vector_subcore>, window_params = [{transform_indices = #map}, {transform_indices = #map}, {transform_indices = #map1}, {transform_indices = #map1}, {transform_indices = #map1}, {transform_indices = #map1}, {transform_indices = #map1}, {transform_indices = #map1}, {transform_indices = #map}, {transform_indices = #map}, {transform_indices = #map}, {transform_indices = #map}, {transform_indices = #map}, {transform_indices = #map}]} {
    %mul3A = arith.constant 2 : i32
    %mul3A_0 = arith.muli %arg1, %mul3A : i32
    %add3A = arith.addi %mul3A_0, %arg0 : i32
    %mul3A_1 = arith.constant 512 : i32
    %mul3A_2 = arith.muli %add3A, %mul3A_1 : i32
    "tpu.region"() ({
      %run_scoped3A = tpu.sem_alloc : memref<!tpu.dma_semaphore, #tpu.memory_space<semaphore_mem>>
      %dma_start3A = tpu.memref_slice %arg4[%mul3A_2] : memref<16384xi32, #tpu.memory_space<hbm>> -> memref<512xi32, #tpu.memory_space<hbm>>
      %dma_start3A_133 = tpu.memref_slice %arg4[%mul3A_2] : memref<16384xi32, #tpu.memory_space<hbm>> -> memref<512xi32, #tpu.memory_space<hbm>>
      tpu.enqueue_dma source(%dma_start3A_133 : memref<512xi32, #tpu.memory_space<hbm>>) target(%arg16 : memref<512xi32, #tpu.memory_space<vmem>>) target_semaphore(%run_scoped3A : memref<!tpu.dma_semaphore, #tpu.memory_space<semaphore_mem>>)
      %dma_wait3A_134 = tpu.memref_slice %arg4[%mul3A_2] : memref<16384xi32, #tpu.memory_space<hbm>> -> memref<512xi32, #tpu.memory_space<hbm>>
      %dma_wait3A_135 = tpu.memref_slice %arg4[%mul3A_2] : memref<16384xi32, #tpu.memory_space<hbm>> -> memref<512xi32, #tpu.memory_space<hbm>>
      tpu.wait_dma2 semaphore(%run_scoped3A : memref<!tpu.dma_semaphore, #tpu.memory_space<semaphore_mem>>) src(%dma_wait3A_135 : memref<512xi32, #tpu.memory_space<hbm>>) dst(%arg16 : memref<512xi32, #tpu.memory_space<vmem>>)
      tpu.yield
    }) : () -> ()
    %scan3A = arith.constant 0 : i32
    %scan3A_3 = arith.constant 16 : i32
    %scan3A_4 = arith.addi %scan3A, %scan3A_3 : i32
    %scan3A_5 = arith.constant 1 : i32
    scf.for %scan3A_133 = %scan3A to %scan3A_4 step %scan3A_5  : i32 {
      %mul3A_134 = arith.constant 16 : i32
      %mul3A_135 = arith.muli %scan3A_133, %mul3A_134 : i32
      %add3A_136 = arith.constant 0 : i32
      %add3A_137 = arith.addi %add3A_136, %mul3A_135 : i32
      %get3A = arith.index_cast %add3A_137 : i32 to index
      %get3A_138 = tpu.vector_load %arg16[%get3A] {strides = array<i32>} : memref<512xi32, #tpu.memory_space<vmem>>, vector<16xi32>,
      %get3A_139 = vector.shape_cast %get3A_138 : vector<16xi32> to vector<16xi32>
      %slice3A = vector.extract_strided_slice %get3A_139 {offsets = [0], sizes = [1], strides = [1]} : vector<16xi32> to vector<1xi32>
      %squeeze3A = vector.extract %slice3A[0] : i32 from vector<1xi32>
      %mul3A_140 = arith.constant 16 : i32
      %mul3A_141 = arith.muli %scan3A_133, %mul3A_140 : i32
      %add3A_142 = arith.constant 0 : i32
      %add3A_143 = arith.addi %mul3A_141, %add3A_142 : i32
      %dma_start3A = arith.constant 0 : i32
      %dma_start3A_144 = tpu.memref_slice %arg17[%add3A_143, %dma_start3A] : memref<256x64xf32, #tpu.memory_space<vmem>> -> memref<1x64xf32, #tpu.memory_space<vmem>>
      %dma_start3A_145 = arith.constant 0 : i32
      %dma_start3A_146 = tpu.memref_slice %arg2[%squeeze3A, %dma_start3A_145] : memref<1000000x64xf32, #tpu.memory_space<hbm>> -> memref<1x64xf32, #tpu.memory_space<hbm>>
      %dma_start3A_147 = arith.constant 0 : i32
      %dma_start3A_148 = tpu.memref_slice %arg17[%add3A_143, %dma_start3A_147] : memref<256x64xf32, #tpu.memory_space<vmem>> -> memref<1x64xf32, #tpu.memory_space<vmem>>
      %dma_start3A_149 = arith.constant 0 : i32
      %dma_start3A_150 = tpu.memref_slice %arg2[%squeeze3A, %dma_start3A_149] : memref<1000000x64xf32, #tpu.memory_space<hbm>> -> memref<1x64xf32, #tpu.memory_space<hbm>>
      tpu.enqueue_dma source(%dma_start3A_150 : memref<1x64xf32, #tpu.memory_space<hbm>>) target(%dma_start3A_148 : memref<1x64xf32, #tpu.memory_space<vmem>>) target_semaphore(%arg19 : memref<!tpu.dma_semaphore, #tpu.memory_space<semaphore_mem>>)
      %slice3A_151 = vector.extract_strided_slice %get3A_139 {offsets = [1], sizes = [1], strides = [1]} : vector<16xi32> to vector<1xi32>
      %squeeze3A_152 = vector.extract %slice3A_151[0] : i32 from vector<1xi32>
      %mul3A_153 = arith.constant 16 : i32
      %mul3A_154 = arith.muli %scan3A_133, %mul3A_153 : i32
      %add3A_155 = arith.constant 1 : i32
      %add3A_156 = arith.addi %mul3A_154, %add3A_155 : i32
      %dma_start3A_157 = arith.constant 0 : i32
      %dma_start3A_158 = tpu.memref_slice %arg17[%add3A_156, %dma_start3A_157] : memref<256x64xf32, #tpu.memory_space<vmem>> -> memref<1x64xf32, #tpu.memory_space<vmem>>
      %dma_start3A_159 = arith.constant 0 : i32
      %dma_start3A_160 = tpu.memref_slice %arg2[%squeeze3A_152, %dma_start3A_159] : memref<1000000x64xf32, #tpu.memory_space<hbm>> -> memref<1x64xf32, #tpu.memory_space<hbm>>
      %dma_start3A_161 = arith.constant 0 : i32
      %dma_start3A_162 = tpu.memref_slice %arg17[%add3A_156, %dma_start3A_161] : memref<256x64xf32, #tpu.memory_space<vmem>> -> memref<1x64xf32, #tpu.memory_space<vmem>>
      %dma_start3A_163 = arith.constant 0 : i32
      %dma_start3A_164 = tpu.memref_slice %arg2[%squeeze3A_152, %dma_start3A_163] : memref<1000000x64xf32, #tpu.memory_space<hbm>> -> memref<1x64xf32, #tpu.memory_space<hbm>>
      tpu.enqueue_dma source(%dma_start3A_164 : memref<1x64xf32, #tpu.memory_space<hbm>>) target(%dma_start3A_162 : memref<1x64xf32, #tpu.memory_space<vmem>>) target_semaphore(%arg19 : memref<!tpu.dma_semaphore, #tpu.memory_space<semaphore_mem>>)
      %slice3A_165 = vector.extract_strided_slice %get3A_139 {offsets = [2], sizes = [1], strides = [1]} : vector<16xi32> to vector<1xi32>
      %squeeze3A_166 = vector.extract %slice3A_165[0] : i32 from vector<1xi32>
      %mul3A_167 = arith.constant 16 : i32
      %mul3A_168 = arith.muli %scan3A_133, %mul3A_167 : i32
      %add3A_169 = arith.constant 2 : i32
      %add3A_170 = arith.addi %mul3A_168, %add3A_169 : i32
      %dma_start3A_171 = arith.constant 0 : i32
      %dma_start3A_172 = tpu.memref_slice %arg17[%add3A_170, %dma_start3A_171] : memref<256x64xf32, #tpu.memory_space<vmem>> -> memref<1x64xf32, #tpu.memory_space<vmem>>
      %dma_start3A_173 = arith.constant 0 : i32
      %dma_start3A_174 = tpu.memref_slice %arg2[%squeeze3A_166, %dma_start3A_173] : memref<1000000x64xf32, #tpu.memory_space<hbm>> -> memref<1x64xf32, #tpu.memory_space<hbm>>
      %dma_start3A_175 = arith.constant 0 : i32
      %dma_start3A_176 = tpu.memref_slice %arg17[%add3A_170, %dma_start3A_175] : memref<256x64xf32, #tpu.memory_space<vmem>> -> memref<1x64xf32, #tpu.memory_space<vmem>>
      %dma_start3A_177 = arith.constant 0 : i32
      %dma_start3A_178 = tpu.memref_slice %arg2[%squeeze3A_166, %dma_start3A_177] : memref<1000000x64xf32, #tpu.memory_space<hbm>> -> memref<1x64xf32, #tpu.memory_space<hbm>>
      tpu.enqueue_dma source(%dma_start3A_178 : memref<1x64xf32, #tpu.memory_space<hbm>>) target(%dma_start3A_176 : memref<1x64xf32, #tpu.memory_space<vmem>>) target_semaphore(%arg19 : memref<!tpu.dma_semaphore, #tpu.memory_space<semaphore_mem>>)
      %slice3A_179 = vector.extract_strided_slice %get3A_139 {offsets = [3], sizes = [1], strides = [1]} : vector<16xi32> to vector<1xi32>
      %squeeze3A_180 = vector.extract %slice3A_179[0] : i32 from vector<1xi32>
      %mul3A_181 = arith.constant 16 : i32
      %mul3A_182 = arith.muli %scan3A_133, %mul3A_181 : i32
      %add3A_183 = arith.constant 3 : i32
      %add3A_184 = arith.addi %mul3A_182, %add3A_183 : i32
      %dma_start3A_185 = arith.constant 0 : i32
      %dma_start3A_186 = tpu.memref_slice %arg17[%add3A_184, %dma_start3A_185] : memref<256x64xf32, #tpu.memory_space<vmem>> -> memref<1x64xf32, #tpu.memory_space<vmem>>
      %dma_start3A_187 = arith.constant 0 : i32
      %dma_start3A_188 = tpu.memref_slice %arg2[%squeeze3A_180, %dma_start3A_187] : memref<1000000x64xf32, #tpu.memory_space<hbm>> -> memref<1x64xf32, #tpu.memory_space<hbm>>
      %dma_start3A_189 = arith.constant 0 : i32
      %dma_start3A_190 = tpu.memref_slice %arg17[%add3A_184, %dma_start3A_189] : memref<256x64xf32, #tpu.memory_space<vmem>> -> memref<1x64xf32, #tpu.memory_space<vmem>>
      %dma_start3A_191 = arith.constant 0 : i32
      %dma_start3A_192 = tpu.memref_slice %arg2[%squeeze3A_180, %dma_start3A_191] : memref<1000000x64xf32, #tpu.memory_space<hbm>> -> memref<1x64xf32, #tpu.memory_space<hbm>>
      tpu.enqueue_dma source(%dma_start3A_192 : memref<1x64xf32, #tpu.memory_space<hbm>>) target(%dma_start3A_190 : memref<1x64xf32, #tpu.memory_space<vmem>>) target_semaphore(%arg19 : memref<!tpu.dma_semaphore, #tpu.memory_space<semaphore_mem>>)
      %slice3A_193 = vector.extract_strided_slice %get3A_139 {offsets = [4], sizes = [1], strides = [1]} : vector<16xi32> to vector<1xi32>
      %squeeze3A_194 = vector.extract %slice3A_193[0] : i32 from vector<1xi32>
      %mul3A_195 = arith.constant 16 : i32
      %mul3A_196 = arith.muli %scan3A_133, %mul3A_195 : i32
      %add3A_197 = arith.constant 4 : i32
      %add3A_198 = arith.addi %mul3A_196, %add3A_197 : i32
      %dma_start3A_199 = arith.constant 0 : i32
      %dma_start3A_200 = tpu.memref_slice %arg17[%add3A_198, %dma_start3A_199] : memref<256x64xf32, #tpu.memory_space<vmem>> -> memref<1x64xf32, #tpu.memory_space<vmem>>
      %dma_start3A_201 = arith.constant 0 : i32
      %dma_start3A_202 = tpu.memref_slice %arg2[%squeeze3A_194, %dma_start3A_201] : memref<1000000x64xf32, #tpu.memory_space<hbm>> -> memref<1x64xf32, #tpu.memory_space<hbm>>
      %dma_start3A_203 = arith.constant 0 : i32
      %dma_start3A_204 = tpu.memref_slice %arg17[%add3A_198, %dma_start3A_203] : memref<256x64xf32, #tpu.memory_space<vmem>> -> memref<1x64xf32, #tpu.memory_space<vmem>>
      %dma_start3A_205 = arith.constant 0 : i32
      %dma_start3A_206 = tpu.memref_slice %arg2[%squeeze3A_194, %dma_start3A_205] : memref<1000000x64xf32, #tpu.memory_space<hbm>> -> memref<1x64xf32, #tpu.memory_space<hbm>>
      tpu.enqueue_dma source(%dma_start3A_206 : memref<1x64xf32, #tpu.memory_space<hbm>>) target(%dma_start3A_204 : memref<1x64xf32, #tpu.memory_space<vmem>>) target_semaphore(%arg19 : memref<!tpu.dma_semaphore, #tpu.memory_space<semaphore_mem>>)
      %slice3A_207 = vector.extract_strided_slice %get3A_139 {offsets = [5], sizes = [1], strides = [1]} : vector<16xi32> to vector<1xi32>
      %squeeze3A_208 = vector.extract %slice3A_207[0] : i32 from vector<1xi32>
      %mul3A_209 = arith.constant 16 : i32
      %mul3A_210 = arith.muli %scan3A_133, %mul3A_209 : i32
      %add3A_211 = arith.constant 5 : i32
      %add3A_212 = arith.addi %mul3A_210, %add3A_211 : i32
      %dma_start3A_213 = arith.constant 0 : i32
      %dma_start3A_214 = tpu.memref_slice %arg17[%add3A_212, %dma_start3A_213] : memref<256x64xf32, #tpu.memory_space<vmem>> -> memref<1x64xf32, #tpu.memory_space<vmem>>
      %dma_start3A_215 = arith.constant 0 : i32
      %dma_start3A_216 = tpu.memref_slice %arg2[%squeeze3A_208, %dma_start3A_215] : memref<1000000x64xf32, #tpu.memory_space<hbm>> -> memref<1x64xf32, #tpu.memory_space<hbm>>
      %dma_start3A_217 = arith.constant 0 : i32
      %dma_start3A_218 = tpu.memref_slice %arg17[%add3A_212, %dma_start3A_217] : memref<256x64xf32, #tpu.memory_space<vmem>> -> memref<1x64xf32, #tpu.memory_space<vmem>>
      %dma_start3A_219 = arith.constant 0 : i32
      %dma_start3A_220 = tpu.memref_slice %arg2[%squeeze3A_208, %dma_start3A_219] : memref<1000000x64xf32, #tpu.memory_space<hbm>> -> memref<1x64xf32, #tpu.memory_space<hbm>>
      tpu.enqueue_dma source(%dma_start3A_220 : memref<1x64xf32, #tpu.memory_space<hbm>>) target(%dma_start3A_218 : memref<1x64xf32, #tpu.memory_space<vmem>>) target_semaphore(%arg19 : memref<!tpu.dma_semaphore, #tpu.memory_space<semaphore_mem>>)
      %slice3A_221 = vector.extract_strided_slice %get3A_139 {offsets = [6], sizes = [1], strides = [1]} : vector<16xi32> to vector<1xi32>
      %squeeze3A_222 = vector.extract %slice3A_221[0] : i32 from vector<1xi32>
      %mul3A_223 = arith.constant 16 : i32
      %mul3A_224 = arith.muli %scan3A_133, %mul3A_223 : i32
      %add3A_225 = arith.constant 6 : i32
      %add3A_226 = arith.addi %mul3A_224, %add3A_225 : i32
      %dma_start3A_227 = arith.constant 0 : i32
      %dma_start3A_228 = tpu.memref_slice %arg17[%add3A_226, %dma_start3A_227] : memref<256x64xf32, #tpu.memory_space<vmem>> -> memref<1x64xf32, #tpu.memory_space<vmem>>
      %dma_start3A_229 = arith.constant 0 : i32
      %dma_start3A_230 = tpu.memref_slice %arg2[%squeeze3A_222, %dma_start3A_229] : memref<1000000x64xf32, #tpu.memory_space<hbm>> -> memref<1x64xf32, #tpu.memory_space<hbm>>
      %dma_start3A_231 = arith.constant 0 : i32
      %dma_start3A_232 = tpu.memref_slice %arg17[%add3A_226, %dma_start3A_231] : memref<256x64xf32, #tpu.memory_space<vmem>> -> memref<1x64xf32, #tpu.memory_space<vmem>>
      %dma_start3A_233 = arith.constant 0 : i32
      %dma_start3A_234 = tpu.memref_slice %arg2[%squeeze3A_222, %dma_start3A_233] : memref<1000000x64xf32, #tpu.memory_space<hbm>> -> memref<1x64xf32, #tpu.memory_space<hbm>>
      tpu.enqueue_dma source(%dma_start3A_234 : memref<1x64xf32, #tpu.memory_space<hbm>>) target(%dma_start3A_232 : memref<1x64xf32, #tpu.memory_space<vmem>>) target_semaphore(%arg19 : memref<!tpu.dma_semaphore, #tpu.memory_space<semaphore_mem>>)
      %slice3A_235 = vector.extract_strided_slice %get3A_139 {offsets = [7], sizes = [1], strides = [1]} : vector<16xi32> to vector<1xi32>
      %squeeze3A_236 = vector.extract %slice3A_235[0] : i32 from vector<1xi32>
      %mul3A_237 = arith.constant 16 : i32
      %mul3A_238 = arith.muli %scan3A_133, %mul3A_237 : i32
      %add3A_239 = arith.constant 7 : i32
      %add3A_240 = arith.addi %mul3A_238, %add3A_239 : i32
      %dma_start3A_241 = arith.constant 0 : i32
      %dma_start3A_242 = tpu.memref_slice %arg17[%add3A_240, %dma_start3A_241] : memref<256x64xf32, #tpu.memory_space<vmem>> -> memref<1x64xf32, #tpu.memory_space<vmem>>
      %dma_start3A_243 = arith.constant 0 : i32
      %dma_start3A_244 = tpu.memref_slice %arg2[%squeeze3A_236, %dma_start3A_243] : memref<1000000x64xf32, #tpu.memory_space<hbm>> -> memref<1x64xf32, #tpu.memory_space<hbm>>
      %dma_start3A_245 = arith.constant 0 : i32
      %dma_start3A_246 = tpu.memref_slice %arg17[%add3A_240, %dma_start3A_245] : memref<256x64xf32, #tpu.memory_space<vmem>> -> memref<1x64xf32, #tpu.memory_space<vmem>>
      %dma_start3A_247 = arith.constant 0 : i32
      %dma_start3A_248 = tpu.memref_slice %arg2[%squeeze3A_236, %dma_start3A_247] : memref<1000000x64xf32, #tpu.memory_space<hbm>> -> memref<1x64xf32, #tpu.memory_space<hbm>>
      tpu.enqueue_dma source(%dma_start3A_248 : memref<1x64xf32, #tpu.memory_space<hbm>>) target(%dma_start3A_246 : memref<1x64xf32, #tpu.memory_space<vmem>>) target_semaphore(%arg19 : memref<!tpu.dma_semaphore, #tpu.memory_space<semaphore_mem>>)
      %slice3A_249 = vector.extract_strided_slice %get3A_139 {offsets = [8], sizes = [1], strides = [1]} : vector<16xi32> to vector<1xi32>
      %squeeze3A_250 = vector.extract %slice3A_249[0] : i32 from vector<1xi32>
      %mul3A_251 = arith.constant 16 : i32
      %mul3A_252 = arith.muli %scan3A_133, %mul3A_251 : i32
      %add3A_253 = arith.constant 8 : i32
      %add3A_254 = arith.addi %mul3A_252, %add3A_253 : i32
      %dma_start3A_255 = arith.constant 0 : i32
      %dma_start3A_256 = tpu.memref_slice %arg17[%add3A_254, %dma_start3A_255] : memref<256x64xf32, #tpu.memory_space<vmem>> -> memref<1x64xf32, #tpu.memory_space<vmem>>
      %dma_start3A_257 = arith.constant 0 : i32
      %dma_start3A_258 = tpu.memref_slice %arg2[%squeeze3A_250, %dma_start3A_257] : memref<1000000x64xf32, #tpu.memory_space<hbm>> -> memref<1x64xf32, #tpu.memory_space<hbm>>
      %dma_start3A_259 = arith.constant 0 : i32
      %dma_start3A_260 = tpu.memref_slice %arg17[%add3A_254, %dma_start3A_259] : memref<256x64xf32, #tpu.memory_space<vmem>> -> memref<1x64xf32, #tpu.memory_space<vmem>>
      %dma_start3A_261 = arith.constant 0 : i32
      %dma_start3A_262 = tpu.memref_slice %arg2[%squeeze3A_250, %dma_start3A_261] : memref<1000000x64xf32, #tpu.memory_space<hbm>> -> memref<1x64xf32, #tpu.memory_space<hbm>>
      tpu.enqueue_dma source(%dma_start3A_262 : memref<1x64xf32, #tpu.memory_space<hbm>>) target(%dma_start3A_260 : memref<1x64xf32, #tpu.memory_space<vmem>>) target_semaphore(%arg19 : memref<!tpu.dma_semaphore, #tpu.memory_space<semaphore_mem>>)
      %slice3A_263 = vector.extract_strided_slice %get3A_139 {offsets = [9], sizes = [1], strides = [1]} : vector<16xi32> to vector<1xi32>
      %squeeze3A_264 = vector.extract %slice3A_263[0] : i32 from vector<1xi32>
      %mul3A_265 = arith.constant 16 : i32
      %mul3A_266 = arith.muli %scan3A_133, %mul3A_265 : i32
      %add3A_267 = arith.constant 9 : i32
      %add3A_268 = arith.addi %mul3A_266, %add3A_267 : i32
      %dma_start3A_269 = arith.constant 0 : i32
      %dma_start3A_270 = tpu.memref_slice %arg17[%add3A_268, %dma_start3A_269] : memref<256x64xf32, #tpu.memory_space<vmem>> -> memref<1x64xf32, #tpu.memory_space<vmem>>
      %dma_start3A_271 = arith.constant 0 : i32
      %dma_start3A_272 = tpu.memref_slice %arg2[%squeeze3A_264, %dma_start3A_271] : memref<1000000x64xf32, #tpu.memory_space<hbm>> -> memref<1x64xf32, #tpu.memory_space<hbm>>
      %dma_start3A_273 = arith.constant 0 : i32
      %dma_start3A_274 = tpu.memref_slice %arg17[%add3A_268, %dma_start3A_273] : memref<256x64xf32, #tpu.memory_space<vmem>> -> memref<1x64xf32, #tpu.memory_space<vmem>>
      %dma_start3A_275 = arith.constant 0 : i32
      %dma_start3A_276 = tpu.memref_slice %arg2[%squeeze3A_264, %dma_start3A_275] : memref<1000000x64xf32, #tpu.memory_space<hbm>> -> memref<1x64xf32, #tpu.memory_space<hbm>>
      tpu.enqueue_dma source(%dma_start3A_276 : memref<1x64xf32, #tpu.memory_space<hbm>>) target(%dma_start3A_274 : memref<1x64xf32, #tpu.memory_space<vmem>>) target_semaphore(%arg19 : memref<!tpu.dma_semaphore, #tpu.memory_space<semaphore_mem>>)
      %slice3A_277 = vector.extract_strided_slice %get3A_139 {offsets = [10], sizes = [1], strides = [1]} : vector<16xi32> to vector<1xi32>
      %squeeze3A_278 = vector.extract %slice3A_277[0] : i32 from vector<1xi32>
      %mul3A_279 = arith.constant 16 : i32
      %mul3A_280 = arith.muli %scan3A_133, %mul3A_279 : i32
      %add3A_281 = arith.constant 10 : i32
      %add3A_282 = arith.addi %mul3A_280, %add3A_281 : i32
      %dma_start3A_283 = arith.constant 0 : i32
      %dma_start3A_284 = tpu.memref_slice %arg17[%add3A_282, %dma_start3A_283] : memref<256x64xf32, #tpu.memory_space<vmem>> -> memref<1x64xf32, #tpu.memory_space<vmem>>
      %dma_start3A_285 = arith.constant 0 : i32
      %dma_start3A_286 = tpu.memref_slice %arg2[%squeeze3A_278, %dma_start3A_285] : memref<1000000x64xf32, #tpu.memory_space<hbm>> -> memref<1x64xf32, #tpu.memory_space<hbm>>
      %dma_start3A_287 = arith.constant 0 : i32
      %dma_start3A_288 = tpu.memref_slice %arg17[%add3A_282, %dma_start3A_287] : memref<256x64xf32, #tpu.memory_space<vmem>> -> memref<1x64xf32, #tpu.memory_space<vmem>>
      %dma_start3A_289 = arith.constant 0 : i32
      %dma_start3A_290 = tpu.memref_slice %arg2[%squeeze3A_278, %dma_start3A_289] : memref<1000000x64xf32, #tpu.memory_space<hbm>> -> memref<1x64xf32, #tpu.memory_space<hbm>>
      tpu.enqueue_dma source(%dma_start3A_290 : memref<1x64xf32, #tpu.memory_space<hbm>>) target(%dma_start3A_288 : memref<1x64xf32, #tpu.memory_space<vmem>>) target_semaphore(%arg19 : memref<!tpu.dma_semaphore, #tpu.memory_space<semaphore_mem>>)
      %slice3A_291 = vector.extract_strided_slice %get3A_139 {offsets = [11], sizes = [1], strides = [1]} : vector<16xi32> to vector<1xi32>
      %squeeze3A_292 = vector.extract %slice3A_291[0] : i32 from vector<1xi32>
      %mul3A_293 = arith.constant 16 : i32
      %mul3A_294 = arith.muli %scan3A_133, %mul3A_293 : i32
      %add3A_295 = arith.constant 11 : i32
      %add3A_296 = arith.addi %mul3A_294, %add3A_295 : i32
      %dma_start3A_297 = arith.constant 0 : i32
      %dma_start3A_298 = tpu.memref_slice %arg17[%add3A_296, %dma_start3A_297] : memref<256x64xf32, #tpu.memory_space<vmem>> -> memref<1x64xf32, #tpu.memory_space<vmem>>
      %dma_start3A_299 = arith.constant 0 : i32
      %dma_start3A_300 = tpu.memref_slice %arg2[%squeeze3A_292, %dma_start3A_299] : memref<1000000x64xf32, #tpu.memory_space<hbm>> -> memref<1x64xf32, #tpu.memory_space<hbm>>
      %dma_start3A_301 = arith.constant 0 : i32
      %dma_start3A_302 = tpu.memref_slice %arg17[%add3A_296, %dma_start3A_301] : memref<256x64xf32, #tpu.memory_space<vmem>> -> memref<1x64xf32, #tpu.memory_space<vmem>>
      %dma_start3A_303 = arith.constant 0 : i32
      %dma_start3A_304 = tpu.memref_slice %arg2[%squeeze3A_292, %dma_start3A_303] : memref<1000000x64xf32, #tpu.memory_space<hbm>> -> memref<1x64xf32, #tpu.memory_space<hbm>>
      tpu.enqueue_dma source(%dma_start3A_304 : memref<1x64xf32, #tpu.memory_space<hbm>>) target(%dma_start3A_302 : memref<1x64xf32, #tpu.memory_space<vmem>>) target_semaphore(%arg19 : memref<!tpu.dma_semaphore, #tpu.memory_space<semaphore_mem>>)
      %slice3A_305 = vector.extract_strided_slice %get3A_139 {offsets = [12], sizes = [1], strides = [1]} : vector<16xi32> to vector<1xi32>
      %squeeze3A_306 = vector.extract %slice3A_305[0] : i32 from vector<1xi32>
      %mul3A_307 = arith.constant 16 : i32
      %mul3A_308 = arith.muli %scan3A_133, %mul3A_307 : i32
      %add3A_309 = arith.constant 12 : i32
      %add3A_310 = arith.addi %mul3A_308, %add3A_309 : i32
      %dma_start3A_311 = arith.constant 0 : i32
      %dma_start3A_312 = tpu.memref_slice %arg17[%add3A_310, %dma_start3A_311] : memref<256x64xf32, #tpu.memory_space<vmem>> -> memref<1x64xf32, #tpu.memory_space<vmem>>
      %dma_start3A_313 = arith.constant 0 : i32
      %dma_start3A_314 = tpu.memref_slice %arg2[%squeeze3A_306, %dma_start3A_313] : memref<1000000x64xf32, #tpu.memory_space<hbm>> -> memref<1x64xf32, #tpu.memory_space<hbm>>
      %dma_start3A_315 = arith.constant 0 : i32
      %dma_start3A_316 = tpu.memref_slice %arg17[%add3A_310, %dma_start3A_315] : memref<256x64xf32, #tpu.memory_space<vmem>> -> memref<1x64xf32, #tpu.memory_space<vmem>>
      %dma_start3A_317 = arith.constant 0 : i32
      %dma_start3A_318 = tpu.memref_slice %arg2[%squeeze3A_306, %dma_start3A_317] : memref<1000000x64xf32, #tpu.memory_space<hbm>> -> memref<1x64xf32, #tpu.memory_space<hbm>>
      tpu.enqueue_dma source(%dma_start3A_318 : memref<1x64xf32, #tpu.memory_space<hbm>>) target(%dma_start3A_316 : memref<1x64xf32, #tpu.memory_space<vmem>>) target_semaphore(%arg19 : memref<!tpu.dma_semaphore, #tpu.memory_space<semaphore_mem>>)
      %slice3A_319 = vector.extract_strided_slice %get3A_139 {offsets = [13], sizes = [1], strides = [1]} : vector<16xi32> to vector<1xi32>
      %squeeze3A_320 = vector.extract %slice3A_319[0] : i32 from vector<1xi32>
      %mul3A_321 = arith.constant 16 : i32
      %mul3A_322 = arith.muli %scan3A_133, %mul3A_321 : i32
      %add3A_323 = arith.constant 13 : i32
      %add3A_324 = arith.addi %mul3A_322, %add3A_323 : i32
      %dma_start3A_325 = arith.constant 0 : i32
      %dma_start3A_326 = tpu.memref_slice %arg17[%add3A_324, %dma_start3A_325] : memref<256x64xf32, #tpu.memory_space<vmem>> -> memref<1x64xf32, #tpu.memory_space<vmem>>
      %dma_start3A_327 = arith.constant 0 : i32
      %dma_start3A_328 = tpu.memref_slice %arg2[%squeeze3A_320, %dma_start3A_327] : memref<1000000x64xf32, #tpu.memory_space<hbm>> -> memref<1x64xf32, #tpu.memory_space<hbm>>
      %dma_start3A_329 = arith.constant 0 : i32
      %dma_start3A_330 = tpu.memref_slice %arg17[%add3A_324, %dma_start3A_329] : memref<256x64xf32, #tpu.memory_space<vmem>> -> memref<1x64xf32, #tpu.memory_space<vmem>>
      %dma_start3A_331 = arith.constant 0 : i32
      %dma_start3A_332 = tpu.memref_slice %arg2[%squeeze3A_320, %dma_start3A_331] : memref<1000000x64xf32, #tpu.memory_space<hbm>> -> memref<1x64xf32, #tpu.memory_space<hbm>>
      tpu.enqueue_dma source(%dma_start3A_332 : memref<1x64xf32, #tpu.memory_space<hbm>>) target(%dma_start3A_330 : memref<1x64xf32, #tpu.memory_space<vmem>>) target_semaphore(%arg19 : memref<!tpu.dma_semaphore, #tpu.memory_space<semaphore_mem>>)
      %slice3A_333 = vector.extract_strided_slice %get3A_139 {offsets = [14], sizes = [1], strides = [1]} : vector<16xi32> to vector<1xi32>
      %squeeze3A_334 = vector.extract %slice3A_333[0] : i32 from vector<1xi32>
      %mul3A_335 = arith.constant 16 : i32
      %mul3A_336 = arith.muli %scan3A_133, %mul3A_335 : i32
      %add3A_337 = arith.constant 14 : i32
      %add3A_338 = arith.addi %mul3A_336, %add3A_337 : i32
      %dma_start3A_339 = arith.constant 0 : i32
      %dma_start3A_340 = tpu.memref_slice %arg17[%add3A_338, %dma_start3A_339] : memref<256x64xf32, #tpu.memory_space<vmem>> -> memref<1x64xf32, #tpu.memory_space<vmem>>
      %dma_start3A_341 = arith.constant 0 : i32
      %dma_start3A_342 = tpu.memref_slice %arg2[%squeeze3A_334, %dma_start3A_341] : memref<1000000x64xf32, #tpu.memory_space<hbm>> -> memref<1x64xf32, #tpu.memory_space<hbm>>
      %dma_start3A_343 = arith.constant 0 : i32
      %dma_start3A_344 = tpu.memref_slice %arg17[%add3A_338, %dma_start3A_343] : memref<256x64xf32, #tpu.memory_space<vmem>> -> memref<1x64xf32, #tpu.memory_space<vmem>>
      %dma_start3A_345 = arith.constant 0 : i32
      %dma_start3A_346 = tpu.memref_slice %arg2[%squeeze3A_334, %dma_start3A_345] : memref<1000000x64xf32, #tpu.memory_space<hbm>> -> memref<1x64xf32, #tpu.memory_space<hbm>>
      tpu.enqueue_dma source(%dma_start3A_346 : memref<1x64xf32, #tpu.memory_space<hbm>>) target(%dma_start3A_344 : memref<1x64xf32, #tpu.memory_space<vmem>>) target_semaphore(%arg19 : memref<!tpu.dma_semaphore, #tpu.memory_space<semaphore_mem>>)
      %slice3A_347 = vector.extract_strided_slice %get3A_139 {offsets = [15], sizes = [1], strides = [1]} : vector<16xi32> to vector<1xi32>
      %squeeze3A_348 = vector.extract %slice3A_347[0] : i32 from vector<1xi32>
      %mul3A_349 = arith.constant 16 : i32
      %mul3A_350 = arith.muli %scan3A_133, %mul3A_349 : i32
      %add3A_351 = arith.constant 15 : i32
      %add3A_352 = arith.addi %mul3A_350, %add3A_351 : i32
      %dma_start3A_353 = arith.constant 0 : i32
      %dma_start3A_354 = tpu.memref_slice %arg17[%add3A_352, %dma_start3A_353] : memref<256x64xf32, #tpu.memory_space<vmem>> -> memref<1x64xf32, #tpu.memory_space<vmem>>
      %dma_start3A_355 = arith.constant 0 : i32
      %dma_start3A_356 = tpu.memref_slice %arg2[%squeeze3A_348, %dma_start3A_355] : memref<1000000x64xf32, #tpu.memory_space<hbm>> -> memref<1x64xf32, #tpu.memory_space<hbm>>
      %dma_start3A_357 = arith.constant 0 : i32
      %dma_start3A_358 = tpu.memref_slice %arg17[%add3A_352, %dma_start3A_357] : memref<256x64xf32, #tpu.memory_space<vmem>> -> memref<1x64xf32, #tpu.memory_space<vmem>>
      %dma_start3A_359 = arith.constant 0 : i32
      %dma_start3A_360 = tpu.memref_slice %arg2[%squeeze3A_348, %dma_start3A_359] : memref<1000000x64xf32, #tpu.memory_space<hbm>> -> memref<1x64xf32, #tpu.memory_space<hbm>>
      tpu.enqueue_dma source(%dma_start3A_360 : memref<1x64xf32, #tpu.memory_space<hbm>>) target(%dma_start3A_358 : memref<1x64xf32, #tpu.memory_space<vmem>>) target_semaphore(%arg19 : memref<!tpu.dma_semaphore, #tpu.memory_space<semaphore_mem>>)
    }
    %scan3A_6 = arith.constant 16 : i32
    %scan3A_7 = arith.constant 0 : i32
    %scan3A_8 = arith.constant 16 : i32
    %scan3A_9 = arith.addi %scan3A_7, %scan3A_8 : i32
    %scan3A_10 = arith.constant 1 : i32
    scf.for %scan3A_133 = %scan3A_7 to %scan3A_9 step %scan3A_10  : i32 {
      %mul3A_134 = arith.constant 16 : i32
      %mul3A_135 = arith.muli %scan3A_133, %mul3A_134 : i32
      %add3A_136 = arith.constant 256 : i32
      %add3A_137 = arith.addi %add3A_136, %mul3A_135 : i32
      %get3A = arith.index_cast %add3A_137 : i32 to index
      %get3A_138 = tpu.vector_load %arg16[%get3A] {strides = array<i32>} : memref<512xi32, #tpu.memory_space<vmem>>, vector<16xi32>,
      %get3A_139 = vector.shape_cast %get3A_138 : vector<16xi32> to vector<16xi32>
      %slice3A = vector.extract_strided_slice %get3A_139 {offsets = [0], sizes = [1], strides = [1]} : vector<16xi32> to vector<1xi32>
      %squeeze3A = vector.extract %slice3A[0] : i32 from vector<1xi32>
      %mul3A_140 = arith.constant 16 : i32
      %mul3A_141 = arith.muli %scan3A_133, %mul3A_140 : i32
      %add3A_142 = arith.constant 0 : i32
      %add3A_143 = arith.addi %mul3A_141, %add3A_142 : i32
      %dma_start3A = arith.constant 0 : i32
      %dma_start3A_144 = tpu.memref_slice %arg18[%add3A_143, %dma_start3A] : memref<256x64xf32, #tpu.memory_space<vmem>> -> memref<1x64xf32, #tpu.memory_space<vmem>>
      %dma_start3A_145 = arith.constant 0 : i32
      %dma_start3A_146 = tpu.memref_slice %arg2[%squeeze3A, %dma_start3A_145] : memref<1000000x64xf32, #tpu.memory_space<hbm>> -> memref<1x64xf32, #tpu.memory_space<hbm>>
      %dma_start3A_147 = arith.constant 0 : i32
      %dma_start3A_148 = tpu.memref_slice %arg18[%add3A_143, %dma_start3A_147] : memref<256x64xf32, #tpu.memory_space<vmem>> -> memref<1x64xf32, #tpu.memory_space<vmem>>
      %dma_start3A_149 = arith.constant 0 : i32
      %dma_start3A_150 = tpu.memref_slice %arg2[%squeeze3A, %dma_start3A_149] : memref<1000000x64xf32, #tpu.memory_space<hbm>> -> memref<1x64xf32, #tpu.memory_space<hbm>>
      tpu.enqueue_dma source(%dma_start3A_150 : memref<1x64xf32, #tpu.memory_space<hbm>>) target(%dma_start3A_148 : memref<1x64xf32, #tpu.memory_space<vmem>>) target_semaphore(%arg20 : memref<!tpu.dma_semaphore, #tpu.memory_space<semaphore_mem>>)
      %slice3A_151 = vector.extract_strided_slice %get3A_139 {offsets = [1], sizes = [1], strides = [1]} : vector<16xi32> to vector<1xi32>
      %squeeze3A_152 = vector.extract %slice3A_151[0] : i32 from vector<1xi32>
      %mul3A_153 = arith.constant 16 : i32
      %mul3A_154 = arith.muli %scan3A_133, %mul3A_153 : i32
      %add3A_155 = arith.constant 1 : i32
      %add3A_156 = arith.addi %mul3A_154, %add3A_155 : i32
      %dma_start3A_157 = arith.constant 0 : i32
      %dma_start3A_158 = tpu.memref_slice %arg18[%add3A_156, %dma_start3A_157] : memref<256x64xf32, #tpu.memory_space<vmem>> -> memref<1x64xf32, #tpu.memory_space<vmem>>
      %dma_start3A_159 = arith.constant 0 : i32
      %dma_start3A_160 = tpu.memref_slice %arg2[%squeeze3A_152, %dma_start3A_159] : memref<1000000x64xf32, #tpu.memory_space<hbm>> -> memref<1x64xf32, #tpu.memory_space<hbm>>
      %dma_start3A_161 = arith.constant 0 : i32
      %dma_start3A_162 = tpu.memref_slice %arg18[%add3A_156, %dma_start3A_161] : memref<256x64xf32, #tpu.memory_space<vmem>> -> memref<1x64xf32, #tpu.memory_space<vmem>>
      %dma_start3A_163 = arith.constant 0 : i32
      %dma_start3A_164 = tpu.memref_slice %arg2[%squeeze3A_152, %dma_start3A_163] : memref<1000000x64xf32, #tpu.memory_space<hbm>> -> memref<1x64xf32, #tpu.memory_space<hbm>>
      tpu.enqueue_dma source(%dma_start3A_164 : memref<1x64xf32, #tpu.memory_space<hbm>>) target(%dma_start3A_162 : memref<1x64xf32, #tpu.memory_space<vmem>>) target_semaphore(%arg20 : memref<!tpu.dma_semaphore, #tpu.memory_space<semaphore_mem>>)
      %slice3A_165 = vector.extract_strided_slice %get3A_139 {offsets = [2], sizes = [1], strides = [1]} : vector<16xi32> to vector<1xi32>
      %squeeze3A_166 = vector.extract %slice3A_165[0] : i32 from vector<1xi32>
      %mul3A_167 = arith.constant 16 : i32
      %mul3A_168 = arith.muli %scan3A_133, %mul3A_167 : i32
      %add3A_169 = arith.constant 2 : i32
      %add3A_170 = arith.addi %mul3A_168, %add3A_169 : i32
      %dma_start3A_171 = arith.constant 0 : i32
      %dma_start3A_172 = tpu.memref_slice %arg18[%add3A_170, %dma_start3A_171] : memref<256x64xf32, #tpu.memory_space<vmem>> -> memref<1x64xf32, #tpu.memory_space<vmem>>
      %dma_start3A_173 = arith.constant 0 : i32
      %dma_start3A_174 = tpu.memref_slice %arg2[%squeeze3A_166, %dma_start3A_173] : memref<1000000x64xf32, #tpu.memory_space<hbm>> -> memref<1x64xf32, #tpu.memory_space<hbm>>
      %dma_start3A_175 = arith.constant 0 : i32
      %dma_start3A_176 = tpu.memref_slice %arg18[%add3A_170, %dma_start3A_175] : memref<256x64xf32, #tpu.memory_space<vmem>> -> memref<1x64xf32, #tpu.memory_space<vmem>>
      %dma_start3A_177 = arith.constant 0 : i32
      %dma_start3A_178 = tpu.memref_slice %arg2[%squeeze3A_166, %dma_start3A_177] : memref<1000000x64xf32, #tpu.memory_space<hbm>> -> memref<1x64xf32, #tpu.memory_space<hbm>>
      tpu.enqueue_dma source(%dma_start3A_178 : memref<1x64xf32, #tpu.memory_space<hbm>>) target(%dma_start3A_176 : memref<1x64xf32, #tpu.memory_space<vmem>>) target_semaphore(%arg20 : memref<!tpu.dma_semaphore, #tpu.memory_space<semaphore_mem>>)
      %slice3A_179 = vector.extract_strided_slice %get3A_139 {offsets = [3], sizes = [1], strides = [1]} : vector<16xi32> to vector<1xi32>
      %squeeze3A_180 = vector.extract %slice3A_179[0] : i32 from vector<1xi32>
      %mul3A_181 = arith.constant 16 : i32
      %mul3A_182 = arith.muli %scan3A_133, %mul3A_181 : i32
      %add3A_183 = arith.constant 3 : i32
      %add3A_184 = arith.addi %mul3A_182, %add3A_183 : i32
      %dma_start3A_185 = arith.constant 0 : i32
      %dma_start3A_186 = tpu.memref_slice %arg18[%add3A_184, %dma_start3A_185] : memref<256x64xf32, #tpu.memory_space<vmem>> -> memref<1x64xf32, #tpu.memory_space<vmem>>
      %dma_start3A_187 = arith.constant 0 : i32
      %dma_start3A_188 = tpu.memref_slice %arg2[%squeeze3A_180, %dma_start3A_187] : memref<1000000x64xf32, #tpu.memory_space<hbm>> -> memref<1x64xf32, #tpu.memory_space<hbm>>
      %dma_start3A_189 = arith.constant 0 : i32
      %dma_start3A_190 = tpu.memref_slice %arg18[%add3A_184, %dma_start3A_189] : memref<256x64xf32, #tpu.memory_space<vmem>> -> memref<1x64xf32, #tpu.memory_space<vmem>>
      %dma_start3A_191 = arith.constant 0 : i32
      %dma_start3A_192 = tpu.memref_slice %arg2[%squeeze3A_180, %dma_start3A_191] : memref<1000000x64xf32, #tpu.memory_space<hbm>> -> memref<1x64xf32, #tpu.memory_space<hbm>>
      tpu.enqueue_dma source(%dma_start3A_192 : memref<1x64xf32, #tpu.memory_space<hbm>>) target(%dma_start3A_190 : memref<1x64xf32, #tpu.memory_space<vmem>>) target_semaphore(%arg20 : memref<!tpu.dma_semaphore, #tpu.memory_space<semaphore_mem>>)
      %slice3A_193 = vector.extract_strided_slice %get3A_139 {offsets = [4], sizes = [1], strides = [1]} : vector<16xi32> to vector<1xi32>
      %squeeze3A_194 = vector.extract %slice3A_193[0] : i32 from vector<1xi32>
      %mul3A_195 = arith.constant 16 : i32
      %mul3A_196 = arith.muli %scan3A_133, %mul3A_195 : i32
      %add3A_197 = arith.constant 4 : i32
      %add3A_198 = arith.addi %mul3A_196, %add3A_197 : i32
      %dma_start3A_199 = arith.constant 0 : i32
      %dma_start3A_200 = tpu.memref_slice %arg18[%add3A_198, %dma_start3A_199] : memref<256x64xf32, #tpu.memory_space<vmem>> -> memref<1x64xf32, #tpu.memory_space<vmem>>
      %dma_start3A_201 = arith.constant 0 : i32
      %dma_start3A_202 = tpu.memref_slice %arg2[%squeeze3A_194, %dma_start3A_201] : memref<1000000x64xf32, #tpu.memory_space<hbm>> -> memref<1x64xf32, #tpu.memory_space<hbm>>
      %dma_start3A_203 = arith.constant 0 : i32
      %dma_start3A_204 = tpu.memref_slice %arg18[%add3A_198, %dma_start3A_203] : memref<256x64xf32, #tpu.memory_space<vmem>> -> memref<1x64xf32, #tpu.memory_space<vmem>>
      %dma_start3A_205 = arith.constant 0 : i32
      %dma_start3A_206 = tpu.memref_slice %arg2[%squeeze3A_194, %dma_start3A_205] : memref<1000000x64xf32, #tpu.memory_space<hbm>> -> memref<1x64xf32, #tpu.memory_space<hbm>>
      tpu.enqueue_dma source(%dma_start3A_206 : memref<1x64xf32, #tpu.memory_space<hbm>>) target(%dma_start3A_204 : memref<1x64xf32, #tpu.memory_space<vmem>>) target_semaphore(%arg20 : memref<!tpu.dma_semaphore, #tpu.memory_space<semaphore_mem>>)
      %slice3A_207 = vector.extract_strided_slice %get3A_139 {offsets = [5], sizes = [1], strides = [1]} : vector<16xi32> to vector<1xi32>
      %squeeze3A_208 = vector.extract %slice3A_207[0] : i32 from vector<1xi32>
      %mul3A_209 = arith.constant 16 : i32
      %mul3A_210 = arith.muli %scan3A_133, %mul3A_209 : i32
      %add3A_211 = arith.constant 5 : i32
      %add3A_212 = arith.addi %mul3A_210, %add3A_211 : i32
      %dma_start3A_213 = arith.constant 0 : i32
      %dma_start3A_214 = tpu.memref_slice %arg18[%add3A_212, %dma_start3A_213] : memref<256x64xf32, #tpu.memory_space<vmem>> -> memref<1x64xf32, #tpu.memory_space<vmem>>
      %dma_start3A_215 = arith.constant 0 : i32
      %dma_start3A_216 = tpu.memref_slice %arg2[%squeeze3A_208, %dma_start3A_215] : memref<1000000x64xf32, #tpu.memory_space<hbm>> -> memref<1x64xf32, #tpu.memory_space<hbm>>
      %dma_start3A_217 = arith.constant 0 : i32
      %dma_start3A_218 = tpu.memref_slice %arg18[%add3A_212, %dma_start3A_217] : memref<256x64xf32, #tpu.memory_space<vmem>> -> memref<1x64xf32, #tpu.memory_space<vmem>>
      %dma_start3A_219 = arith.constant 0 : i32
      %dma_start3A_220 = tpu.memref_slice %arg2[%squeeze3A_208, %dma_start3A_219] : memref<1000000x64xf32, #tpu.memory_space<hbm>> -> memref<1x64xf32, #tpu.memory_space<hbm>>
      tpu.enqueue_dma source(%dma_start3A_220 : memref<1x64xf32, #tpu.memory_space<hbm>>) target(%dma_start3A_218 : memref<1x64xf32, #tpu.memory_space<vmem>>) target_semaphore(%arg20 : memref<!tpu.dma_semaphore, #tpu.memory_space<semaphore_mem>>)
      %slice3A_221 = vector.extract_strided_slice %get3A_139 {offsets = [6], sizes = [1], strides = [1]} : vector<16xi32> to vector<1xi32>
      %squeeze3A_222 = vector.extract %slice3A_221[0] : i32 from vector<1xi32>
      %mul3A_223 = arith.constant 16 : i32
      %mul3A_224 = arith.muli %scan3A_133, %mul3A_223 : i32
      %add3A_225 = arith.constant 6 : i32
      %add3A_226 = arith.addi %mul3A_224, %add3A_225 : i32
      %dma_start3A_227 = arith.constant 0 : i32
      %dma_start3A_228 = tpu.memref_slice %arg18[%add3A_226, %dma_start3A_227] : memref<256x64xf32, #tpu.memory_space<vmem>> -> memref<1x64xf32, #tpu.memory_space<vmem>>
      %dma_start3A_229 = arith.constant 0 : i32
      %dma_start3A_230 = tpu.memref_slice %arg2[%squeeze3A_222, %dma_start3A_229] : memref<1000000x64xf32, #tpu.memory_space<hbm>> -> memref<1x64xf32, #tpu.memory_space<hbm>>
      %dma_start3A_231 = arith.constant 0 : i32
      %dma_start3A_232 = tpu.memref_slice %arg18[%add3A_226, %dma_start3A_231] : memref<256x64xf32, #tpu.memory_space<vmem>> -> memref<1x64xf32, #tpu.memory_space<vmem>>
      %dma_start3A_233 = arith.constant 0 : i32
      %dma_start3A_234 = tpu.memref_slice %arg2[%squeeze3A_222, %dma_start3A_233] : memref<1000000x64xf32, #tpu.memory_space<hbm>> -> memref<1x64xf32, #tpu.memory_space<hbm>>
      tpu.enqueue_dma source(%dma_start3A_234 : memref<1x64xf32, #tpu.memory_space<hbm>>) target(%dma_start3A_232 : memref<1x64xf32, #tpu.memory_space<vmem>>) target_semaphore(%arg20 : memref<!tpu.dma_semaphore, #tpu.memory_space<semaphore_mem>>)
      %slice3A_235 = vector.extract_strided_slice %get3A_139 {offsets = [7], sizes = [1], strides = [1]} : vector<16xi32> to vector<1xi32>
      %squeeze3A_236 = vector.extract %slice3A_235[0] : i32 from vector<1xi32>
      %mul3A_237 = arith.constant 16 : i32
      %mul3A_238 = arith.muli %scan3A_133, %mul3A_237 : i32
      %add3A_239 = arith.constant 7 : i32
      %add3A_240 = arith.addi %mul3A_238, %add3A_239 : i32
      %dma_start3A_241 = arith.constant 0 : i32
      %dma_start3A_242 = tpu.memref_slice %arg18[%add3A_240, %dma_start3A_241] : memref<256x64xf32, #tpu.memory_space<vmem>> -> memref<1x64xf32, #tpu.memory_space<vmem>>
      %dma_start3A_243 = arith.constant 0 : i32
      %dma_start3A_244 = tpu.memref_slice %arg2[%squeeze3A_236, %dma_start3A_243] : memref<1000000x64xf32, #tpu.memory_space<hbm>> -> memref<1x64xf32, #tpu.memory_space<hbm>>
      %dma_start3A_245 = arith.constant 0 : i32
      %dma_start3A_246 = tpu.memref_slice %arg18[%add3A_240, %dma_start3A_245] : memref<256x64xf32, #tpu.memory_space<vmem>> -> memref<1x64xf32, #tpu.memory_space<vmem>>
      %dma_start3A_247 = arith.constant 0 : i32
      %dma_start3A_248 = tpu.memref_slice %arg2[%squeeze3A_236, %dma_start3A_247] : memref<1000000x64xf32, #tpu.memory_space<hbm>> -> memref<1x64xf32, #tpu.memory_space<hbm>>
      tpu.enqueue_dma source(%dma_start3A_248 : memref<1x64xf32, #tpu.memory_space<hbm>>) target(%dma_start3A_246 : memref<1x64xf32, #tpu.memory_space<vmem>>) target_semaphore(%arg20 : memref<!tpu.dma_semaphore, #tpu.memory_space<semaphore_mem>>)
      %slice3A_249 = vector.extract_strided_slice %get3A_139 {offsets = [8], sizes = [1], strides = [1]} : vector<16xi32> to vector<1xi32>
      %squeeze3A_250 = vector.extract %slice3A_249[0] : i32 from vector<1xi32>
      %mul3A_251 = arith.constant 16 : i32
      %mul3A_252 = arith.muli %scan3A_133, %mul3A_251 : i32
      %add3A_253 = arith.constant 8 : i32
      %add3A_254 = arith.addi %mul3A_252, %add3A_253 : i32
      %dma_start3A_255 = arith.constant 0 : i32
      %dma_start3A_256 = tpu.memref_slice %arg18[%add3A_254, %dma_start3A_255] : memref<256x64xf32, #tpu.memory_space<vmem>> -> memref<1x64xf32, #tpu.memory_space<vmem>>
      %dma_start3A_257 = arith.constant 0 : i32
      %dma_start3A_258 = tpu.memref_slice %arg2[%squeeze3A_250, %dma_start3A_257] : memref<1000000x64xf32, #tpu.memory_space<hbm>> -> memref<1x64xf32, #tpu.memory_space<hbm>>
      %dma_start3A_259 = arith.constant 0 : i32
      %dma_start3A_260 = tpu.memref_slice %arg18[%add3A_254, %dma_start3A_259] : memref<256x64xf32, #tpu.memory_space<vmem>> -> memref<1x64xf32, #tpu.memory_space<vmem>>
      %dma_start3A_261 = arith.constant 0 : i32
      %dma_start3A_262 = tpu.memref_slice %arg2[%squeeze3A_250, %dma_start3A_261] : memref<1000000x64xf32, #tpu.memory_space<hbm>> -> memref<1x64xf32, #tpu.memory_space<hbm>>
      tpu.enqueue_dma source(%dma_start3A_262 : memref<1x64xf32, #tpu.memory_space<hbm>>) target(%dma_start3A_260 : memref<1x64xf32, #tpu.memory_space<vmem>>) target_semaphore(%arg20 : memref<!tpu.dma_semaphore, #tpu.memory_space<semaphore_mem>>)
      %slice3A_263 = vector.extract_strided_slice %get3A_139 {offsets = [9], sizes = [1], strides = [1]} : vector<16xi32> to vector<1xi32>
      %squeeze3A_264 = vector.extract %slice3A_263[0] : i32 from vector<1xi32>
      %mul3A_265 = arith.constant 16 : i32
      %mul3A_266 = arith.muli %scan3A_133, %mul3A_265 : i32
      %add3A_267 = arith.constant 9 : i32
      %add3A_268 = arith.addi %mul3A_266, %add3A_267 : i32
      %dma_start3A_269 = arith.constant 0 : i32
      %dma_start3A_270 = tpu.memref_slice %arg18[%add3A_268, %dma_start3A_269] : memref<256x64xf32, #tpu.memory_space<vmem>> -> memref<1x64xf32, #tpu.memory_space<vmem>>
      %dma_start3A_271 = arith.constant 0 : i32
      %dma_start3A_272 = tpu.memref_slice %arg2[%squeeze3A_264, %dma_start3A_271] : memref<1000000x64xf32, #tpu.memory_space<hbm>> -> memref<1x64xf32, #tpu.memory_space<hbm>>
      %dma_start3A_273 = arith.constant 0 : i32
      %dma_start3A_274 = tpu.memref_slice %arg18[%add3A_268, %dma_start3A_273] : memref<256x64xf32, #tpu.memory_space<vmem>> -> memref<1x64xf32, #tpu.memory_space<vmem>>
      %dma_start3A_275 = arith.constant 0 : i32
      %dma_start3A_276 = tpu.memref_slice %arg2[%squeeze3A_264, %dma_start3A_275] : memref<1000000x64xf32, #tpu.memory_space<hbm>> -> memref<1x64xf32, #tpu.memory_space<hbm>>
      tpu.enqueue_dma source(%dma_start3A_276 : memref<1x64xf32, #tpu.memory_space<hbm>>) target(%dma_start3A_274 : memref<1x64xf32, #tpu.memory_space<vmem>>) target_semaphore(%arg20 : memref<!tpu.dma_semaphore, #tpu.memory_space<semaphore_mem>>)
      %slice3A_277 = vector.extract_strided_slice %get3A_139 {offsets = [10], sizes = [1], strides = [1]} : vector<16xi32> to vector<1xi32>
      %squeeze3A_278 = vector.extract %slice3A_277[0] : i32 from vector<1xi32>
      %mul3A_279 = arith.constant 16 : i32
      %mul3A_280 = arith.muli %scan3A_133, %mul3A_279 : i32
      %add3A_281 = arith.constant 10 : i32
      %add3A_282 = arith.addi %mul3A_280, %add3A_281 : i32
      %dma_start3A_283 = arith.constant 0 : i32
      %dma_start3A_284 = tpu.memref_slice %arg18[%add3A_282, %dma_start3A_283] : memref<256x64xf32, #tpu.memory_space<vmem>> -> memref<1x64xf32, #tpu.memory_space<vmem>>
      %dma_start3A_285 = arith.constant 0 : i32
      %dma_start3A_286 = tpu.memref_slice %arg2[%squeeze3A_278, %dma_start3A_285] : memref<1000000x64xf32, #tpu.memory_space<hbm>> -> memref<1x64xf32, #tpu.memory_space<hbm>>
      %dma_start3A_287 = arith.constant 0 : i32
      %dma_start3A_288 = tpu.memref_slice %arg18[%add3A_282, %dma_start3A_287] : memref<256x64xf32, #tpu.memory_space<vmem>> -> memref<1x64xf32, #tpu.memory_space<vmem>>
      %dma_start3A_289 = arith.constant 0 : i32
      %dma_start3A_290 = tpu.memref_slice %arg2[%squeeze3A_278, %dma_start3A_289] : memref<1000000x64xf32, #tpu.memory_space<hbm>> -> memref<1x64xf32, #tpu.memory_space<hbm>>
      tpu.enqueue_dma source(%dma_start3A_290 : memref<1x64xf32, #tpu.memory_space<hbm>>) target(%dma_start3A_288 : memref<1x64xf32, #tpu.memory_space<vmem>>) target_semaphore(%arg20 : memref<!tpu.dma_semaphore, #tpu.memory_space<semaphore_mem>>)
      %slice3A_291 = vector.extract_strided_slice %get3A_139 {offsets = [11], sizes = [1], strides = [1]} : vector<16xi32> to vector<1xi32>
      %squeeze3A_292 = vector.extract %slice3A_291[0] : i32 from vector<1xi32>
      %mul3A_293 = arith.constant 16 : i32
      %mul3A_294 = arith.muli %scan3A_133, %mul3A_293 : i32
      %add3A_295 = arith.constant 11 : i32
      %add3A_296 = arith.addi %mul3A_294, %add3A_295 : i32
      %dma_start3A_297 = arith.constant 0 : i32
      %dma_start3A_298 = tpu.memref_slice %arg18[%add3A_296, %dma_start3A_297] : memref<256x64xf32, #tpu.memory_space<vmem>> -> memref<1x64xf32, #tpu.memory_space<vmem>>
      %dma_start3A_299 = arith.constant 0 : i32
      %dma_start3A_300 = tpu.memref_slice %arg2[%squeeze3A_292, %dma_start3A_299] : memref<1000000x64xf32, #tpu.memory_space<hbm>> -> memref<1x64xf32, #tpu.memory_space<hbm>>
      %dma_start3A_301 = arith.constant 0 : i32
      %dma_start3A_302 = tpu.memref_slice %arg18[%add3A_296, %dma_start3A_301] : memref<256x64xf32, #tpu.memory_space<vmem>> -> memref<1x64xf32, #tpu.memory_space<vmem>>
      %dma_start3A_303 = arith.constant 0 : i32
      %dma_start3A_304 = tpu.memref_slice %arg2[%squeeze3A_292, %dma_start3A_303] : memref<1000000x64xf32, #tpu.memory_space<hbm>> -> memref<1x64xf32, #tpu.memory_space<hbm>>
      tpu.enqueue_dma source(%dma_start3A_304 : memref<1x64xf32, #tpu.memory_space<hbm>>) target(%dma_start3A_302 : memref<1x64xf32, #tpu.memory_space<vmem>>) target_semaphore(%arg20 : memref<!tpu.dma_semaphore, #tpu.memory_space<semaphore_mem>>)
      %slice3A_305 = vector.extract_strided_slice %get3A_139 {offsets = [12], sizes = [1], strides = [1]} : vector<16xi32> to vector<1xi32>
      %squeeze3A_306 = vector.extract %slice3A_305[0] : i32 from vector<1xi32>
      %mul3A_307 = arith.constant 16 : i32
      %mul3A_308 = arith.muli %scan3A_133, %mul3A_307 : i32
      %add3A_309 = arith.constant 12 : i32
      %add3A_310 = arith.addi %mul3A_308, %add3A_309 : i32
      %dma_start3A_311 = arith.constant 0 : i32
      %dma_start3A_312 = tpu.memref_slice %arg18[%add3A_310, %dma_start3A_311] : memref<256x64xf32, #tpu.memory_space<vmem>> -> memref<1x64xf32, #tpu.memory_space<vmem>>
      %dma_start3A_313 = arith.constant 0 : i32
      %dma_start3A_314 = tpu.memref_slice %arg2[%squeeze3A_306, %dma_start3A_313] : memref<1000000x64xf32, #tpu.memory_space<hbm>> -> memref<1x64xf32, #tpu.memory_space<hbm>>
      %dma_start3A_315 = arith.constant 0 : i32
      %dma_start3A_316 = tpu.memref_slice %arg18[%add3A_310, %dma_start3A_315] : memref<256x64xf32, #tpu.memory_space<vmem>> -> memref<1x64xf32, #tpu.memory_space<vmem>>
      %dma_start3A_317 = arith.constant 0 : i32
      %dma_start3A_318 = tpu.memref_slice %arg2[%squeeze3A_306, %dma_start3A_317] : memref<1000000x64xf32, #tpu.memory_space<hbm>> -> memref<1x64xf32, #tpu.memory_space<hbm>>
      tpu.enqueue_dma source(%dma_start3A_318 : memref<1x64xf32, #tpu.memory_space<hbm>>) target(%dma_start3A_316 : memref<1x64xf32, #tpu.memory_space<vmem>>) target_semaphore(%arg20 : memref<!tpu.dma_semaphore, #tpu.memory_space<semaphore_mem>>)
      %slice3A_319 = vector.extract_strided_slice %get3A_139 {offsets = [13], sizes = [1], strides = [1]} : vector<16xi32> to vector<1xi32>
      %squeeze3A_320 = vector.extract %slice3A_319[0] : i32 from vector<1xi32>
      %mul3A_321 = arith.constant 16 : i32
      %mul3A_322 = arith.muli %scan3A_133, %mul3A_321 : i32
      %add3A_323 = arith.constant 13 : i32
      %add3A_324 = arith.addi %mul3A_322, %add3A_323 : i32
      %dma_start3A_325 = arith.constant 0 : i32
      %dma_start3A_326 = tpu.memref_slice %arg18[%add3A_324, %dma_start3A_325] : memref<256x64xf32, #tpu.memory_space<vmem>> -> memref<1x64xf32, #tpu.memory_space<vmem>>
      %dma_start3A_327 = arith.constant 0 : i32
      %dma_start3A_328 = tpu.memref_slice %arg2[%squeeze3A_320, %dma_start3A_327] : memref<1000000x64xf32, #tpu.memory_space<hbm>> -> memref<1x64xf32, #tpu.memory_space<hbm>>
      %dma_start3A_329 = arith.constant 0 : i32
      %dma_start3A_330 = tpu.memref_slice %arg18[%add3A_324, %dma_start3A_329] : memref<256x64xf32, #tpu.memory_space<vmem>> -> memref<1x64xf32, #tpu.memory_space<vmem>>
      %dma_start3A_331 = arith.constant 0 : i32
      %dma_start3A_332 = tpu.memref_slice %arg2[%squeeze3A_320, %dma_start3A_331] : memref<1000000x64xf32, #tpu.memory_space<hbm>> -> memref<1x64xf32, #tpu.memory_space<hbm>>
      tpu.enqueue_dma source(%dma_start3A_332 : memref<1x64xf32, #tpu.memory_space<hbm>>) target(%dma_start3A_330 : memref<1x64xf32, #tpu.memory_space<vmem>>) target_semaphore(%arg20 : memref<!tpu.dma_semaphore, #tpu.memory_space<semaphore_mem>>)
      %slice3A_333 = vector.extract_strided_slice %get3A_139 {offsets = [14], sizes = [1], strides = [1]} : vector<16xi32> to vector<1xi32>
      %squeeze3A_334 = vector.extract %slice3A_333[0] : i32 from vector<1xi32>
      %mul3A_335 = arith.constant 16 : i32
      %mul3A_336 = arith.muli %scan3A_133, %mul3A_335 : i32
      %add3A_337 = arith.constant 14 : i32
      %add3A_338 = arith.addi %mul3A_336, %add3A_337 : i32
      %dma_start3A_339 = arith.constant 0 : i32
      %dma_start3A_340 = tpu.memref_slice %arg18[%add3A_338, %dma_start3A_339] : memref<256x64xf32, #tpu.memory_space<vmem>> -> memref<1x64xf32, #tpu.memory_space<vmem>>
      %dma_start3A_341 = arith.constant 0 : i32
      %dma_start3A_342 = tpu.memref_slice %arg2[%squeeze3A_334, %dma_start3A_341] : memref<1000000x64xf32, #tpu.memory_space<hbm>> -> memref<1x64xf32, #tpu.memory_space<hbm>>
      %dma_start3A_343 = arith.constant 0 : i32
      %dma_start3A_344 = tpu.memref_slice %arg18[%add3A_338, %dma_start3A_343] : memref<256x64xf32, #tpu.memory_space<vmem>> -> memref<1x64xf32, #tpu.memory_space<vmem>>
      %dma_start3A_345 = arith.constant 0 : i32
      %dma_start3A_346 = tpu.memref_slice %arg2[%squeeze3A_334, %dma_start3A_345] : memref<1000000x64xf32, #tpu.memory_space<hbm>> -> memref<1x64xf32, #tpu.memory_space<hbm>>
      tpu.enqueue_dma source(%dma_start3A_346 : memref<1x64xf32, #tpu.memory_space<hbm>>) target(%dma_start3A_344 : memref<1x64xf32, #tpu.memory_space<vmem>>) target_semaphore(%arg20 : memref<!tpu.dma_semaphore, #tpu.memory_space<semaphore_mem>>)
      %slice3A_347 = vector.extract_strided_slice %get3A_139 {offsets = [15], sizes = [1], strides = [1]} : vector<16xi32> to vector<1xi32>
      %squeeze3A_348 = vector.extract %slice3A_347[0] : i32 from vector<1xi32>
      %mul3A_349 = arith.constant 16 : i32
      %mul3A_350 = arith.muli %scan3A_133, %mul3A_349 : i32
      %add3A_351 = arith.constant 15 : i32
      %add3A_352 = arith.addi %mul3A_350, %add3A_351 : i32
      %dma_start3A_353 = arith.constant 0 : i32
      %dma_start3A_354 = tpu.memref_slice %arg18[%add3A_352, %dma_start3A_353] : memref<256x64xf32, #tpu.memory_space<vmem>> -> memref<1x64xf32, #tpu.memory_space<vmem>>
      %dma_start3A_355 = arith.constant 0 : i32
      %dma_start3A_356 = tpu.memref_slice %arg2[%squeeze3A_348, %dma_start3A_355] : memref<1000000x64xf32, #tpu.memory_space<hbm>> -> memref<1x64xf32, #tpu.memory_space<hbm>>
      %dma_start3A_357 = arith.constant 0 : i32
      %dma_start3A_358 = tpu.memref_slice %arg18[%add3A_352, %dma_start3A_357] : memref<256x64xf32, #tpu.memory_space<vmem>> -> memref<1x64xf32, #tpu.memory_space<vmem>>
      %dma_start3A_359 = arith.constant 0 : i32
      %dma_start3A_360 = tpu.memref_slice %arg2[%squeeze3A_348, %dma_start3A_359] : memref<1000000x64xf32, #tpu.memory_space<hbm>> -> memref<1x64xf32, #tpu.memory_space<hbm>>
      tpu.enqueue_dma source(%dma_start3A_360 : memref<1x64xf32, #tpu.memory_space<hbm>>) target(%dma_start3A_358 : memref<1x64xf32, #tpu.memory_space<vmem>>) target_semaphore(%arg20 : memref<!tpu.dma_semaphore, #tpu.memory_space<semaphore_mem>>)
    }
    %scan3A_11 = arith.constant 16 : i32
    %add3A_12 = arith.constant 0 : i32
    %add3A_13 = arith.addi %mul3A_2, %add3A_12 : i32
    %dma_wait3A = arith.constant 0 : i32
    %dma_wait3A_14 = tpu.memref_slice %arg10[%add3A_13, %dma_wait3A] : memref<16384x64xf32, #tpu.memory_space<hbm>> -> memref<256x64xf32, #tpu.memory_space<hbm>>
    %dma_wait3A_15 = arith.constant 0 : i32
    %dma_wait3A_16 = tpu.memref_slice %arg10[%add3A_13, %dma_wait3A_15] : memref<16384x64xf32, #tpu.memory_space<hbm>> -> memref<256x64xf32, #tpu.memory_space<hbm>>
    tpu.wait_dma2 semaphore(%arg19 : memref<!tpu.dma_semaphore, #tpu.memory_space<semaphore_mem>>) src(%dma_wait3A_16 : memref<256x64xf32, #tpu.memory_space<hbm>>) dst(%arg17 : memref<256x64xf32, #tpu.memory_space<vmem>>)
    "tpu.region"() ({
      %run_scoped3A = tpu.sem_alloc : memref<!tpu.dma_semaphore, #tpu.memory_space<semaphore_mem>>
      %dma_start3A = arith.constant 0 : i32
      %dma_start3A_133 = tpu.memref_slice %arg10[%add3A_13, %dma_start3A] : memref<16384x64xf32, #tpu.memory_space<hbm>> -> memref<256x64xf32, #tpu.memory_space<hbm>>
      %dma_start3A_134 = arith.constant 0 : i32
      %dma_start3A_135 = tpu.memref_slice %arg10[%add3A_13, %dma_start3A_134] : memref<16384x64xf32, #tpu.memory_space<hbm>> -> memref<256x64xf32, #tpu.memory_space<hbm>>
      tpu.enqueue_dma source(%arg17 : memref<256x64xf32, #tpu.memory_space<vmem>>) target(%dma_start3A_135 : memref<256x64xf32, #tpu.memory_space<hbm>>) target_semaphore(%run_scoped3A : memref<!tpu.dma_semaphore, #tpu.memory_space<semaphore_mem>>)
      %dma_wait3A_136 = arith.constant 0 : i32
      %dma_wait3A_137 = tpu.memref_slice %arg10[%add3A_13, %dma_wait3A_136] : memref<16384x64xf32, #tpu.memory_space<hbm>> -> memref<256x64xf32, #tpu.memory_space<hbm>>
      %dma_wait3A_138 = arith.constant 0 : i32
      %dma_wait3A_139 = tpu.memref_slice %arg10[%add3A_13, %dma_wait3A_138] : memref<16384x64xf32, #tpu.memory_space<hbm>> -> memref<256x64xf32, #tpu.memory_space<hbm>>
      tpu.wait_dma2 semaphore(%run_scoped3A : memref<!tpu.dma_semaphore, #tpu.memory_space<semaphore_mem>>) src(%arg17 : memref<256x64xf32, #tpu.memory_space<vmem>>) dst(%dma_wait3A_139 : memref<256x64xf32, #tpu.memory_space<hbm>>)
      tpu.yield
    }) : () -> ()
    "tpu.region"() ({
      %run_scoped3A = tpu.sem_alloc : memref<!tpu.dma_semaphore, #tpu.memory_space<semaphore_mem>>
      %dma_start3A = tpu.memref_slice %arg5[%mul3A_2] : memref<16384xi32, #tpu.memory_space<hbm>> -> memref<512xi32, #tpu.memory_space<hbm>>
      %dma_start3A_133 = tpu.memref_slice %arg5[%mul3A_2] : memref<16384xi32, #tpu.memory_space<hbm>> -> memref<512xi32, #tpu.memory_space<hbm>>
      tpu.enqueue_dma source(%dma_start3A_133 : memref<512xi32, #tpu.memory_space<hbm>>) target(%arg16 : memref<512xi32, #tpu.memory_space<vmem>>) target_semaphore(%run_scoped3A : memref<!tpu.dma_semaphore, #tpu.memory_space<semaphore_mem>>)
      %dma_wait3A_134 = tpu.memref_slice %arg5[%mul3A_2] : memref<16384xi32, #tpu.memory_space<hbm>> -> memref<512xi32, #tpu.memory_space<hbm>>
      %dma_wait3A_135 = tpu.memref_slice %arg5[%mul3A_2] : memref<16384xi32, #tpu.memory_space<hbm>> -> memref<512xi32, #tpu.memory_space<hbm>>
      tpu.wait_dma2 semaphore(%run_scoped3A : memref<!tpu.dma_semaphore, #tpu.memory_space<semaphore_mem>>) src(%dma_wait3A_135 : memref<512xi32, #tpu.memory_space<hbm>>) dst(%arg16 : memref<512xi32, #tpu.memory_space<vmem>>)
      tpu.yield
    }) : () -> ()
    %scan3A_17 = arith.constant 0 : i32
    %scan3A_18 = arith.constant 16 : i32
    %scan3A_19 = arith.addi %scan3A_17, %scan3A_18 : i32
    %scan3A_20 = arith.constant 1 : i32
    scf.for %scan3A_133 = %scan3A_17 to %scan3A_19 step %scan3A_20  : i32 {
      %mul3A_134 = arith.constant 16 : i32
      %mul3A_135 = arith.muli %scan3A_133, %mul3A_134 : i32
      %add3A_136 = arith.constant 0 : i32
      %add3A_137 = arith.addi %add3A_136, %mul3A_135 : i32
      %get3A = arith.index_cast %add3A_137 : i32 to index
      %get3A_138 = tpu.vector_load %arg16[%get3A] {strides = array<i32>} : memref<512xi32, #tpu.memory_space<vmem>>, vector<16xi32>,
      %get3A_139 = vector.shape_cast %get3A_138 : vector<16xi32> to vector<16xi32>
      %slice3A = vector.extract_strided_slice %get3A_139 {offsets = [0], sizes = [1], strides = [1]} : vector<16xi32> to vector<1xi32>
      %squeeze3A = vector.extract %slice3A[0] : i32 from vector<1xi32>
      %mul3A_140 = arith.constant 16 : i32
      %mul3A_141 = arith.muli %scan3A_133, %mul3A_140 : i32
      %add3A_142 = arith.constant 0 : i32
      %add3A_143 = arith.addi %mul3A_141, %add3A_142 : i32
      %dma_start3A = arith.constant 0 : i32
      %dma_start3A_144 = tpu.memref_slice %arg17[%add3A_143, %dma_start3A] : memref<256x64xf32, #tpu.memory_space<vmem>> -> memref<1x64xf32, #tpu.memory_space<vmem>>
      %dma_start3A_145 = arith.constant 0 : i32
      %dma_start3A_146 = tpu.memref_slice %arg2[%squeeze3A, %dma_start3A_145] : memref<1000000x64xf32, #tpu.memory_space<hbm>> -> memref<1x64xf32, #tpu.memory_space<hbm>>
      %dma_start3A_147 = arith.constant 0 : i32
      %dma_start3A_148 = tpu.memref_slice %arg17[%add3A_143, %dma_start3A_147] : memref<256x64xf32, #tpu.memory_space<vmem>> -> memref<1x64xf32, #tpu.memory_space<vmem>>
      %dma_start3A_149 = arith.constant 0 : i32
      %dma_start3A_150 = tpu.memref_slice %arg2[%squeeze3A, %dma_start3A_149] : memref<1000000x64xf32, #tpu.memory_space<hbm>> -> memref<1x64xf32, #tpu.memory_space<hbm>>
      tpu.enqueue_dma source(%dma_start3A_150 : memref<1x64xf32, #tpu.memory_space<hbm>>) target(%dma_start3A_148 : memref<1x64xf32, #tpu.memory_space<vmem>>) target_semaphore(%arg19 : memref<!tpu.dma_semaphore, #tpu.memory_space<semaphore_mem>>)
      %slice3A_151 = vector.extract_strided_slice %get3A_139 {offsets = [1], sizes = [1], strides = [1]} : vector<16xi32> to vector<1xi32>
      %squeeze3A_152 = vector.extract %slice3A_151[0] : i32 from vector<1xi32>
      %mul3A_153 = arith.constant 16 : i32
      %mul3A_154 = arith.muli %scan3A_133, %mul3A_153 : i32
      %add3A_155 = arith.constant 1 : i32
      %add3A_156 = arith.addi %mul3A_154, %add3A_155 : i32
      %dma_start3A_157 = arith.constant 0 : i32
      %dma_start3A_158 = tpu.memref_slice %arg17[%add3A_156, %dma_start3A_157] : memref<256x64xf32, #tpu.memory_space<vmem>> -> memref<1x64xf32, #tpu.memory_space<vmem>>
      %dma_start3A_159 = arith.constant 0 : i32
      %dma_start3A_160 = tpu.memref_slice %arg2[%squeeze3A_152, %dma_start3A_159] : memref<1000000x64xf32, #tpu.memory_space<hbm>> -> memref<1x64xf32, #tpu.memory_space<hbm>>
      %dma_start3A_161 = arith.constant 0 : i32
      %dma_start3A_162 = tpu.memref_slice %arg17[%add3A_156, %dma_start3A_161] : memref<256x64xf32, #tpu.memory_space<vmem>> -> memref<1x64xf32, #tpu.memory_space<vmem>>
      %dma_start3A_163 = arith.constant 0 : i32
      %dma_start3A_164 = tpu.memref_slice %arg2[%squeeze3A_152, %dma_start3A_163] : memref<1000000x64xf32, #tpu.memory_space<hbm>> -> memref<1x64xf32, #tpu.memory_space<hbm>>
      tpu.enqueue_dma source(%dma_start3A_164 : memref<1x64xf32, #tpu.memory_space<hbm>>) target(%dma_start3A_162 : memref<1x64xf32, #tpu.memory_space<vmem>>) target_semaphore(%arg19 : memref<!tpu.dma_semaphore, #tpu.memory_space<semaphore_mem>>)
      %slice3A_165 = vector.extract_strided_slice %get3A_139 {offsets = [2], sizes = [1], strides = [1]} : vector<16xi32> to vector<1xi32>
      %squeeze3A_166 = vector.extract %slice3A_165[0] : i32 from vector<1xi32>
      %mul3A_167 = arith.constant 16 : i32
      %mul3A_168 = arith.muli %scan3A_133, %mul3A_167 : i32
      %add3A_169 = arith.constant 2 : i32
      %add3A_170 = arith.addi %mul3A_168, %add3A_169 : i32
      %dma_start3A_171 = arith.constant 0 : i32
      %dma_start3A_172 = tpu.memref_slice %arg17[%add3A_170, %dma_start3A_171] : memref<256x64xf32, #tpu.memory_space<vmem>> -> memref<1x64xf32, #tpu.memory_space<vmem>>
      %dma_start3A_173 = arith.constant 0 : i32
      %dma_start3A_174 = tpu.memref_slice %arg2[%squeeze3A_166, %dma_start3A_173] : memref<1000000x64xf32, #tpu.memory_space<hbm>> -> memref<1x64xf32, #tpu.memory_space<hbm>>
      %dma_start3A_175 = arith.constant 0 : i32
      %dma_start3A_176 = tpu.memref_slice %arg17[%add3A_170, %dma_start3A_175] : memref<256x64xf32, #tpu.memory_space<vmem>> -> memref<1x64xf32, #tpu.memory_space<vmem>>
      %dma_start3A_177 = arith.constant 0 : i32
      %dma_start3A_178 = tpu.memref_slice %arg2[%squeeze3A_166, %dma_start3A_177] : memref<1000000x64xf32, #tpu.memory_space<hbm>> -> memref<1x64xf32, #tpu.memory_space<hbm>>
      tpu.enqueue_dma source(%dma_start3A_178 : memref<1x64xf32, #tpu.memory_space<hbm>>) target(%dma_start3A_176 : memref<1x64xf32, #tpu.memory_space<vmem>>) target_semaphore(%arg19 : memref<!tpu.dma_semaphore, #tpu.memory_space<semaphore_mem>>)
      %slice3A_179 = vector.extract_strided_slice %get3A_139 {offsets = [3], sizes = [1], strides = [1]} : vector<16xi32> to vector<1xi32>
      %squeeze3A_180 = vector.extract %slice3A_179[0] : i32 from vector<1xi32>
      %mul3A_181 = arith.constant 16 : i32
      %mul3A_182 = arith.muli %scan3A_133, %mul3A_181 : i32
      %add3A_183 = arith.constant 3 : i32
      %add3A_184 = arith.addi %mul3A_182, %add3A_183 : i32
      %dma_start3A_185 = arith.constant 0 : i32
      %dma_start3A_186 = tpu.memref_slice %arg17[%add3A_184, %dma_start3A_185] : memref<256x64xf32, #tpu.memory_space<vmem>> -> memref<1x64xf32, #tpu.memory_space<vmem>>
      %dma_start3A_187 = arith.constant 0 : i32
      %dma_start3A_188 = tpu.memref_slice %arg2[%squeeze3A_180, %dma_start3A_187] : memref<1000000x64xf32, #tpu.memory_space<hbm>> -> memref<1x64xf32, #tpu.memory_space<hbm>>
      %dma_start3A_189 = arith.constant 0 : i32
      %dma_start3A_190 = tpu.memref_slice %arg17[%add3A_184, %dma_start3A_189] : memref<256x64xf32, #tpu.memory_space<vmem>> -> memref<1x64xf32, #tpu.memory_space<vmem>>
      %dma_start3A_191 = arith.constant 0 : i32
      %dma_start3A_192 = tpu.memref_slice %arg2[%squeeze3A_180, %dma_start3A_191] : memref<1000000x64xf32, #tpu.memory_space<hbm>> -> memref<1x64xf32, #tpu.memory_space<hbm>>
      tpu.enqueue_dma source(%dma_start3A_192 : memref<1x64xf32, #tpu.memory_space<hbm>>) target(%dma_start3A_190 : memref<1x64xf32, #tpu.memory_space<vmem>>) target_semaphore(%arg19 : memref<!tpu.dma_semaphore, #tpu.memory_space<semaphore_mem>>)
      %slice3A_193 = vector.extract_strided_slice %get3A_139 {offsets = [4], sizes = [1], strides = [1]} : vector<16xi32> to vector<1xi32>
      %squeeze3A_194 = vector.extract %slice3A_193[0] : i32 from vector<1xi32>
      %mul3A_195 = arith.constant 16 : i32
      %mul3A_196 = arith.muli %scan3A_133, %mul3A_195 : i32
      %add3A_197 = arith.constant 4 : i32
      %add3A_198 = arith.addi %mul3A_196, %add3A_197 : i32
      %dma_start3A_199 = arith.constant 0 : i32
      %dma_start3A_200 = tpu.memref_slice %arg17[%add3A_198, %dma_start3A_199] : memref<256x64xf32, #tpu.memory_space<vmem>> -> memref<1x64xf32, #tpu.memory_space<vmem>>
      %dma_start3A_201 = arith.constant 0 : i32
      %dma_start3A_202 = tpu.memref_slice %arg2[%squeeze3A_194, %dma_start3A_201] : memref<1000000x64xf32, #tpu.memory_space<hbm>> -> memref<1x64xf32, #tpu.memory_space<hbm>>
      %dma_start3A_203 = arith.constant 0 : i32
      %dma_start3A_204 = tpu.memref_slice %arg17[%add3A_198, %dma_start3A_203] : memref<256x64xf32, #tpu.memory_space<vmem>> -> memref<1x64xf32, #tpu.memory_space<vmem>>
      %dma_start3A_205 = arith.constant 0 : i32
      %dma_start3A_206 = tpu.memref_slice %arg2[%squeeze3A_194, %dma_start3A_205] : memref<1000000x64xf32, #tpu.memory_space<hbm>> -> memref<1x64xf32, #tpu.memory_space<hbm>>
      tpu.enqueue_dma source(%dma_start3A_206 : memref<1x64xf32, #tpu.memory_space<hbm>>) target(%dma_start3A_204 : memref<1x64xf32, #tpu.memory_space<vmem>>) target_semaphore(%arg19 : memref<!tpu.dma_semaphore, #tpu.memory_space<semaphore_mem>>)
      %slice3A_207 = vector.extract_strided_slice %get3A_139 {offsets = [5], sizes = [1], strides = [1]} : vector<16xi32> to vector<1xi32>
      %squeeze3A_208 = vector.extract %slice3A_207[0] : i32 from vector<1xi32>
      %mul3A_209 = arith.constant 16 : i32
      %mul3A_210 = arith.muli %scan3A_133, %mul3A_209 : i32
      %add3A_211 = arith.constant 5 : i32
      %add3A_212 = arith.addi %mul3A_210, %add3A_211 : i32
      %dma_start3A_213 = arith.constant 0 : i32
      %dma_start3A_214 = tpu.memref_slice %arg17[%add3A_212, %dma_start3A_213] : memref<256x64xf32, #tpu.memory_space<vmem>> -> memref<1x64xf32, #tpu.memory_space<vmem>>
      %dma_start3A_215 = arith.constant 0 : i32
      %dma_start3A_216 = tpu.memref_slice %arg2[%squeeze3A_208, %dma_start3A_215] : memref<1000000x64xf32, #tpu.memory_space<hbm>> -> memref<1x64xf32, #tpu.memory_space<hbm>>
      %dma_start3A_217 = arith.constant 0 : i32
      %dma_start3A_218 = tpu.memref_slice %arg17[%add3A_212, %dma_start3A_217] : memref<256x64xf32, #tpu.memory_space<vmem>> -> memref<1x64xf32, #tpu.memory_space<vmem>>
      %dma_start3A_219 = arith.constant 0 : i32
      %dma_start3A_220 = tpu.memref_slice %arg2[%squeeze3A_208, %dma_start3A_219] : memref<1000000x64xf32, #tpu.memory_space<hbm>> -> memref<1x64xf32, #tpu.memory_space<hbm>>
      tpu.enqueue_dma source(%dma_start3A_220 : memref<1x64xf32, #tpu.memory_space<hbm>>) target(%dma_start3A_218 : memref<1x64xf32, #tpu.memory_space<vmem>>) target_semaphore(%arg19 : memref<!tpu.dma_semaphore, #tpu.memory_space<semaphore_mem>>)
      %slice3A_221 = vector.extract_strided_slice %get3A_139 {offsets = [6], sizes = [1], strides = [1]} : vector<16xi32> to vector<1xi32>
      %squeeze3A_222 = vector.extract %slice3A_221[0] : i32 from vector<1xi32>
      %mul3A_223 = arith.constant 16 : i32
      %mul3A_224 = arith.muli %scan3A_133, %mul3A_223 : i32
      %add3A_225 = arith.constant 6 : i32
      %add3A_226 = arith.addi %mul3A_224, %add3A_225 : i32
      %dma_start3A_227 = arith.constant 0 : i32
      %dma_start3A_228 = tpu.memref_slice %arg17[%add3A_226, %dma_start3A_227] : memref<256x64xf32, #tpu.memory_space<vmem>> -> memref<1x64xf32, #tpu.memory_space<vmem>>
      %dma_start3A_229 = arith.constant 0 : i32
      %dma_start3A_230 = tpu.memref_slice %arg2[%squeeze3A_222, %dma_start3A_229] : memref<1000000x64xf32, #tpu.memory_space<hbm>> -> memref<1x64xf32, #tpu.memory_space<hbm>>
      %dma_start3A_231 = arith.constant 0 : i32
      %dma_start3A_232 = tpu.memref_slice %arg17[%add3A_226, %dma_start3A_231] : memref<256x64xf32, #tpu.memory_space<vmem>> -> memref<1x64xf32, #tpu.memory_space<vmem>>
      %dma_start3A_233 = arith.constant 0 : i32
      %dma_start3A_234 = tpu.memref_slice %arg2[%squeeze3A_222, %dma_start3A_233] : memref<1000000x64xf32, #tpu.memory_space<hbm>> -> memref<1x64xf32, #tpu.memory_space<hbm>>
      tpu.enqueue_dma source(%dma_start3A_234 : memref<1x64xf32, #tpu.memory_space<hbm>>) target(%dma_start3A_232 : memref<1x64xf32, #tpu.memory_space<vmem>>) target_semaphore(%arg19 : memref<!tpu.dma_semaphore, #tpu.memory_space<semaphore_mem>>)
      %slice3A_235 = vector.extract_strided_slice %get3A_139 {offsets = [7], sizes = [1], strides = [1]} : vector<16xi32> to vector<1xi32>
      %squeeze3A_236 = vector.extract %slice3A_235[0] : i32 from vector<1xi32>
      %mul3A_237 = arith.constant 16 : i32
      %mul3A_238 = arith.muli %scan3A_133, %mul3A_237 : i32
      %add3A_239 = arith.constant 7 : i32
      %add3A_240 = arith.addi %mul3A_238, %add3A_239 : i32
      %dma_start3A_241 = arith.constant 0 : i32
      %dma_start3A_242 = tpu.memref_slice %arg17[%add3A_240, %dma_start3A_241] : memref<256x64xf32, #tpu.memory_space<vmem>> -> memref<1x64xf32, #tpu.memory_space<vmem>>
      %dma_start3A_243 = arith.constant 0 : i32
      %dma_start3A_244 = tpu.memref_slice %arg2[%squeeze3A_236, %dma_start3A_243] : memref<1000000x64xf32, #tpu.memory_space<hbm>> -> memref<1x64xf32, #tpu.memory_space<hbm>>
      %dma_start3A_245 = arith.constant 0 : i32
      %dma_start3A_246 = tpu.memref_slice %arg17[%add3A_240, %dma_start3A_245] : memref<256x64xf32, #tpu.memory_space<vmem>> -> memref<1x64xf32, #tpu.memory_space<vmem>>
      %dma_start3A_247 = arith.constant 0 : i32
      %dma_start3A_248 = tpu.memref_slice %arg2[%squeeze3A_236, %dma_start3A_247] : memref<1000000x64xf32, #tpu.memory_space<hbm>> -> memref<1x64xf32, #tpu.memory_space<hbm>>
      tpu.enqueue_dma source(%dma_start3A_248 : memref<1x64xf32, #tpu.memory_space<hbm>>) target(%dma_start3A_246 : memref<1x64xf32, #tpu.memory_space<vmem>>) target_semaphore(%arg19 : memref<!tpu.dma_semaphore, #tpu.memory_space<semaphore_mem>>)
      %slice3A_249 = vector.extract_strided_slice %get3A_139 {offsets = [8], sizes = [1], strides = [1]} : vector<16xi32> to vector<1xi32>
      %squeeze3A_250 = vector.extract %slice3A_249[0] : i32 from vector<1xi32>
      %mul3A_251 = arith.constant 16 : i32
      %mul3A_252 = arith.muli %scan3A_133, %mul3A_251 : i32
      %add3A_253 = arith.constant 8 : i32
      %add3A_254 = arith.addi %mul3A_252, %add3A_253 : i32
      %dma_start3A_255 = arith.constant 0 : i32
      %dma_start3A_256 = tpu.memref_slice %arg17[%add3A_254, %dma_start3A_255] : memref<256x64xf32, #tpu.memory_space<vmem>> -> memref<1x64xf32, #tpu.memory_space<vmem>>
      %dma_start3A_257 = arith.constant 0 : i32
      %dma_start3A_258 = tpu.memref_slice %arg2[%squeeze3A_250, %dma_start3A_257] : memref<1000000x64xf32, #tpu.memory_space<hbm>> -> memref<1x64xf32, #tpu.memory_space<hbm>>
      %dma_start3A_259 = arith.constant 0 : i32
      %dma_start3A_260 = tpu.memref_slice %arg17[%add3A_254, %dma_start3A_259] : memref<256x64xf32, #tpu.memory_space<vmem>> -> memref<1x64xf32, #tpu.memory_space<vmem>>
      %dma_start3A_261 = arith.constant 0 : i32
      %dma_start3A_262 = tpu.memref_slice %arg2[%squeeze3A_250, %dma_start3A_261] : memref<1000000x64xf32, #tpu.memory_space<hbm>> -> memref<1x64xf32, #tpu.memory_space<hbm>>
      tpu.enqueue_dma source(%dma_start3A_262 : memref<1x64xf32, #tpu.memory_space<hbm>>) target(%dma_start3A_260 : memref<1x64xf32, #tpu.memory_space<vmem>>) target_semaphore(%arg19 : memref<!tpu.dma_semaphore, #tpu.memory_space<semaphore_mem>>)
      %slice3A_263 = vector.extract_strided_slice %get3A_139 {offsets = [9], sizes = [1], strides = [1]} : vector<16xi32> to vector<1xi32>
      %squeeze3A_264 = vector.extract %slice3A_263[0] : i32 from vector<1xi32>
      %mul3A_265 = arith.constant 16 : i32
      %mul3A_266 = arith.muli %scan3A_133, %mul3A_265 : i32
      %add3A_267 = arith.constant 9 : i32
      %add3A_268 = arith.addi %mul3A_266, %add3A_267 : i32
      %dma_start3A_269 = arith.constant 0 : i32
      %dma_start3A_270 = tpu.memref_slice %arg17[%add3A_268, %dma_start3A_269] : memref<256x64xf32, #tpu.memory_space<vmem>> -> memref<1x64xf32, #tpu.memory_space<vmem>>
      %dma_start3A_271 = arith.constant 0 : i32
      %dma_start3A_272 = tpu.memref_slice %arg2[%squeeze3A_264, %dma_start3A_271] : memref<1000000x64xf32, #tpu.memory_space<hbm>> -> memref<1x64xf32, #tpu.memory_space<hbm>>
      %dma_start3A_273 = arith.constant 0 : i32
      %dma_start3A_274 = tpu.memref_slice %arg17[%add3A_268, %dma_start3A_273] : memref<256x64xf32, #tpu.memory_space<vmem>> -> memref<1x64xf32, #tpu.memory_space<vmem>>
      %dma_start3A_275 = arith.constant 0 : i32
      %dma_start3A_276 = tpu.memref_slice %arg2[%squeeze3A_264, %dma_start3A_275] : memref<1000000x64xf32, #tpu.memory_space<hbm>> -> memref<1x64xf32, #tpu.memory_space<hbm>>
      tpu.enqueue_dma source(%dma_start3A_276 : memref<1x64xf32, #tpu.memory_space<hbm>>) target(%dma_start3A_274 : memref<1x64xf32, #tpu.memory_space<vmem>>) target_semaphore(%arg19 : memref<!tpu.dma_semaphore, #tpu.memory_space<semaphore_mem>>)
      %slice3A_277 = vector.extract_strided_slice %get3A_139 {offsets = [10], sizes = [1], strides = [1]} : vector<16xi32> to vector<1xi32>
      %squeeze3A_278 = vector.extract %slice3A_277[0] : i32 from vector<1xi32>
      %mul3A_279 = arith.constant 16 : i32
      %mul3A_280 = arith.muli %scan3A_133, %mul3A_279 : i32
      %add3A_281 = arith.constant 10 : i32
      %add3A_282 = arith.addi %mul3A_280, %add3A_281 : i32
      %dma_start3A_283 = arith.constant 0 : i32
      %dma_start3A_284 = tpu.memref_slice %arg17[%add3A_282, %dma_start3A_283] : memref<256x64xf32, #tpu.memory_space<vmem>> -> memref<1x64xf32, #tpu.memory_space<vmem>>
      %dma_start3A_285 = arith.constant 0 : i32
      %dma_start3A_286 = tpu.memref_slice %arg2[%squeeze3A_278, %dma_start3A_285] : memref<1000000x64xf32, #tpu.memory_space<hbm>> -> memref<1x64xf32, #tpu.memory_space<hbm>>
      %dma_start3A_287 = arith.constant 0 : i32
      %dma_start3A_288 = tpu.memref_slice %arg17[%add3A_282, %dma_start3A_287] : memref<256x64xf32, #tpu.memory_space<vmem>> -> memref<1x64xf32, #tpu.memory_space<vmem>>
      %dma_start3A_289 = arith.constant 0 : i32
      %dma_start3A_290 = tpu.memref_slice %arg2[%squeeze3A_278, %dma_start3A_289] : memref<1000000x64xf32, #tpu.memory_space<hbm>> -> memref<1x64xf32, #tpu.memory_space<hbm>>
      tpu.enqueue_dma source(%dma_start3A_290 : memref<1x64xf32, #tpu.memory_space<hbm>>) target(%dma_start3A_288 : memref<1x64xf32, #tpu.memory_space<vmem>>) target_semaphore(%arg19 : memref<!tpu.dma_semaphore, #tpu.memory_space<semaphore_mem>>)
      %slice3A_291 = vector.extract_strided_slice %get3A_139 {offsets = [11], sizes = [1], strides = [1]} : vector<16xi32> to vector<1xi32>
      %squeeze3A_292 = vector.extract %slice3A_291[0] : i32 from vector<1xi32>
      %mul3A_293 = arith.constant 16 : i32
      %mul3A_294 = arith.muli %scan3A_133, %mul3A_293 : i32
      %add3A_295 = arith.constant 11 : i32
      %add3A_296 = arith.addi %mul3A_294, %add3A_295 : i32
      %dma_start3A_297 = arith.constant 0 : i32
      %dma_start3A_298 = tpu.memref_slice %arg17[%add3A_296, %dma_start3A_297] : memref<256x64xf32, #tpu.memory_space<vmem>> -> memref<1x64xf32, #tpu.memory_space<vmem>>
      %dma_start3A_299 = arith.constant 0 : i32
      %dma_start3A_300 = tpu.memref_slice %arg2[%squeeze3A_292, %dma_start3A_299] : memref<1000000x64xf32, #tpu.memory_space<hbm>> -> memref<1x64xf32, #tpu.memory_space<hbm>>
      %dma_start3A_301 = arith.constant 0 : i32
      %dma_start3A_302 = tpu.memref_slice %arg17[%add3A_296, %dma_start3A_301] : memref<256x64xf32, #tpu.memory_space<vmem>> -> memref<1x64xf32, #tpu.memory_space<vmem>>
      %dma_start3A_303 = arith.constant 0 : i32
      %dma_start3A_304 = tpu.memref_slice %arg2[%squeeze3A_292, %dma_start3A_303] : memref<1000000x64xf32, #tpu.memory_space<hbm>> -> memref<1x64xf32, #tpu.memory_space<hbm>>
      tpu.enqueue_dma source(%dma_start3A_304 : memref<1x64xf32, #tpu.memory_space<hbm>>) target(%dma_start3A_302 : memref<1x64xf32, #tpu.memory_space<vmem>>) target_semaphore(%arg19 : memref<!tpu.dma_semaphore, #tpu.memory_space<semaphore_mem>>)
      %slice3A_305 = vector.extract_strided_slice %get3A_139 {offsets = [12], sizes = [1], strides = [1]} : vector<16xi32> to vector<1xi32>
      %squeeze3A_306 = vector.extract %slice3A_305[0] : i32 from vector<1xi32>
      %mul3A_307 = arith.constant 16 : i32
      %mul3A_308 = arith.muli %scan3A_133, %mul3A_307 : i32
      %add3A_309 = arith.constant 12 : i32
      %add3A_310 = arith.addi %mul3A_308, %add3A_309 : i32
      %dma_start3A_311 = arith.constant 0 : i32
      %dma_start3A_312 = tpu.memref_slice %arg17[%add3A_310, %dma_start3A_311] : memref<256x64xf32, #tpu.memory_space<vmem>> -> memref<1x64xf32, #tpu.memory_space<vmem>>
      %dma_start3A_313 = arith.constant 0 : i32
      %dma_start3A_314 = tpu.memref_slice %arg2[%squeeze3A_306, %dma_start3A_313] : memref<1000000x64xf32, #tpu.memory_space<hbm>> -> memref<1x64xf32, #tpu.memory_space<hbm>>
      %dma_start3A_315 = arith.constant 0 : i32
      %dma_start3A_316 = tpu.memref_slice %arg17[%add3A_310, %dma_start3A_315] : memref<256x64xf32, #tpu.memory_space<vmem>> -> memref<1x64xf32, #tpu.memory_space<vmem>>
      %dma_start3A_317 = arith.constant 0 : i32
      %dma_start3A_318 = tpu.memref_slice %arg2[%squeeze3A_306, %dma_start3A_317] : memref<1000000x64xf32, #tpu.memory_space<hbm>> -> memref<1x64xf32, #tpu.memory_space<hbm>>
      tpu.enqueue_dma source(%dma_start3A_318 : memref<1x64xf32, #tpu.memory_space<hbm>>) target(%dma_start3A_316 : memref<1x64xf32, #tpu.memory_space<vmem>>) target_semaphore(%arg19 : memref<!tpu.dma_semaphore, #tpu.memory_space<semaphore_mem>>)
      %slice3A_319 = vector.extract_strided_slice %get3A_139 {offsets = [13], sizes = [1], strides = [1]} : vector<16xi32> to vector<1xi32>
      %squeeze3A_320 = vector.extract %slice3A_319[0] : i32 from vector<1xi32>
      %mul3A_321 = arith.constant 16 : i32
      %mul3A_322 = arith.muli %scan3A_133, %mul3A_321 : i32
      %add3A_323 = arith.constant 13 : i32
      %add3A_324 = arith.addi %mul3A_322, %add3A_323 : i32
      %dma_start3A_325 = arith.constant 0 : i32
      %dma_start3A_326 = tpu.memref_slice %arg17[%add3A_324, %dma_start3A_325] : memref<256x64xf32, #tpu.memory_space<vmem>> -> memref<1x64xf32, #tpu.memory_space<vmem>>
      %dma_start3A_327 = arith.constant 0 : i32
      %dma_start3A_328 = tpu.memref_slice %arg2[%squeeze3A_320, %dma_start3A_327] : memref<1000000x64xf32, #tpu.memory_space<hbm>> -> memref<1x64xf32, #tpu.memory_space<hbm>>
      %dma_start3A_329 = arith.constant 0 : i32
      %dma_start3A_330 = tpu.memref_slice %arg17[%add3A_324, %dma_start3A_329] : memref<256x64xf32, #tpu.memory_space<vmem>> -> memref<1x64xf32, #tpu.memory_space<vmem>>
      %dma_start3A_331 = arith.constant 0 : i32
      %dma_start3A_332 = tpu.memref_slice %arg2[%squeeze3A_320, %dma_start3A_331] : memref<1000000x64xf32, #tpu.memory_space<hbm>> -> memref<1x64xf32, #tpu.memory_space<hbm>>
      tpu.enqueue_dma source(%dma_start3A_332 : memref<1x64xf32, #tpu.memory_space<hbm>>) target(%dma_start3A_330 : memref<1x64xf32, #tpu.memory_space<vmem>>) target_semaphore(%arg19 : memref<!tpu.dma_semaphore, #tpu.memory_space<semaphore_mem>>)
      %slice3A_333 = vector.extract_strided_slice %get3A_139 {offsets = [14], sizes = [1], strides = [1]} : vector<16xi32> to vector<1xi32>
      %squeeze3A_334 = vector.extract %slice3A_333[0] : i32 from vector<1xi32>
      %mul3A_335 = arith.constant 16 : i32
      %mul3A_336 = arith.muli %scan3A_133, %mul3A_335 : i32
      %add3A_337 = arith.constant 14 : i32
      %add3A_338 = arith.addi %mul3A_336, %add3A_337 : i32
      %dma_start3A_339 = arith.constant 0 : i32
      %dma_start3A_340 = tpu.memref_slice %arg17[%add3A_338, %dma_start3A_339] : memref<256x64xf32, #tpu.memory_space<vmem>> -> memref<1x64xf32, #tpu.memory_space<vmem>>
      %dma_start3A_341 = arith.constant 0 : i32
      %dma_start3A_342 = tpu.memref_slice %arg2[%squeeze3A_334, %dma_start3A_341] : memref<1000000x64xf32, #tpu.memory_space<hbm>> -> memref<1x64xf32, #tpu.memory_space<hbm>>
      %dma_start3A_343 = arith.constant 0 : i32
      %dma_start3A_344 = tpu.memref_slice %arg17[%add3A_338, %dma_start3A_343] : memref<256x64xf32, #tpu.memory_space<vmem>> -> memref<1x64xf32, #tpu.memory_space<vmem>>
      %dma_start3A_345 = arith.constant 0 : i32
      %dma_start3A_346 = tpu.memref_slice %arg2[%squeeze3A_334, %dma_start3A_345] : memref<1000000x64xf32, #tpu.memory_space<hbm>> -> memref<1x64xf32, #tpu.memory_space<hbm>>
      tpu.enqueue_dma source(%dma_start3A_346 : memref<1x64xf32, #tpu.memory_space<hbm>>) target(%dma_start3A_344 : memref<1x64xf32, #tpu.memory_space<vmem>>) target_semaphore(%arg19 : memref<!tpu.dma_semaphore, #tpu.memory_space<semaphore_mem>>)
      %slice3A_347 = vector.extract_strided_slice %get3A_139 {offsets = [15], sizes = [1], strides = [1]} : vector<16xi32> to vector<1xi32>
      %squeeze3A_348 = vector.extract %slice3A_347[0] : i32 from vector<1xi32>
      %mul3A_349 = arith.constant 16 : i32
      %mul3A_350 = arith.muli %scan3A_133, %mul3A_349 : i32
      %add3A_351 = arith.constant 15 : i32
      %add3A_352 = arith.addi %mul3A_350, %add3A_351 : i32
      %dma_start3A_353 = arith.constant 0 : i32
      %dma_start3A_354 = tpu.memref_slice %arg17[%add3A_352, %dma_start3A_353] : memref<256x64xf32, #tpu.memory_space<vmem>> -> memref<1x64xf32, #tpu.memory_space<vmem>>
      %dma_start3A_355 = arith.constant 0 : i32
      %dma_start3A_356 = tpu.memref_slice %arg2[%squeeze3A_348, %dma_start3A_355] : memref<1000000x64xf32, #tpu.memory_space<hbm>> -> memref<1x64xf32, #tpu.memory_space<hbm>>
      %dma_start3A_357 = arith.constant 0 : i32
      %dma_start3A_358 = tpu.memref_slice %arg17[%add3A_352, %dma_start3A_357] : memref<256x64xf32, #tpu.memory_space<vmem>> -> memref<1x64xf32, #tpu.memory_space<vmem>>
      %dma_start3A_359 = arith.constant 0 : i32
      %dma_start3A_360 = tpu.memref_slice %arg2[%squeeze3A_348, %dma_start3A_359] : memref<1000000x64xf32, #tpu.memory_space<hbm>> -> memref<1x64xf32, #tpu.memory_space<hbm>>
      tpu.enqueue_dma source(%dma_start3A_360 : memref<1x64xf32, #tpu.memory_space<hbm>>) target(%dma_start3A_358 : memref<1x64xf32, #tpu.memory_space<vmem>>) target_semaphore(%arg19 : memref<!tpu.dma_semaphore, #tpu.memory_space<semaphore_mem>>)
    }
    %scan3A_21 = arith.constant 16 : i32
    %add3A_22 = arith.constant 256 : i32
    %add3A_23 = arith.addi %mul3A_2, %add3A_22 : i32
    %dma_wait3A_24 = arith.constant 0 : i32
    %dma_wait3A_25 = tpu.memref_slice %arg10[%add3A_23, %dma_wait3A_24] : memref<16384x64xf32, #tpu.memory_space<hbm>> -> memref<256x64xf32, #tpu.memory_space<hbm>>
    %dma_wait3A_26 = arith.constant 0 : i32
    %dma_wait3A_27 = tpu.memref_slice %arg10[%add3A_23, %dma_wait3A_26] : memref<16384x64xf32, #tpu.memory_space<hbm>> -> memref<256x64xf32, #tpu.memory_space<hbm>>
    tpu.wait_dma2 semaphore(%arg20 : memref<!tpu.dma_semaphore, #tpu.memory_space<semaphore_mem>>) src(%dma_wait3A_27 : memref<256x64xf32, #tpu.memory_space<hbm>>) dst(%arg18 : memref<256x64xf32, #tpu.memory_space<vmem>>)
    "tpu.region"() ({
      %run_scoped3A = tpu.sem_alloc : memref<!tpu.dma_semaphore, #tpu.memory_space<semaphore_mem>>
      %dma_start3A = arith.constant 0 : i32
      %dma_start3A_133 = tpu.memref_slice %arg10[%add3A_23, %dma_start3A] : memref<16384x64xf32, #tpu.memory_space<hbm>> -> memref<256x64xf32, #tpu.memory_space<hbm>>
      %dma_start3A_134 = arith.constant 0 : i32
      %dma_start3A_135 = tpu.memref_slice %arg10[%add3A_23, %dma_start3A_134] : memref<16384x64xf32, #tpu.memory_space<hbm>> -> memref<256x64xf32, #tpu.memory_space<hbm>>
      tpu.enqueue_dma source(%arg18 : memref<256x64xf32, #tpu.memory_space<vmem>>) target(%dma_start3A_135 : memref<256x64xf32, #tpu.memory_space<hbm>>) target_semaphore(%run_scoped3A : memref<!tpu.dma_semaphore, #tpu.memory_space<semaphore_mem>>)
      %dma_wait3A_136 = arith.constant 0 : i32
      %dma_wait3A_137 = tpu.memref_slice %arg10[%add3A_23, %dma_wait3A_136] : memref<16384x64xf32, #tpu.memory_space<hbm>> -> memref<256x64xf32, #tpu.memory_space<hbm>>
      %dma_wait3A_138 = arith.constant 0 : i32
      %dma_wait3A_139 = tpu.memref_slice %arg10[%add3A_23, %dma_wait3A_138] : memref<16384x64xf32, #tpu.memory_space<hbm>> -> memref<256x64xf32, #tpu.memory_space<hbm>>
      tpu.wait_dma2 semaphore(%run_scoped3A : memref<!tpu.dma_semaphore, #tpu.memory_space<semaphore_mem>>) src(%arg18 : memref<256x64xf32, #tpu.memory_space<vmem>>) dst(%dma_wait3A_139 : memref<256x64xf32, #tpu.memory_space<hbm>>)
      tpu.yield
    }) : () -> ()
    %scan3A_28 = arith.constant 0 : i32
    %scan3A_29 = arith.constant 16 : i32
    %scan3A_30 = arith.addi %scan3A_28, %scan3A_29 : i32
    %scan3A_31 = arith.constant 1 : i32
    scf.for %scan3A_133 = %scan3A_28 to %scan3A_30 step %scan3A_31  : i32 {
      %mul3A_134 = arith.constant 16 : i32
      %mul3A_135 = arith.muli %scan3A_133, %mul3A_134 : i32
      %add3A_136 = arith.constant 256 : i32
      %add3A_137 = arith.addi %add3A_136, %mul3A_135 : i32
      %get3A = arith.index_cast %add3A_137 : i32 to index
      %get3A_138 = tpu.vector_load %arg16[%get3A] {strides = array<i32>} : memref<512xi32, #tpu.memory_space<vmem>>, vector<16xi32>,
      %get3A_139 = vector.shape_cast %get3A_138 : vector<16xi32> to vector<16xi32>
      %slice3A = vector.extract_strided_slice %get3A_139 {offsets = [0], sizes = [1], strides = [1]} : vector<16xi32> to vector<1xi32>
      %squeeze3A = vector.extract %slice3A[0] : i32 from vector<1xi32>
      %mul3A_140 = arith.constant 16 : i32
      %mul3A_141 = arith.muli %scan3A_133, %mul3A_140 : i32
      %add3A_142 = arith.constant 0 : i32
      %add3A_143 = arith.addi %mul3A_141, %add3A_142 : i32
      %dma_start3A = arith.constant 0 : i32
      %dma_start3A_144 = tpu.memref_slice %arg18[%add3A_143, %dma_start3A] : memref<256x64xf32, #tpu.memory_space<vmem>> -> memref<1x64xf32, #tpu.memory_space<vmem>>
      %dma_start3A_145 = arith.constant 0 : i32
      %dma_start3A_146 = tpu.memref_slice %arg2[%squeeze3A, %dma_start3A_145] : memref<1000000x64xf32, #tpu.memory_space<hbm>> -> memref<1x64xf32, #tpu.memory_space<hbm>>
      %dma_start3A_147 = arith.constant 0 : i32
      %dma_start3A_148 = tpu.memref_slice %arg18[%add3A_143, %dma_start3A_147] : memref<256x64xf32, #tpu.memory_space<vmem>> -> memref<1x64xf32, #tpu.memory_space<vmem>>
      %dma_start3A_149 = arith.constant 0 : i32
      %dma_start3A_150 = tpu.memref_slice %arg2[%squeeze3A, %dma_start3A_149] : memref<1000000x64xf32, #tpu.memory_space<hbm>> -> memref<1x64xf32, #tpu.memory_space<hbm>>
      tpu.enqueue_dma source(%dma_start3A_150 : memref<1x64xf32, #tpu.memory_space<hbm>>) target(%dma_start3A_148 : memref<1x64xf32, #tpu.memory_space<vmem>>) target_semaphore(%arg20 : memref<!tpu.dma_semaphore, #tpu.memory_space<semaphore_mem>>)
      %slice3A_151 = vector.extract_strided_slice %get3A_139 {offsets = [1], sizes = [1], strides = [1]} : vector<16xi32> to vector<1xi32>
      %squeeze3A_152 = vector.extract %slice3A_151[0] : i32 from vector<1xi32>
      %mul3A_153 = arith.constant 16 : i32
      %mul3A_154 = arith.muli %scan3A_133, %mul3A_153 : i32
      %add3A_155 = arith.constant 1 : i32
      %add3A_156 = arith.addi %mul3A_154, %add3A_155 : i32
      %dma_start3A_157 = arith.constant 0 : i32
      %dma_start3A_158 = tpu.memref_slice %arg18[%add3A_156, %dma_start3A_157] : memref<256x64xf32, #tpu.memory_space<vmem>> -> memref<1x64xf32, #tpu.memory_space<vmem>>
      %dma_start3A_159 = arith.constant 0 : i32
      %dma_start3A_160 = tpu.memref_slice %arg2[%squeeze3A_152, %dma_start3A_159] : memref<1000000x64xf32, #tpu.memory_space<hbm>> -> memref<1x64xf32, #tpu.memory_space<hbm>>
      %dma_start3A_161 = arith.constant 0 : i32
      %dma_start3A_162 = tpu.memref_slice %arg18[%add3A_156, %dma_start3A_161] : memref<256x64xf32, #tpu.memory_space<vmem>> -> memref<1x64xf32, #tpu.memory_space<vmem>>
      %dma_start3A_163 = arith.constant 0 : i32
      %dma_start3A_164 = tpu.memref_slice %arg2[%squeeze3A_152, %dma_start3A_163] : memref<1000000x64xf32, #tpu.memory_space<hbm>> -> memref<1x64xf32, #tpu.memory_space<hbm>>
      tpu.enqueue_dma source(%dma_start3A_164 : memref<1x64xf32, #tpu.memory_space<hbm>>) target(%dma_start3A_162 : memref<1x64xf32, #tpu.memory_space<vmem>>) target_semaphore(%arg20 : memref<!tpu.dma_semaphore, #tpu.memory_space<semaphore_mem>>)
      %slice3A_165 = vector.extract_strided_slice %get3A_139 {offsets = [2], sizes = [1], strides = [1]} : vector<16xi32> to vector<1xi32>
      %squeeze3A_166 = vector.extract %slice3A_165[0] : i32 from vector<1xi32>
      %mul3A_167 = arith.constant 16 : i32
      %mul3A_168 = arith.muli %scan3A_133, %mul3A_167 : i32
      %add3A_169 = arith.constant 2 : i32
      %add3A_170 = arith.addi %mul3A_168, %add3A_169 : i32
      %dma_start3A_171 = arith.constant 0 : i32
      %dma_start3A_172 = tpu.memref_slice %arg18[%add3A_170, %dma_start3A_171] : memref<256x64xf32, #tpu.memory_space<vmem>> -> memref<1x64xf32, #tpu.memory_space<vmem>>
      %dma_start3A_173 = arith.constant 0 : i32
      %dma_start3A_174 = tpu.memref_slice %arg2[%squeeze3A_166, %dma_start3A_173] : memref<1000000x64xf32, #tpu.memory_space<hbm>> -> memref<1x64xf32, #tpu.memory_space<hbm>>
      %dma_start3A_175 = arith.constant 0 : i32
      %dma_start3A_176 = tpu.memref_slice %arg18[%add3A_170, %dma_start3A_175] : memref<256x64xf32, #tpu.memory_space<vmem>> -> memref<1x64xf32, #tpu.memory_space<vmem>>
      %dma_start3A_177 = arith.constant 0 : i32
      %dma_start3A_178 = tpu.memref_slice %arg2[%squeeze3A_166, %dma_start3A_177] : memref<1000000x64xf32, #tpu.memory_space<hbm>> -> memref<1x64xf32, #tpu.memory_space<hbm>>
      tpu.enqueue_dma source(%dma_start3A_178 : memref<1x64xf32, #tpu.memory_space<hbm>>) target(%dma_start3A_176 : memref<1x64xf32, #tpu.memory_space<vmem>>) target_semaphore(%arg20 : memref<!tpu.dma_semaphore, #tpu.memory_space<semaphore_mem>>)
      %slice3A_179 = vector.extract_strided_slice %get3A_139 {offsets = [3], sizes = [1], strides = [1]} : vector<16xi32> to vector<1xi32>
      %squeeze3A_180 = vector.extract %slice3A_179[0] : i32 from vector<1xi32>
      %mul3A_181 = arith.constant 16 : i32
      %mul3A_182 = arith.muli %scan3A_133, %mul3A_181 : i32
      %add3A_183 = arith.constant 3 : i32
      %add3A_184 = arith.addi %mul3A_182, %add3A_183 : i32
      %dma_start3A_185 = arith.constant 0 : i32
      %dma_start3A_186 = tpu.memref_slice %arg18[%add3A_184, %dma_start3A_185] : memref<256x64xf32, #tpu.memory_space<vmem>> -> memref<1x64xf32, #tpu.memory_space<vmem>>
      %dma_start3A_187 = arith.constant 0 : i32
      %dma_start3A_188 = tpu.memref_slice %arg2[%squeeze3A_180, %dma_start3A_187] : memref<1000000x64xf32, #tpu.memory_space<hbm>> -> memref<1x64xf32, #tpu.memory_space<hbm>>
      %dma_start3A_189 = arith.constant 0 : i32
      %dma_start3A_190 = tpu.memref_slice %arg18[%add3A_184, %dma_start3A_189] : memref<256x64xf32, #tpu.memory_space<vmem>> -> memref<1x64xf32, #tpu.memory_space<vmem>>
      %dma_start3A_191 = arith.constant 0 : i32
      %dma_start3A_192 = tpu.memref_slice %arg2[%squeeze3A_180, %dma_start3A_191] : memref<1000000x64xf32, #tpu.memory_space<hbm>> -> memref<1x64xf32, #tpu.memory_space<hbm>>
      tpu.enqueue_dma source(%dma_start3A_192 : memref<1x64xf32, #tpu.memory_space<hbm>>) target(%dma_start3A_190 : memref<1x64xf32, #tpu.memory_space<vmem>>) target_semaphore(%arg20 : memref<!tpu.dma_semaphore, #tpu.memory_space<semaphore_mem>>)
      %slice3A_193 = vector.extract_strided_slice %get3A_139 {offsets = [4], sizes = [1], strides = [1]} : vector<16xi32> to vector<1xi32>
      %squeeze3A_194 = vector.extract %slice3A_193[0] : i32 from vector<1xi32>
      %mul3A_195 = arith.constant 16 : i32
      %mul3A_196 = arith.muli %scan3A_133, %mul3A_195 : i32
      %add3A_197 = arith.constant 4 : i32
      %add3A_198 = arith.addi %mul3A_196, %add3A_197 : i32
      %dma_start3A_199 = arith.constant 0 : i32
      %dma_start3A_200 = tpu.memref_slice %arg18[%add3A_198, %dma_start3A_199] : memref<256x64xf32, #tpu.memory_space<vmem>> -> memref<1x64xf32, #tpu.memory_space<vmem>>
      %dma_start3A_201 = arith.constant 0 : i32
      %dma_start3A_202 = tpu.memref_slice %arg2[%squeeze3A_194, %dma_start3A_201] : memref<1000000x64xf32, #tpu.memory_space<hbm>> -> memref<1x64xf32, #tpu.memory_space<hbm>>
      %dma_start3A_203 = arith.constant 0 : i32
      %dma_start3A_204 = tpu.memref_slice %arg18[%add3A_198, %dma_start3A_203] : memref<256x64xf32, #tpu.memory_space<vmem>> -> memref<1x64xf32, #tpu.memory_space<vmem>>
      %dma_start3A_205 = arith.constant 0 : i32
      %dma_start3A_206 = tpu.memref_slice %arg2[%squeeze3A_194, %dma_start3A_205] : memref<1000000x64xf32, #tpu.memory_space<hbm>> -> memref<1x64xf32, #tpu.memory_space<hbm>>
      tpu.enqueue_dma source(%dma_start3A_206 : memref<1x64xf32, #tpu.memory_space<hbm>>) target(%dma_start3A_204 : memref<1x64xf32, #tpu.memory_space<vmem>>) target_semaphore(%arg20 : memref<!tpu.dma_semaphore, #tpu.memory_space<semaphore_mem>>)
      %slice3A_207 = vector.extract_strided_slice %get3A_139 {offsets = [5], sizes = [1], strides = [1]} : vector<16xi32> to vector<1xi32>
      %squeeze3A_208 = vector.extract %slice3A_207[0] : i32 from vector<1xi32>
      %mul3A_209 = arith.constant 16 : i32
      %mul3A_210 = arith.muli %scan3A_133, %mul3A_209 : i32
      %add3A_211 = arith.constant 5 : i32
      %add3A_212 = arith.addi %mul3A_210, %add3A_211 : i32
      %dma_start3A_213 = arith.constant 0 : i32
      %dma_start3A_214 = tpu.memref_slice %arg18[%add3A_212, %dma_start3A_213] : memref<256x64xf32, #tpu.memory_space<vmem>> -> memref<1x64xf32, #tpu.memory_space<vmem>>
      %dma_start3A_215 = arith.constant 0 : i32
      %dma_start3A_216 = tpu.memref_slice %arg2[%squeeze3A_208, %dma_start3A_215] : memref<1000000x64xf32, #tpu.memory_space<hbm>> -> memref<1x64xf32, #tpu.memory_space<hbm>>
      %dma_start3A_217 = arith.constant 0 : i32
      %dma_start3A_218 = tpu.memref_slice %arg18[%add3A_212, %dma_start3A_217] : memref<256x64xf32, #tpu.memory_space<vmem>> -> memref<1x64xf32, #tpu.memory_space<vmem>>
      %dma_start3A_219 = arith.constant 0 : i32
      %dma_start3A_220 = tpu.memref_slice %arg2[%squeeze3A_208, %dma_start3A_219] : memref<1000000x64xf32, #tpu.memory_space<hbm>> -> memref<1x64xf32, #tpu.memory_space<hbm>>
      tpu.enqueue_dma source(%dma_start3A_220 : memref<1x64xf32, #tpu.memory_space<hbm>>) target(%dma_start3A_218 : memref<1x64xf32, #tpu.memory_space<vmem>>) target_semaphore(%arg20 : memref<!tpu.dma_semaphore, #tpu.memory_space<semaphore_mem>>)
      %slice3A_221 = vector.extract_strided_slice %get3A_139 {offsets = [6], sizes = [1], strides = [1]} : vector<16xi32> to vector<1xi32>
      %squeeze3A_222 = vector.extract %slice3A_221[0] : i32 from vector<1xi32>
      %mul3A_223 = arith.constant 16 : i32
      %mul3A_224 = arith.muli %scan3A_133, %mul3A_223 : i32
      %add3A_225 = arith.constant 6 : i32
      %add3A_226 = arith.addi %mul3A_224, %add3A_225 : i32
      %dma_start3A_227 = arith.constant 0 : i32
      %dma_start3A_228 = tpu.memref_slice %arg18[%add3A_226, %dma_start3A_227] : memref<256x64xf32, #tpu.memory_space<vmem>> -> memref<1x64xf32, #tpu.memory_space<vmem>>
      %dma_start3A_229 = arith.constant 0 : i32
      %dma_start3A_230 = tpu.memref_slice %arg2[%squeeze3A_222, %dma_start3A_229] : memref<1000000x64xf32, #tpu.memory_space<hbm>> -> memref<1x64xf32, #tpu.memory_space<hbm>>
      %dma_start3A_231 = arith.constant 0 : i32
      %dma_start3A_232 = tpu.memref_slice %arg18[%add3A_226, %dma_start3A_231] : memref<256x64xf32, #tpu.memory_space<vmem>> -> memref<1x64xf32, #tpu.memory_space<vmem>>
      %dma_start3A_233 = arith.constant 0 : i32
      %dma_start3A_234 = tpu.memref_slice %arg2[%squeeze3A_222, %dma_start3A_233] : memref<1000000x64xf32, #tpu.memory_space<hbm>> -> memref<1x64xf32, #tpu.memory_space<hbm>>
      tpu.enqueue_dma source(%dma_start3A_234 : memref<1x64xf32, #tpu.memory_space<hbm>>) target(%dma_start3A_232 : memref<1x64xf32, #tpu.memory_space<vmem>>) target_semaphore(%arg20 : memref<!tpu.dma_semaphore, #tpu.memory_space<semaphore_mem>>)
      %slice3A_235 = vector.extract_strided_slice %get3A_139 {offsets = [7], sizes = [1], strides = [1]} : vector<16xi32> to vector<1xi32>
      %squeeze3A_236 = vector.extract %slice3A_235[0] : i32 from vector<1xi32>
      %mul3A_237 = arith.constant 16 : i32
      %mul3A_238 = arith.muli %scan3A_133, %mul3A_237 : i32
      %add3A_239 = arith.constant 7 : i32
      %add3A_240 = arith.addi %mul3A_238, %add3A_239 : i32
      %dma_start3A_241 = arith.constant 0 : i32
      %dma_start3A_242 = tpu.memref_slice %arg18[%add3A_240, %dma_start3A_241] : memref<256x64xf32, #tpu.memory_space<vmem>> -> memref<1x64xf32, #tpu.memory_space<vmem>>
      %dma_start3A_243 = arith.constant 0 : i32
      %dma_start3A_244 = tpu.memref_slice %arg2[%squeeze3A_236, %dma_start3A_243] : memref<1000000x64xf32, #tpu.memory_space<hbm>> -> memref<1x64xf32, #tpu.memory_space<hbm>>
      %dma_start3A_245 = arith.constant 0 : i32
      %dma_start3A_246 = tpu.memref_slice %arg18[%add3A_240, %dma_start3A_245] : memref<256x64xf32, #tpu.memory_space<vmem>> -> memref<1x64xf32, #tpu.memory_space<vmem>>
      %dma_start3A_247 = arith.constant 0 : i32
      %dma_start3A_248 = tpu.memref_slice %arg2[%squeeze3A_236, %dma_start3A_247] : memref<1000000x64xf32, #tpu.memory_space<hbm>> -> memref<1x64xf32, #tpu.memory_space<hbm>>
      tpu.enqueue_dma source(%dma_start3A_248 : memref<1x64xf32, #tpu.memory_space<hbm>>) target(%dma_start3A_246 : memref<1x64xf32, #tpu.memory_space<vmem>>) target_semaphore(%arg20 : memref<!tpu.dma_semaphore, #tpu.memory_space<semaphore_mem>>)
      %slice3A_249 = vector.extract_strided_slice %get3A_139 {offsets = [8], sizes = [1], strides = [1]} : vector<16xi32> to vector<1xi32>
      %squeeze3A_250 = vector.extract %slice3A_249[0] : i32 from vector<1xi32>
      %mul3A_251 = arith.constant 16 : i32
      %mul3A_252 = arith.muli %scan3A_133, %mul3A_251 : i32
      %add3A_253 = arith.constant 8 : i32
      %add3A_254 = arith.addi %mul3A_252, %add3A_253 : i32
      %dma_start3A_255 = arith.constant 0 : i32
      %dma_start3A_256 = tpu.memref_slice %arg18[%add3A_254, %dma_start3A_255] : memref<256x64xf32, #tpu.memory_space<vmem>> -> memref<1x64xf32, #tpu.memory_space<vmem>>
      %dma_start3A_257 = arith.constant 0 : i32
      %dma_start3A_258 = tpu.memref_slice %arg2[%squeeze3A_250, %dma_start3A_257] : memref<1000000x64xf32, #tpu.memory_space<hbm>> -> memref<1x64xf32, #tpu.memory_space<hbm>>
      %dma_start3A_259 = arith.constant 0 : i32
      %dma_start3A_260 = tpu.memref_slice %arg18[%add3A_254, %dma_start3A_259] : memref<256x64xf32, #tpu.memory_space<vmem>> -> memref<1x64xf32, #tpu.memory_space<vmem>>
      %dma_start3A_261 = arith.constant 0 : i32
      %dma_start3A_262 = tpu.memref_slice %arg2[%squeeze3A_250, %dma_start3A_261] : memref<1000000x64xf32, #tpu.memory_space<hbm>> -> memref<1x64xf32, #tpu.memory_space<hbm>>
      tpu.enqueue_dma source(%dma_start3A_262 : memref<1x64xf32, #tpu.memory_space<hbm>>) target(%dma_start3A_260 : memref<1x64xf32, #tpu.memory_space<vmem>>) target_semaphore(%arg20 : memref<!tpu.dma_semaphore, #tpu.memory_space<semaphore_mem>>)
      %slice3A_263 = vector.extract_strided_slice %get3A_139 {offsets = [9], sizes = [1], strides = [1]} : vector<16xi32> to vector<1xi32>
      %squeeze3A_264 = vector.extract %slice3A_263[0] : i32 from vector<1xi32>
      %mul3A_265 = arith.constant 16 : i32
      %mul3A_266 = arith.muli %scan3A_133, %mul3A_265 : i32
      %add3A_267 = arith.constant 9 : i32
      %add3A_268 = arith.addi %mul3A_266, %add3A_267 : i32
      %dma_start3A_269 = arith.constant 0 : i32
      %dma_start3A_270 = tpu.memref_slice %arg18[%add3A_268, %dma_start3A_269] : memref<256x64xf32, #tpu.memory_space<vmem>> -> memref<1x64xf32, #tpu.memory_space<vmem>>
      %dma_start3A_271 = arith.constant 0 : i32
      %dma_start3A_272 = tpu.memref_slice %arg2[%squeeze3A_264, %dma_start3A_271] : memref<1000000x64xf32, #tpu.memory_space<hbm>> -> memref<1x64xf32, #tpu.memory_space<hbm>>
      %dma_start3A_273 = arith.constant 0 : i32
      %dma_start3A_274 = tpu.memref_slice %arg18[%add3A_268, %dma_start3A_273] : memref<256x64xf32, #tpu.memory_space<vmem>> -> memref<1x64xf32, #tpu.memory_space<vmem>>
      %dma_start3A_275 = arith.constant 0 : i32
      %dma_start3A_276 = tpu.memref_slice %arg2[%squeeze3A_264, %dma_start3A_275] : memref<1000000x64xf32, #tpu.memory_space<hbm>> -> memref<1x64xf32, #tpu.memory_space<hbm>>
      tpu.enqueue_dma source(%dma_start3A_276 : memref<1x64xf32, #tpu.memory_space<hbm>>) target(%dma_start3A_274 : memref<1x64xf32, #tpu.memory_space<vmem>>) target_semaphore(%arg20 : memref<!tpu.dma_semaphore, #tpu.memory_space<semaphore_mem>>)
      %slice3A_277 = vector.extract_strided_slice %get3A_139 {offsets = [10], sizes = [1], strides = [1]} : vector<16xi32> to vector<1xi32>
      %squeeze3A_278 = vector.extract %slice3A_277[0] : i32 from vector<1xi32>
      %mul3A_279 = arith.constant 16 : i32
      %mul3A_280 = arith.muli %scan3A_133, %mul3A_279 : i32
      %add3A_281 = arith.constant 10 : i32
      %add3A_282 = arith.addi %mul3A_280, %add3A_281 : i32
      %dma_start3A_283 = arith.constant 0 : i32
      %dma_start3A_284 = tpu.memref_slice %arg18[%add3A_282, %dma_start3A_283] : memref<256x64xf32, #tpu.memory_space<vmem>> -> memref<1x64xf32, #tpu.memory_space<vmem>>
      %dma_start3A_285 = arith.constant 0 : i32
      %dma_start3A_286 = tpu.memref_slice %arg2[%squeeze3A_278, %dma_start3A_285] : memref<1000000x64xf32, #tpu.memory_space<hbm>> -> memref<1x64xf32, #tpu.memory_space<hbm>>
      %dma_start3A_287 = arith.constant 0 : i32
      %dma_start3A_288 = tpu.memref_slice %arg18[%add3A_282, %dma_start3A_287] : memref<256x64xf32, #tpu.memory_space<vmem>> -> memref<1x64xf32, #tpu.memory_space<vmem>>
      %dma_start3A_289 = arith.constant 0 : i32
      %dma_start3A_290 = tpu.memref_slice %arg2[%squeeze3A_278, %dma_start3A_289] : memref<1000000x64xf32, #tpu.memory_space<hbm>> -> memref<1x64xf32, #tpu.memory_space<hbm>>
      tpu.enqueue_dma source(%dma_start3A_290 : memref<1x64xf32, #tpu.memory_space<hbm>>) target(%dma_start3A_288 : memref<1x64xf32, #tpu.memory_space<vmem>>) target_semaphore(%arg20 : memref<!tpu.dma_semaphore, #tpu.memory_space<semaphore_mem>>)
      %slice3A_291 = vector.extract_strided_slice %get3A_139 {offsets = [11], sizes = [1], strides = [1]} : vector<16xi32> to vector<1xi32>
      %squeeze3A_292 = vector.extract %slice3A_291[0] : i32 from vector<1xi32>
      %mul3A_293 = arith.constant 16 : i32
      %mul3A_294 = arith.muli %scan3A_133, %mul3A_293 : i32
      %add3A_295 = arith.constant 11 : i32
      %add3A_296 = arith.addi %mul3A_294, %add3A_295 : i32
      %dma_start3A_297 = arith.constant 0 : i32
      %dma_start3A_298 = tpu.memref_slice %arg18[%add3A_296, %dma_start3A_297] : memref<256x64xf32, #tpu.memory_space<vmem>> -> memref<1x64xf32, #tpu.memory_space<vmem>>
      %dma_start3A_299 = arith.constant 0 : i32
      %dma_start3A_300 = tpu.memref_slice %arg2[%squeeze3A_292, %dma_start3A_299] : memref<1000000x64xf32, #tpu.memory_space<hbm>> -> memref<1x64xf32, #tpu.memory_space<hbm>>
      %dma_start3A_301 = arith.constant 0 : i32
      %dma_start3A_302 = tpu.memref_slice %arg18[%add3A_296, %dma_start3A_301] : memref<256x64xf32, #tpu.memory_space<vmem>> -> memref<1x64xf32, #tpu.memory_space<vmem>>
      %dma_start3A_303 = arith.constant 0 : i32
      %dma_start3A_304 = tpu.memref_slice %arg2[%squeeze3A_292, %dma_start3A_303] : memref<1000000x64xf32, #tpu.memory_space<hbm>> -> memref<1x64xf32, #tpu.memory_space<hbm>>
      tpu.enqueue_dma source(%dma_start3A_304 : memref<1x64xf32, #tpu.memory_space<hbm>>) target(%dma_start3A_302 : memref<1x64xf32, #tpu.memory_space<vmem>>) target_semaphore(%arg20 : memref<!tpu.dma_semaphore, #tpu.memory_space<semaphore_mem>>)
      %slice3A_305 = vector.extract_strided_slice %get3A_139 {offsets = [12], sizes = [1], strides = [1]} : vector<16xi32> to vector<1xi32>
      %squeeze3A_306 = vector.extract %slice3A_305[0] : i32 from vector<1xi32>
      %mul3A_307 = arith.constant 16 : i32
      %mul3A_308 = arith.muli %scan3A_133, %mul3A_307 : i32
      %add3A_309 = arith.constant 12 : i32
      %add3A_310 = arith.addi %mul3A_308, %add3A_309 : i32
      %dma_start3A_311 = arith.constant 0 : i32
      %dma_start3A_312 = tpu.memref_slice %arg18[%add3A_310, %dma_start3A_311] : memref<256x64xf32, #tpu.memory_space<vmem>> -> memref<1x64xf32, #tpu.memory_space<vmem>>
      %dma_start3A_313 = arith.constant 0 : i32
      %dma_start3A_314 = tpu.memref_slice %arg2[%squeeze3A_306, %dma_start3A_313] : memref<1000000x64xf32, #tpu.memory_space<hbm>> -> memref<1x64xf32, #tpu.memory_space<hbm>>
      %dma_start3A_315 = arith.constant 0 : i32
      %dma_start3A_316 = tpu.memref_slice %arg18[%add3A_310, %dma_start3A_315] : memref<256x64xf32, #tpu.memory_space<vmem>> -> memref<1x64xf32, #tpu.memory_space<vmem>>
      %dma_start3A_317 = arith.constant 0 : i32
      %dma_start3A_318 = tpu.memref_slice %arg2[%squeeze3A_306, %dma_start3A_317] : memref<1000000x64xf32, #tpu.memory_space<hbm>> -> memref<1x64xf32, #tpu.memory_space<hbm>>
      tpu.enqueue_dma source(%dma_start3A_318 : memref<1x64xf32, #tpu.memory_space<hbm>>) target(%dma_start3A_316 : memref<1x64xf32, #tpu.memory_space<vmem>>) target_semaphore(%arg20 : memref<!tpu.dma_semaphore, #tpu.memory_space<semaphore_mem>>)
      %slice3A_319 = vector.extract_strided_slice %get3A_139 {offsets = [13], sizes = [1], strides = [1]} : vector<16xi32> to vector<1xi32>
      %squeeze3A_320 = vector.extract %slice3A_319[0] : i32 from vector<1xi32>
      %mul3A_321 = arith.constant 16 : i32
      %mul3A_322 = arith.muli %scan3A_133, %mul3A_321 : i32
      %add3A_323 = arith.constant 13 : i32
      %add3A_324 = arith.addi %mul3A_322, %add3A_323 : i32
      %dma_start3A_325 = arith.constant 0 : i32
      %dma_start3A_326 = tpu.memref_slice %arg18[%add3A_324, %dma_start3A_325] : memref<256x64xf32, #tpu.memory_space<vmem>> -> memref<1x64xf32, #tpu.memory_space<vmem>>
      %dma_start3A_327 = arith.constant 0 : i32
      %dma_start3A_328 = tpu.memref_slice %arg2[%squeeze3A_320, %dma_start3A_327] : memref<1000000x64xf32, #tpu.memory_space<hbm>> -> memref<1x64xf32, #tpu.memory_space<hbm>>
      %dma_start3A_329 = arith.constant 0 : i32
      %dma_start3A_330 = tpu.memref_slice %arg18[%add3A_324, %dma_start3A_329] : memref<256x64xf32, #tpu.memory_space<vmem>> -> memref<1x64xf32, #tpu.memory_space<vmem>>
      %dma_start3A_331 = arith.constant 0 : i32
      %dma_start3A_332 = tpu.memref_slice %arg2[%squeeze3A_320, %dma_start3A_331] : memref<1000000x64xf32, #tpu.memory_space<hbm>> -> memref<1x64xf32, #tpu.memory_space<hbm>>
      tpu.enqueue_dma source(%dma_start3A_332 : memref<1x64xf32, #tpu.memory_space<hbm>>) target(%dma_start3A_330 : memref<1x64xf32, #tpu.memory_space<vmem>>) target_semaphore(%arg20 : memref<!tpu.dma_semaphore, #tpu.memory_space<semaphore_mem>>)
      %slice3A_333 = vector.extract_strided_slice %get3A_139 {offsets = [14], sizes = [1], strides = [1]} : vector<16xi32> to vector<1xi32>
      %squeeze3A_334 = vector.extract %slice3A_333[0] : i32 from vector<1xi32>
      %mul3A_335 = arith.constant 16 : i32
      %mul3A_336 = arith.muli %scan3A_133, %mul3A_335 : i32
      %add3A_337 = arith.constant 14 : i32
      %add3A_338 = arith.addi %mul3A_336, %add3A_337 : i32
      %dma_start3A_339 = arith.constant 0 : i32
      %dma_start3A_340 = tpu.memref_slice %arg18[%add3A_338, %dma_start3A_339] : memref<256x64xf32, #tpu.memory_space<vmem>> -> memref<1x64xf32, #tpu.memory_space<vmem>>
      %dma_start3A_341 = arith.constant 0 : i32
      %dma_start3A_342 = tpu.memref_slice %arg2[%squeeze3A_334, %dma_start3A_341] : memref<1000000x64xf32, #tpu.memory_space<hbm>> -> memref<1x64xf32, #tpu.memory_space<hbm>>
      %dma_start3A_343 = arith.constant 0 : i32
      %dma_start3A_344 = tpu.memref_slice %arg18[%add3A_338, %dma_start3A_343] : memref<256x64xf32, #tpu.memory_space<vmem>> -> memref<1x64xf32, #tpu.memory_space<vmem>>
      %dma_start3A_345 = arith.constant 0 : i32
      %dma_start3A_346 = tpu.memref_slice %arg2[%squeeze3A_334, %dma_start3A_345] : memref<1000000x64xf32, #tpu.memory_space<hbm>> -> memref<1x64xf32, #tpu.memory_space<hbm>>
      tpu.enqueue_dma source(%dma_start3A_346 : memref<1x64xf32, #tpu.memory_space<hbm>>) target(%dma_start3A_344 : memref<1x64xf32, #tpu.memory_space<vmem>>) target_semaphore(%arg20 : memref<!tpu.dma_semaphore, #tpu.memory_space<semaphore_mem>>)
      %slice3A_347 = vector.extract_strided_slice %get3A_139 {offsets = [15], sizes = [1], strides = [1]} : vector<16xi32> to vector<1xi32>
      %squeeze3A_348 = vector.extract %slice3A_347[0] : i32 from vector<1xi32>
      %mul3A_349 = arith.constant 16 : i32
      %mul3A_350 = arith.muli %scan3A_133, %mul3A_349 : i32
      %add3A_351 = arith.constant 15 : i32
      %add3A_352 = arith.addi %mul3A_350, %add3A_351 : i32
      %dma_start3A_353 = arith.constant 0 : i32
      %dma_start3A_354 = tpu.memref_slice %arg18[%add3A_352, %dma_start3A_353] : memref<256x64xf32, #tpu.memory_space<vmem>> -> memref<1x64xf32, #tpu.memory_space<vmem>>
      %dma_start3A_355 = arith.constant 0 : i32
      %dma_start3A_356 = tpu.memref_slice %arg2[%squeeze3A_348, %dma_start3A_355] : memref<1000000x64xf32, #tpu.memory_space<hbm>> -> memref<1x64xf32, #tpu.memory_space<hbm>>
      %dma_start3A_357 = arith.constant 0 : i32
      %dma_start3A_358 = tpu.memref_slice %arg18[%add3A_352, %dma_start3A_357] : memref<256x64xf32, #tpu.memory_space<vmem>> -> memref<1x64xf32, #tpu.memory_space<vmem>>
      %dma_start3A_359 = arith.constant 0 : i32
      %dma_start3A_360 = tpu.memref_slice %arg2[%squeeze3A_348, %dma_start3A_359] : memref<1000000x64xf32, #tpu.memory_space<hbm>> -> memref<1x64xf32, #tpu.memory_space<hbm>>
      tpu.enqueue_dma source(%dma_start3A_360 : memref<1x64xf32, #tpu.memory_space<hbm>>) target(%dma_start3A_358 : memref<1x64xf32, #tpu.memory_space<vmem>>) target_semaphore(%arg20 : memref<!tpu.dma_semaphore, #tpu.memory_space<semaphore_mem>>)
    }
    %scan3A_32 = arith.constant 16 : i32
    %add3A_33 = arith.constant 0 : i32
    %add3A_34 = arith.addi %mul3A_2, %add3A_33 : i32
    %dma_wait3A_35 = arith.constant 0 : i32
    %dma_wait3A_36 = tpu.memref_slice %arg11[%add3A_34, %dma_wait3A_35] : memref<16384x64xf32, #tpu.memory_space<hbm>> -> memref<256x64xf32, #tpu.memory_space<hbm>>
    %dma_wait3A_37 = arith.constant 0 : i32
    %dma_wait3A_38 = tpu.memref_slice %arg11[%add3A_34, %dma_wait3A_37] : memref<16384x64xf32, #tpu.memory_space<hbm>> -> memref<256x64xf32, #tpu.memory_space<hbm>>
    tpu.wait_dma2 semaphore(%arg19 : memref<!tpu.dma_semaphore, #tpu.memory_space<semaphore_mem>>) src(%dma_wait3A_38 : memref<256x64xf32, #tpu.memory_space<hbm>>) dst(%arg17 : memref<256x64xf32, #tpu.memory_space<vmem>>)
    "tpu.region"() ({
      %run_scoped3A = tpu.sem_alloc : memref<!tpu.dma_semaphore, #tpu.memory_space<semaphore_mem>>
      %dma_start3A = arith.constant 0 : i32
      %dma_start3A_133 = tpu.memref_slice %arg11[%add3A_34, %dma_start3A] : memref<16384x64xf32, #tpu.memory_space<hbm>> -> memref<256x64xf32, #tpu.memory_space<hbm>>
      %dma_start3A_134 = arith.constant 0 : i32
      %dma_start3A_135 = tpu.memref_slice %arg11[%add3A_34, %dma_start3A_134] : memref<16384x64xf32, #tpu.memory_space<hbm>> -> memref<256x64xf32, #tpu.memory_space<hbm>>
      tpu.enqueue_dma source(%arg17 : memref<256x64xf32, #tpu.memory_space<vmem>>) target(%dma_start3A_135 : memref<256x64xf32, #tpu.memory_space<hbm>>) target_semaphore(%run_scoped3A : memref<!tpu.dma_semaphore, #tpu.memory_space<semaphore_mem>>)
      %dma_wait3A_136 = arith.constant 0 : i32
      %dma_wait3A_137 = tpu.memref_slice %arg11[%add3A_34, %dma_wait3A_136] : memref<16384x64xf32, #tpu.memory_space<hbm>> -> memref<256x64xf32, #tpu.memory_space<hbm>>
      %dma_wait3A_138 = arith.constant 0 : i32
      %dma_wait3A_139 = tpu.memref_slice %arg11[%add3A_34, %dma_wait3A_138] : memref<16384x64xf32, #tpu.memory_space<hbm>> -> memref<256x64xf32, #tpu.memory_space<hbm>>
      tpu.wait_dma2 semaphore(%run_scoped3A : memref<!tpu.dma_semaphore, #tpu.memory_space<semaphore_mem>>) src(%arg17 : memref<256x64xf32, #tpu.memory_space<vmem>>) dst(%dma_wait3A_139 : memref<256x64xf32, #tpu.memory_space<hbm>>)
      tpu.yield
    }) : () -> ()
    "tpu.region"() ({
      %run_scoped3A = tpu.sem_alloc : memref<!tpu.dma_semaphore, #tpu.memory_space<semaphore_mem>>
      %dma_start3A = tpu.memref_slice %arg6[%mul3A_2] : memref<16384xi32, #tpu.memory_space<hbm>> -> memref<512xi32, #tpu.memory_space<hbm>>
      %dma_start3A_133 = tpu.memref_slice %arg6[%mul3A_2] : memref<16384xi32, #tpu.memory_space<hbm>> -> memref<512xi32, #tpu.memory_space<hbm>>
      tpu.enqueue_dma source(%dma_start3A_133 : memref<512xi32, #tpu.memory_space<hbm>>) target(%arg16 : memref<512xi32, #tpu.memory_space<vmem>>) target_semaphore(%run_scoped3A : memref<!tpu.dma_semaphore, #tpu.memory_space<semaphore_mem>>)
      %dma_wait3A_134 = tpu.memref_slice %arg6[%mul3A_2] : memref<16384xi32, #tpu.memory_space<hbm>> -> memref<512xi32, #tpu.memory_space<hbm>>
      %dma_wait3A_135 = tpu.memref_slice %arg6[%mul3A_2] : memref<16384xi32, #tpu.memory_space<hbm>> -> memref<512xi32, #tpu.memory_space<hbm>>
      tpu.wait_dma2 semaphore(%run_scoped3A : memref<!tpu.dma_semaphore, #tpu.memory_space<semaphore_mem>>) src(%dma_wait3A_135 : memref<512xi32, #tpu.memory_space<hbm>>) dst(%arg16 : memref<512xi32, #tpu.memory_space<vmem>>)
      tpu.yield
    }) : () -> ()
    %scan3A_39 = arith.constant 0 : i32
    %scan3A_40 = arith.constant 16 : i32
    %scan3A_41 = arith.addi %scan3A_39, %scan3A_40 : i32
    %scan3A_42 = arith.constant 1 : i32
    scf.for %scan3A_133 = %scan3A_39 to %scan3A_41 step %scan3A_42  : i32 {
      %mul3A_134 = arith.constant 16 : i32
      %mul3A_135 = arith.muli %scan3A_133, %mul3A_134 : i32
      %add3A_136 = arith.constant 0 : i32
      %add3A_137 = arith.addi %add3A_136, %mul3A_135 : i32
      %get3A = arith.index_cast %add3A_137 : i32 to index
      %get3A_138 = tpu.vector_load %arg16[%get3A] {strides = array<i32>} : memref<512xi32, #tpu.memory_space<vmem>>, vector<16xi32>,
      %get3A_139 = vector.shape_cast %get3A_138 : vector<16xi32> to vector<16xi32>
      %slice3A = vector.extract_strided_slice %get3A_139 {offsets = [0], sizes = [1], strides = [1]} : vector<16xi32> to vector<1xi32>
      %squeeze3A = vector.extract %slice3A[0] : i32 from vector<1xi32>
      %mul3A_140 = arith.constant 16 : i32
      %mul3A_141 = arith.muli %scan3A_133, %mul3A_140 : i32
      %add3A_142 = arith.constant 0 : i32
      %add3A_143 = arith.addi %mul3A_141, %add3A_142 : i32
      %dma_start3A = arith.constant 0 : i32
      %dma_start3A_144 = tpu.memref_slice %arg17[%add3A_143, %dma_start3A] : memref<256x64xf32, #tpu.memory_space<vmem>> -> memref<1x64xf32, #tpu.memory_space<vmem>>
      %dma_start3A_145 = arith.constant 0 : i32
      %dma_start3A_146 = tpu.memref_slice %arg2[%squeeze3A, %dma_start3A_145] : memref<1000000x64xf32, #tpu.memory_space<hbm>> -> memref<1x64xf32, #tpu.memory_space<hbm>>
      %dma_start3A_147 = arith.constant 0 : i32
      %dma_start3A_148 = tpu.memref_slice %arg17[%add3A_143, %dma_start3A_147] : memref<256x64xf32, #tpu.memory_space<vmem>> -> memref<1x64xf32, #tpu.memory_space<vmem>>
      %dma_start3A_149 = arith.constant 0 : i32
      %dma_start3A_150 = tpu.memref_slice %arg2[%squeeze3A, %dma_start3A_149] : memref<1000000x64xf32, #tpu.memory_space<hbm>> -> memref<1x64xf32, #tpu.memory_space<hbm>>
      tpu.enqueue_dma source(%dma_start3A_150 : memref<1x64xf32, #tpu.memory_space<hbm>>) target(%dma_start3A_148 : memref<1x64xf32, #tpu.memory_space<vmem>>) target_semaphore(%arg19 : memref<!tpu.dma_semaphore, #tpu.memory_space<semaphore_mem>>)
      %slice3A_151 = vector.extract_strided_slice %get3A_139 {offsets = [1], sizes = [1], strides = [1]} : vector<16xi32> to vector<1xi32>
      %squeeze3A_152 = vector.extract %slice3A_151[0] : i32 from vector<1xi32>
      %mul3A_153 = arith.constant 16 : i32
      %mul3A_154 = arith.muli %scan3A_133, %mul3A_153 : i32
      %add3A_155 = arith.constant 1 : i32
      %add3A_156 = arith.addi %mul3A_154, %add3A_155 : i32
      %dma_start3A_157 = arith.constant 0 : i32
      %dma_start3A_158 = tpu.memref_slice %arg17[%add3A_156, %dma_start3A_157] : memref<256x64xf32, #tpu.memory_space<vmem>> -> memref<1x64xf32, #tpu.memory_space<vmem>>
      %dma_start3A_159 = arith.constant 0 : i32
      %dma_start3A_160 = tpu.memref_slice %arg2[%squeeze3A_152, %dma_start3A_159] : memref<1000000x64xf32, #tpu.memory_space<hbm>> -> memref<1x64xf32, #tpu.memory_space<hbm>>
      %dma_start3A_161 = arith.constant 0 : i32
      %dma_start3A_162 = tpu.memref_slice %arg17[%add3A_156, %dma_start3A_161] : memref<256x64xf32, #tpu.memory_space<vmem>> -> memref<1x64xf32, #tpu.memory_space<vmem>>
      %dma_start3A_163 = arith.constant 0 : i32
      %dma_start3A_164 = tpu.memref_slice %arg2[%squeeze3A_152, %dma_start3A_163] : memref<1000000x64xf32, #tpu.memory_space<hbm>> -> memref<1x64xf32, #tpu.memory_space<hbm>>
      tpu.enqueue_dma source(%dma_start3A_164 : memref<1x64xf32, #tpu.memory_space<hbm>>) target(%dma_start3A_162 : memref<1x64xf32, #tpu.memory_space<vmem>>) target_semaphore(%arg19 : memref<!tpu.dma_semaphore, #tpu.memory_space<semaphore_mem>>)
      %slice3A_165 = vector.extract_strided_slice %get3A_139 {offsets = [2], sizes = [1], strides = [1]} : vector<16xi32> to vector<1xi32>
      %squeeze3A_166 = vector.extract %slice3A_165[0] : i32 from vector<1xi32>
      %mul3A_167 = arith.constant 16 : i32
      %mul3A_168 = arith.muli %scan3A_133, %mul3A_167 : i32
      %add3A_169 = arith.constant 2 : i32
      %add3A_170 = arith.addi %mul3A_168, %add3A_169 : i32
      %dma_start3A_171 = arith.constant 0 : i32
      %dma_start3A_172 = tpu.memref_slice %arg17[%add3A_170, %dma_start3A_171] : memref<256x64xf32, #tpu.memory_space<vmem>> -> memref<1x64xf32, #tpu.memory_space<vmem>>
      %dma_start3A_173 = arith.constant 0 : i32
      %dma_start3A_174 = tpu.memref_slice %arg2[%squeeze3A_166, %dma_start3A_173] : memref<1000000x64xf32, #tpu.memory_space<hbm>> -> memref<1x64xf32, #tpu.memory_space<hbm>>
      %dma_start3A_175 = arith.constant 0 : i32
      %dma_start3A_176 = tpu.memref_slice %arg17[%add3A_170, %dma_start3A_175] : memref<256x64xf32, #tpu.memory_space<vmem>> -> memref<1x64xf32, #tpu.memory_space<vmem>>
      %dma_start3A_177 = arith.constant 0 : i32
      %dma_start3A_178 = tpu.memref_slice %arg2[%squeeze3A_166, %dma_start3A_177] : memref<1000000x64xf32, #tpu.memory_space<hbm>> -> memref<1x64xf32, #tpu.memory_space<hbm>>
      tpu.enqueue_dma source(%dma_start3A_178 : memref<1x64xf32, #tpu.memory_space<hbm>>) target(%dma_start3A_176 : memref<1x64xf32, #tpu.memory_space<vmem>>) target_semaphore(%arg19 : memref<!tpu.dma_semaphore, #tpu.memory_space<semaphore_mem>>)
      %slice3A_179 = vector.extract_strided_slice %get3A_139 {offsets = [3], sizes = [1], strides = [1]} : vector<16xi32> to vector<1xi32>
      %squeeze3A_180 = vector.extract %slice3A_179[0] : i32 from vector<1xi32>
      %mul3A_181 = arith.constant 16 : i32
      %mul3A_182 = arith.muli %scan3A_133, %mul3A_181 : i32
      %add3A_183 = arith.constant 3 : i32
      %add3A_184 = arith.addi %mul3A_182, %add3A_183 : i32
      %dma_start3A_185 = arith.constant 0 : i32
      %dma_start3A_186 = tpu.memref_slice %arg17[%add3A_184, %dma_start3A_185] : memref<256x64xf32, #tpu.memory_space<vmem>> -> memref<1x64xf32, #tpu.memory_space<vmem>>
      %dma_start3A_187 = arith.constant 0 : i32
      %dma_start3A_188 = tpu.memref_slice %arg2[%squeeze3A_180, %dma_start3A_187] : memref<1000000x64xf32, #tpu.memory_space<hbm>> -> memref<1x64xf32, #tpu.memory_space<hbm>>
      %dma_start3A_189 = arith.constant 0 : i32
      %dma_start3A_190 = tpu.memref_slice %arg17[%add3A_184, %dma_start3A_189] : memref<256x64xf32, #tpu.memory_space<vmem>> -> memref<1x64xf32, #tpu.memory_space<vmem>>
      %dma_start3A_191 = arith.constant 0 : i32
      %dma_start3A_192 = tpu.memref_slice %arg2[%squeeze3A_180, %dma_start3A_191] : memref<1000000x64xf32, #tpu.memory_space<hbm>> -> memref<1x64xf32, #tpu.memory_space<hbm>>
      tpu.enqueue_dma source(%dma_start3A_192 : memref<1x64xf32, #tpu.memory_space<hbm>>) target(%dma_start3A_190 : memref<1x64xf32, #tpu.memory_space<vmem>>) target_semaphore(%arg19 : memref<!tpu.dma_semaphore, #tpu.memory_space<semaphore_mem>>)
      %slice3A_193 = vector.extract_strided_slice %get3A_139 {offsets = [4], sizes = [1], strides = [1]} : vector<16xi32> to vector<1xi32>
      %squeeze3A_194 = vector.extract %slice3A_193[0] : i32 from vector<1xi32>
      %mul3A_195 = arith.constant 16 : i32
      %mul3A_196 = arith.muli %scan3A_133, %mul3A_195 : i32
      %add3A_197 = arith.constant 4 : i32
      %add3A_198 = arith.addi %mul3A_196, %add3A_197 : i32
      %dma_start3A_199 = arith.constant 0 : i32
      %dma_start3A_200 = tpu.memref_slice %arg17[%add3A_198, %dma_start3A_199] : memref<256x64xf32, #tpu.memory_space<vmem>> -> memref<1x64xf32, #tpu.memory_space<vmem>>
      %dma_start3A_201 = arith.constant 0 : i32
      %dma_start3A_202 = tpu.memref_slice %arg2[%squeeze3A_194, %dma_start3A_201] : memref<1000000x64xf32, #tpu.memory_space<hbm>> -> memref<1x64xf32, #tpu.memory_space<hbm>>
      %dma_start3A_203 = arith.constant 0 : i32
      %dma_start3A_204 = tpu.memref_slice %arg17[%add3A_198, %dma_start3A_203] : memref<256x64xf32, #tpu.memory_space<vmem>> -> memref<1x64xf32, #tpu.memory_space<vmem>>
      %dma_start3A_205 = arith.constant 0 : i32
      %dma_start3A_206 = tpu.memref_slice %arg2[%squeeze3A_194, %dma_start3A_205] : memref<1000000x64xf32, #tpu.memory_space<hbm>> -> memref<1x64xf32, #tpu.memory_space<hbm>>
      tpu.enqueue_dma source(%dma_start3A_206 : memref<1x64xf32, #tpu.memory_space<hbm>>) target(%dma_start3A_204 : memref<1x64xf32, #tpu.memory_space<vmem>>) target_semaphore(%arg19 : memref<!tpu.dma_semaphore, #tpu.memory_space<semaphore_mem>>)
      %slice3A_207 = vector.extract_strided_slice %get3A_139 {offsets = [5], sizes = [1], strides = [1]} : vector<16xi32> to vector<1xi32>
      %squeeze3A_208 = vector.extract %slice3A_207[0] : i32 from vector<1xi32>
      %mul3A_209 = arith.constant 16 : i32
      %mul3A_210 = arith.muli %scan3A_133, %mul3A_209 : i32
      %add3A_211 = arith.constant 5 : i32
      %add3A_212 = arith.addi %mul3A_210, %add3A_211 : i32
      %dma_start3A_213 = arith.constant 0 : i32
      %dma_start3A_214 = tpu.memref_slice %arg17[%add3A_212, %dma_start3A_213] : memref<256x64xf32, #tpu.memory_space<vmem>> -> memref<1x64xf32, #tpu.memory_space<vmem>>
      %dma_start3A_215 = arith.constant 0 : i32
      %dma_start3A_216 = tpu.memref_slice %arg2[%squeeze3A_208, %dma_start3A_215] : memref<1000000x64xf32, #tpu.memory_space<hbm>> -> memref<1x64xf32, #tpu.memory_space<hbm>>
      %dma_start3A_217 = arith.constant 0 : i32
      %dma_start3A_218 = tpu.memref_slice %arg17[%add3A_212, %dma_start3A_217] : memref<256x64xf32, #tpu.memory_space<vmem>> -> memref<1x64xf32, #tpu.memory_space<vmem>>
      %dma_start3A_219 = arith.constant 0 : i32
      %dma_start3A_220 = tpu.memref_slice %arg2[%squeeze3A_208, %dma_start3A_219] : memref<1000000x64xf32, #tpu.memory_space<hbm>> -> memref<1x64xf32, #tpu.memory_space<hbm>>
      tpu.enqueue_dma source(%dma_start3A_220 : memref<1x64xf32, #tpu.memory_space<hbm>>) target(%dma_start3A_218 : memref<1x64xf32, #tpu.memory_space<vmem>>) target_semaphore(%arg19 : memref<!tpu.dma_semaphore, #tpu.memory_space<semaphore_mem>>)
      %slice3A_221 = vector.extract_strided_slice %get3A_139 {offsets = [6], sizes = [1], strides = [1]} : vector<16xi32> to vector<1xi32>
      %squeeze3A_222 = vector.extract %slice3A_221[0] : i32 from vector<1xi32>
      %mul3A_223 = arith.constant 16 : i32
      %mul3A_224 = arith.muli %scan3A_133, %mul3A_223 : i32
      %add3A_225 = arith.constant 6 : i32
      %add3A_226 = arith.addi %mul3A_224, %add3A_225 : i32
      %dma_start3A_227 = arith.constant 0 : i32
      %dma_start3A_228 = tpu.memref_slice %arg17[%add3A_226, %dma_start3A_227] : memref<256x64xf32, #tpu.memory_space<vmem>> -> memref<1x64xf32, #tpu.memory_space<vmem>>
      %dma_start3A_229 = arith.constant 0 : i32
      %dma_start3A_230 = tpu.memref_slice %arg2[%squeeze3A_222, %dma_start3A_229] : memref<1000000x64xf32, #tpu.memory_space<hbm>> -> memref<1x64xf32, #tpu.memory_space<hbm>>
      %dma_start3A_231 = arith.constant 0 : i32
      %dma_start3A_232 = tpu.memref_slice %arg17[%add3A_226, %dma_start3A_231] : memref<256x64xf32, #tpu.memory_space<vmem>> -> memref<1x64xf32, #tpu.memory_space<vmem>>
      %dma_start3A_233 = arith.constant 0 : i32
      %dma_start3A_234 = tpu.memref_slice %arg2[%squeeze3A_222, %dma_start3A_233] : memref<1000000x64xf32, #tpu.memory_space<hbm>> -> memref<1x64xf32, #tpu.memory_space<hbm>>
      tpu.enqueue_dma source(%dma_start3A_234 : memref<1x64xf32, #tpu.memory_space<hbm>>) target(%dma_start3A_232 : memref<1x64xf32, #tpu.memory_space<vmem>>) target_semaphore(%arg19 : memref<!tpu.dma_semaphore, #tpu.memory_space<semaphore_mem>>)
      %slice3A_235 = vector.extract_strided_slice %get3A_139 {offsets = [7], sizes = [1], strides = [1]} : vector<16xi32> to vector<1xi32>
      %squeeze3A_236 = vector.extract %slice3A_235[0] : i32 from vector<1xi32>
      %mul3A_237 = arith.constant 16 : i32
      %mul3A_238 = arith.muli %scan3A_133, %mul3A_237 : i32
      %add3A_239 = arith.constant 7 : i32
      %add3A_240 = arith.addi %mul3A_238, %add3A_239 : i32
      %dma_start3A_241 = arith.constant 0 : i32
      %dma_start3A_242 = tpu.memref_slice %arg17[%add3A_240, %dma_start3A_241] : memref<256x64xf32, #tpu.memory_space<vmem>> -> memref<1x64xf32, #tpu.memory_space<vmem>>
      %dma_start3A_243 = arith.constant 0 : i32
      %dma_start3A_244 = tpu.memref_slice %arg2[%squeeze3A_236, %dma_start3A_243] : memref<1000000x64xf32, #tpu.memory_space<hbm>> -> memref<1x64xf32, #tpu.memory_space<hbm>>
      %dma_start3A_245 = arith.constant 0 : i32
      %dma_start3A_246 = tpu.memref_slice %arg17[%add3A_240, %dma_start3A_245] : memref<256x64xf32, #tpu.memory_space<vmem>> -> memref<1x64xf32, #tpu.memory_space<vmem>>
      %dma_start3A_247 = arith.constant 0 : i32
      %dma_start3A_248 = tpu.memref_slice %arg2[%squeeze3A_236, %dma_start3A_247] : memref<1000000x64xf32, #tpu.memory_space<hbm>> -> memref<1x64xf32, #tpu.memory_space<hbm>>
      tpu.enqueue_dma source(%dma_start3A_248 : memref<1x64xf32, #tpu.memory_space<hbm>>) target(%dma_start3A_246 : memref<1x64xf32, #tpu.memory_space<vmem>>) target_semaphore(%arg19 : memref<!tpu.dma_semaphore, #tpu.memory_space<semaphore_mem>>)
      %slice3A_249 = vector.extract_strided_slice %get3A_139 {offsets = [8], sizes = [1], strides = [1]} : vector<16xi32> to vector<1xi32>
      %squeeze3A_250 = vector.extract %slice3A_249[0] : i32 from vector<1xi32>
      %mul3A_251 = arith.constant 16 : i32
      %mul3A_252 = arith.muli %scan3A_133, %mul3A_251 : i32
      %add3A_253 = arith.constant 8 : i32
      %add3A_254 = arith.addi %mul3A_252, %add3A_253 : i32
      %dma_start3A_255 = arith.constant 0 : i32
      %dma_start3A_256 = tpu.memref_slice %arg17[%add3A_254, %dma_start3A_255] : memref<256x64xf32, #tpu.memory_space<vmem>> -> memref<1x64xf32, #tpu.memory_space<vmem>>
      %dma_start3A_257 = arith.constant 0 : i32
      %dma_start3A_258 = tpu.memref_slice %arg2[%squeeze3A_250, %dma_start3A_257] : memref<1000000x64xf32, #tpu.memory_space<hbm>> -> memref<1x64xf32, #tpu.memory_space<hbm>>
      %dma_start3A_259 = arith.constant 0 : i32
      %dma_start3A_260 = tpu.memref_slice %arg17[%add3A_254, %dma_start3A_259] : memref<256x64xf32, #tpu.memory_space<vmem>> -> memref<1x64xf32, #tpu.memory_space<vmem>>
      %dma_start3A_261 = arith.constant 0 : i32
      %dma_start3A_262 = tpu.memref_slice %arg2[%squeeze3A_250, %dma_start3A_261] : memref<1000000x64xf32, #tpu.memory_space<hbm>> -> memref<1x64xf32, #tpu.memory_space<hbm>>
      tpu.enqueue_dma source(%dma_start3A_262 : memref<1x64xf32, #tpu.memory_space<hbm>>) target(%dma_start3A_260 : memref<1x64xf32, #tpu.memory_space<vmem>>) target_semaphore(%arg19 : memref<!tpu.dma_semaphore, #tpu.memory_space<semaphore_mem>>)
      %slice3A_263 = vector.extract_strided_slice %get3A_139 {offsets = [9], sizes = [1], strides = [1]} : vector<16xi32> to vector<1xi32>
      %squeeze3A_264 = vector.extract %slice3A_263[0] : i32 from vector<1xi32>
      %mul3A_265 = arith.constant 16 : i32
      %mul3A_266 = arith.muli %scan3A_133, %mul3A_265 : i32
      %add3A_267 = arith.constant 9 : i32
      %add3A_268 = arith.addi %mul3A_266, %add3A_267 : i32
      %dma_start3A_269 = arith.constant 0 : i32
      %dma_start3A_270 = tpu.memref_slice %arg17[%add3A_268, %dma_start3A_269] : memref<256x64xf32, #tpu.memory_space<vmem>> -> memref<1x64xf32, #tpu.memory_space<vmem>>
      %dma_start3A_271 = arith.constant 0 : i32
      %dma_start3A_272 = tpu.memref_slice %arg2[%squeeze3A_264, %dma_start3A_271] : memref<1000000x64xf32, #tpu.memory_space<hbm>> -> memref<1x64xf32, #tpu.memory_space<hbm>>
      %dma_start3A_273 = arith.constant 0 : i32
      %dma_start3A_274 = tpu.memref_slice %arg17[%add3A_268, %dma_start3A_273] : memref<256x64xf32, #tpu.memory_space<vmem>> -> memref<1x64xf32, #tpu.memory_space<vmem>>
      %dma_start3A_275 = arith.constant 0 : i32
      %dma_start3A_276 = tpu.memref_slice %arg2[%squeeze3A_264, %dma_start3A_275] : memref<1000000x64xf32, #tpu.memory_space<hbm>> -> memref<1x64xf32, #tpu.memory_space<hbm>>
      tpu.enqueue_dma source(%dma_start3A_276 : memref<1x64xf32, #tpu.memory_space<hbm>>) target(%dma_start3A_274 : memref<1x64xf32, #tpu.memory_space<vmem>>) target_semaphore(%arg19 : memref<!tpu.dma_semaphore, #tpu.memory_space<semaphore_mem>>)
      %slice3A_277 = vector.extract_strided_slice %get3A_139 {offsets = [10], sizes = [1], strides = [1]} : vector<16xi32> to vector<1xi32>
      %squeeze3A_278 = vector.extract %slice3A_277[0] : i32 from vector<1xi32>
      %mul3A_279 = arith.constant 16 : i32
      %mul3A_280 = arith.muli %scan3A_133, %mul3A_279 : i32
      %add3A_281 = arith.constant 10 : i32
      %add3A_282 = arith.addi %mul3A_280, %add3A_281 : i32
      %dma_start3A_283 = arith.constant 0 : i32
      %dma_start3A_284 = tpu.memref_slice %arg17[%add3A_282, %dma_start3A_283] : memref<256x64xf32, #tpu.memory_space<vmem>> -> memref<1x64xf32, #tpu.memory_space<vmem>>
      %dma_start3A_285 = arith.constant 0 : i32
      %dma_start3A_286 = tpu.memref_slice %arg2[%squeeze3A_278, %dma_start3A_285] : memref<1000000x64xf32, #tpu.memory_space<hbm>> -> memref<1x64xf32, #tpu.memory_space<hbm>>
      %dma_start3A_287 = arith.constant 0 : i32
      %dma_start3A_288 = tpu.memref_slice %arg17[%add3A_282, %dma_start3A_287] : memref<256x64xf32, #tpu.memory_space<vmem>> -> memref<1x64xf32, #tpu.memory_space<vmem>>
      %dma_start3A_289 = arith.constant 0 : i32
      %dma_start3A_290 = tpu.memref_slice %arg2[%squeeze3A_278, %dma_start3A_289] : memref<1000000x64xf32, #tpu.memory_space<hbm>> -> memref<1x64xf32, #tpu.memory_space<hbm>>
      tpu.enqueue_dma source(%dma_start3A_290 : memref<1x64xf32, #tpu.memory_space<hbm>>) target(%dma_start3A_288 : memref<1x64xf32, #tpu.memory_space<vmem>>) target_semaphore(%arg19 : memref<!tpu.dma_semaphore, #tpu.memory_space<semaphore_mem>>)
      %slice3A_291 = vector.extract_strided_slice %get3A_139 {offsets = [11], sizes = [1], strides = [1]} : vector<16xi32> to vector<1xi32>
      %squeeze3A_292 = vector.extract %slice3A_291[0] : i32 from vector<1xi32>
      %mul3A_293 = arith.constant 16 : i32
      %mul3A_294 = arith.muli %scan3A_133, %mul3A_293 : i32
      %add3A_295 = arith.constant 11 : i32
      %add3A_296 = arith.addi %mul3A_294, %add3A_295 : i32
      %dma_start3A_297 = arith.constant 0 : i32
      %dma_start3A_298 = tpu.memref_slice %arg17[%add3A_296, %dma_start3A_297] : memref<256x64xf32, #tpu.memory_space<vmem>> -> memref<1x64xf32, #tpu.memory_space<vmem>>
      %dma_start3A_299 = arith.constant 0 : i32
      %dma_start3A_300 = tpu.memref_slice %arg2[%squeeze3A_292, %dma_start3A_299] : memref<1000000x64xf32, #tpu.memory_space<hbm>> -> memref<1x64xf32, #tpu.memory_space<hbm>>
      %dma_start3A_301 = arith.constant 0 : i32
      %dma_start3A_302 = tpu.memref_slice %arg17[%add3A_296, %dma_start3A_301] : memref<256x64xf32, #tpu.memory_space<vmem>> -> memref<1x64xf32, #tpu.memory_space<vmem>>
      %dma_start3A_303 = arith.constant 0 : i32
      %dma_start3A_304 = tpu.memref_slice %arg2[%squeeze3A_292, %dma_start3A_303] : memref<1000000x64xf32, #tpu.memory_space<hbm>> -> memref<1x64xf32, #tpu.memory_space<hbm>>
      tpu.enqueue_dma source(%dma_start3A_304 : memref<1x64xf32, #tpu.memory_space<hbm>>) target(%dma_start3A_302 : memref<1x64xf32, #tpu.memory_space<vmem>>) target_semaphore(%arg19 : memref<!tpu.dma_semaphore, #tpu.memory_space<semaphore_mem>>)
      %slice3A_305 = vector.extract_strided_slice %get3A_139 {offsets = [12], sizes = [1], strides = [1]} : vector<16xi32> to vector<1xi32>
      %squeeze3A_306 = vector.extract %slice3A_305[0] : i32 from vector<1xi32>
      %mul3A_307 = arith.constant 16 : i32
      %mul3A_308 = arith.muli %scan3A_133, %mul3A_307 : i32
      %add3A_309 = arith.constant 12 : i32
      %add3A_310 = arith.addi %mul3A_308, %add3A_309 : i32
      %dma_start3A_311 = arith.constant 0 : i32
      %dma_start3A_312 = tpu.memref_slice %arg17[%add3A_310, %dma_start3A_311] : memref<256x64xf32, #tpu.memory_space<vmem>> -> memref<1x64xf32, #tpu.memory_space<vmem>>
      %dma_start3A_313 = arith.constant 0 : i32
      %dma_start3A_314 = tpu.memref_slice %arg2[%squeeze3A_306, %dma_start3A_313] : memref<1000000x64xf32, #tpu.memory_space<hbm>> -> memref<1x64xf32, #tpu.memory_space<hbm>>
      %dma_start3A_315 = arith.constant 0 : i32
      %dma_start3A_316 = tpu.memref_slice %arg17[%add3A_310, %dma_start3A_315] : memref<256x64xf32, #tpu.memory_space<vmem>> -> memref<1x64xf32, #tpu.memory_space<vmem>>
      %dma_start3A_317 = arith.constant 0 : i32
      %dma_start3A_318 = tpu.memref_slice %arg2[%squeeze3A_306, %dma_start3A_317] : memref<1000000x64xf32, #tpu.memory_space<hbm>> -> memref<1x64xf32, #tpu.memory_space<hbm>>
      tpu.enqueue_dma source(%dma_start3A_318 : memref<1x64xf32, #tpu.memory_space<hbm>>) target(%dma_start3A_316 : memref<1x64xf32, #tpu.memory_space<vmem>>) target_semaphore(%arg19 : memref<!tpu.dma_semaphore, #tpu.memory_space<semaphore_mem>>)
      %slice3A_319 = vector.extract_strided_slice %get3A_139 {offsets = [13], sizes = [1], strides = [1]} : vector<16xi32> to vector<1xi32>
      %squeeze3A_320 = vector.extract %slice3A_319[0] : i32 from vector<1xi32>
      %mul3A_321 = arith.constant 16 : i32
      %mul3A_322 = arith.muli %scan3A_133, %mul3A_321 : i32
      %add3A_323 = arith.constant 13 : i32
      %add3A_324 = arith.addi %mul3A_322, %add3A_323 : i32
      %dma_start3A_325 = arith.constant 0 : i32
      %dma_start3A_326 = tpu.memref_slice %arg17[%add3A_324, %dma_start3A_325] : memref<256x64xf32, #tpu.memory_space<vmem>> -> memref<1x64xf32, #tpu.memory_space<vmem>>
      %dma_start3A_327 = arith.constant 0 : i32
      %dma_start3A_328 = tpu.memref_slice %arg2[%squeeze3A_320, %dma_start3A_327] : memref<1000000x64xf32, #tpu.memory_space<hbm>> -> memref<1x64xf32, #tpu.memory_space<hbm>>
      %dma_start3A_329 = arith.constant 0 : i32
      %dma_start3A_330 = tpu.memref_slice %arg17[%add3A_324, %dma_start3A_329] : memref<256x64xf32, #tpu.memory_space<vmem>> -> memref<1x64xf32, #tpu.memory_space<vmem>>
      %dma_start3A_331 = arith.constant 0 : i32
      %dma_start3A_332 = tpu.memref_slice %arg2[%squeeze3A_320, %dma_start3A_331] : memref<1000000x64xf32, #tpu.memory_space<hbm>> -> memref<1x64xf32, #tpu.memory_space<hbm>>
      tpu.enqueue_dma source(%dma_start3A_332 : memref<1x64xf32, #tpu.memory_space<hbm>>) target(%dma_start3A_330 : memref<1x64xf32, #tpu.memory_space<vmem>>) target_semaphore(%arg19 : memref<!tpu.dma_semaphore, #tpu.memory_space<semaphore_mem>>)
      %slice3A_333 = vector.extract_strided_slice %get3A_139 {offsets = [14], sizes = [1], strides = [1]} : vector<16xi32> to vector<1xi32>
      %squeeze3A_334 = vector.extract %slice3A_333[0] : i32 from vector<1xi32>
      %mul3A_335 = arith.constant 16 : i32
      %mul3A_336 = arith.muli %scan3A_133, %mul3A_335 : i32
      %add3A_337 = arith.constant 14 : i32
      %add3A_338 = arith.addi %mul3A_336, %add3A_337 : i32
      %dma_start3A_339 = arith.constant 0 : i32
      %dma_start3A_340 = tpu.memref_slice %arg17[%add3A_338, %dma_start3A_339] : memref<256x64xf32, #tpu.memory_space<vmem>> -> memref<1x64xf32, #tpu.memory_space<vmem>>
      %dma_start3A_341 = arith.constant 0 : i32
      %dma_start3A_342 = tpu.memref_slice %arg2[%squeeze3A_334, %dma_start3A_341] : memref<1000000x64xf32, #tpu.memory_space<hbm>> -> memref<1x64xf32, #tpu.memory_space<hbm>>
      %dma_start3A_343 = arith.constant 0 : i32
      %dma_start3A_344 = tpu.memref_slice %arg17[%add3A_338, %dma_start3A_343] : memref<256x64xf32, #tpu.memory_space<vmem>> -> memref<1x64xf32, #tpu.memory_space<vmem>>
      %dma_start3A_345 = arith.constant 0 : i32
      %dma_start3A_346 = tpu.memref_slice %arg2[%squeeze3A_334, %dma_start3A_345] : memref<1000000x64xf32, #tpu.memory_space<hbm>> -> memref<1x64xf32, #tpu.memory_space<hbm>>
      tpu.enqueue_dma source(%dma_start3A_346 : memref<1x64xf32, #tpu.memory_space<hbm>>) target(%dma_start3A_344 : memref<1x64xf32, #tpu.memory_space<vmem>>) target_semaphore(%arg19 : memref<!tpu.dma_semaphore, #tpu.memory_space<semaphore_mem>>)
      %slice3A_347 = vector.extract_strided_slice %get3A_139 {offsets = [15], sizes = [1], strides = [1]} : vector<16xi32> to vector<1xi32>
      %squeeze3A_348 = vector.extract %slice3A_347[0] : i32 from vector<1xi32>
      %mul3A_349 = arith.constant 16 : i32
      %mul3A_350 = arith.muli %scan3A_133, %mul3A_349 : i32
      %add3A_351 = arith.constant 15 : i32
      %add3A_352 = arith.addi %mul3A_350, %add3A_351 : i32
      %dma_start3A_353 = arith.constant 0 : i32
      %dma_start3A_354 = tpu.memref_slice %arg17[%add3A_352, %dma_start3A_353] : memref<256x64xf32, #tpu.memory_space<vmem>> -> memref<1x64xf32, #tpu.memory_space<vmem>>
      %dma_start3A_355 = arith.constant 0 : i32
      %dma_start3A_356 = tpu.memref_slice %arg2[%squeeze3A_348, %dma_start3A_355] : memref<1000000x64xf32, #tpu.memory_space<hbm>> -> memref<1x64xf32, #tpu.memory_space<hbm>>
      %dma_start3A_357 = arith.constant 0 : i32
      %dma_start3A_358 = tpu.memref_slice %arg17[%add3A_352, %dma_start3A_357] : memref<256x64xf32, #tpu.memory_space<vmem>> -> memref<1x64xf32, #tpu.memory_space<vmem>>
      %dma_start3A_359 = arith.constant 0 : i32
      %dma_start3A_360 = tpu.memref_slice %arg2[%squeeze3A_348, %dma_start3A_359] : memref<1000000x64xf32, #tpu.memory_space<hbm>> -> memref<1x64xf32, #tpu.memory_space<hbm>>
      tpu.enqueue_dma source(%dma_start3A_360 : memref<1x64xf32, #tpu.memory_space<hbm>>) target(%dma_start3A_358 : memref<1x64xf32, #tpu.memory_space<vmem>>) target_semaphore(%arg19 : memref<!tpu.dma_semaphore, #tpu.memory_space<semaphore_mem>>)
    }
    %scan3A_43 = arith.constant 16 : i32
    %add3A_44 = arith.constant 256 : i32
    %add3A_45 = arith.addi %mul3A_2, %add3A_44 : i32
    %dma_wait3A_46 = arith.constant 0 : i32
    %dma_wait3A_47 = tpu.memref_slice %arg11[%add3A_45, %dma_wait3A_46] : memref<16384x64xf32, #tpu.memory_space<hbm>> -> memref<256x64xf32, #tpu.memory_space<hbm>>
    %dma_wait3A_48 = arith.constant 0 : i32
    %dma_wait3A_49 = tpu.memref_slice %arg11[%add3A_45, %dma_wait3A_48] : memref<16384x64xf32, #tpu.memory_space<hbm>> -> memref<256x64xf32, #tpu.memory_space<hbm>>
    tpu.wait_dma2 semaphore(%arg20 : memref<!tpu.dma_semaphore, #tpu.memory_space<semaphore_mem>>) src(%dma_wait3A_49 : memref<256x64xf32, #tpu.memory_space<hbm>>) dst(%arg18 : memref<256x64xf32, #tpu.memory_space<vmem>>)
    "tpu.region"() ({
      %run_scoped3A = tpu.sem_alloc : memref<!tpu.dma_semaphore, #tpu.memory_space<semaphore_mem>>
      %dma_start3A = arith.constant 0 : i32
      %dma_start3A_133 = tpu.memref_slice %arg11[%add3A_45, %dma_start3A] : memref<16384x64xf32, #tpu.memory_space<hbm>> -> memref<256x64xf32, #tpu.memory_space<hbm>>
      %dma_start3A_134 = arith.constant 0 : i32
      %dma_start3A_135 = tpu.memref_slice %arg11[%add3A_45, %dma_start3A_134] : memref<16384x64xf32, #tpu.memory_space<hbm>> -> memref<256x64xf32, #tpu.memory_space<hbm>>
      tpu.enqueue_dma source(%arg18 : memref<256x64xf32, #tpu.memory_space<vmem>>) target(%dma_start3A_135 : memref<256x64xf32, #tpu.memory_space<hbm>>) target_semaphore(%run_scoped3A : memref<!tpu.dma_semaphore, #tpu.memory_space<semaphore_mem>>)
      %dma_wait3A_136 = arith.constant 0 : i32
      %dma_wait3A_137 = tpu.memref_slice %arg11[%add3A_45, %dma_wait3A_136] : memref<16384x64xf32, #tpu.memory_space<hbm>> -> memref<256x64xf32, #tpu.memory_space<hbm>>
      %dma_wait3A_138 = arith.constant 0 : i32
      %dma_wait3A_139 = tpu.memref_slice %arg11[%add3A_45, %dma_wait3A_138] : memref<16384x64xf32, #tpu.memory_space<hbm>> -> memref<256x64xf32, #tpu.memory_space<hbm>>
      tpu.wait_dma2 semaphore(%run_scoped3A : memref<!tpu.dma_semaphore, #tpu.memory_space<semaphore_mem>>) src(%arg18 : memref<256x64xf32, #tpu.memory_space<vmem>>) dst(%dma_wait3A_139 : memref<256x64xf32, #tpu.memory_space<hbm>>)
      tpu.yield
    }) : () -> ()
    %scan3A_50 = arith.constant 0 : i32
    %scan3A_51 = arith.constant 16 : i32
    %scan3A_52 = arith.addi %scan3A_50, %scan3A_51 : i32
    %scan3A_53 = arith.constant 1 : i32
    scf.for %scan3A_133 = %scan3A_50 to %scan3A_52 step %scan3A_53  : i32 {
      %mul3A_134 = arith.constant 16 : i32
      %mul3A_135 = arith.muli %scan3A_133, %mul3A_134 : i32
      %add3A_136 = arith.constant 256 : i32
      %add3A_137 = arith.addi %add3A_136, %mul3A_135 : i32
      %get3A = arith.index_cast %add3A_137 : i32 to index
      %get3A_138 = tpu.vector_load %arg16[%get3A] {strides = array<i32>} : memref<512xi32, #tpu.memory_space<vmem>>, vector<16xi32>,
      %get3A_139 = vector.shape_cast %get3A_138 : vector<16xi32> to vector<16xi32>
      %slice3A = vector.extract_strided_slice %get3A_139 {offsets = [0], sizes = [1], strides = [1]} : vector<16xi32> to vector<1xi32>
      %squeeze3A = vector.extract %slice3A[0] : i32 from vector<1xi32>
      %mul3A_140 = arith.constant 16 : i32
      %mul3A_141 = arith.muli %scan3A_133, %mul3A_140 : i32
      %add3A_142 = arith.constant 0 : i32
      %add3A_143 = arith.addi %mul3A_141, %add3A_142 : i32
      %dma_start3A = arith.constant 0 : i32
      %dma_start3A_144 = tpu.memref_slice %arg18[%add3A_143, %dma_start3A] : memref<256x64xf32, #tpu.memory_space<vmem>> -> memref<1x64xf32, #tpu.memory_space<vmem>>
      %dma_start3A_145 = arith.constant 0 : i32
      %dma_start3A_146 = tpu.memref_slice %arg2[%squeeze3A, %dma_start3A_145] : memref<1000000x64xf32, #tpu.memory_space<hbm>> -> memref<1x64xf32, #tpu.memory_space<hbm>>
      %dma_start3A_147 = arith.constant 0 : i32
      %dma_start3A_148 = tpu.memref_slice %arg18[%add3A_143, %dma_start3A_147] : memref<256x64xf32, #tpu.memory_space<vmem>> -> memref<1x64xf32, #tpu.memory_space<vmem>>
      %dma_start3A_149 = arith.constant 0 : i32
      %dma_start3A_150 = tpu.memref_slice %arg2[%squeeze3A, %dma_start3A_149] : memref<1000000x64xf32, #tpu.memory_space<hbm>> -> memref<1x64xf32, #tpu.memory_space<hbm>>
      tpu.enqueue_dma source(%dma_start3A_150 : memref<1x64xf32, #tpu.memory_space<hbm>>) target(%dma_start3A_148 : memref<1x64xf32, #tpu.memory_space<vmem>>) target_semaphore(%arg20 : memref<!tpu.dma_semaphore, #tpu.memory_space<semaphore_mem>>)
      %slice3A_151 = vector.extract_strided_slice %get3A_139 {offsets = [1], sizes = [1], strides = [1]} : vector<16xi32> to vector<1xi32>
      %squeeze3A_152 = vector.extract %slice3A_151[0] : i32 from vector<1xi32>
      %mul3A_153 = arith.constant 16 : i32
      %mul3A_154 = arith.muli %scan3A_133, %mul3A_153 : i32
      %add3A_155 = arith.constant 1 : i32
      %add3A_156 = arith.addi %mul3A_154, %add3A_155 : i32
      %dma_start3A_157 = arith.constant 0 : i32
      %dma_start3A_158 = tpu.memref_slice %arg18[%add3A_156, %dma_start3A_157] : memref<256x64xf32, #tpu.memory_space<vmem>> -> memref<1x64xf32, #tpu.memory_space<vmem>>
      %dma_start3A_159 = arith.constant 0 : i32
      %dma_start3A_160 = tpu.memref_slice %arg2[%squeeze3A_152, %dma_start3A_159] : memref<1000000x64xf32, #tpu.memory_space<hbm>> -> memref<1x64xf32, #tpu.memory_space<hbm>>
      %dma_start3A_161 = arith.constant 0 : i32
      %dma_start3A_162 = tpu.memref_slice %arg18[%add3A_156, %dma_start3A_161] : memref<256x64xf32, #tpu.memory_space<vmem>> -> memref<1x64xf32, #tpu.memory_space<vmem>>
      %dma_start3A_163 = arith.constant 0 : i32
      %dma_start3A_164 = tpu.memref_slice %arg2[%squeeze3A_152, %dma_start3A_163] : memref<1000000x64xf32, #tpu.memory_space<hbm>> -> memref<1x64xf32, #tpu.memory_space<hbm>>
      tpu.enqueue_dma source(%dma_start3A_164 : memref<1x64xf32, #tpu.memory_space<hbm>>) target(%dma_start3A_162 : memref<1x64xf32, #tpu.memory_space<vmem>>) target_semaphore(%arg20 : memref<!tpu.dma_semaphore, #tpu.memory_space<semaphore_mem>>)
      %slice3A_165 = vector.extract_strided_slice %get3A_139 {offsets = [2], sizes = [1], strides = [1]} : vector<16xi32> to vector<1xi32>
      %squeeze3A_166 = vector.extract %slice3A_165[0] : i32 from vector<1xi32>
      %mul3A_167 = arith.constant 16 : i32
      %mul3A_168 = arith.muli %scan3A_133, %mul3A_167 : i32
      %add3A_169 = arith.constant 2 : i32
      %add3A_170 = arith.addi %mul3A_168, %add3A_169 : i32
      %dma_start3A_171 = arith.constant 0 : i32
      %dma_start3A_172 = tpu.memref_slice %arg18[%add3A_170, %dma_start3A_171] : memref<256x64xf32, #tpu.memory_space<vmem>> -> memref<1x64xf32, #tpu.memory_space<vmem>>
      %dma_start3A_173 = arith.constant 0 : i32
      %dma_start3A_174 = tpu.memref_slice %arg2[%squeeze3A_166, %dma_start3A_173] : memref<1000000x64xf32, #tpu.memory_space<hbm>> -> memref<1x64xf32, #tpu.memory_space<hbm>>
      %dma_start3A_175 = arith.constant 0 : i32
      %dma_start3A_176 = tpu.memref_slice %arg18[%add3A_170, %dma_start3A_175] : memref<256x64xf32, #tpu.memory_space<vmem>> -> memref<1x64xf32, #tpu.memory_space<vmem>>
      %dma_start3A_177 = arith.constant 0 : i32
      %dma_start3A_178 = tpu.memref_slice %arg2[%squeeze3A_166, %dma_start3A_177] : memref<1000000x64xf32, #tpu.memory_space<hbm>> -> memref<1x64xf32, #tpu.memory_space<hbm>>
      tpu.enqueue_dma source(%dma_start3A_178 : memref<1x64xf32, #tpu.memory_space<hbm>>) target(%dma_start3A_176 : memref<1x64xf32, #tpu.memory_space<vmem>>) target_semaphore(%arg20 : memref<!tpu.dma_semaphore, #tpu.memory_space<semaphore_mem>>)
      %slice3A_179 = vector.extract_strided_slice %get3A_139 {offsets = [3], sizes = [1], strides = [1]} : vector<16xi32> to vector<1xi32>
      %squeeze3A_180 = vector.extract %slice3A_179[0] : i32 from vector<1xi32>
      %mul3A_181 = arith.constant 16 : i32
      %mul3A_182 = arith.muli %scan3A_133, %mul3A_181 : i32
      %add3A_183 = arith.constant 3 : i32
      %add3A_184 = arith.addi %mul3A_182, %add3A_183 : i32
      %dma_start3A_185 = arith.constant 0 : i32
      %dma_start3A_186 = tpu.memref_slice %arg18[%add3A_184, %dma_start3A_185] : memref<256x64xf32, #tpu.memory_space<vmem>> -> memref<1x64xf32, #tpu.memory_space<vmem>>
      %dma_start3A_187 = arith.constant 0 : i32
      %dma_start3A_188 = tpu.memref_slice %arg2[%squeeze3A_180, %dma_start3A_187] : memref<1000000x64xf32, #tpu.memory_space<hbm>> -> memref<1x64xf32, #tpu.memory_space<hbm>>
      %dma_start3A_189 = arith.constant 0 : i32
      %dma_start3A_190 = tpu.memref_slice %arg18[%add3A_184, %dma_start3A_189] : memref<256x64xf32, #tpu.memory_space<vmem>> -> memref<1x64xf32, #tpu.memory_space<vmem>>
      %dma_start3A_191 = arith.constant 0 : i32
      %dma_start3A_192 = tpu.memref_slice %arg2[%squeeze3A_180, %dma_start3A_191] : memref<1000000x64xf32, #tpu.memory_space<hbm>> -> memref<1x64xf32, #tpu.memory_space<hbm>>
      tpu.enqueue_dma source(%dma_start3A_192 : memref<1x64xf32, #tpu.memory_space<hbm>>) target(%dma_start3A_190 : memref<1x64xf32, #tpu.memory_space<vmem>>) target_semaphore(%arg20 : memref<!tpu.dma_semaphore, #tpu.memory_space<semaphore_mem>>)
      %slice3A_193 = vector.extract_strided_slice %get3A_139 {offsets = [4], sizes = [1], strides = [1]} : vector<16xi32> to vector<1xi32>
      %squeeze3A_194 = vector.extract %slice3A_193[0] : i32 from vector<1xi32>
      %mul3A_195 = arith.constant 16 : i32
      %mul3A_196 = arith.muli %scan3A_133, %mul3A_195 : i32
      %add3A_197 = arith.constant 4 : i32
      %add3A_198 = arith.addi %mul3A_196, %add3A_197 : i32
      %dma_start3A_199 = arith.constant 0 : i32
      %dma_start3A_200 = tpu.memref_slice %arg18[%add3A_198, %dma_start3A_199] : memref<256x64xf32, #tpu.memory_space<vmem>> -> memref<1x64xf32, #tpu.memory_space<vmem>>
      %dma_start3A_201 = arith.constant 0 : i32
      %dma_start3A_202 = tpu.memref_slice %arg2[%squeeze3A_194, %dma_start3A_201] : memref<1000000x64xf32, #tpu.memory_space<hbm>> -> memref<1x64xf32, #tpu.memory_space<hbm>>
      %dma_start3A_203 = arith.constant 0 : i32
      %dma_start3A_204 = tpu.memref_slice %arg18[%add3A_198, %dma_start3A_203] : memref<256x64xf32, #tpu.memory_space<vmem>> -> memref<1x64xf32, #tpu.memory_space<vmem>>
      %dma_start3A_205 = arith.constant 0 : i32
      %dma_start3A_206 = tpu.memref_slice %arg2[%squeeze3A_194, %dma_start3A_205] : memref<1000000x64xf32, #tpu.memory_space<hbm>> -> memref<1x64xf32, #tpu.memory_space<hbm>>
      tpu.enqueue_dma source(%dma_start3A_206 : memref<1x64xf32, #tpu.memory_space<hbm>>) target(%dma_start3A_204 : memref<1x64xf32, #tpu.memory_space<vmem>>) target_semaphore(%arg20 : memref<!tpu.dma_semaphore, #tpu.memory_space<semaphore_mem>>)
      %slice3A_207 = vector.extract_strided_slice %get3A_139 {offsets = [5], sizes = [1], strides = [1]} : vector<16xi32> to vector<1xi32>
      %squeeze3A_208 = vector.extract %slice3A_207[0] : i32 from vector<1xi32>
      %mul3A_209 = arith.constant 16 : i32
      %mul3A_210 = arith.muli %scan3A_133, %mul3A_209 : i32
      %add3A_211 = arith.constant 5 : i32
      %add3A_212 = arith.addi %mul3A_210, %add3A_211 : i32
      %dma_start3A_213 = arith.constant 0 : i32
      %dma_start3A_214 = tpu.memref_slice %arg18[%add3A_212, %dma_start3A_213] : memref<256x64xf32, #tpu.memory_space<vmem>> -> memref<1x64xf32, #tpu.memory_space<vmem>>
      %dma_start3A_215 = arith.constant 0 : i32
      %dma_start3A_216 = tpu.memref_slice %arg2[%squeeze3A_208, %dma_start3A_215] : memref<1000000x64xf32, #tpu.memory_space<hbm>> -> memref<1x64xf32, #tpu.memory_space<hbm>>
      %dma_start3A_217 = arith.constant 0 : i32
      %dma_start3A_218 = tpu.memref_slice %arg18[%add3A_212, %dma_start3A_217] : memref<256x64xf32, #tpu.memory_space<vmem>> -> memref<1x64xf32, #tpu.memory_space<vmem>>
      %dma_start3A_219 = arith.constant 0 : i32
      %dma_start3A_220 = tpu.memref_slice %arg2[%squeeze3A_208, %dma_start3A_219] : memref<1000000x64xf32, #tpu.memory_space<hbm>> -> memref<1x64xf32, #tpu.memory_space<hbm>>
      tpu.enqueue_dma source(%dma_start3A_220 : memref<1x64xf32, #tpu.memory_space<hbm>>) target(%dma_start3A_218 : memref<1x64xf32, #tpu.memory_space<vmem>>) target_semaphore(%arg20 : memref<!tpu.dma_semaphore, #tpu.memory_space<semaphore_mem>>)
      %slice3A_221 = vector.extract_strided_slice %get3A_139 {offsets = [6], sizes = [1], strides = [1]} : vector<16xi32> to vector<1xi32>
      %squeeze3A_222 = vector.extract %slice3A_221[0] : i32 from vector<1xi32>
      %mul3A_223 = arith.constant 16 : i32
      %mul3A_224 = arith.muli %scan3A_133, %mul3A_223 : i32
      %add3A_225 = arith.constant 6 : i32
      %add3A_226 = arith.addi %mul3A_224, %add3A_225 : i32
      %dma_start3A_227 = arith.constant 0 : i32
      %dma_start3A_228 = tpu.memref_slice %arg18[%add3A_226, %dma_start3A_227] : memref<256x64xf32, #tpu.memory_space<vmem>> -> memref<1x64xf32, #tpu.memory_space<vmem>>
      %dma_start3A_229 = arith.constant 0 : i32
      %dma_start3A_230 = tpu.memref_slice %arg2[%squeeze3A_222, %dma_start3A_229] : memref<1000000x64xf32, #tpu.memory_space<hbm>> -> memref<1x64xf32, #tpu.memory_space<hbm>>
      %dma_start3A_231 = arith.constant 0 : i32
      %dma_start3A_232 = tpu.memref_slice %arg18[%add3A_226, %dma_start3A_231] : memref<256x64xf32, #tpu.memory_space<vmem>> -> memref<1x64xf32, #tpu.memory_space<vmem>>
      %dma_start3A_233 = arith.constant 0 : i32
      %dma_start3A_234 = tpu.memref_slice %arg2[%squeeze3A_222, %dma_start3A_233] : memref<1000000x64xf32, #tpu.memory_space<hbm>> -> memref<1x64xf32, #tpu.memory_space<hbm>>
      tpu.enqueue_dma source(%dma_start3A_234 : memref<1x64xf32, #tpu.memory_space<hbm>>) target(%dma_start3A_232 : memref<1x64xf32, #tpu.memory_space<vmem>>) target_semaphore(%arg20 : memref<!tpu.dma_semaphore, #tpu.memory_space<semaphore_mem>>)
      %slice3A_235 = vector.extract_strided_slice %get3A_139 {offsets = [7], sizes = [1], strides = [1]} : vector<16xi32> to vector<1xi32>
      %squeeze3A_236 = vector.extract %slice3A_235[0] : i32 from vector<1xi32>
      %mul3A_237 = arith.constant 16 : i32
      %mul3A_238 = arith.muli %scan3A_133, %mul3A_237 : i32
      %add3A_239 = arith.constant 7 : i32
      %add3A_240 = arith.addi %mul3A_238, %add3A_239 : i32
      %dma_start3A_241 = arith.constant 0 : i32
      %dma_start3A_242 = tpu.memref_slice %arg18[%add3A_240, %dma_start3A_241] : memref<256x64xf32, #tpu.memory_space<vmem>> -> memref<1x64xf32, #tpu.memory_space<vmem>>
      %dma_start3A_243 = arith.constant 0 : i32
      %dma_start3A_244 = tpu.memref_slice %arg2[%squeeze3A_236, %dma_start3A_243] : memref<1000000x64xf32, #tpu.memory_space<hbm>> -> memref<1x64xf32, #tpu.memory_space<hbm>>
      %dma_start3A_245 = arith.constant 0 : i32
      %dma_start3A_246 = tpu.memref_slice %arg18[%add3A_240, %dma_start3A_245] : memref<256x64xf32, #tpu.memory_space<vmem>> -> memref<1x64xf32, #tpu.memory_space<vmem>>
      %dma_start3A_247 = arith.constant 0 : i32
      %dma_start3A_248 = tpu.memref_slice %arg2[%squeeze3A_236, %dma_start3A_247] : memref<1000000x64xf32, #tpu.memory_space<hbm>> -> memref<1x64xf32, #tpu.memory_space<hbm>>
      tpu.enqueue_dma source(%dma_start3A_248 : memref<1x64xf32, #tpu.memory_space<hbm>>) target(%dma_start3A_246 : memref<1x64xf32, #tpu.memory_space<vmem>>) target_semaphore(%arg20 : memref<!tpu.dma_semaphore, #tpu.memory_space<semaphore_mem>>)
      %slice3A_249 = vector.extract_strided_slice %get3A_139 {offsets = [8], sizes = [1], strides = [1]} : vector<16xi32> to vector<1xi32>
      %squeeze3A_250 = vector.extract %slice3A_249[0] : i32 from vector<1xi32>
      %mul3A_251 = arith.constant 16 : i32
      %mul3A_252 = arith.muli %scan3A_133, %mul3A_251 : i32
      %add3A_253 = arith.constant 8 : i32
      %add3A_254 = arith.addi %mul3A_252, %add3A_253 : i32
      %dma_start3A_255 = arith.constant 0 : i32
      %dma_start3A_256 = tpu.memref_slice %arg18[%add3A_254, %dma_start3A_255] : memref<256x64xf32, #tpu.memory_space<vmem>> -> memref<1x64xf32, #tpu.memory_space<vmem>>
      %dma_start3A_257 = arith.constant 0 : i32
      %dma_start3A_258 = tpu.memref_slice %arg2[%squeeze3A_250, %dma_start3A_257] : memref<1000000x64xf32, #tpu.memory_space<hbm>> -> memref<1x64xf32, #tpu.memory_space<hbm>>
      %dma_start3A_259 = arith.constant 0 : i32
      %dma_start3A_260 = tpu.memref_slice %arg18[%add3A_254, %dma_start3A_259] : memref<256x64xf32, #tpu.memory_space<vmem>> -> memref<1x64xf32, #tpu.memory_space<vmem>>
      %dma_start3A_261 = arith.constant 0 : i32
      %dma_start3A_262 = tpu.memref_slice %arg2[%squeeze3A_250, %dma_start3A_261] : memref<1000000x64xf32, #tpu.memory_space<hbm>> -> memref<1x64xf32, #tpu.memory_space<hbm>>
      tpu.enqueue_dma source(%dma_start3A_262 : memref<1x64xf32, #tpu.memory_space<hbm>>) target(%dma_start3A_260 : memref<1x64xf32, #tpu.memory_space<vmem>>) target_semaphore(%arg20 : memref<!tpu.dma_semaphore, #tpu.memory_space<semaphore_mem>>)
      %slice3A_263 = vector.extract_strided_slice %get3A_139 {offsets = [9], sizes = [1], strides = [1]} : vector<16xi32> to vector<1xi32>
      %squeeze3A_264 = vector.extract %slice3A_263[0] : i32 from vector<1xi32>
      %mul3A_265 = arith.constant 16 : i32
      %mul3A_266 = arith.muli %scan3A_133, %mul3A_265 : i32
      %add3A_267 = arith.constant 9 : i32
      %add3A_268 = arith.addi %mul3A_266, %add3A_267 : i32
      %dma_start3A_269 = arith.constant 0 : i32
      %dma_start3A_270 = tpu.memref_slice %arg18[%add3A_268, %dma_start3A_269] : memref<256x64xf32, #tpu.memory_space<vmem>> -> memref<1x64xf32, #tpu.memory_space<vmem>>
      %dma_start3A_271 = arith.constant 0 : i32
      %dma_start3A_272 = tpu.memref_slice %arg2[%squeeze3A_264, %dma_start3A_271] : memref<1000000x64xf32, #tpu.memory_space<hbm>> -> memref<1x64xf32, #tpu.memory_space<hbm>>
      %dma_start3A_273 = arith.constant 0 : i32
      %dma_start3A_274 = tpu.memref_slice %arg18[%add3A_268, %dma_start3A_273] : memref<256x64xf32, #tpu.memory_space<vmem>> -> memref<1x64xf32, #tpu.memory_space<vmem>>
      %dma_start3A_275 = arith.constant 0 : i32
      %dma_start3A_276 = tpu.memref_slice %arg2[%squeeze3A_264, %dma_start3A_275] : memref<1000000x64xf32, #tpu.memory_space<hbm>> -> memref<1x64xf32, #tpu.memory_space<hbm>>
      tpu.enqueue_dma source(%dma_start3A_276 : memref<1x64xf32, #tpu.memory_space<hbm>>) target(%dma_start3A_274 : memref<1x64xf32, #tpu.memory_space<vmem>>) target_semaphore(%arg20 : memref<!tpu.dma_semaphore, #tpu.memory_space<semaphore_mem>>)
      %slice3A_277 = vector.extract_strided_slice %get3A_139 {offsets = [10], sizes = [1], strides = [1]} : vector<16xi32> to vector<1xi32>
      %squeeze3A_278 = vector.extract %slice3A_277[0] : i32 from vector<1xi32>
      %mul3A_279 = arith.constant 16 : i32
      %mul3A_280 = arith.muli %scan3A_133, %mul3A_279 : i32
      %add3A_281 = arith.constant 10 : i32
      %add3A_282 = arith.addi %mul3A_280, %add3A_281 : i32
      %dma_start3A_283 = arith.constant 0 : i32
      %dma_start3A_284 = tpu.memref_slice %arg18[%add3A_282, %dma_start3A_283] : memref<256x64xf32, #tpu.memory_space<vmem>> -> memref<1x64xf32, #tpu.memory_space<vmem>>
      %dma_start3A_285 = arith.constant 0 : i32
      %dma_start3A_286 = tpu.memref_slice %arg2[%squeeze3A_278, %dma_start3A_285] : memref<1000000x64xf32, #tpu.memory_space<hbm>> -> memref<1x64xf32, #tpu.memory_space<hbm>>
      %dma_start3A_287 = arith.constant 0 : i32
      %dma_start3A_288 = tpu.memref_slice %arg18[%add3A_282, %dma_start3A_287] : memref<256x64xf32, #tpu.memory_space<vmem>> -> memref<1x64xf32, #tpu.memory_space<vmem>>
      %dma_start3A_289 = arith.constant 0 : i32
      %dma_start3A_290 = tpu.memref_slice %arg2[%squeeze3A_278, %dma_start3A_289] : memref<1000000x64xf32, #tpu.memory_space<hbm>> -> memref<1x64xf32, #tpu.memory_space<hbm>>
      tpu.enqueue_dma source(%dma_start3A_290 : memref<1x64xf32, #tpu.memory_space<hbm>>) target(%dma_start3A_288 : memref<1x64xf32, #tpu.memory_space<vmem>>) target_semaphore(%arg20 : memref<!tpu.dma_semaphore, #tpu.memory_space<semaphore_mem>>)
      %slice3A_291 = vector.extract_strided_slice %get3A_139 {offsets = [11], sizes = [1], strides = [1]} : vector<16xi32> to vector<1xi32>
      %squeeze3A_292 = vector.extract %slice3A_291[0] : i32 from vector<1xi32>
      %mul3A_293 = arith.constant 16 : i32
      %mul3A_294 = arith.muli %scan3A_133, %mul3A_293 : i32
      %add3A_295 = arith.constant 11 : i32
      %add3A_296 = arith.addi %mul3A_294, %add3A_295 : i32
      %dma_start3A_297 = arith.constant 0 : i32
      %dma_start3A_298 = tpu.memref_slice %arg18[%add3A_296, %dma_start3A_297] : memref<256x64xf32, #tpu.memory_space<vmem>> -> memref<1x64xf32, #tpu.memory_space<vmem>>
      %dma_start3A_299 = arith.constant 0 : i32
      %dma_start3A_300 = tpu.memref_slice %arg2[%squeeze3A_292, %dma_start3A_299] : memref<1000000x64xf32, #tpu.memory_space<hbm>> -> memref<1x64xf32, #tpu.memory_space<hbm>>
      %dma_start3A_301 = arith.constant 0 : i32
      %dma_start3A_302 = tpu.memref_slice %arg18[%add3A_296, %dma_start3A_301] : memref<256x64xf32, #tpu.memory_space<vmem>> -> memref<1x64xf32, #tpu.memory_space<vmem>>
      %dma_start3A_303 = arith.constant 0 : i32
      %dma_start3A_304 = tpu.memref_slice %arg2[%squeeze3A_292, %dma_start3A_303] : memref<1000000x64xf32, #tpu.memory_space<hbm>> -> memref<1x64xf32, #tpu.memory_space<hbm>>
      tpu.enqueue_dma source(%dma_start3A_304 : memref<1x64xf32, #tpu.memory_space<hbm>>) target(%dma_start3A_302 : memref<1x64xf32, #tpu.memory_space<vmem>>) target_semaphore(%arg20 : memref<!tpu.dma_semaphore, #tpu.memory_space<semaphore_mem>>)
      %slice3A_305 = vector.extract_strided_slice %get3A_139 {offsets = [12], sizes = [1], strides = [1]} : vector<16xi32> to vector<1xi32>
      %squeeze3A_306 = vector.extract %slice3A_305[0] : i32 from vector<1xi32>
      %mul3A_307 = arith.constant 16 : i32
      %mul3A_308 = arith.muli %scan3A_133, %mul3A_307 : i32
      %add3A_309 = arith.constant 12 : i32
      %add3A_310 = arith.addi %mul3A_308, %add3A_309 : i32
      %dma_start3A_311 = arith.constant 0 : i32
      %dma_start3A_312 = tpu.memref_slice %arg18[%add3A_310, %dma_start3A_311] : memref<256x64xf32, #tpu.memory_space<vmem>> -> memref<1x64xf32, #tpu.memory_space<vmem>>
      %dma_start3A_313 = arith.constant 0 : i32
      %dma_start3A_314 = tpu.memref_slice %arg2[%squeeze3A_306, %dma_start3A_313] : memref<1000000x64xf32, #tpu.memory_space<hbm>> -> memref<1x64xf32, #tpu.memory_space<hbm>>
      %dma_start3A_315 = arith.constant 0 : i32
      %dma_start3A_316 = tpu.memref_slice %arg18[%add3A_310, %dma_start3A_315] : memref<256x64xf32, #tpu.memory_space<vmem>> -> memref<1x64xf32, #tpu.memory_space<vmem>>
      %dma_start3A_317 = arith.constant 0 : i32
      %dma_start3A_318 = tpu.memref_slice %arg2[%squeeze3A_306, %dma_start3A_317] : memref<1000000x64xf32, #tpu.memory_space<hbm>> -> memref<1x64xf32, #tpu.memory_space<hbm>>
      tpu.enqueue_dma source(%dma_start3A_318 : memref<1x64xf32, #tpu.memory_space<hbm>>) target(%dma_start3A_316 : memref<1x64xf32, #tpu.memory_space<vmem>>) target_semaphore(%arg20 : memref<!tpu.dma_semaphore, #tpu.memory_space<semaphore_mem>>)
      %slice3A_319 = vector.extract_strided_slice %get3A_139 {offsets = [13], sizes = [1], strides = [1]} : vector<16xi32> to vector<1xi32>
      %squeeze3A_320 = vector.extract %slice3A_319[0] : i32 from vector<1xi32>
      %mul3A_321 = arith.constant 16 : i32
      %mul3A_322 = arith.muli %scan3A_133, %mul3A_321 : i32
      %add3A_323 = arith.constant 13 : i32
      %add3A_324 = arith.addi %mul3A_322, %add3A_323 : i32
      %dma_start3A_325 = arith.constant 0 : i32
      %dma_start3A_326 = tpu.memref_slice %arg18[%add3A_324, %dma_start3A_325] : memref<256x64xf32, #tpu.memory_space<vmem>> -> memref<1x64xf32, #tpu.memory_space<vmem>>
      %dma_start3A_327 = arith.constant 0 : i32
      %dma_start3A_328 = tpu.memref_slice %arg2[%squeeze3A_320, %dma_start3A_327] : memref<1000000x64xf32, #tpu.memory_space<hbm>> -> memref<1x64xf32, #tpu.memory_space<hbm>>
      %dma_start3A_329 = arith.constant 0 : i32
      %dma_start3A_330 = tpu.memref_slice %arg18[%add3A_324, %dma_start3A_329] : memref<256x64xf32, #tpu.memory_space<vmem>> -> memref<1x64xf32, #tpu.memory_space<vmem>>
      %dma_start3A_331 = arith.constant 0 : i32
      %dma_start3A_332 = tpu.memref_slice %arg2[%squeeze3A_320, %dma_start3A_331] : memref<1000000x64xf32, #tpu.memory_space<hbm>> -> memref<1x64xf32, #tpu.memory_space<hbm>>
      tpu.enqueue_dma source(%dma_start3A_332 : memref<1x64xf32, #tpu.memory_space<hbm>>) target(%dma_start3A_330 : memref<1x64xf32, #tpu.memory_space<vmem>>) target_semaphore(%arg20 : memref<!tpu.dma_semaphore, #tpu.memory_space<semaphore_mem>>)
      %slice3A_333 = vector.extract_strided_slice %get3A_139 {offsets = [14], sizes = [1], strides = [1]} : vector<16xi32> to vector<1xi32>
      %squeeze3A_334 = vector.extract %slice3A_333[0] : i32 from vector<1xi32>
      %mul3A_335 = arith.constant 16 : i32
      %mul3A_336 = arith.muli %scan3A_133, %mul3A_335 : i32
      %add3A_337 = arith.constant 14 : i32
      %add3A_338 = arith.addi %mul3A_336, %add3A_337 : i32
      %dma_start3A_339 = arith.constant 0 : i32
      %dma_start3A_340 = tpu.memref_slice %arg18[%add3A_338, %dma_start3A_339] : memref<256x64xf32, #tpu.memory_space<vmem>> -> memref<1x64xf32, #tpu.memory_space<vmem>>
      %dma_start3A_341 = arith.constant 0 : i32
      %dma_start3A_342 = tpu.memref_slice %arg2[%squeeze3A_334, %dma_start3A_341] : memref<1000000x64xf32, #tpu.memory_space<hbm>> -> memref<1x64xf32, #tpu.memory_space<hbm>>
      %dma_start3A_343 = arith.constant 0 : i32
      %dma_start3A_344 = tpu.memref_slice %arg18[%add3A_338, %dma_start3A_343] : memref<256x64xf32, #tpu.memory_space<vmem>> -> memref<1x64xf32, #tpu.memory_space<vmem>>
      %dma_start3A_345 = arith.constant 0 : i32
      %dma_start3A_346 = tpu.memref_slice %arg2[%squeeze3A_334, %dma_start3A_345] : memref<1000000x64xf32, #tpu.memory_space<hbm>> -> memref<1x64xf32, #tpu.memory_space<hbm>>
      tpu.enqueue_dma source(%dma_start3A_346 : memref<1x64xf32, #tpu.memory_space<hbm>>) target(%dma_start3A_344 : memref<1x64xf32, #tpu.memory_space<vmem>>) target_semaphore(%arg20 : memref<!tpu.dma_semaphore, #tpu.memory_space<semaphore_mem>>)
      %slice3A_347 = vector.extract_strided_slice %get3A_139 {offsets = [15], sizes = [1], strides = [1]} : vector<16xi32> to vector<1xi32>
      %squeeze3A_348 = vector.extract %slice3A_347[0] : i32 from vector<1xi32>
      %mul3A_349 = arith.constant 16 : i32
      %mul3A_350 = arith.muli %scan3A_133, %mul3A_349 : i32
      %add3A_351 = arith.constant 15 : i32
      %add3A_352 = arith.addi %mul3A_350, %add3A_351 : i32
      %dma_start3A_353 = arith.constant 0 : i32
      %dma_start3A_354 = tpu.memref_slice %arg18[%add3A_352, %dma_start3A_353] : memref<256x64xf32, #tpu.memory_space<vmem>> -> memref<1x64xf32, #tpu.memory_space<vmem>>
      %dma_start3A_355 = arith.constant 0 : i32
      %dma_start3A_356 = tpu.memref_slice %arg2[%squeeze3A_348, %dma_start3A_355] : memref<1000000x64xf32, #tpu.memory_space<hbm>> -> memref<1x64xf32, #tpu.memory_space<hbm>>
      %dma_start3A_357 = arith.constant 0 : i32
      %dma_start3A_358 = tpu.memref_slice %arg18[%add3A_352, %dma_start3A_357] : memref<256x64xf32, #tpu.memory_space<vmem>> -> memref<1x64xf32, #tpu.memory_space<vmem>>
      %dma_start3A_359 = arith.constant 0 : i32
      %dma_start3A_360 = tpu.memref_slice %arg2[%squeeze3A_348, %dma_start3A_359] : memref<1000000x64xf32, #tpu.memory_space<hbm>> -> memref<1x64xf32, #tpu.memory_space<hbm>>
      tpu.enqueue_dma source(%dma_start3A_360 : memref<1x64xf32, #tpu.memory_space<hbm>>) target(%dma_start3A_358 : memref<1x64xf32, #tpu.memory_space<vmem>>) target_semaphore(%arg20 : memref<!tpu.dma_semaphore, #tpu.memory_space<semaphore_mem>>)
    }
    %scan3A_54 = arith.constant 16 : i32
    %add3A_55 = arith.constant 0 : i32
    %add3A_56 = arith.addi %mul3A_2, %add3A_55 : i32
    %dma_wait3A_57 = arith.constant 0 : i32
    %dma_wait3A_58 = tpu.memref_slice %arg12[%add3A_56, %dma_wait3A_57] : memref<16384x64xf32, #tpu.memory_space<hbm>> -> memref<256x64xf32, #tpu.memory_space<hbm>>
    %dma_wait3A_59 = arith.constant 0 : i32
    %dma_wait3A_60 = tpu.memref_slice %arg12[%add3A_56, %dma_wait3A_59] : memref<16384x64xf32, #tpu.memory_space<hbm>> -> memref<256x64xf32, #tpu.memory_space<hbm>>
    tpu.wait_dma2 semaphore(%arg19 : memref<!tpu.dma_semaphore, #tpu.memory_space<semaphore_mem>>) src(%dma_wait3A_60 : memref<256x64xf32, #tpu.memory_space<hbm>>) dst(%arg17 : memref<256x64xf32, #tpu.memory_space<vmem>>)
    "tpu.region"() ({
      %run_scoped3A = tpu.sem_alloc : memref<!tpu.dma_semaphore, #tpu.memory_space<semaphore_mem>>
      %dma_start3A = arith.constant 0 : i32
      %dma_start3A_133 = tpu.memref_slice %arg12[%add3A_56, %dma_start3A] : memref<16384x64xf32, #tpu.memory_space<hbm>> -> memref<256x64xf32, #tpu.memory_space<hbm>>
      %dma_start3A_134 = arith.constant 0 : i32
      %dma_start3A_135 = tpu.memref_slice %arg12[%add3A_56, %dma_start3A_134] : memref<16384x64xf32, #tpu.memory_space<hbm>> -> memref<256x64xf32, #tpu.memory_space<hbm>>
      tpu.enqueue_dma source(%arg17 : memref<256x64xf32, #tpu.memory_space<vmem>>) target(%dma_start3A_135 : memref<256x64xf32, #tpu.memory_space<hbm>>) target_semaphore(%run_scoped3A : memref<!tpu.dma_semaphore, #tpu.memory_space<semaphore_mem>>)
      %dma_wait3A_136 = arith.constant 0 : i32
      %dma_wait3A_137 = tpu.memref_slice %arg12[%add3A_56, %dma_wait3A_136] : memref<16384x64xf32, #tpu.memory_space<hbm>> -> memref<256x64xf32, #tpu.memory_space<hbm>>
      %dma_wait3A_138 = arith.constant 0 : i32
      %dma_wait3A_139 = tpu.memref_slice %arg12[%add3A_56, %dma_wait3A_138] : memref<16384x64xf32, #tpu.memory_space<hbm>> -> memref<256x64xf32, #tpu.memory_space<hbm>>
      tpu.wait_dma2 semaphore(%run_scoped3A : memref<!tpu.dma_semaphore, #tpu.memory_space<semaphore_mem>>) src(%arg17 : memref<256x64xf32, #tpu.memory_space<vmem>>) dst(%dma_wait3A_139 : memref<256x64xf32, #tpu.memory_space<hbm>>)
      tpu.yield
    }) : () -> ()
    "tpu.region"() ({
      %run_scoped3A = tpu.sem_alloc : memref<!tpu.dma_semaphore, #tpu.memory_space<semaphore_mem>>
      %dma_start3A = tpu.memref_slice %arg7[%mul3A_2] : memref<16384xi32, #tpu.memory_space<hbm>> -> memref<512xi32, #tpu.memory_space<hbm>>
      %dma_start3A_133 = tpu.memref_slice %arg7[%mul3A_2] : memref<16384xi32, #tpu.memory_space<hbm>> -> memref<512xi32, #tpu.memory_space<hbm>>
      tpu.enqueue_dma source(%dma_start3A_133 : memref<512xi32, #tpu.memory_space<hbm>>) target(%arg16 : memref<512xi32, #tpu.memory_space<vmem>>) target_semaphore(%run_scoped3A : memref<!tpu.dma_semaphore, #tpu.memory_space<semaphore_mem>>)
      %dma_wait3A_134 = tpu.memref_slice %arg7[%mul3A_2] : memref<16384xi32, #tpu.memory_space<hbm>> -> memref<512xi32, #tpu.memory_space<hbm>>
      %dma_wait3A_135 = tpu.memref_slice %arg7[%mul3A_2] : memref<16384xi32, #tpu.memory_space<hbm>> -> memref<512xi32, #tpu.memory_space<hbm>>
      tpu.wait_dma2 semaphore(%run_scoped3A : memref<!tpu.dma_semaphore, #tpu.memory_space<semaphore_mem>>) src(%dma_wait3A_135 : memref<512xi32, #tpu.memory_space<hbm>>) dst(%arg16 : memref<512xi32, #tpu.memory_space<vmem>>)
      tpu.yield
    }) : () -> ()
    %scan3A_61 = arith.constant 0 : i32
    %scan3A_62 = arith.constant 16 : i32
    %scan3A_63 = arith.addi %scan3A_61, %scan3A_62 : i32
    %scan3A_64 = arith.constant 1 : i32
    scf.for %scan3A_133 = %scan3A_61 to %scan3A_63 step %scan3A_64  : i32 {
      %mul3A_134 = arith.constant 16 : i32
      %mul3A_135 = arith.muli %scan3A_133, %mul3A_134 : i32
      %add3A_136 = arith.constant 0 : i32
      %add3A_137 = arith.addi %add3A_136, %mul3A_135 : i32
      %get3A = arith.index_cast %add3A_137 : i32 to index
      %get3A_138 = tpu.vector_load %arg16[%get3A] {strides = array<i32>} : memref<512xi32, #tpu.memory_space<vmem>>, vector<16xi32>,
      %get3A_139 = vector.shape_cast %get3A_138 : vector<16xi32> to vector<16xi32>
      %slice3A = vector.extract_strided_slice %get3A_139 {offsets = [0], sizes = [1], strides = [1]} : vector<16xi32> to vector<1xi32>
      %squeeze3A = vector.extract %slice3A[0] : i32 from vector<1xi32>
      %mul3A_140 = arith.constant 16 : i32
      %mul3A_141 = arith.muli %scan3A_133, %mul3A_140 : i32
      %add3A_142 = arith.constant 0 : i32
      %add3A_143 = arith.addi %mul3A_141, %add3A_142 : i32
      %dma_start3A = arith.constant 0 : i32
      %dma_start3A_144 = tpu.memref_slice %arg17[%add3A_143, %dma_start3A] : memref<256x64xf32, #tpu.memory_space<vmem>> -> memref<1x64xf32, #tpu.memory_space<vmem>>
      %dma_start3A_145 = arith.constant 0 : i32
      %dma_start3A_146 = tpu.memref_slice %arg2[%squeeze3A, %dma_start3A_145] : memref<1000000x64xf32, #tpu.memory_space<hbm>> -> memref<1x64xf32, #tpu.memory_space<hbm>>
      %dma_start3A_147 = arith.constant 0 : i32
      %dma_start3A_148 = tpu.memref_slice %arg17[%add3A_143, %dma_start3A_147] : memref<256x64xf32, #tpu.memory_space<vmem>> -> memref<1x64xf32, #tpu.memory_space<vmem>>
      %dma_start3A_149 = arith.constant 0 : i32
      %dma_start3A_150 = tpu.memref_slice %arg2[%squeeze3A, %dma_start3A_149] : memref<1000000x64xf32, #tpu.memory_space<hbm>> -> memref<1x64xf32, #tpu.memory_space<hbm>>
      tpu.enqueue_dma source(%dma_start3A_150 : memref<1x64xf32, #tpu.memory_space<hbm>>) target(%dma_start3A_148 : memref<1x64xf32, #tpu.memory_space<vmem>>) target_semaphore(%arg19 : memref<!tpu.dma_semaphore, #tpu.memory_space<semaphore_mem>>)
      %slice3A_151 = vector.extract_strided_slice %get3A_139 {offsets = [1], sizes = [1], strides = [1]} : vector<16xi32> to vector<1xi32>
      %squeeze3A_152 = vector.extract %slice3A_151[0] : i32 from vector<1xi32>
      %mul3A_153 = arith.constant 16 : i32
      %mul3A_154 = arith.muli %scan3A_133, %mul3A_153 : i32
      %add3A_155 = arith.constant 1 : i32
      %add3A_156 = arith.addi %mul3A_154, %add3A_155 : i32
      %dma_start3A_157 = arith.constant 0 : i32
      %dma_start3A_158 = tpu.memref_slice %arg17[%add3A_156, %dma_start3A_157] : memref<256x64xf32, #tpu.memory_space<vmem>> -> memref<1x64xf32, #tpu.memory_space<vmem>>
      %dma_start3A_159 = arith.constant 0 : i32
      %dma_start3A_160 = tpu.memref_slice %arg2[%squeeze3A_152, %dma_start3A_159] : memref<1000000x64xf32, #tpu.memory_space<hbm>> -> memref<1x64xf32, #tpu.memory_space<hbm>>
      %dma_start3A_161 = arith.constant 0 : i32
      %dma_start3A_162 = tpu.memref_slice %arg17[%add3A_156, %dma_start3A_161] : memref<256x64xf32, #tpu.memory_space<vmem>> -> memref<1x64xf32, #tpu.memory_space<vmem>>
      %dma_start3A_163 = arith.constant 0 : i32
      %dma_start3A_164 = tpu.memref_slice %arg2[%squeeze3A_152, %dma_start3A_163] : memref<1000000x64xf32, #tpu.memory_space<hbm>> -> memref<1x64xf32, #tpu.memory_space<hbm>>
      tpu.enqueue_dma source(%dma_start3A_164 : memref<1x64xf32, #tpu.memory_space<hbm>>) target(%dma_start3A_162 : memref<1x64xf32, #tpu.memory_space<vmem>>) target_semaphore(%arg19 : memref<!tpu.dma_semaphore, #tpu.memory_space<semaphore_mem>>)
      %slice3A_165 = vector.extract_strided_slice %get3A_139 {offsets = [2], sizes = [1], strides = [1]} : vector<16xi32> to vector<1xi32>
      %squeeze3A_166 = vector.extract %slice3A_165[0] : i32 from vector<1xi32>
      %mul3A_167 = arith.constant 16 : i32
      %mul3A_168 = arith.muli %scan3A_133, %mul3A_167 : i32
      %add3A_169 = arith.constant 2 : i32
      %add3A_170 = arith.addi %mul3A_168, %add3A_169 : i32
      %dma_start3A_171 = arith.constant 0 : i32
      %dma_start3A_172 = tpu.memref_slice %arg17[%add3A_170, %dma_start3A_171] : memref<256x64xf32, #tpu.memory_space<vmem>> -> memref<1x64xf32, #tpu.memory_space<vmem>>
      %dma_start3A_173 = arith.constant 0 : i32
      %dma_start3A_174 = tpu.memref_slice %arg2[%squeeze3A_166, %dma_start3A_173] : memref<1000000x64xf32, #tpu.memory_space<hbm>> -> memref<1x64xf32, #tpu.memory_space<hbm>>
      %dma_start3A_175 = arith.constant 0 : i32
      %dma_start3A_176 = tpu.memref_slice %arg17[%add3A_170, %dma_start3A_175] : memref<256x64xf32, #tpu.memory_space<vmem>> -> memref<1x64xf32, #tpu.memory_space<vmem>>
      %dma_start3A_177 = arith.constant 0 : i32
      %dma_start3A_178 = tpu.memref_slice %arg2[%squeeze3A_166, %dma_start3A_177] : memref<1000000x64xf32, #tpu.memory_space<hbm>> -> memref<1x64xf32, #tpu.memory_space<hbm>>
      tpu.enqueue_dma source(%dma_start3A_178 : memref<1x64xf32, #tpu.memory_space<hbm>>) target(%dma_start3A_176 : memref<1x64xf32, #tpu.memory_space<vmem>>) target_semaphore(%arg19 : memref<!tpu.dma_semaphore, #tpu.memory_space<semaphore_mem>>)
      %slice3A_179 = vector.extract_strided_slice %get3A_139 {offsets = [3], sizes = [1], strides = [1]} : vector<16xi32> to vector<1xi32>
      %squeeze3A_180 = vector.extract %slice3A_179[0] : i32 from vector<1xi32>
      %mul3A_181 = arith.constant 16 : i32
      %mul3A_182 = arith.muli %scan3A_133, %mul3A_181 : i32
      %add3A_183 = arith.constant 3 : i32
      %add3A_184 = arith.addi %mul3A_182, %add3A_183 : i32
      %dma_start3A_185 = arith.constant 0 : i32
      %dma_start3A_186 = tpu.memref_slice %arg17[%add3A_184, %dma_start3A_185] : memref<256x64xf32, #tpu.memory_space<vmem>> -> memref<1x64xf32, #tpu.memory_space<vmem>>
      %dma_start3A_187 = arith.constant 0 : i32
      %dma_start3A_188 = tpu.memref_slice %arg2[%squeeze3A_180, %dma_start3A_187] : memref<1000000x64xf32, #tpu.memory_space<hbm>> -> memref<1x64xf32, #tpu.memory_space<hbm>>
      %dma_start3A_189 = arith.constant 0 : i32
      %dma_start3A_190 = tpu.memref_slice %arg17[%add3A_184, %dma_start3A_189] : memref<256x64xf32, #tpu.memory_space<vmem>> -> memref<1x64xf32, #tpu.memory_space<vmem>>
      %dma_start3A_191 = arith.constant 0 : i32
      %dma_start3A_192 = tpu.memref_slice %arg2[%squeeze3A_180, %dma_start3A_191] : memref<1000000x64xf32, #tpu.memory_space<hbm>> -> memref<1x64xf32, #tpu.memory_space<hbm>>
      tpu.enqueue_dma source(%dma_start3A_192 : memref<1x64xf32, #tpu.memory_space<hbm>>) target(%dma_start3A_190 : memref<1x64xf32, #tpu.memory_space<vmem>>) target_semaphore(%arg19 : memref<!tpu.dma_semaphore, #tpu.memory_space<semaphore_mem>>)
      %slice3A_193 = vector.extract_strided_slice %get3A_139 {offsets = [4], sizes = [1], strides = [1]} : vector<16xi32> to vector<1xi32>
      %squeeze3A_194 = vector.extract %slice3A_193[0] : i32 from vector<1xi32>
      %mul3A_195 = arith.constant 16 : i32
      %mul3A_196 = arith.muli %scan3A_133, %mul3A_195 : i32
      %add3A_197 = arith.constant 4 : i32
      %add3A_198 = arith.addi %mul3A_196, %add3A_197 : i32
      %dma_start3A_199 = arith.constant 0 : i32
      %dma_start3A_200 = tpu.memref_slice %arg17[%add3A_198, %dma_start3A_199] : memref<256x64xf32, #tpu.memory_space<vmem>> -> memref<1x64xf32, #tpu.memory_space<vmem>>
      %dma_start3A_201 = arith.constant 0 : i32
      %dma_start3A_202 = tpu.memref_slice %arg2[%squeeze3A_194, %dma_start3A_201] : memref<1000000x64xf32, #tpu.memory_space<hbm>> -> memref<1x64xf32, #tpu.memory_space<hbm>>
      %dma_start3A_203 = arith.constant 0 : i32
      %dma_start3A_204 = tpu.memref_slice %arg17[%add3A_198, %dma_start3A_203] : memref<256x64xf32, #tpu.memory_space<vmem>> -> memref<1x64xf32, #tpu.memory_space<vmem>>
      %dma_start3A_205 = arith.constant 0 : i32
      %dma_start3A_206 = tpu.memref_slice %arg2[%squeeze3A_194, %dma_start3A_205] : memref<1000000x64xf32, #tpu.memory_space<hbm>> -> memref<1x64xf32, #tpu.memory_space<hbm>>
      tpu.enqueue_dma source(%dma_start3A_206 : memref<1x64xf32, #tpu.memory_space<hbm>>) target(%dma_start3A_204 : memref<1x64xf32, #tpu.memory_space<vmem>>) target_semaphore(%arg19 : memref<!tpu.dma_semaphore, #tpu.memory_space<semaphore_mem>>)
      %slice3A_207 = vector.extract_strided_slice %get3A_139 {offsets = [5], sizes = [1], strides = [1]} : vector<16xi32> to vector<1xi32>
      %squeeze3A_208 = vector.extract %slice3A_207[0] : i32 from vector<1xi32>
      %mul3A_209 = arith.constant 16 : i32
      %mul3A_210 = arith.muli %scan3A_133, %mul3A_209 : i32
      %add3A_211 = arith.constant 5 : i32
      %add3A_212 = arith.addi %mul3A_210, %add3A_211 : i32
      %dma_start3A_213 = arith.constant 0 : i32
      %dma_start3A_214 = tpu.memref_slice %arg17[%add3A_212, %dma_start3A_213] : memref<256x64xf32, #tpu.memory_space<vmem>> -> memref<1x64xf32, #tpu.memory_space<vmem>>
      %dma_start3A_215 = arith.constant 0 : i32
      %dma_start3A_216 = tpu.memref_slice %arg2[%squeeze3A_208, %dma_start3A_215] : memref<1000000x64xf32, #tpu.memory_space<hbm>> -> memref<1x64xf32, #tpu.memory_space<hbm>>
      %dma_start3A_217 = arith.constant 0 : i32
      %dma_start3A_218 = tpu.memref_slice %arg17[%add3A_212, %dma_start3A_217] : memref<256x64xf32, #tpu.memory_space<vmem>> -> memref<1x64xf32, #tpu.memory_space<vmem>>
      %dma_start3A_219 = arith.constant 0 : i32
      %dma_start3A_220 = tpu.memref_slice %arg2[%squeeze3A_208, %dma_start3A_219] : memref<1000000x64xf32, #tpu.memory_space<hbm>> -> memref<1x64xf32, #tpu.memory_space<hbm>>
      tpu.enqueue_dma source(%dma_start3A_220 : memref<1x64xf32, #tpu.memory_space<hbm>>) target(%dma_start3A_218 : memref<1x64xf32, #tpu.memory_space<vmem>>) target_semaphore(%arg19 : memref<!tpu.dma_semaphore, #tpu.memory_space<semaphore_mem>>)
      %slice3A_221 = vector.extract_strided_slice %get3A_139 {offsets = [6], sizes = [1], strides = [1]} : vector<16xi32> to vector<1xi32>
      %squeeze3A_222 = vector.extract %slice3A_221[0] : i32 from vector<1xi32>
      %mul3A_223 = arith.constant 16 : i32
      %mul3A_224 = arith.muli %scan3A_133, %mul3A_223 : i32
      %add3A_225 = arith.constant 6 : i32
      %add3A_226 = arith.addi %mul3A_224, %add3A_225 : i32
      %dma_start3A_227 = arith.constant 0 : i32
      %dma_start3A_228 = tpu.memref_slice %arg17[%add3A_226, %dma_start3A_227] : memref<256x64xf32, #tpu.memory_space<vmem>> -> memref<1x64xf32, #tpu.memory_space<vmem>>
      %dma_start3A_229 = arith.constant 0 : i32
      %dma_start3A_230 = tpu.memref_slice %arg2[%squeeze3A_222, %dma_start3A_229] : memref<1000000x64xf32, #tpu.memory_space<hbm>> -> memref<1x64xf32, #tpu.memory_space<hbm>>
      %dma_start3A_231 = arith.constant 0 : i32
      %dma_start3A_232 = tpu.memref_slice %arg17[%add3A_226, %dma_start3A_231] : memref<256x64xf32, #tpu.memory_space<vmem>> -> memref<1x64xf32, #tpu.memory_space<vmem>>
      %dma_start3A_233 = arith.constant 0 : i32
      %dma_start3A_234 = tpu.memref_slice %arg2[%squeeze3A_222, %dma_start3A_233] : memref<1000000x64xf32, #tpu.memory_space<hbm>> -> memref<1x64xf32, #tpu.memory_space<hbm>>
      tpu.enqueue_dma source(%dma_start3A_234 : memref<1x64xf32, #tpu.memory_space<hbm>>) target(%dma_start3A_232 : memref<1x64xf32, #tpu.memory_space<vmem>>) target_semaphore(%arg19 : memref<!tpu.dma_semaphore, #tpu.memory_space<semaphore_mem>>)
      %slice3A_235 = vector.extract_strided_slice %get3A_139 {offsets = [7], sizes = [1], strides = [1]} : vector<16xi32> to vector<1xi32>
      %squeeze3A_236 = vector.extract %slice3A_235[0] : i32 from vector<1xi32>
      %mul3A_237 = arith.constant 16 : i32
      %mul3A_238 = arith.muli %scan3A_133, %mul3A_237 : i32
      %add3A_239 = arith.constant 7 : i32
      %add3A_240 = arith.addi %mul3A_238, %add3A_239 : i32
      %dma_start3A_241 = arith.constant 0 : i32
      %dma_start3A_242 = tpu.memref_slice %arg17[%add3A_240, %dma_start3A_241] : memref<256x64xf32, #tpu.memory_space<vmem>> -> memref<1x64xf32, #tpu.memory_space<vmem>>
      %dma_start3A_243 = arith.constant 0 : i32
      %dma_start3A_244 = tpu.memref_slice %arg2[%squeeze3A_236, %dma_start3A_243] : memref<1000000x64xf32, #tpu.memory_space<hbm>> -> memref<1x64xf32, #tpu.memory_space<hbm>>
      %dma_start3A_245 = arith.constant 0 : i32
      %dma_start3A_246 = tpu.memref_slice %arg17[%add3A_240, %dma_start3A_245] : memref<256x64xf32, #tpu.memory_space<vmem>> -> memref<1x64xf32, #tpu.memory_space<vmem>>
      %dma_start3A_247 = arith.constant 0 : i32
      %dma_start3A_248 = tpu.memref_slice %arg2[%squeeze3A_236, %dma_start3A_247] : memref<1000000x64xf32, #tpu.memory_space<hbm>> -> memref<1x64xf32, #tpu.memory_space<hbm>>
      tpu.enqueue_dma source(%dma_start3A_248 : memref<1x64xf32, #tpu.memory_space<hbm>>) target(%dma_start3A_246 : memref<1x64xf32, #tpu.memory_space<vmem>>) target_semaphore(%arg19 : memref<!tpu.dma_semaphore, #tpu.memory_space<semaphore_mem>>)
      %slice3A_249 = vector.extract_strided_slice %get3A_139 {offsets = [8], sizes = [1], strides = [1]} : vector<16xi32> to vector<1xi32>
      %squeeze3A_250 = vector.extract %slice3A_249[0] : i32 from vector<1xi32>
      %mul3A_251 = arith.constant 16 : i32
      %mul3A_252 = arith.muli %scan3A_133, %mul3A_251 : i32
      %add3A_253 = arith.constant 8 : i32
      %add3A_254 = arith.addi %mul3A_252, %add3A_253 : i32
      %dma_start3A_255 = arith.constant 0 : i32
      %dma_start3A_256 = tpu.memref_slice %arg17[%add3A_254, %dma_start3A_255] : memref<256x64xf32, #tpu.memory_space<vmem>> -> memref<1x64xf32, #tpu.memory_space<vmem>>
      %dma_start3A_257 = arith.constant 0 : i32
      %dma_start3A_258 = tpu.memref_slice %arg2[%squeeze3A_250, %dma_start3A_257] : memref<1000000x64xf32, #tpu.memory_space<hbm>> -> memref<1x64xf32, #tpu.memory_space<hbm>>
      %dma_start3A_259 = arith.constant 0 : i32
      %dma_start3A_260 = tpu.memref_slice %arg17[%add3A_254, %dma_start3A_259] : memref<256x64xf32, #tpu.memory_space<vmem>> -> memref<1x64xf32, #tpu.memory_space<vmem>>
      %dma_start3A_261 = arith.constant 0 : i32
      %dma_start3A_262 = tpu.memref_slice %arg2[%squeeze3A_250, %dma_start3A_261] : memref<1000000x64xf32, #tpu.memory_space<hbm>> -> memref<1x64xf32, #tpu.memory_space<hbm>>
      tpu.enqueue_dma source(%dma_start3A_262 : memref<1x64xf32, #tpu.memory_space<hbm>>) target(%dma_start3A_260 : memref<1x64xf32, #tpu.memory_space<vmem>>) target_semaphore(%arg19 : memref<!tpu.dma_semaphore, #tpu.memory_space<semaphore_mem>>)
      %slice3A_263 = vector.extract_strided_slice %get3A_139 {offsets = [9], sizes = [1], strides = [1]} : vector<16xi32> to vector<1xi32>
      %squeeze3A_264 = vector.extract %slice3A_263[0] : i32 from vector<1xi32>
      %mul3A_265 = arith.constant 16 : i32
      %mul3A_266 = arith.muli %scan3A_133, %mul3A_265 : i32
      %add3A_267 = arith.constant 9 : i32
      %add3A_268 = arith.addi %mul3A_266, %add3A_267 : i32
      %dma_start3A_269 = arith.constant 0 : i32
      %dma_start3A_270 = tpu.memref_slice %arg17[%add3A_268, %dma_start3A_269] : memref<256x64xf32, #tpu.memory_space<vmem>> -> memref<1x64xf32, #tpu.memory_space<vmem>>
      %dma_start3A_271 = arith.constant 0 : i32
      %dma_start3A_272 = tpu.memref_slice %arg2[%squeeze3A_264, %dma_start3A_271] : memref<1000000x64xf32, #tpu.memory_space<hbm>> -> memref<1x64xf32, #tpu.memory_space<hbm>>
      %dma_start3A_273 = arith.constant 0 : i32
      %dma_start3A_274 = tpu.memref_slice %arg17[%add3A_268, %dma_start3A_273] : memref<256x64xf32, #tpu.memory_space<vmem>> -> memref<1x64xf32, #tpu.memory_space<vmem>>
      %dma_start3A_275 = arith.constant 0 : i32
      %dma_start3A_276 = tpu.memref_slice %arg2[%squeeze3A_264, %dma_start3A_275] : memref<1000000x64xf32, #tpu.memory_space<hbm>> -> memref<1x64xf32, #tpu.memory_space<hbm>>
      tpu.enqueue_dma source(%dma_start3A_276 : memref<1x64xf32, #tpu.memory_space<hbm>>) target(%dma_start3A_274 : memref<1x64xf32, #tpu.memory_space<vmem>>) target_semaphore(%arg19 : memref<!tpu.dma_semaphore, #tpu.memory_space<semaphore_mem>>)
      %slice3A_277 = vector.extract_strided_slice %get3A_139 {offsets = [10], sizes = [1], strides = [1]} : vector<16xi32> to vector<1xi32>
      %squeeze3A_278 = vector.extract %slice3A_277[0] : i32 from vector<1xi32>
      %mul3A_279 = arith.constant 16 : i32
      %mul3A_280 = arith.muli %scan3A_133, %mul3A_279 : i32
      %add3A_281 = arith.constant 10 : i32
      %add3A_282 = arith.addi %mul3A_280, %add3A_281 : i32
      %dma_start3A_283 = arith.constant 0 : i32
      %dma_start3A_284 = tpu.memref_slice %arg17[%add3A_282, %dma_start3A_283] : memref<256x64xf32, #tpu.memory_space<vmem>> -> memref<1x64xf32, #tpu.memory_space<vmem>>
      %dma_start3A_285 = arith.constant 0 : i32
      %dma_start3A_286 = tpu.memref_slice %arg2[%squeeze3A_278, %dma_start3A_285] : memref<1000000x64xf32, #tpu.memory_space<hbm>> -> memref<1x64xf32, #tpu.memory_space<hbm>>
      %dma_start3A_287 = arith.constant 0 : i32
      %dma_start3A_288 = tpu.memref_slice %arg17[%add3A_282, %dma_start3A_287] : memref<256x64xf32, #tpu.memory_space<vmem>> -> memref<1x64xf32, #tpu.memory_space<vmem>>
      %dma_start3A_289 = arith.constant 0 : i32
      %dma_start3A_290 = tpu.memref_slice %arg2[%squeeze3A_278, %dma_start3A_289] : memref<1000000x64xf32, #tpu.memory_space<hbm>> -> memref<1x64xf32, #tpu.memory_space<hbm>>
      tpu.enqueue_dma source(%dma_start3A_290 : memref<1x64xf32, #tpu.memory_space<hbm>>) target(%dma_start3A_288 : memref<1x64xf32, #tpu.memory_space<vmem>>) target_semaphore(%arg19 : memref<!tpu.dma_semaphore, #tpu.memory_space<semaphore_mem>>)
      %slice3A_291 = vector.extract_strided_slice %get3A_139 {offsets = [11], sizes = [1], strides = [1]} : vector<16xi32> to vector<1xi32>
      %squeeze3A_292 = vector.extract %slice3A_291[0] : i32 from vector<1xi32>
      %mul3A_293 = arith.constant 16 : i32
      %mul3A_294 = arith.muli %scan3A_133, %mul3A_293 : i32
      %add3A_295 = arith.constant 11 : i32
      %add3A_296 = arith.addi %mul3A_294, %add3A_295 : i32
      %dma_start3A_297 = arith.constant 0 : i32
      %dma_start3A_298 = tpu.memref_slice %arg17[%add3A_296, %dma_start3A_297] : memref<256x64xf32, #tpu.memory_space<vmem>> -> memref<1x64xf32, #tpu.memory_space<vmem>>
      %dma_start3A_299 = arith.constant 0 : i32
      %dma_start3A_300 = tpu.memref_slice %arg2[%squeeze3A_292, %dma_start3A_299] : memref<1000000x64xf32, #tpu.memory_space<hbm>> -> memref<1x64xf32, #tpu.memory_space<hbm>>
      %dma_start3A_301 = arith.constant 0 : i32
      %dma_start3A_302 = tpu.memref_slice %arg17[%add3A_296, %dma_start3A_301] : memref<256x64xf32, #tpu.memory_space<vmem>> -> memref<1x64xf32, #tpu.memory_space<vmem>>
      %dma_start3A_303 = arith.constant 0 : i32
      %dma_start3A_304 = tpu.memref_slice %arg2[%squeeze3A_292, %dma_start3A_303] : memref<1000000x64xf32, #tpu.memory_space<hbm>> -> memref<1x64xf32, #tpu.memory_space<hbm>>
      tpu.enqueue_dma source(%dma_start3A_304 : memref<1x64xf32, #tpu.memory_space<hbm>>) target(%dma_start3A_302 : memref<1x64xf32, #tpu.memory_space<vmem>>) target_semaphore(%arg19 : memref<!tpu.dma_semaphore, #tpu.memory_space<semaphore_mem>>)
      %slice3A_305 = vector.extract_strided_slice %get3A_139 {offsets = [12], sizes = [1], strides = [1]} : vector<16xi32> to vector<1xi32>
      %squeeze3A_306 = vector.extract %slice3A_305[0] : i32 from vector<1xi32>
      %mul3A_307 = arith.constant 16 : i32
      %mul3A_308 = arith.muli %scan3A_133, %mul3A_307 : i32
      %add3A_309 = arith.constant 12 : i32
      %add3A_310 = arith.addi %mul3A_308, %add3A_309 : i32
      %dma_start3A_311 = arith.constant 0 : i32
      %dma_start3A_312 = tpu.memref_slice %arg17[%add3A_310, %dma_start3A_311] : memref<256x64xf32, #tpu.memory_space<vmem>> -> memref<1x64xf32, #tpu.memory_space<vmem>>
      %dma_start3A_313 = arith.constant 0 : i32
      %dma_start3A_314 = tpu.memref_slice %arg2[%squeeze3A_306, %dma_start3A_313] : memref<1000000x64xf32, #tpu.memory_space<hbm>> -> memref<1x64xf32, #tpu.memory_space<hbm>>
      %dma_start3A_315 = arith.constant 0 : i32
      %dma_start3A_316 = tpu.memref_slice %arg17[%add3A_310, %dma_start3A_315] : memref<256x64xf32, #tpu.memory_space<vmem>> -> memref<1x64xf32, #tpu.memory_space<vmem>>
      %dma_start3A_317 = arith.constant 0 : i32
      %dma_start3A_318 = tpu.memref_slice %arg2[%squeeze3A_306, %dma_start3A_317] : memref<1000000x64xf32, #tpu.memory_space<hbm>> -> memref<1x64xf32, #tpu.memory_space<hbm>>
      tpu.enqueue_dma source(%dma_start3A_318 : memref<1x64xf32, #tpu.memory_space<hbm>>) target(%dma_start3A_316 : memref<1x64xf32, #tpu.memory_space<vmem>>) target_semaphore(%arg19 : memref<!tpu.dma_semaphore, #tpu.memory_space<semaphore_mem>>)
      %slice3A_319 = vector.extract_strided_slice %get3A_139 {offsets = [13], sizes = [1], strides = [1]} : vector<16xi32> to vector<1xi32>
      %squeeze3A_320 = vector.extract %slice3A_319[0] : i32 from vector<1xi32>
      %mul3A_321 = arith.constant 16 : i32
      %mul3A_322 = arith.muli %scan3A_133, %mul3A_321 : i32
      %add3A_323 = arith.constant 13 : i32
      %add3A_324 = arith.addi %mul3A_322, %add3A_323 : i32
      %dma_start3A_325 = arith.constant 0 : i32
      %dma_start3A_326 = tpu.memref_slice %arg17[%add3A_324, %dma_start3A_325] : memref<256x64xf32, #tpu.memory_space<vmem>> -> memref<1x64xf32, #tpu.memory_space<vmem>>
      %dma_start3A_327 = arith.constant 0 : i32
      %dma_start3A_328 = tpu.memref_slice %arg2[%squeeze3A_320, %dma_start3A_327] : memref<1000000x64xf32, #tpu.memory_space<hbm>> -> memref<1x64xf32, #tpu.memory_space<hbm>>
      %dma_start3A_329 = arith.constant 0 : i32
      %dma_start3A_330 = tpu.memref_slice %arg17[%add3A_324, %dma_start3A_329] : memref<256x64xf32, #tpu.memory_space<vmem>> -> memref<1x64xf32, #tpu.memory_space<vmem>>
      %dma_start3A_331 = arith.constant 0 : i32
      %dma_start3A_332 = tpu.memref_slice %arg2[%squeeze3A_320, %dma_start3A_331] : memref<1000000x64xf32, #tpu.memory_space<hbm>> -> memref<1x64xf32, #tpu.memory_space<hbm>>
      tpu.enqueue_dma source(%dma_start3A_332 : memref<1x64xf32, #tpu.memory_space<hbm>>) target(%dma_start3A_330 : memref<1x64xf32, #tpu.memory_space<vmem>>) target_semaphore(%arg19 : memref<!tpu.dma_semaphore, #tpu.memory_space<semaphore_mem>>)
      %slice3A_333 = vector.extract_strided_slice %get3A_139 {offsets = [14], sizes = [1], strides = [1]} : vector<16xi32> to vector<1xi32>
      %squeeze3A_334 = vector.extract %slice3A_333[0] : i32 from vector<1xi32>
      %mul3A_335 = arith.constant 16 : i32
      %mul3A_336 = arith.muli %scan3A_133, %mul3A_335 : i32
      %add3A_337 = arith.constant 14 : i32
      %add3A_338 = arith.addi %mul3A_336, %add3A_337 : i32
      %dma_start3A_339 = arith.constant 0 : i32
      %dma_start3A_340 = tpu.memref_slice %arg17[%add3A_338, %dma_start3A_339] : memref<256x64xf32, #tpu.memory_space<vmem>> -> memref<1x64xf32, #tpu.memory_space<vmem>>
      %dma_start3A_341 = arith.constant 0 : i32
      %dma_start3A_342 = tpu.memref_slice %arg2[%squeeze3A_334, %dma_start3A_341] : memref<1000000x64xf32, #tpu.memory_space<hbm>> -> memref<1x64xf32, #tpu.memory_space<hbm>>
      %dma_start3A_343 = arith.constant 0 : i32
      %dma_start3A_344 = tpu.memref_slice %arg17[%add3A_338, %dma_start3A_343] : memref<256x64xf32, #tpu.memory_space<vmem>> -> memref<1x64xf32, #tpu.memory_space<vmem>>
      %dma_start3A_345 = arith.constant 0 : i32
      %dma_start3A_346 = tpu.memref_slice %arg2[%squeeze3A_334, %dma_start3A_345] : memref<1000000x64xf32, #tpu.memory_space<hbm>> -> memref<1x64xf32, #tpu.memory_space<hbm>>
      tpu.enqueue_dma source(%dma_start3A_346 : memref<1x64xf32, #tpu.memory_space<hbm>>) target(%dma_start3A_344 : memref<1x64xf32, #tpu.memory_space<vmem>>) target_semaphore(%arg19 : memref<!tpu.dma_semaphore, #tpu.memory_space<semaphore_mem>>)
      %slice3A_347 = vector.extract_strided_slice %get3A_139 {offsets = [15], sizes = [1], strides = [1]} : vector<16xi32> to vector<1xi32>
      %squeeze3A_348 = vector.extract %slice3A_347[0] : i32 from vector<1xi32>
      %mul3A_349 = arith.constant 16 : i32
      %mul3A_350 = arith.muli %scan3A_133, %mul3A_349 : i32
      %add3A_351 = arith.constant 15 : i32
      %add3A_352 = arith.addi %mul3A_350, %add3A_351 : i32
      %dma_start3A_353 = arith.constant 0 : i32
      %dma_start3A_354 = tpu.memref_slice %arg17[%add3A_352, %dma_start3A_353] : memref<256x64xf32, #tpu.memory_space<vmem>> -> memref<1x64xf32, #tpu.memory_space<vmem>>
      %dma_start3A_355 = arith.constant 0 : i32
      %dma_start3A_356 = tpu.memref_slice %arg2[%squeeze3A_348, %dma_start3A_355] : memref<1000000x64xf32, #tpu.memory_space<hbm>> -> memref<1x64xf32, #tpu.memory_space<hbm>>
      %dma_start3A_357 = arith.constant 0 : i32
      %dma_start3A_358 = tpu.memref_slice %arg17[%add3A_352, %dma_start3A_357] : memref<256x64xf32, #tpu.memory_space<vmem>> -> memref<1x64xf32, #tpu.memory_space<vmem>>
      %dma_start3A_359 = arith.constant 0 : i32
      %dma_start3A_360 = tpu.memref_slice %arg2[%squeeze3A_348, %dma_start3A_359] : memref<1000000x64xf32, #tpu.memory_space<hbm>> -> memref<1x64xf32, #tpu.memory_space<hbm>>
      tpu.enqueue_dma source(%dma_start3A_360 : memref<1x64xf32, #tpu.memory_space<hbm>>) target(%dma_start3A_358 : memref<1x64xf32, #tpu.memory_space<vmem>>) target_semaphore(%arg19 : memref<!tpu.dma_semaphore, #tpu.memory_space<semaphore_mem>>)
    }
    %scan3A_65 = arith.constant 16 : i32
    %add3A_66 = arith.constant 256 : i32
    %add3A_67 = arith.addi %mul3A_2, %add3A_66 : i32
    %dma_wait3A_68 = arith.constant 0 : i32
    %dma_wait3A_69 = tpu.memref_slice %arg12[%add3A_67, %dma_wait3A_68] : memref<16384x64xf32, #tpu.memory_space<hbm>> -> memref<256x64xf32, #tpu.memory_space<hbm>>
    %dma_wait3A_70 = arith.constant 0 : i32
    %dma_wait3A_71 = tpu.memref_slice %arg12[%add3A_67, %dma_wait3A_70] : memref<16384x64xf32, #tpu.memory_space<hbm>> -> memref<256x64xf32, #tpu.memory_space<hbm>>
    tpu.wait_dma2 semaphore(%arg20 : memref<!tpu.dma_semaphore, #tpu.memory_space<semaphore_mem>>) src(%dma_wait3A_71 : memref<256x64xf32, #tpu.memory_space<hbm>>) dst(%arg18 : memref<256x64xf32, #tpu.memory_space<vmem>>)
    "tpu.region"() ({
      %run_scoped3A = tpu.sem_alloc : memref<!tpu.dma_semaphore, #tpu.memory_space<semaphore_mem>>
      %dma_start3A = arith.constant 0 : i32
      %dma_start3A_133 = tpu.memref_slice %arg12[%add3A_67, %dma_start3A] : memref<16384x64xf32, #tpu.memory_space<hbm>> -> memref<256x64xf32, #tpu.memory_space<hbm>>
      %dma_start3A_134 = arith.constant 0 : i32
      %dma_start3A_135 = tpu.memref_slice %arg12[%add3A_67, %dma_start3A_134] : memref<16384x64xf32, #tpu.memory_space<hbm>> -> memref<256x64xf32, #tpu.memory_space<hbm>>
      tpu.enqueue_dma source(%arg18 : memref<256x64xf32, #tpu.memory_space<vmem>>) target(%dma_start3A_135 : memref<256x64xf32, #tpu.memory_space<hbm>>) target_semaphore(%run_scoped3A : memref<!tpu.dma_semaphore, #tpu.memory_space<semaphore_mem>>)
      %dma_wait3A_136 = arith.constant 0 : i32
      %dma_wait3A_137 = tpu.memref_slice %arg12[%add3A_67, %dma_wait3A_136] : memref<16384x64xf32, #tpu.memory_space<hbm>> -> memref<256x64xf32, #tpu.memory_space<hbm>>
      %dma_wait3A_138 = arith.constant 0 : i32
      %dma_wait3A_139 = tpu.memref_slice %arg12[%add3A_67, %dma_wait3A_138] : memref<16384x64xf32, #tpu.memory_space<hbm>> -> memref<256x64xf32, #tpu.memory_space<hbm>>
      tpu.wait_dma2 semaphore(%run_scoped3A : memref<!tpu.dma_semaphore, #tpu.memory_space<semaphore_mem>>) src(%arg18 : memref<256x64xf32, #tpu.memory_space<vmem>>) dst(%dma_wait3A_139 : memref<256x64xf32, #tpu.memory_space<hbm>>)
      tpu.yield
    }) : () -> ()
    %scan3A_72 = arith.constant 0 : i32
    %scan3A_73 = arith.constant 16 : i32
    %scan3A_74 = arith.addi %scan3A_72, %scan3A_73 : i32
    %scan3A_75 = arith.constant 1 : i32
    scf.for %scan3A_133 = %scan3A_72 to %scan3A_74 step %scan3A_75  : i32 {
      %mul3A_134 = arith.constant 16 : i32
      %mul3A_135 = arith.muli %scan3A_133, %mul3A_134 : i32
      %add3A_136 = arith.constant 256 : i32
      %add3A_137 = arith.addi %add3A_136, %mul3A_135 : i32
      %get3A = arith.index_cast %add3A_137 : i32 to index
      %get3A_138 = tpu.vector_load %arg16[%get3A] {strides = array<i32>} : memref<512xi32, #tpu.memory_space<vmem>>, vector<16xi32>,
      %get3A_139 = vector.shape_cast %get3A_138 : vector<16xi32> to vector<16xi32>
      %slice3A = vector.extract_strided_slice %get3A_139 {offsets = [0], sizes = [1], strides = [1]} : vector<16xi32> to vector<1xi32>
      %squeeze3A = vector.extract %slice3A[0] : i32 from vector<1xi32>
      %mul3A_140 = arith.constant 16 : i32
      %mul3A_141 = arith.muli %scan3A_133, %mul3A_140 : i32
      %add3A_142 = arith.constant 0 : i32
      %add3A_143 = arith.addi %mul3A_141, %add3A_142 : i32
      %dma_start3A = arith.constant 0 : i32
      %dma_start3A_144 = tpu.memref_slice %arg18[%add3A_143, %dma_start3A] : memref<256x64xf32, #tpu.memory_space<vmem>> -> memref<1x64xf32, #tpu.memory_space<vmem>>
      %dma_start3A_145 = arith.constant 0 : i32
      %dma_start3A_146 = tpu.memref_slice %arg2[%squeeze3A, %dma_start3A_145] : memref<1000000x64xf32, #tpu.memory_space<hbm>> -> memref<1x64xf32, #tpu.memory_space<hbm>>
      %dma_start3A_147 = arith.constant 0 : i32
      %dma_start3A_148 = tpu.memref_slice %arg18[%add3A_143, %dma_start3A_147] : memref<256x64xf32, #tpu.memory_space<vmem>> -> memref<1x64xf32, #tpu.memory_space<vmem>>
      %dma_start3A_149 = arith.constant 0 : i32
      %dma_start3A_150 = tpu.memref_slice %arg2[%squeeze3A, %dma_start3A_149] : memref<1000000x64xf32, #tpu.memory_space<hbm>> -> memref<1x64xf32, #tpu.memory_space<hbm>>
      tpu.enqueue_dma source(%dma_start3A_150 : memref<1x64xf32, #tpu.memory_space<hbm>>) target(%dma_start3A_148 : memref<1x64xf32, #tpu.memory_space<vmem>>) target_semaphore(%arg20 : memref<!tpu.dma_semaphore, #tpu.memory_space<semaphore_mem>>)
      %slice3A_151 = vector.extract_strided_slice %get3A_139 {offsets = [1], sizes = [1], strides = [1]} : vector<16xi32> to vector<1xi32>
      %squeeze3A_152 = vector.extract %slice3A_151[0] : i32 from vector<1xi32>
      %mul3A_153 = arith.constant 16 : i32
      %mul3A_154 = arith.muli %scan3A_133, %mul3A_153 : i32
      %add3A_155 = arith.constant 1 : i32
      %add3A_156 = arith.addi %mul3A_154, %add3A_155 : i32
      %dma_start3A_157 = arith.constant 0 : i32
      %dma_start3A_158 = tpu.memref_slice %arg18[%add3A_156, %dma_start3A_157] : memref<256x64xf32, #tpu.memory_space<vmem>> -> memref<1x64xf32, #tpu.memory_space<vmem>>
      %dma_start3A_159 = arith.constant 0 : i32
      %dma_start3A_160 = tpu.memref_slice %arg2[%squeeze3A_152, %dma_start3A_159] : memref<1000000x64xf32, #tpu.memory_space<hbm>> -> memref<1x64xf32, #tpu.memory_space<hbm>>
      %dma_start3A_161 = arith.constant 0 : i32
      %dma_start3A_162 = tpu.memref_slice %arg18[%add3A_156, %dma_start3A_161] : memref<256x64xf32, #tpu.memory_space<vmem>> -> memref<1x64xf32, #tpu.memory_space<vmem>>
      %dma_start3A_163 = arith.constant 0 : i32
      %dma_start3A_164 = tpu.memref_slice %arg2[%squeeze3A_152, %dma_start3A_163] : memref<1000000x64xf32, #tpu.memory_space<hbm>> -> memref<1x64xf32, #tpu.memory_space<hbm>>
      tpu.enqueue_dma source(%dma_start3A_164 : memref<1x64xf32, #tpu.memory_space<hbm>>) target(%dma_start3A_162 : memref<1x64xf32, #tpu.memory_space<vmem>>) target_semaphore(%arg20 : memref<!tpu.dma_semaphore, #tpu.memory_space<semaphore_mem>>)
      %slice3A_165 = vector.extract_strided_slice %get3A_139 {offsets = [2], sizes = [1], strides = [1]} : vector<16xi32> to vector<1xi32>
      %squeeze3A_166 = vector.extract %slice3A_165[0] : i32 from vector<1xi32>
      %mul3A_167 = arith.constant 16 : i32
      %mul3A_168 = arith.muli %scan3A_133, %mul3A_167 : i32
      %add3A_169 = arith.constant 2 : i32
      %add3A_170 = arith.addi %mul3A_168, %add3A_169 : i32
      %dma_start3A_171 = arith.constant 0 : i32
      %dma_start3A_172 = tpu.memref_slice %arg18[%add3A_170, %dma_start3A_171] : memref<256x64xf32, #tpu.memory_space<vmem>> -> memref<1x64xf32, #tpu.memory_space<vmem>>
      %dma_start3A_173 = arith.constant 0 : i32
      %dma_start3A_174 = tpu.memref_slice %arg2[%squeeze3A_166, %dma_start3A_173] : memref<1000000x64xf32, #tpu.memory_space<hbm>> -> memref<1x64xf32, #tpu.memory_space<hbm>>
      %dma_start3A_175 = arith.constant 0 : i32
      %dma_start3A_176 = tpu.memref_slice %arg18[%add3A_170, %dma_start3A_175] : memref<256x64xf32, #tpu.memory_space<vmem>> -> memref<1x64xf32, #tpu.memory_space<vmem>>
      %dma_start3A_177 = arith.constant 0 : i32
      %dma_start3A_178 = tpu.memref_slice %arg2[%squeeze3A_166, %dma_start3A_177] : memref<1000000x64xf32, #tpu.memory_space<hbm>> -> memref<1x64xf32, #tpu.memory_space<hbm>>
      tpu.enqueue_dma source(%dma_start3A_178 : memref<1x64xf32, #tpu.memory_space<hbm>>) target(%dma_start3A_176 : memref<1x64xf32, #tpu.memory_space<vmem>>) target_semaphore(%arg20 : memref<!tpu.dma_semaphore, #tpu.memory_space<semaphore_mem>>)
      %slice3A_179 = vector.extract_strided_slice %get3A_139 {offsets = [3], sizes = [1], strides = [1]} : vector<16xi32> to vector<1xi32>
      %squeeze3A_180 = vector.extract %slice3A_179[0] : i32 from vector<1xi32>
      %mul3A_181 = arith.constant 16 : i32
      %mul3A_182 = arith.muli %scan3A_133, %mul3A_181 : i32
      %add3A_183 = arith.constant 3 : i32
      %add3A_184 = arith.addi %mul3A_182, %add3A_183 : i32
      %dma_start3A_185 = arith.constant 0 : i32
      %dma_start3A_186 = tpu.memref_slice %arg18[%add3A_184, %dma_start3A_185] : memref<256x64xf32, #tpu.memory_space<vmem>> -> memref<1x64xf32, #tpu.memory_space<vmem>>
      %dma_start3A_187 = arith.constant 0 : i32
      %dma_start3A_188 = tpu.memref_slice %arg2[%squeeze3A_180, %dma_start3A_187] : memref<1000000x64xf32, #tpu.memory_space<hbm>> -> memref<1x64xf32, #tpu.memory_space<hbm>>
      %dma_start3A_189 = arith.constant 0 : i32
      %dma_start3A_190 = tpu.memref_slice %arg18[%add3A_184, %dma_start3A_189] : memref<256x64xf32, #tpu.memory_space<vmem>> -> memref<1x64xf32, #tpu.memory_space<vmem>>
      %dma_start3A_191 = arith.constant 0 : i32
      %dma_start3A_192 = tpu.memref_slice %arg2[%squeeze3A_180, %dma_start3A_191] : memref<1000000x64xf32, #tpu.memory_space<hbm>> -> memref<1x64xf32, #tpu.memory_space<hbm>>
      tpu.enqueue_dma source(%dma_start3A_192 : memref<1x64xf32, #tpu.memory_space<hbm>>) target(%dma_start3A_190 : memref<1x64xf32, #tpu.memory_space<vmem>>) target_semaphore(%arg20 : memref<!tpu.dma_semaphore, #tpu.memory_space<semaphore_mem>>)
      %slice3A_193 = vector.extract_strided_slice %get3A_139 {offsets = [4], sizes = [1], strides = [1]} : vector<16xi32> to vector<1xi32>
      %squeeze3A_194 = vector.extract %slice3A_193[0] : i32 from vector<1xi32>
      %mul3A_195 = arith.constant 16 : i32
      %mul3A_196 = arith.muli %scan3A_133, %mul3A_195 : i32
      %add3A_197 = arith.constant 4 : i32
      %add3A_198 = arith.addi %mul3A_196, %add3A_197 : i32
      %dma_start3A_199 = arith.constant 0 : i32
      %dma_start3A_200 = tpu.memref_slice %arg18[%add3A_198, %dma_start3A_199] : memref<256x64xf32, #tpu.memory_space<vmem>> -> memref<1x64xf32, #tpu.memory_space<vmem>>
      %dma_start3A_201 = arith.constant 0 : i32
      %dma_start3A_202 = tpu.memref_slice %arg2[%squeeze3A_194, %dma_start3A_201] : memref<1000000x64xf32, #tpu.memory_space<hbm>> -> memref<1x64xf32, #tpu.memory_space<hbm>>
      %dma_start3A_203 = arith.constant 0 : i32
      %dma_start3A_204 = tpu.memref_slice %arg18[%add3A_198, %dma_start3A_203] : memref<256x64xf32, #tpu.memory_space<vmem>> -> memref<1x64xf32, #tpu.memory_space<vmem>>
      %dma_start3A_205 = arith.constant 0 : i32
      %dma_start3A_206 = tpu.memref_slice %arg2[%squeeze3A_194, %dma_start3A_205] : memref<1000000x64xf32, #tpu.memory_space<hbm>> -> memref<1x64xf32, #tpu.memory_space<hbm>>
      tpu.enqueue_dma source(%dma_start3A_206 : memref<1x64xf32, #tpu.memory_space<hbm>>) target(%dma_start3A_204 : memref<1x64xf32, #tpu.memory_space<vmem>>) target_semaphore(%arg20 : memref<!tpu.dma_semaphore, #tpu.memory_space<semaphore_mem>>)
      %slice3A_207 = vector.extract_strided_slice %get3A_139 {offsets = [5], sizes = [1], strides = [1]} : vector<16xi32> to vector<1xi32>
      %squeeze3A_208 = vector.extract %slice3A_207[0] : i32 from vector<1xi32>
      %mul3A_209 = arith.constant 16 : i32
      %mul3A_210 = arith.muli %scan3A_133, %mul3A_209 : i32
      %add3A_211 = arith.constant 5 : i32
      %add3A_212 = arith.addi %mul3A_210, %add3A_211 : i32
      %dma_start3A_213 = arith.constant 0 : i32
      %dma_start3A_214 = tpu.memref_slice %arg18[%add3A_212, %dma_start3A_213] : memref<256x64xf32, #tpu.memory_space<vmem>> -> memref<1x64xf32, #tpu.memory_space<vmem>>
      %dma_start3A_215 = arith.constant 0 : i32
      %dma_start3A_216 = tpu.memref_slice %arg2[%squeeze3A_208, %dma_start3A_215] : memref<1000000x64xf32, #tpu.memory_space<hbm>> -> memref<1x64xf32, #tpu.memory_space<hbm>>
      %dma_start3A_217 = arith.constant 0 : i32
      %dma_start3A_218 = tpu.memref_slice %arg18[%add3A_212, %dma_start3A_217] : memref<256x64xf32, #tpu.memory_space<vmem>> -> memref<1x64xf32, #tpu.memory_space<vmem>>
      %dma_start3A_219 = arith.constant 0 : i32
      %dma_start3A_220 = tpu.memref_slice %arg2[%squeeze3A_208, %dma_start3A_219] : memref<1000000x64xf32, #tpu.memory_space<hbm>> -> memref<1x64xf32, #tpu.memory_space<hbm>>
      tpu.enqueue_dma source(%dma_start3A_220 : memref<1x64xf32, #tpu.memory_space<hbm>>) target(%dma_start3A_218 : memref<1x64xf32, #tpu.memory_space<vmem>>) target_semaphore(%arg20 : memref<!tpu.dma_semaphore, #tpu.memory_space<semaphore_mem>>)
      %slice3A_221 = vector.extract_strided_slice %get3A_139 {offsets = [6], sizes = [1], strides = [1]} : vector<16xi32> to vector<1xi32>
      %squeeze3A_222 = vector.extract %slice3A_221[0] : i32 from vector<1xi32>
      %mul3A_223 = arith.constant 16 : i32
      %mul3A_224 = arith.muli %scan3A_133, %mul3A_223 : i32
      %add3A_225 = arith.constant 6 : i32
      %add3A_226 = arith.addi %mul3A_224, %add3A_225 : i32
      %dma_start3A_227 = arith.constant 0 : i32
      %dma_start3A_228 = tpu.memref_slice %arg18[%add3A_226, %dma_start3A_227] : memref<256x64xf32, #tpu.memory_space<vmem>> -> memref<1x64xf32, #tpu.memory_space<vmem>>
      %dma_start3A_229 = arith.constant 0 : i32
      %dma_start3A_230 = tpu.memref_slice %arg2[%squeeze3A_222, %dma_start3A_229] : memref<1000000x64xf32, #tpu.memory_space<hbm>> -> memref<1x64xf32, #tpu.memory_space<hbm>>
      %dma_start3A_231 = arith.constant 0 : i32
      %dma_start3A_232 = tpu.memref_slice %arg18[%add3A_226, %dma_start3A_231] : memref<256x64xf32, #tpu.memory_space<vmem>> -> memref<1x64xf32, #tpu.memory_space<vmem>>
      %dma_start3A_233 = arith.constant 0 : i32
      %dma_start3A_234 = tpu.memref_slice %arg2[%squeeze3A_222, %dma_start3A_233] : memref<1000000x64xf32, #tpu.memory_space<hbm>> -> memref<1x64xf32, #tpu.memory_space<hbm>>
      tpu.enqueue_dma source(%dma_start3A_234 : memref<1x64xf32, #tpu.memory_space<hbm>>) target(%dma_start3A_232 : memref<1x64xf32, #tpu.memory_space<vmem>>) target_semaphore(%arg20 : memref<!tpu.dma_semaphore, #tpu.memory_space<semaphore_mem>>)
      %slice3A_235 = vector.extract_strided_slice %get3A_139 {offsets = [7], sizes = [1], strides = [1]} : vector<16xi32> to vector<1xi32>
      %squeeze3A_236 = vector.extract %slice3A_235[0] : i32 from vector<1xi32>
      %mul3A_237 = arith.constant 16 : i32
      %mul3A_238 = arith.muli %scan3A_133, %mul3A_237 : i32
      %add3A_239 = arith.constant 7 : i32
      %add3A_240 = arith.addi %mul3A_238, %add3A_239 : i32
      %dma_start3A_241 = arith.constant 0 : i32
      %dma_start3A_242 = tpu.memref_slice %arg18[%add3A_240, %dma_start3A_241] : memref<256x64xf32, #tpu.memory_space<vmem>> -> memref<1x64xf32, #tpu.memory_space<vmem>>
      %dma_start3A_243 = arith.constant 0 : i32
      %dma_start3A_244 = tpu.memref_slice %arg2[%squeeze3A_236, %dma_start3A_243] : memref<1000000x64xf32, #tpu.memory_space<hbm>> -> memref<1x64xf32, #tpu.memory_space<hbm>>
      %dma_start3A_245 = arith.constant 0 : i32
      %dma_start3A_246 = tpu.memref_slice %arg18[%add3A_240, %dma_start3A_245] : memref<256x64xf32, #tpu.memory_space<vmem>> -> memref<1x64xf32, #tpu.memory_space<vmem>>
      %dma_start3A_247 = arith.constant 0 : i32
      %dma_start3A_248 = tpu.memref_slice %arg2[%squeeze3A_236, %dma_start3A_247] : memref<1000000x64xf32, #tpu.memory_space<hbm>> -> memref<1x64xf32, #tpu.memory_space<hbm>>
      tpu.enqueue_dma source(%dma_start3A_248 : memref<1x64xf32, #tpu.memory_space<hbm>>) target(%dma_start3A_246 : memref<1x64xf32, #tpu.memory_space<vmem>>) target_semaphore(%arg20 : memref<!tpu.dma_semaphore, #tpu.memory_space<semaphore_mem>>)
      %slice3A_249 = vector.extract_strided_slice %get3A_139 {offsets = [8], sizes = [1], strides = [1]} : vector<16xi32> to vector<1xi32>
      %squeeze3A_250 = vector.extract %slice3A_249[0] : i32 from vector<1xi32>
      %mul3A_251 = arith.constant 16 : i32
      %mul3A_252 = arith.muli %scan3A_133, %mul3A_251 : i32
      %add3A_253 = arith.constant 8 : i32
      %add3A_254 = arith.addi %mul3A_252, %add3A_253 : i32
      %dma_start3A_255 = arith.constant 0 : i32
      %dma_start3A_256 = tpu.memref_slice %arg18[%add3A_254, %dma_start3A_255] : memref<256x64xf32, #tpu.memory_space<vmem>> -> memref<1x64xf32, #tpu.memory_space<vmem>>
      %dma_start3A_257 = arith.constant 0 : i32
      %dma_start3A_258 = tpu.memref_slice %arg2[%squeeze3A_250, %dma_start3A_257] : memref<1000000x64xf32, #tpu.memory_space<hbm>> -> memref<1x64xf32, #tpu.memory_space<hbm>>
      %dma_start3A_259 = arith.constant 0 : i32
      %dma_start3A_260 = tpu.memref_slice %arg18[%add3A_254, %dma_start3A_259] : memref<256x64xf32, #tpu.memory_space<vmem>> -> memref<1x64xf32, #tpu.memory_space<vmem>>
      %dma_start3A_261 = arith.constant 0 : i32
      %dma_start3A_262 = tpu.memref_slice %arg2[%squeeze3A_250, %dma_start3A_261] : memref<1000000x64xf32, #tpu.memory_space<hbm>> -> memref<1x64xf32, #tpu.memory_space<hbm>>
      tpu.enqueue_dma source(%dma_start3A_262 : memref<1x64xf32, #tpu.memory_space<hbm>>) target(%dma_start3A_260 : memref<1x64xf32, #tpu.memory_space<vmem>>) target_semaphore(%arg20 : memref<!tpu.dma_semaphore, #tpu.memory_space<semaphore_mem>>)
      %slice3A_263 = vector.extract_strided_slice %get3A_139 {offsets = [9], sizes = [1], strides = [1]} : vector<16xi32> to vector<1xi32>
      %squeeze3A_264 = vector.extract %slice3A_263[0] : i32 from vector<1xi32>
      %mul3A_265 = arith.constant 16 : i32
      %mul3A_266 = arith.muli %scan3A_133, %mul3A_265 : i32
      %add3A_267 = arith.constant 9 : i32
      %add3A_268 = arith.addi %mul3A_266, %add3A_267 : i32
      %dma_start3A_269 = arith.constant 0 : i32
      %dma_start3A_270 = tpu.memref_slice %arg18[%add3A_268, %dma_start3A_269] : memref<256x64xf32, #tpu.memory_space<vmem>> -> memref<1x64xf32, #tpu.memory_space<vmem>>
      %dma_start3A_271 = arith.constant 0 : i32
      %dma_start3A_272 = tpu.memref_slice %arg2[%squeeze3A_264, %dma_start3A_271] : memref<1000000x64xf32, #tpu.memory_space<hbm>> -> memref<1x64xf32, #tpu.memory_space<hbm>>
      %dma_start3A_273 = arith.constant 0 : i32
      %dma_start3A_274 = tpu.memref_slice %arg18[%add3A_268, %dma_start3A_273] : memref<256x64xf32, #tpu.memory_space<vmem>> -> memref<1x64xf32, #tpu.memory_space<vmem>>
      %dma_start3A_275 = arith.constant 0 : i32
      %dma_start3A_276 = tpu.memref_slice %arg2[%squeeze3A_264, %dma_start3A_275] : memref<1000000x64xf32, #tpu.memory_space<hbm>> -> memref<1x64xf32, #tpu.memory_space<hbm>>
      tpu.enqueue_dma source(%dma_start3A_276 : memref<1x64xf32, #tpu.memory_space<hbm>>) target(%dma_start3A_274 : memref<1x64xf32, #tpu.memory_space<vmem>>) target_semaphore(%arg20 : memref<!tpu.dma_semaphore, #tpu.memory_space<semaphore_mem>>)
      %slice3A_277 = vector.extract_strided_slice %get3A_139 {offsets = [10], sizes = [1], strides = [1]} : vector<16xi32> to vector<1xi32>
      %squeeze3A_278 = vector.extract %slice3A_277[0] : i32 from vector<1xi32>
      %mul3A_279 = arith.constant 16 : i32
      %mul3A_280 = arith.muli %scan3A_133, %mul3A_279 : i32
      %add3A_281 = arith.constant 10 : i32
      %add3A_282 = arith.addi %mul3A_280, %add3A_281 : i32
      %dma_start3A_283 = arith.constant 0 : i32
      %dma_start3A_284 = tpu.memref_slice %arg18[%add3A_282, %dma_start3A_283] : memref<256x64xf32, #tpu.memory_space<vmem>> -> memref<1x64xf32, #tpu.memory_space<vmem>>
      %dma_start3A_285 = arith.constant 0 : i32
      %dma_start3A_286 = tpu.memref_slice %arg2[%squeeze3A_278, %dma_start3A_285] : memref<1000000x64xf32, #tpu.memory_space<hbm>> -> memref<1x64xf32, #tpu.memory_space<hbm>>
      %dma_start3A_287 = arith.constant 0 : i32
      %dma_start3A_288 = tpu.memref_slice %arg18[%add3A_282, %dma_start3A_287] : memref<256x64xf32, #tpu.memory_space<vmem>> -> memref<1x64xf32, #tpu.memory_space<vmem>>
      %dma_start3A_289 = arith.constant 0 : i32
      %dma_start3A_290 = tpu.memref_slice %arg2[%squeeze3A_278, %dma_start3A_289] : memref<1000000x64xf32, #tpu.memory_space<hbm>> -> memref<1x64xf32, #tpu.memory_space<hbm>>
      tpu.enqueue_dma source(%dma_start3A_290 : memref<1x64xf32, #tpu.memory_space<hbm>>) target(%dma_start3A_288 : memref<1x64xf32, #tpu.memory_space<vmem>>) target_semaphore(%arg20 : memref<!tpu.dma_semaphore, #tpu.memory_space<semaphore_mem>>)
      %slice3A_291 = vector.extract_strided_slice %get3A_139 {offsets = [11], sizes = [1], strides = [1]} : vector<16xi32> to vector<1xi32>
      %squeeze3A_292 = vector.extract %slice3A_291[0] : i32 from vector<1xi32>
      %mul3A_293 = arith.constant 16 : i32
      %mul3A_294 = arith.muli %scan3A_133, %mul3A_293 : i32
      %add3A_295 = arith.constant 11 : i32
      %add3A_296 = arith.addi %mul3A_294, %add3A_295 : i32
      %dma_start3A_297 = arith.constant 0 : i32
      %dma_start3A_298 = tpu.memref_slice %arg18[%add3A_296, %dma_start3A_297] : memref<256x64xf32, #tpu.memory_space<vmem>> -> memref<1x64xf32, #tpu.memory_space<vmem>>
      %dma_start3A_299 = arith.constant 0 : i32
      %dma_start3A_300 = tpu.memref_slice %arg2[%squeeze3A_292, %dma_start3A_299] : memref<1000000x64xf32, #tpu.memory_space<hbm>> -> memref<1x64xf32, #tpu.memory_space<hbm>>
      %dma_start3A_301 = arith.constant 0 : i32
      %dma_start3A_302 = tpu.memref_slice %arg18[%add3A_296, %dma_start3A_301] : memref<256x64xf32, #tpu.memory_space<vmem>> -> memref<1x64xf32, #tpu.memory_space<vmem>>
      %dma_start3A_303 = arith.constant 0 : i32
      %dma_start3A_304 = tpu.memref_slice %arg2[%squeeze3A_292, %dma_start3A_303] : memref<1000000x64xf32, #tpu.memory_space<hbm>> -> memref<1x64xf32, #tpu.memory_space<hbm>>
      tpu.enqueue_dma source(%dma_start3A_304 : memref<1x64xf32, #tpu.memory_space<hbm>>) target(%dma_start3A_302 : memref<1x64xf32, #tpu.memory_space<vmem>>) target_semaphore(%arg20 : memref<!tpu.dma_semaphore, #tpu.memory_space<semaphore_mem>>)
      %slice3A_305 = vector.extract_strided_slice %get3A_139 {offsets = [12], sizes = [1], strides = [1]} : vector<16xi32> to vector<1xi32>
      %squeeze3A_306 = vector.extract %slice3A_305[0] : i32 from vector<1xi32>
      %mul3A_307 = arith.constant 16 : i32
      %mul3A_308 = arith.muli %scan3A_133, %mul3A_307 : i32
      %add3A_309 = arith.constant 12 : i32
      %add3A_310 = arith.addi %mul3A_308, %add3A_309 : i32
      %dma_start3A_311 = arith.constant 0 : i32
      %dma_start3A_312 = tpu.memref_slice %arg18[%add3A_310, %dma_start3A_311] : memref<256x64xf32, #tpu.memory_space<vmem>> -> memref<1x64xf32, #tpu.memory_space<vmem>>
      %dma_start3A_313 = arith.constant 0 : i32
      %dma_start3A_314 = tpu.memref_slice %arg2[%squeeze3A_306, %dma_start3A_313] : memref<1000000x64xf32, #tpu.memory_space<hbm>> -> memref<1x64xf32, #tpu.memory_space<hbm>>
      %dma_start3A_315 = arith.constant 0 : i32
      %dma_start3A_316 = tpu.memref_slice %arg18[%add3A_310, %dma_start3A_315] : memref<256x64xf32, #tpu.memory_space<vmem>> -> memref<1x64xf32, #tpu.memory_space<vmem>>
      %dma_start3A_317 = arith.constant 0 : i32
      %dma_start3A_318 = tpu.memref_slice %arg2[%squeeze3A_306, %dma_start3A_317] : memref<1000000x64xf32, #tpu.memory_space<hbm>> -> memref<1x64xf32, #tpu.memory_space<hbm>>
      tpu.enqueue_dma source(%dma_start3A_318 : memref<1x64xf32, #tpu.memory_space<hbm>>) target(%dma_start3A_316 : memref<1x64xf32, #tpu.memory_space<vmem>>) target_semaphore(%arg20 : memref<!tpu.dma_semaphore, #tpu.memory_space<semaphore_mem>>)
      %slice3A_319 = vector.extract_strided_slice %get3A_139 {offsets = [13], sizes = [1], strides = [1]} : vector<16xi32> to vector<1xi32>
      %squeeze3A_320 = vector.extract %slice3A_319[0] : i32 from vector<1xi32>
      %mul3A_321 = arith.constant 16 : i32
      %mul3A_322 = arith.muli %scan3A_133, %mul3A_321 : i32
      %add3A_323 = arith.constant 13 : i32
      %add3A_324 = arith.addi %mul3A_322, %add3A_323 : i32
      %dma_start3A_325 = arith.constant 0 : i32
      %dma_start3A_326 = tpu.memref_slice %arg18[%add3A_324, %dma_start3A_325] : memref<256x64xf32, #tpu.memory_space<vmem>> -> memref<1x64xf32, #tpu.memory_space<vmem>>
      %dma_start3A_327 = arith.constant 0 : i32
      %dma_start3A_328 = tpu.memref_slice %arg2[%squeeze3A_320, %dma_start3A_327] : memref<1000000x64xf32, #tpu.memory_space<hbm>> -> memref<1x64xf32, #tpu.memory_space<hbm>>
      %dma_start3A_329 = arith.constant 0 : i32
      %dma_start3A_330 = tpu.memref_slice %arg18[%add3A_324, %dma_start3A_329] : memref<256x64xf32, #tpu.memory_space<vmem>> -> memref<1x64xf32, #tpu.memory_space<vmem>>
      %dma_start3A_331 = arith.constant 0 : i32
      %dma_start3A_332 = tpu.memref_slice %arg2[%squeeze3A_320, %dma_start3A_331] : memref<1000000x64xf32, #tpu.memory_space<hbm>> -> memref<1x64xf32, #tpu.memory_space<hbm>>
      tpu.enqueue_dma source(%dma_start3A_332 : memref<1x64xf32, #tpu.memory_space<hbm>>) target(%dma_start3A_330 : memref<1x64xf32, #tpu.memory_space<vmem>>) target_semaphore(%arg20 : memref<!tpu.dma_semaphore, #tpu.memory_space<semaphore_mem>>)
      %slice3A_333 = vector.extract_strided_slice %get3A_139 {offsets = [14], sizes = [1], strides = [1]} : vector<16xi32> to vector<1xi32>
      %squeeze3A_334 = vector.extract %slice3A_333[0] : i32 from vector<1xi32>
      %mul3A_335 = arith.constant 16 : i32
      %mul3A_336 = arith.muli %scan3A_133, %mul3A_335 : i32
      %add3A_337 = arith.constant 14 : i32
      %add3A_338 = arith.addi %mul3A_336, %add3A_337 : i32
      %dma_start3A_339 = arith.constant 0 : i32
      %dma_start3A_340 = tpu.memref_slice %arg18[%add3A_338, %dma_start3A_339] : memref<256x64xf32, #tpu.memory_space<vmem>> -> memref<1x64xf32, #tpu.memory_space<vmem>>
      %dma_start3A_341 = arith.constant 0 : i32
      %dma_start3A_342 = tpu.memref_slice %arg2[%squeeze3A_334, %dma_start3A_341] : memref<1000000x64xf32, #tpu.memory_space<hbm>> -> memref<1x64xf32, #tpu.memory_space<hbm>>
      %dma_start3A_343 = arith.constant 0 : i32
      %dma_start3A_344 = tpu.memref_slice %arg18[%add3A_338, %dma_start3A_343] : memref<256x64xf32, #tpu.memory_space<vmem>> -> memref<1x64xf32, #tpu.memory_space<vmem>>
      %dma_start3A_345 = arith.constant 0 : i32
      %dma_start3A_346 = tpu.memref_slice %arg2[%squeeze3A_334, %dma_start3A_345] : memref<1000000x64xf32, #tpu.memory_space<hbm>> -> memref<1x64xf32, #tpu.memory_space<hbm>>
      tpu.enqueue_dma source(%dma_start3A_346 : memref<1x64xf32, #tpu.memory_space<hbm>>) target(%dma_start3A_344 : memref<1x64xf32, #tpu.memory_space<vmem>>) target_semaphore(%arg20 : memref<!tpu.dma_semaphore, #tpu.memory_space<semaphore_mem>>)
      %slice3A_347 = vector.extract_strided_slice %get3A_139 {offsets = [15], sizes = [1], strides = [1]} : vector<16xi32> to vector<1xi32>
      %squeeze3A_348 = vector.extract %slice3A_347[0] : i32 from vector<1xi32>
      %mul3A_349 = arith.constant 16 : i32
      %mul3A_350 = arith.muli %scan3A_133, %mul3A_349 : i32
      %add3A_351 = arith.constant 15 : i32
      %add3A_352 = arith.addi %mul3A_350, %add3A_351 : i32
      %dma_start3A_353 = arith.constant 0 : i32
      %dma_start3A_354 = tpu.memref_slice %arg18[%add3A_352, %dma_start3A_353] : memref<256x64xf32, #tpu.memory_space<vmem>> -> memref<1x64xf32, #tpu.memory_space<vmem>>
      %dma_start3A_355 = arith.constant 0 : i32
      %dma_start3A_356 = tpu.memref_slice %arg2[%squeeze3A_348, %dma_start3A_355] : memref<1000000x64xf32, #tpu.memory_space<hbm>> -> memref<1x64xf32, #tpu.memory_space<hbm>>
      %dma_start3A_357 = arith.constant 0 : i32
      %dma_start3A_358 = tpu.memref_slice %arg18[%add3A_352, %dma_start3A_357] : memref<256x64xf32, #tpu.memory_space<vmem>> -> memref<1x64xf32, #tpu.memory_space<vmem>>
      %dma_start3A_359 = arith.constant 0 : i32
      %dma_start3A_360 = tpu.memref_slice %arg2[%squeeze3A_348, %dma_start3A_359] : memref<1000000x64xf32, #tpu.memory_space<hbm>> -> memref<1x64xf32, #tpu.memory_space<hbm>>
      tpu.enqueue_dma source(%dma_start3A_360 : memref<1x64xf32, #tpu.memory_space<hbm>>) target(%dma_start3A_358 : memref<1x64xf32, #tpu.memory_space<vmem>>) target_semaphore(%arg20 : memref<!tpu.dma_semaphore, #tpu.memory_space<semaphore_mem>>)
    }
    %scan3A_76 = arith.constant 16 : i32
    %add3A_77 = arith.constant 0 : i32
    %add3A_78 = arith.addi %mul3A_2, %add3A_77 : i32
    %dma_wait3A_79 = arith.constant 0 : i32
    %dma_wait3A_80 = tpu.memref_slice %arg13[%add3A_78, %dma_wait3A_79] : memref<16384x64xf32, #tpu.memory_space<hbm>> -> memref<256x64xf32, #tpu.memory_space<hbm>>
    %dma_wait3A_81 = arith.constant 0 : i32
    %dma_wait3A_82 = tpu.memref_slice %arg13[%add3A_78, %dma_wait3A_81] : memref<16384x64xf32, #tpu.memory_space<hbm>> -> memref<256x64xf32, #tpu.memory_space<hbm>>
    tpu.wait_dma2 semaphore(%arg19 : memref<!tpu.dma_semaphore, #tpu.memory_space<semaphore_mem>>) src(%dma_wait3A_82 : memref<256x64xf32, #tpu.memory_space<hbm>>) dst(%arg17 : memref<256x64xf32, #tpu.memory_space<vmem>>)
    "tpu.region"() ({
      %run_scoped3A = tpu.sem_alloc : memref<!tpu.dma_semaphore, #tpu.memory_space<semaphore_mem>>
      %dma_start3A = arith.constant 0 : i32
      %dma_start3A_133 = tpu.memref_slice %arg13[%add3A_78, %dma_start3A] : memref<16384x64xf32, #tpu.memory_space<hbm>> -> memref<256x64xf32, #tpu.memory_space<hbm>>
      %dma_start3A_134 = arith.constant 0 : i32
      %dma_start3A_135 = tpu.memref_slice %arg13[%add3A_78, %dma_start3A_134] : memref<16384x64xf32, #tpu.memory_space<hbm>> -> memref<256x64xf32, #tpu.memory_space<hbm>>
      tpu.enqueue_dma source(%arg17 : memref<256x64xf32, #tpu.memory_space<vmem>>) target(%dma_start3A_135 : memref<256x64xf32, #tpu.memory_space<hbm>>) target_semaphore(%run_scoped3A : memref<!tpu.dma_semaphore, #tpu.memory_space<semaphore_mem>>)
      %dma_wait3A_136 = arith.constant 0 : i32
      %dma_wait3A_137 = tpu.memref_slice %arg13[%add3A_78, %dma_wait3A_136] : memref<16384x64xf32, #tpu.memory_space<hbm>> -> memref<256x64xf32, #tpu.memory_space<hbm>>
      %dma_wait3A_138 = arith.constant 0 : i32
      %dma_wait3A_139 = tpu.memref_slice %arg13[%add3A_78, %dma_wait3A_138] : memref<16384x64xf32, #tpu.memory_space<hbm>> -> memref<256x64xf32, #tpu.memory_space<hbm>>
      tpu.wait_dma2 semaphore(%run_scoped3A : memref<!tpu.dma_semaphore, #tpu.memory_space<semaphore_mem>>) src(%arg17 : memref<256x64xf32, #tpu.memory_space<vmem>>) dst(%dma_wait3A_139 : memref<256x64xf32, #tpu.memory_space<hbm>>)
      tpu.yield
    }) : () -> ()
    "tpu.region"() ({
      %run_scoped3A = tpu.sem_alloc : memref<!tpu.dma_semaphore, #tpu.memory_space<semaphore_mem>>
      %dma_start3A = tpu.memref_slice %arg8[%mul3A_2] : memref<16384xi32, #tpu.memory_space<hbm>> -> memref<512xi32, #tpu.memory_space<hbm>>
      %dma_start3A_133 = tpu.memref_slice %arg8[%mul3A_2] : memref<16384xi32, #tpu.memory_space<hbm>> -> memref<512xi32, #tpu.memory_space<hbm>>
      tpu.enqueue_dma source(%dma_start3A_133 : memref<512xi32, #tpu.memory_space<hbm>>) target(%arg16 : memref<512xi32, #tpu.memory_space<vmem>>) target_semaphore(%run_scoped3A : memref<!tpu.dma_semaphore, #tpu.memory_space<semaphore_mem>>)
      %dma_wait3A_134 = tpu.memref_slice %arg8[%mul3A_2] : memref<16384xi32, #tpu.memory_space<hbm>> -> memref<512xi32, #tpu.memory_space<hbm>>
      %dma_wait3A_135 = tpu.memref_slice %arg8[%mul3A_2] : memref<16384xi32, #tpu.memory_space<hbm>> -> memref<512xi32, #tpu.memory_space<hbm>>
      tpu.wait_dma2 semaphore(%run_scoped3A : memref<!tpu.dma_semaphore, #tpu.memory_space<semaphore_mem>>) src(%dma_wait3A_135 : memref<512xi32, #tpu.memory_space<hbm>>) dst(%arg16 : memref<512xi32, #tpu.memory_space<vmem>>)
      tpu.yield
    }) : () -> ()
    %scan3A_83 = arith.constant 0 : i32
    %scan3A_84 = arith.constant 16 : i32
    %scan3A_85 = arith.addi %scan3A_83, %scan3A_84 : i32
    %scan3A_86 = arith.constant 1 : i32
    scf.for %scan3A_133 = %scan3A_83 to %scan3A_85 step %scan3A_86  : i32 {
      %mul3A_134 = arith.constant 16 : i32
      %mul3A_135 = arith.muli %scan3A_133, %mul3A_134 : i32
      %add3A_136 = arith.constant 0 : i32
      %add3A_137 = arith.addi %add3A_136, %mul3A_135 : i32
      %get3A = arith.index_cast %add3A_137 : i32 to index
      %get3A_138 = tpu.vector_load %arg16[%get3A] {strides = array<i32>} : memref<512xi32, #tpu.memory_space<vmem>>, vector<16xi32>,
      %get3A_139 = vector.shape_cast %get3A_138 : vector<16xi32> to vector<16xi32>
      %slice3A = vector.extract_strided_slice %get3A_139 {offsets = [0], sizes = [1], strides = [1]} : vector<16xi32> to vector<1xi32>
      %squeeze3A = vector.extract %slice3A[0] : i32 from vector<1xi32>
      %mul3A_140 = arith.constant 16 : i32
      %mul3A_141 = arith.muli %scan3A_133, %mul3A_140 : i32
      %add3A_142 = arith.constant 0 : i32
      %add3A_143 = arith.addi %mul3A_141, %add3A_142 : i32
      %dma_start3A = arith.constant 0 : i32
      %dma_start3A_144 = tpu.memref_slice %arg17[%add3A_143, %dma_start3A] : memref<256x64xf32, #tpu.memory_space<vmem>> -> memref<1x64xf32, #tpu.memory_space<vmem>>
      %dma_start3A_145 = arith.constant 0 : i32
      %dma_start3A_146 = tpu.memref_slice %arg3[%squeeze3A, %dma_start3A_145] : memref<1000x64xf32, #tpu.memory_space<hbm>> -> memref<1x64xf32, #tpu.memory_space<hbm>>
      %dma_start3A_147 = arith.constant 0 : i32
      %dma_start3A_148 = tpu.memref_slice %arg17[%add3A_143, %dma_start3A_147] : memref<256x64xf32, #tpu.memory_space<vmem>> -> memref<1x64xf32, #tpu.memory_space<vmem>>
      %dma_start3A_149 = arith.constant 0 : i32
      %dma_start3A_150 = tpu.memref_slice %arg3[%squeeze3A, %dma_start3A_149] : memref<1000x64xf32, #tpu.memory_space<hbm>> -> memref<1x64xf32, #tpu.memory_space<hbm>>
      tpu.enqueue_dma source(%dma_start3A_150 : memref<1x64xf32, #tpu.memory_space<hbm>>) target(%dma_start3A_148 : memref<1x64xf32, #tpu.memory_space<vmem>>) target_semaphore(%arg19 : memref<!tpu.dma_semaphore, #tpu.memory_space<semaphore_mem>>)
      %slice3A_151 = vector.extract_strided_slice %get3A_139 {offsets = [1], sizes = [1], strides = [1]} : vector<16xi32> to vector<1xi32>
      %squeeze3A_152 = vector.extract %slice3A_151[0] : i32 from vector<1xi32>
      %mul3A_153 = arith.constant 16 : i32
      %mul3A_154 = arith.muli %scan3A_133, %mul3A_153 : i32
      %add3A_155 = arith.constant 1 : i32
      %add3A_156 = arith.addi %mul3A_154, %add3A_155 : i32
      %dma_start3A_157 = arith.constant 0 : i32
      %dma_start3A_158 = tpu.memref_slice %arg17[%add3A_156, %dma_start3A_157] : memref<256x64xf32, #tpu.memory_space<vmem>> -> memref<1x64xf32, #tpu.memory_space<vmem>>
      %dma_start3A_159 = arith.constant 0 : i32
      %dma_start3A_160 = tpu.memref_slice %arg3[%squeeze3A_152, %dma_start3A_159] : memref<1000x64xf32, #tpu.memory_space<hbm>> -> memref<1x64xf32, #tpu.memory_space<hbm>>
      %dma_start3A_161 = arith.constant 0 : i32
      %dma_start3A_162 = tpu.memref_slice %arg17[%add3A_156, %dma_start3A_161] : memref<256x64xf32, #tpu.memory_space<vmem>> -> memref<1x64xf32, #tpu.memory_space<vmem>>
      %dma_start3A_163 = arith.constant 0 : i32
      %dma_start3A_164 = tpu.memref_slice %arg3[%squeeze3A_152, %dma_start3A_163] : memref<1000x64xf32, #tpu.memory_space<hbm>> -> memref<1x64xf32, #tpu.memory_space<hbm>>
      tpu.enqueue_dma source(%dma_start3A_164 : memref<1x64xf32, #tpu.memory_space<hbm>>) target(%dma_start3A_162 : memref<1x64xf32, #tpu.memory_space<vmem>>) target_semaphore(%arg19 : memref<!tpu.dma_semaphore, #tpu.memory_space<semaphore_mem>>)
      %slice3A_165 = vector.extract_strided_slice %get3A_139 {offsets = [2], sizes = [1], strides = [1]} : vector<16xi32> to vector<1xi32>
      %squeeze3A_166 = vector.extract %slice3A_165[0] : i32 from vector<1xi32>
      %mul3A_167 = arith.constant 16 : i32
      %mul3A_168 = arith.muli %scan3A_133, %mul3A_167 : i32
      %add3A_169 = arith.constant 2 : i32
      %add3A_170 = arith.addi %mul3A_168, %add3A_169 : i32
      %dma_start3A_171 = arith.constant 0 : i32
      %dma_start3A_172 = tpu.memref_slice %arg17[%add3A_170, %dma_start3A_171] : memref<256x64xf32, #tpu.memory_space<vmem>> -> memref<1x64xf32, #tpu.memory_space<vmem>>
      %dma_start3A_173 = arith.constant 0 : i32
      %dma_start3A_174 = tpu.memref_slice %arg3[%squeeze3A_166, %dma_start3A_173] : memref<1000x64xf32, #tpu.memory_space<hbm>> -> memref<1x64xf32, #tpu.memory_space<hbm>>
      %dma_start3A_175 = arith.constant 0 : i32
      %dma_start3A_176 = tpu.memref_slice %arg17[%add3A_170, %dma_start3A_175] : memref<256x64xf32, #tpu.memory_space<vmem>> -> memref<1x64xf32, #tpu.memory_space<vmem>>
      %dma_start3A_177 = arith.constant 0 : i32
      %dma_start3A_178 = tpu.memref_slice %arg3[%squeeze3A_166, %dma_start3A_177] : memref<1000x64xf32, #tpu.memory_space<hbm>> -> memref<1x64xf32, #tpu.memory_space<hbm>>
      tpu.enqueue_dma source(%dma_start3A_178 : memref<1x64xf32, #tpu.memory_space<hbm>>) target(%dma_start3A_176 : memref<1x64xf32, #tpu.memory_space<vmem>>) target_semaphore(%arg19 : memref<!tpu.dma_semaphore, #tpu.memory_space<semaphore_mem>>)
      %slice3A_179 = vector.extract_strided_slice %get3A_139 {offsets = [3], sizes = [1], strides = [1]} : vector<16xi32> to vector<1xi32>
      %squeeze3A_180 = vector.extract %slice3A_179[0] : i32 from vector<1xi32>
      %mul3A_181 = arith.constant 16 : i32
      %mul3A_182 = arith.muli %scan3A_133, %mul3A_181 : i32
      %add3A_183 = arith.constant 3 : i32
      %add3A_184 = arith.addi %mul3A_182, %add3A_183 : i32
      %dma_start3A_185 = arith.constant 0 : i32
      %dma_start3A_186 = tpu.memref_slice %arg17[%add3A_184, %dma_start3A_185] : memref<256x64xf32, #tpu.memory_space<vmem>> -> memref<1x64xf32, #tpu.memory_space<vmem>>
      %dma_start3A_187 = arith.constant 0 : i32
      %dma_start3A_188 = tpu.memref_slice %arg3[%squeeze3A_180, %dma_start3A_187] : memref<1000x64xf32, #tpu.memory_space<hbm>> -> memref<1x64xf32, #tpu.memory_space<hbm>>
      %dma_start3A_189 = arith.constant 0 : i32
      %dma_start3A_190 = tpu.memref_slice %arg17[%add3A_184, %dma_start3A_189] : memref<256x64xf32, #tpu.memory_space<vmem>> -> memref<1x64xf32, #tpu.memory_space<vmem>>
      %dma_start3A_191 = arith.constant 0 : i32
      %dma_start3A_192 = tpu.memref_slice %arg3[%squeeze3A_180, %dma_start3A_191] : memref<1000x64xf32, #tpu.memory_space<hbm>> -> memref<1x64xf32, #tpu.memory_space<hbm>>
      tpu.enqueue_dma source(%dma_start3A_192 : memref<1x64xf32, #tpu.memory_space<hbm>>) target(%dma_start3A_190 : memref<1x64xf32, #tpu.memory_space<vmem>>) target_semaphore(%arg19 : memref<!tpu.dma_semaphore, #tpu.memory_space<semaphore_mem>>)
      %slice3A_193 = vector.extract_strided_slice %get3A_139 {offsets = [4], sizes = [1], strides = [1]} : vector<16xi32> to vector<1xi32>
      %squeeze3A_194 = vector.extract %slice3A_193[0] : i32 from vector<1xi32>
      %mul3A_195 = arith.constant 16 : i32
      %mul3A_196 = arith.muli %scan3A_133, %mul3A_195 : i32
      %add3A_197 = arith.constant 4 : i32
      %add3A_198 = arith.addi %mul3A_196, %add3A_197 : i32
      %dma_start3A_199 = arith.constant 0 : i32
      %dma_start3A_200 = tpu.memref_slice %arg17[%add3A_198, %dma_start3A_199] : memref<256x64xf32, #tpu.memory_space<vmem>> -> memref<1x64xf32, #tpu.memory_space<vmem>>
      %dma_start3A_201 = arith.constant 0 : i32
      %dma_start3A_202 = tpu.memref_slice %arg3[%squeeze3A_194, %dma_start3A_201] : memref<1000x64xf32, #tpu.memory_space<hbm>> -> memref<1x64xf32, #tpu.memory_space<hbm>>
      %dma_start3A_203 = arith.constant 0 : i32
      %dma_start3A_204 = tpu.memref_slice %arg17[%add3A_198, %dma_start3A_203] : memref<256x64xf32, #tpu.memory_space<vmem>> -> memref<1x64xf32, #tpu.memory_space<vmem>>
      %dma_start3A_205 = arith.constant 0 : i32
      %dma_start3A_206 = tpu.memref_slice %arg3[%squeeze3A_194, %dma_start3A_205] : memref<1000x64xf32, #tpu.memory_space<hbm>> -> memref<1x64xf32, #tpu.memory_space<hbm>>
      tpu.enqueue_dma source(%dma_start3A_206 : memref<1x64xf32, #tpu.memory_space<hbm>>) target(%dma_start3A_204 : memref<1x64xf32, #tpu.memory_space<vmem>>) target_semaphore(%arg19 : memref<!tpu.dma_semaphore, #tpu.memory_space<semaphore_mem>>)
      %slice3A_207 = vector.extract_strided_slice %get3A_139 {offsets = [5], sizes = [1], strides = [1]} : vector<16xi32> to vector<1xi32>
      %squeeze3A_208 = vector.extract %slice3A_207[0] : i32 from vector<1xi32>
      %mul3A_209 = arith.constant 16 : i32
      %mul3A_210 = arith.muli %scan3A_133, %mul3A_209 : i32
      %add3A_211 = arith.constant 5 : i32
      %add3A_212 = arith.addi %mul3A_210, %add3A_211 : i32
      %dma_start3A_213 = arith.constant 0 : i32
      %dma_start3A_214 = tpu.memref_slice %arg17[%add3A_212, %dma_start3A_213] : memref<256x64xf32, #tpu.memory_space<vmem>> -> memref<1x64xf32, #tpu.memory_space<vmem>>
      %dma_start3A_215 = arith.constant 0 : i32
      %dma_start3A_216 = tpu.memref_slice %arg3[%squeeze3A_208, %dma_start3A_215] : memref<1000x64xf32, #tpu.memory_space<hbm>> -> memref<1x64xf32, #tpu.memory_space<hbm>>
      %dma_start3A_217 = arith.constant 0 : i32
      %dma_start3A_218 = tpu.memref_slice %arg17[%add3A_212, %dma_start3A_217] : memref<256x64xf32, #tpu.memory_space<vmem>> -> memref<1x64xf32, #tpu.memory_space<vmem>>
      %dma_start3A_219 = arith.constant 0 : i32
      %dma_start3A_220 = tpu.memref_slice %arg3[%squeeze3A_208, %dma_start3A_219] : memref<1000x64xf32, #tpu.memory_space<hbm>> -> memref<1x64xf32, #tpu.memory_space<hbm>>
      tpu.enqueue_dma source(%dma_start3A_220 : memref<1x64xf32, #tpu.memory_space<hbm>>) target(%dma_start3A_218 : memref<1x64xf32, #tpu.memory_space<vmem>>) target_semaphore(%arg19 : memref<!tpu.dma_semaphore, #tpu.memory_space<semaphore_mem>>)
      %slice3A_221 = vector.extract_strided_slice %get3A_139 {offsets = [6], sizes = [1], strides = [1]} : vector<16xi32> to vector<1xi32>
      %squeeze3A_222 = vector.extract %slice3A_221[0] : i32 from vector<1xi32>
      %mul3A_223 = arith.constant 16 : i32
      %mul3A_224 = arith.muli %scan3A_133, %mul3A_223 : i32
      %add3A_225 = arith.constant 6 : i32
      %add3A_226 = arith.addi %mul3A_224, %add3A_225 : i32
      %dma_start3A_227 = arith.constant 0 : i32
      %dma_start3A_228 = tpu.memref_slice %arg17[%add3A_226, %dma_start3A_227] : memref<256x64xf32, #tpu.memory_space<vmem>> -> memref<1x64xf32, #tpu.memory_space<vmem>>
      %dma_start3A_229 = arith.constant 0 : i32
      %dma_start3A_230 = tpu.memref_slice %arg3[%squeeze3A_222, %dma_start3A_229] : memref<1000x64xf32, #tpu.memory_space<hbm>> -> memref<1x64xf32, #tpu.memory_space<hbm>>
      %dma_start3A_231 = arith.constant 0 : i32
      %dma_start3A_232 = tpu.memref_slice %arg17[%add3A_226, %dma_start3A_231] : memref<256x64xf32, #tpu.memory_space<vmem>> -> memref<1x64xf32, #tpu.memory_space<vmem>>
      %dma_start3A_233 = arith.constant 0 : i32
      %dma_start3A_234 = tpu.memref_slice %arg3[%squeeze3A_222, %dma_start3A_233] : memref<1000x64xf32, #tpu.memory_space<hbm>> -> memref<1x64xf32, #tpu.memory_space<hbm>>
      tpu.enqueue_dma source(%dma_start3A_234 : memref<1x64xf32, #tpu.memory_space<hbm>>) target(%dma_start3A_232 : memref<1x64xf32, #tpu.memory_space<vmem>>) target_semaphore(%arg19 : memref<!tpu.dma_semaphore, #tpu.memory_space<semaphore_mem>>)
      %slice3A_235 = vector.extract_strided_slice %get3A_139 {offsets = [7], sizes = [1], strides = [1]} : vector<16xi32> to vector<1xi32>
      %squeeze3A_236 = vector.extract %slice3A_235[0] : i32 from vector<1xi32>
      %mul3A_237 = arith.constant 16 : i32
      %mul3A_238 = arith.muli %scan3A_133, %mul3A_237 : i32
      %add3A_239 = arith.constant 7 : i32
      %add3A_240 = arith.addi %mul3A_238, %add3A_239 : i32
      %dma_start3A_241 = arith.constant 0 : i32
      %dma_start3A_242 = tpu.memref_slice %arg17[%add3A_240, %dma_start3A_241] : memref<256x64xf32, #tpu.memory_space<vmem>> -> memref<1x64xf32, #tpu.memory_space<vmem>>
      %dma_start3A_243 = arith.constant 0 : i32
      %dma_start3A_244 = tpu.memref_slice %arg3[%squeeze3A_236, %dma_start3A_243] : memref<1000x64xf32, #tpu.memory_space<hbm>> -> memref<1x64xf32, #tpu.memory_space<hbm>>
      %dma_start3A_245 = arith.constant 0 : i32
      %dma_start3A_246 = tpu.memref_slice %arg17[%add3A_240, %dma_start3A_245] : memref<256x64xf32, #tpu.memory_space<vmem>> -> memref<1x64xf32, #tpu.memory_space<vmem>>
      %dma_start3A_247 = arith.constant 0 : i32
      %dma_start3A_248 = tpu.memref_slice %arg3[%squeeze3A_236, %dma_start3A_247] : memref<1000x64xf32, #tpu.memory_space<hbm>> -> memref<1x64xf32, #tpu.memory_space<hbm>>
      tpu.enqueue_dma source(%dma_start3A_248 : memref<1x64xf32, #tpu.memory_space<hbm>>) target(%dma_start3A_246 : memref<1x64xf32, #tpu.memory_space<vmem>>) target_semaphore(%arg19 : memref<!tpu.dma_semaphore, #tpu.memory_space<semaphore_mem>>)
      %slice3A_249 = vector.extract_strided_slice %get3A_139 {offsets = [8], sizes = [1], strides = [1]} : vector<16xi32> to vector<1xi32>
      %squeeze3A_250 = vector.extract %slice3A_249[0] : i32 from vector<1xi32>
      %mul3A_251 = arith.constant 16 : i32
      %mul3A_252 = arith.muli %scan3A_133, %mul3A_251 : i32
      %add3A_253 = arith.constant 8 : i32
      %add3A_254 = arith.addi %mul3A_252, %add3A_253 : i32
      %dma_start3A_255 = arith.constant 0 : i32
      %dma_start3A_256 = tpu.memref_slice %arg17[%add3A_254, %dma_start3A_255] : memref<256x64xf32, #tpu.memory_space<vmem>> -> memref<1x64xf32, #tpu.memory_space<vmem>>
      %dma_start3A_257 = arith.constant 0 : i32
      %dma_start3A_258 = tpu.memref_slice %arg3[%squeeze3A_250, %dma_start3A_257] : memref<1000x64xf32, #tpu.memory_space<hbm>> -> memref<1x64xf32, #tpu.memory_space<hbm>>
      %dma_start3A_259 = arith.constant 0 : i32
      %dma_start3A_260 = tpu.memref_slice %arg17[%add3A_254, %dma_start3A_259] : memref<256x64xf32, #tpu.memory_space<vmem>> -> memref<1x64xf32, #tpu.memory_space<vmem>>
      %dma_start3A_261 = arith.constant 0 : i32
      %dma_start3A_262 = tpu.memref_slice %arg3[%squeeze3A_250, %dma_start3A_261] : memref<1000x64xf32, #tpu.memory_space<hbm>> -> memref<1x64xf32, #tpu.memory_space<hbm>>
      tpu.enqueue_dma source(%dma_start3A_262 : memref<1x64xf32, #tpu.memory_space<hbm>>) target(%dma_start3A_260 : memref<1x64xf32, #tpu.memory_space<vmem>>) target_semaphore(%arg19 : memref<!tpu.dma_semaphore, #tpu.memory_space<semaphore_mem>>)
      %slice3A_263 = vector.extract_strided_slice %get3A_139 {offsets = [9], sizes = [1], strides = [1]} : vector<16xi32> to vector<1xi32>
      %squeeze3A_264 = vector.extract %slice3A_263[0] : i32 from vector<1xi32>
      %mul3A_265 = arith.constant 16 : i32
      %mul3A_266 = arith.muli %scan3A_133, %mul3A_265 : i32
      %add3A_267 = arith.constant 9 : i32
      %add3A_268 = arith.addi %mul3A_266, %add3A_267 : i32
      %dma_start3A_269 = arith.constant 0 : i32
      %dma_start3A_270 = tpu.memref_slice %arg17[%add3A_268, %dma_start3A_269] : memref<256x64xf32, #tpu.memory_space<vmem>> -> memref<1x64xf32, #tpu.memory_space<vmem>>
      %dma_start3A_271 = arith.constant 0 : i32
      %dma_start3A_272 = tpu.memref_slice %arg3[%squeeze3A_264, %dma_start3A_271] : memref<1000x64xf32, #tpu.memory_space<hbm>> -> memref<1x64xf32, #tpu.memory_space<hbm>>
      %dma_start3A_273 = arith.constant 0 : i32
      %dma_start3A_274 = tpu.memref_slice %arg17[%add3A_268, %dma_start3A_273] : memref<256x64xf32, #tpu.memory_space<vmem>> -> memref<1x64xf32, #tpu.memory_space<vmem>>
      %dma_start3A_275 = arith.constant 0 : i32
      %dma_start3A_276 = tpu.memref_slice %arg3[%squeeze3A_264, %dma_start3A_275] : memref<1000x64xf32, #tpu.memory_space<hbm>> -> memref<1x64xf32, #tpu.memory_space<hbm>>
      tpu.enqueue_dma source(%dma_start3A_276 : memref<1x64xf32, #tpu.memory_space<hbm>>) target(%dma_start3A_274 : memref<1x64xf32, #tpu.memory_space<vmem>>) target_semaphore(%arg19 : memref<!tpu.dma_semaphore, #tpu.memory_space<semaphore_mem>>)
      %slice3A_277 = vector.extract_strided_slice %get3A_139 {offsets = [10], sizes = [1], strides = [1]} : vector<16xi32> to vector<1xi32>
      %squeeze3A_278 = vector.extract %slice3A_277[0] : i32 from vector<1xi32>
      %mul3A_279 = arith.constant 16 : i32
      %mul3A_280 = arith.muli %scan3A_133, %mul3A_279 : i32
      %add3A_281 = arith.constant 10 : i32
      %add3A_282 = arith.addi %mul3A_280, %add3A_281 : i32
      %dma_start3A_283 = arith.constant 0 : i32
      %dma_start3A_284 = tpu.memref_slice %arg17[%add3A_282, %dma_start3A_283] : memref<256x64xf32, #tpu.memory_space<vmem>> -> memref<1x64xf32, #tpu.memory_space<vmem>>
      %dma_start3A_285 = arith.constant 0 : i32
      %dma_start3A_286 = tpu.memref_slice %arg3[%squeeze3A_278, %dma_start3A_285] : memref<1000x64xf32, #tpu.memory_space<hbm>> -> memref<1x64xf32, #tpu.memory_space<hbm>>
      %dma_start3A_287 = arith.constant 0 : i32
      %dma_start3A_288 = tpu.memref_slice %arg17[%add3A_282, %dma_start3A_287] : memref<256x64xf32, #tpu.memory_space<vmem>> -> memref<1x64xf32, #tpu.memory_space<vmem>>
      %dma_start3A_289 = arith.constant 0 : i32
      %dma_start3A_290 = tpu.memref_slice %arg3[%squeeze3A_278, %dma_start3A_289] : memref<1000x64xf32, #tpu.memory_space<hbm>> -> memref<1x64xf32, #tpu.memory_space<hbm>>
      tpu.enqueue_dma source(%dma_start3A_290 : memref<1x64xf32, #tpu.memory_space<hbm>>) target(%dma_start3A_288 : memref<1x64xf32, #tpu.memory_space<vmem>>) target_semaphore(%arg19 : memref<!tpu.dma_semaphore, #tpu.memory_space<semaphore_mem>>)
      %slice3A_291 = vector.extract_strided_slice %get3A_139 {offsets = [11], sizes = [1], strides = [1]} : vector<16xi32> to vector<1xi32>
      %squeeze3A_292 = vector.extract %slice3A_291[0] : i32 from vector<1xi32>
      %mul3A_293 = arith.constant 16 : i32
      %mul3A_294 = arith.muli %scan3A_133, %mul3A_293 : i32
      %add3A_295 = arith.constant 11 : i32
      %add3A_296 = arith.addi %mul3A_294, %add3A_295 : i32
      %dma_start3A_297 = arith.constant 0 : i32
      %dma_start3A_298 = tpu.memref_slice %arg17[%add3A_296, %dma_start3A_297] : memref<256x64xf32, #tpu.memory_space<vmem>> -> memref<1x64xf32, #tpu.memory_space<vmem>>
      %dma_start3A_299 = arith.constant 0 : i32
      %dma_start3A_300 = tpu.memref_slice %arg3[%squeeze3A_292, %dma_start3A_299] : memref<1000x64xf32, #tpu.memory_space<hbm>> -> memref<1x64xf32, #tpu.memory_space<hbm>>
      %dma_start3A_301 = arith.constant 0 : i32
      %dma_start3A_302 = tpu.memref_slice %arg17[%add3A_296, %dma_start3A_301] : memref<256x64xf32, #tpu.memory_space<vmem>> -> memref<1x64xf32, #tpu.memory_space<vmem>>
      %dma_start3A_303 = arith.constant 0 : i32
      %dma_start3A_304 = tpu.memref_slice %arg3[%squeeze3A_292, %dma_start3A_303] : memref<1000x64xf32, #tpu.memory_space<hbm>> -> memref<1x64xf32, #tpu.memory_space<hbm>>
      tpu.enqueue_dma source(%dma_start3A_304 : memref<1x64xf32, #tpu.memory_space<hbm>>) target(%dma_start3A_302 : memref<1x64xf32, #tpu.memory_space<vmem>>) target_semaphore(%arg19 : memref<!tpu.dma_semaphore, #tpu.memory_space<semaphore_mem>>)
      %slice3A_305 = vector.extract_strided_slice %get3A_139 {offsets = [12], sizes = [1], strides = [1]} : vector<16xi32> to vector<1xi32>
      %squeeze3A_306 = vector.extract %slice3A_305[0] : i32 from vector<1xi32>
      %mul3A_307 = arith.constant 16 : i32
      %mul3A_308 = arith.muli %scan3A_133, %mul3A_307 : i32
      %add3A_309 = arith.constant 12 : i32
      %add3A_310 = arith.addi %mul3A_308, %add3A_309 : i32
      %dma_start3A_311 = arith.constant 0 : i32
      %dma_start3A_312 = tpu.memref_slice %arg17[%add3A_310, %dma_start3A_311] : memref<256x64xf32, #tpu.memory_space<vmem>> -> memref<1x64xf32, #tpu.memory_space<vmem>>
      %dma_start3A_313 = arith.constant 0 : i32
      %dma_start3A_314 = tpu.memref_slice %arg3[%squeeze3A_306, %dma_start3A_313] : memref<1000x64xf32, #tpu.memory_space<hbm>> -> memref<1x64xf32, #tpu.memory_space<hbm>>
      %dma_start3A_315 = arith.constant 0 : i32
      %dma_start3A_316 = tpu.memref_slice %arg17[%add3A_310, %dma_start3A_315] : memref<256x64xf32, #tpu.memory_space<vmem>> -> memref<1x64xf32, #tpu.memory_space<vmem>>
      %dma_start3A_317 = arith.constant 0 : i32
      %dma_start3A_318 = tpu.memref_slice %arg3[%squeeze3A_306, %dma_start3A_317] : memref<1000x64xf32, #tpu.memory_space<hbm>> -> memref<1x64xf32, #tpu.memory_space<hbm>>
      tpu.enqueue_dma source(%dma_start3A_318 : memref<1x64xf32, #tpu.memory_space<hbm>>) target(%dma_start3A_316 : memref<1x64xf32, #tpu.memory_space<vmem>>) target_semaphore(%arg19 : memref<!tpu.dma_semaphore, #tpu.memory_space<semaphore_mem>>)
      %slice3A_319 = vector.extract_strided_slice %get3A_139 {offsets = [13], sizes = [1], strides = [1]} : vector<16xi32> to vector<1xi32>
      %squeeze3A_320 = vector.extract %slice3A_319[0] : i32 from vector<1xi32>
      %mul3A_321 = arith.constant 16 : i32
      %mul3A_322 = arith.muli %scan3A_133, %mul3A_321 : i32
      %add3A_323 = arith.constant 13 : i32
      %add3A_324 = arith.addi %mul3A_322, %add3A_323 : i32
      %dma_start3A_325 = arith.constant 0 : i32
      %dma_start3A_326 = tpu.memref_slice %arg17[%add3A_324, %dma_start3A_325] : memref<256x64xf32, #tpu.memory_space<vmem>> -> memref<1x64xf32, #tpu.memory_space<vmem>>
      %dma_start3A_327 = arith.constant 0 : i32
      %dma_start3A_328 = tpu.memref_slice %arg3[%squeeze3A_320, %dma_start3A_327] : memref<1000x64xf32, #tpu.memory_space<hbm>> -> memref<1x64xf32, #tpu.memory_space<hbm>>
      %dma_start3A_329 = arith.constant 0 : i32
      %dma_start3A_330 = tpu.memref_slice %arg17[%add3A_324, %dma_start3A_329] : memref<256x64xf32, #tpu.memory_space<vmem>> -> memref<1x64xf32, #tpu.memory_space<vmem>>
      %dma_start3A_331 = arith.constant 0 : i32
      %dma_start3A_332 = tpu.memref_slice %arg3[%squeeze3A_320, %dma_start3A_331] : memref<1000x64xf32, #tpu.memory_space<hbm>> -> memref<1x64xf32, #tpu.memory_space<hbm>>
      tpu.enqueue_dma source(%dma_start3A_332 : memref<1x64xf32, #tpu.memory_space<hbm>>) target(%dma_start3A_330 : memref<1x64xf32, #tpu.memory_space<vmem>>) target_semaphore(%arg19 : memref<!tpu.dma_semaphore, #tpu.memory_space<semaphore_mem>>)
      %slice3A_333 = vector.extract_strided_slice %get3A_139 {offsets = [14], sizes = [1], strides = [1]} : vector<16xi32> to vector<1xi32>
      %squeeze3A_334 = vector.extract %slice3A_333[0] : i32 from vector<1xi32>
      %mul3A_335 = arith.constant 16 : i32
      %mul3A_336 = arith.muli %scan3A_133, %mul3A_335 : i32
      %add3A_337 = arith.constant 14 : i32
      %add3A_338 = arith.addi %mul3A_336, %add3A_337 : i32
      %dma_start3A_339 = arith.constant 0 : i32
      %dma_start3A_340 = tpu.memref_slice %arg17[%add3A_338, %dma_start3A_339] : memref<256x64xf32, #tpu.memory_space<vmem>> -> memref<1x64xf32, #tpu.memory_space<vmem>>
      %dma_start3A_341 = arith.constant 0 : i32
      %dma_start3A_342 = tpu.memref_slice %arg3[%squeeze3A_334, %dma_start3A_341] : memref<1000x64xf32, #tpu.memory_space<hbm>> -> memref<1x64xf32, #tpu.memory_space<hbm>>
      %dma_start3A_343 = arith.constant 0 : i32
      %dma_start3A_344 = tpu.memref_slice %arg17[%add3A_338, %dma_start3A_343] : memref<256x64xf32, #tpu.memory_space<vmem>> -> memref<1x64xf32, #tpu.memory_space<vmem>>
      %dma_start3A_345 = arith.constant 0 : i32
      %dma_start3A_346 = tpu.memref_slice %arg3[%squeeze3A_334, %dma_start3A_345] : memref<1000x64xf32, #tpu.memory_space<hbm>> -> memref<1x64xf32, #tpu.memory_space<hbm>>
      tpu.enqueue_dma source(%dma_start3A_346 : memref<1x64xf32, #tpu.memory_space<hbm>>) target(%dma_start3A_344 : memref<1x64xf32, #tpu.memory_space<vmem>>) target_semaphore(%arg19 : memref<!tpu.dma_semaphore, #tpu.memory_space<semaphore_mem>>)
      %slice3A_347 = vector.extract_strided_slice %get3A_139 {offsets = [15], sizes = [1], strides = [1]} : vector<16xi32> to vector<1xi32>
      %squeeze3A_348 = vector.extract %slice3A_347[0] : i32 from vector<1xi32>
      %mul3A_349 = arith.constant 16 : i32
      %mul3A_350 = arith.muli %scan3A_133, %mul3A_349 : i32
      %add3A_351 = arith.constant 15 : i32
      %add3A_352 = arith.addi %mul3A_350, %add3A_351 : i32
      %dma_start3A_353 = arith.constant 0 : i32
      %dma_start3A_354 = tpu.memref_slice %arg17[%add3A_352, %dma_start3A_353] : memref<256x64xf32, #tpu.memory_space<vmem>> -> memref<1x64xf32, #tpu.memory_space<vmem>>
      %dma_start3A_355 = arith.constant 0 : i32
      %dma_start3A_356 = tpu.memref_slice %arg3[%squeeze3A_348, %dma_start3A_355] : memref<1000x64xf32, #tpu.memory_space<hbm>> -> memref<1x64xf32, #tpu.memory_space<hbm>>
      %dma_start3A_357 = arith.constant 0 : i32
      %dma_start3A_358 = tpu.memref_slice %arg17[%add3A_352, %dma_start3A_357] : memref<256x64xf32, #tpu.memory_space<vmem>> -> memref<1x64xf32, #tpu.memory_space<vmem>>
      %dma_start3A_359 = arith.constant 0 : i32
      %dma_start3A_360 = tpu.memref_slice %arg3[%squeeze3A_348, %dma_start3A_359] : memref<1000x64xf32, #tpu.memory_space<hbm>> -> memref<1x64xf32, #tpu.memory_space<hbm>>
      tpu.enqueue_dma source(%dma_start3A_360 : memref<1x64xf32, #tpu.memory_space<hbm>>) target(%dma_start3A_358 : memref<1x64xf32, #tpu.memory_space<vmem>>) target_semaphore(%arg19 : memref<!tpu.dma_semaphore, #tpu.memory_space<semaphore_mem>>)
    }
    %scan3A_87 = arith.constant 16 : i32
    %add3A_88 = arith.constant 256 : i32
    %add3A_89 = arith.addi %mul3A_2, %add3A_88 : i32
    %dma_wait3A_90 = arith.constant 0 : i32
    %dma_wait3A_91 = tpu.memref_slice %arg13[%add3A_89, %dma_wait3A_90] : memref<16384x64xf32, #tpu.memory_space<hbm>> -> memref<256x64xf32, #tpu.memory_space<hbm>>
    %dma_wait3A_92 = arith.constant 0 : i32
    %dma_wait3A_93 = tpu.memref_slice %arg13[%add3A_89, %dma_wait3A_92] : memref<16384x64xf32, #tpu.memory_space<hbm>> -> memref<256x64xf32, #tpu.memory_space<hbm>>
    tpu.wait_dma2 semaphore(%arg20 : memref<!tpu.dma_semaphore, #tpu.memory_space<semaphore_mem>>) src(%dma_wait3A_93 : memref<256x64xf32, #tpu.memory_space<hbm>>) dst(%arg18 : memref<256x64xf32, #tpu.memory_space<vmem>>)
    "tpu.region"() ({
      %run_scoped3A = tpu.sem_alloc : memref<!tpu.dma_semaphore, #tpu.memory_space<semaphore_mem>>
      %dma_start3A = arith.constant 0 : i32
      %dma_start3A_133 = tpu.memref_slice %arg13[%add3A_89, %dma_start3A] : memref<16384x64xf32, #tpu.memory_space<hbm>> -> memref<256x64xf32, #tpu.memory_space<hbm>>
      %dma_start3A_134 = arith.constant 0 : i32
      %dma_start3A_135 = tpu.memref_slice %arg13[%add3A_89, %dma_start3A_134] : memref<16384x64xf32, #tpu.memory_space<hbm>> -> memref<256x64xf32, #tpu.memory_space<hbm>>
      tpu.enqueue_dma source(%arg18 : memref<256x64xf32, #tpu.memory_space<vmem>>) target(%dma_start3A_135 : memref<256x64xf32, #tpu.memory_space<hbm>>) target_semaphore(%run_scoped3A : memref<!tpu.dma_semaphore, #tpu.memory_space<semaphore_mem>>)
      %dma_wait3A_136 = arith.constant 0 : i32
      %dma_wait3A_137 = tpu.memref_slice %arg13[%add3A_89, %dma_wait3A_136] : memref<16384x64xf32, #tpu.memory_space<hbm>> -> memref<256x64xf32, #tpu.memory_space<hbm>>
      %dma_wait3A_138 = arith.constant 0 : i32
      %dma_wait3A_139 = tpu.memref_slice %arg13[%add3A_89, %dma_wait3A_138] : memref<16384x64xf32, #tpu.memory_space<hbm>> -> memref<256x64xf32, #tpu.memory_space<hbm>>
      tpu.wait_dma2 semaphore(%run_scoped3A : memref<!tpu.dma_semaphore, #tpu.memory_space<semaphore_mem>>) src(%arg18 : memref<256x64xf32, #tpu.memory_space<vmem>>) dst(%dma_wait3A_139 : memref<256x64xf32, #tpu.memory_space<hbm>>)
      tpu.yield
    }) : () -> ()
    %scan3A_94 = arith.constant 0 : i32
    %scan3A_95 = arith.constant 16 : i32
    %scan3A_96 = arith.addi %scan3A_94, %scan3A_95 : i32
    %scan3A_97 = arith.constant 1 : i32
    scf.for %scan3A_133 = %scan3A_94 to %scan3A_96 step %scan3A_97  : i32 {
      %mul3A_134 = arith.constant 16 : i32
      %mul3A_135 = arith.muli %scan3A_133, %mul3A_134 : i32
      %add3A_136 = arith.constant 256 : i32
      %add3A_137 = arith.addi %add3A_136, %mul3A_135 : i32
      %get3A = arith.index_cast %add3A_137 : i32 to index
      %get3A_138 = tpu.vector_load %arg16[%get3A] {strides = array<i32>} : memref<512xi32, #tpu.memory_space<vmem>>, vector<16xi32>,
      %get3A_139 = vector.shape_cast %get3A_138 : vector<16xi32> to vector<16xi32>
      %slice3A = vector.extract_strided_slice %get3A_139 {offsets = [0], sizes = [1], strides = [1]} : vector<16xi32> to vector<1xi32>
      %squeeze3A = vector.extract %slice3A[0] : i32 from vector<1xi32>
      %mul3A_140 = arith.constant 16 : i32
      %mul3A_141 = arith.muli %scan3A_133, %mul3A_140 : i32
      %add3A_142 = arith.constant 0 : i32
      %add3A_143 = arith.addi %mul3A_141, %add3A_142 : i32
      %dma_start3A = arith.constant 0 : i32
      %dma_start3A_144 = tpu.memref_slice %arg18[%add3A_143, %dma_start3A] : memref<256x64xf32, #tpu.memory_space<vmem>> -> memref<1x64xf32, #tpu.memory_space<vmem>>
      %dma_start3A_145 = arith.constant 0 : i32
      %dma_start3A_146 = tpu.memref_slice %arg3[%squeeze3A, %dma_start3A_145] : memref<1000x64xf32, #tpu.memory_space<hbm>> -> memref<1x64xf32, #tpu.memory_space<hbm>>
      %dma_start3A_147 = arith.constant 0 : i32
      %dma_start3A_148 = tpu.memref_slice %arg18[%add3A_143, %dma_start3A_147] : memref<256x64xf32, #tpu.memory_space<vmem>> -> memref<1x64xf32, #tpu.memory_space<vmem>>
      %dma_start3A_149 = arith.constant 0 : i32
      %dma_start3A_150 = tpu.memref_slice %arg3[%squeeze3A, %dma_start3A_149] : memref<1000x64xf32, #tpu.memory_space<hbm>> -> memref<1x64xf32, #tpu.memory_space<hbm>>
      tpu.enqueue_dma source(%dma_start3A_150 : memref<1x64xf32, #tpu.memory_space<hbm>>) target(%dma_start3A_148 : memref<1x64xf32, #tpu.memory_space<vmem>>) target_semaphore(%arg20 : memref<!tpu.dma_semaphore, #tpu.memory_space<semaphore_mem>>)
      %slice3A_151 = vector.extract_strided_slice %get3A_139 {offsets = [1], sizes = [1], strides = [1]} : vector<16xi32> to vector<1xi32>
      %squeeze3A_152 = vector.extract %slice3A_151[0] : i32 from vector<1xi32>
      %mul3A_153 = arith.constant 16 : i32
      %mul3A_154 = arith.muli %scan3A_133, %mul3A_153 : i32
      %add3A_155 = arith.constant 1 : i32
      %add3A_156 = arith.addi %mul3A_154, %add3A_155 : i32
      %dma_start3A_157 = arith.constant 0 : i32
      %dma_start3A_158 = tpu.memref_slice %arg18[%add3A_156, %dma_start3A_157] : memref<256x64xf32, #tpu.memory_space<vmem>> -> memref<1x64xf32, #tpu.memory_space<vmem>>
      %dma_start3A_159 = arith.constant 0 : i32
      %dma_start3A_160 = tpu.memref_slice %arg3[%squeeze3A_152, %dma_start3A_159] : memref<1000x64xf32, #tpu.memory_space<hbm>> -> memref<1x64xf32, #tpu.memory_space<hbm>>
      %dma_start3A_161 = arith.constant 0 : i32
      %dma_start3A_162 = tpu.memref_slice %arg18[%add3A_156, %dma_start3A_161] : memref<256x64xf32, #tpu.memory_space<vmem>> -> memref<1x64xf32, #tpu.memory_space<vmem>>
      %dma_start3A_163 = arith.constant 0 : i32
      %dma_start3A_164 = tpu.memref_slice %arg3[%squeeze3A_152, %dma_start3A_163] : memref<1000x64xf32, #tpu.memory_space<hbm>> -> memref<1x64xf32, #tpu.memory_space<hbm>>
      tpu.enqueue_dma source(%dma_start3A_164 : memref<1x64xf32, #tpu.memory_space<hbm>>) target(%dma_start3A_162 : memref<1x64xf32, #tpu.memory_space<vmem>>) target_semaphore(%arg20 : memref<!tpu.dma_semaphore, #tpu.memory_space<semaphore_mem>>)
      %slice3A_165 = vector.extract_strided_slice %get3A_139 {offsets = [2], sizes = [1], strides = [1]} : vector<16xi32> to vector<1xi32>
      %squeeze3A_166 = vector.extract %slice3A_165[0] : i32 from vector<1xi32>
      %mul3A_167 = arith.constant 16 : i32
      %mul3A_168 = arith.muli %scan3A_133, %mul3A_167 : i32
      %add3A_169 = arith.constant 2 : i32
      %add3A_170 = arith.addi %mul3A_168, %add3A_169 : i32
      %dma_start3A_171 = arith.constant 0 : i32
      %dma_start3A_172 = tpu.memref_slice %arg18[%add3A_170, %dma_start3A_171] : memref<256x64xf32, #tpu.memory_space<vmem>> -> memref<1x64xf32, #tpu.memory_space<vmem>>
      %dma_start3A_173 = arith.constant 0 : i32
      %dma_start3A_174 = tpu.memref_slice %arg3[%squeeze3A_166, %dma_start3A_173] : memref<1000x64xf32, #tpu.memory_space<hbm>> -> memref<1x64xf32, #tpu.memory_space<hbm>>
      %dma_start3A_175 = arith.constant 0 : i32
      %dma_start3A_176 = tpu.memref_slice %arg18[%add3A_170, %dma_start3A_175] : memref<256x64xf32, #tpu.memory_space<vmem>> -> memref<1x64xf32, #tpu.memory_space<vmem>>
      %dma_start3A_177 = arith.constant 0 : i32
      %dma_start3A_178 = tpu.memref_slice %arg3[%squeeze3A_166, %dma_start3A_177] : memref<1000x64xf32, #tpu.memory_space<hbm>> -> memref<1x64xf32, #tpu.memory_space<hbm>>
      tpu.enqueue_dma source(%dma_start3A_178 : memref<1x64xf32, #tpu.memory_space<hbm>>) target(%dma_start3A_176 : memref<1x64xf32, #tpu.memory_space<vmem>>) target_semaphore(%arg20 : memref<!tpu.dma_semaphore, #tpu.memory_space<semaphore_mem>>)
      %slice3A_179 = vector.extract_strided_slice %get3A_139 {offsets = [3], sizes = [1], strides = [1]} : vector<16xi32> to vector<1xi32>
      %squeeze3A_180 = vector.extract %slice3A_179[0] : i32 from vector<1xi32>
      %mul3A_181 = arith.constant 16 : i32
      %mul3A_182 = arith.muli %scan3A_133, %mul3A_181 : i32
      %add3A_183 = arith.constant 3 : i32
      %add3A_184 = arith.addi %mul3A_182, %add3A_183 : i32
      %dma_start3A_185 = arith.constant 0 : i32
      %dma_start3A_186 = tpu.memref_slice %arg18[%add3A_184, %dma_start3A_185] : memref<256x64xf32, #tpu.memory_space<vmem>> -> memref<1x64xf32, #tpu.memory_space<vmem>>
      %dma_start3A_187 = arith.constant 0 : i32
      %dma_start3A_188 = tpu.memref_slice %arg3[%squeeze3A_180, %dma_start3A_187] : memref<1000x64xf32, #tpu.memory_space<hbm>> -> memref<1x64xf32, #tpu.memory_space<hbm>>
      %dma_start3A_189 = arith.constant 0 : i32
      %dma_start3A_190 = tpu.memref_slice %arg18[%add3A_184, %dma_start3A_189] : memref<256x64xf32, #tpu.memory_space<vmem>> -> memref<1x64xf32, #tpu.memory_space<vmem>>
      %dma_start3A_191 = arith.constant 0 : i32
      %dma_start3A_192 = tpu.memref_slice %arg3[%squeeze3A_180, %dma_start3A_191] : memref<1000x64xf32, #tpu.memory_space<hbm>> -> memref<1x64xf32, #tpu.memory_space<hbm>>
      tpu.enqueue_dma source(%dma_start3A_192 : memref<1x64xf32, #tpu.memory_space<hbm>>) target(%dma_start3A_190 : memref<1x64xf32, #tpu.memory_space<vmem>>) target_semaphore(%arg20 : memref<!tpu.dma_semaphore, #tpu.memory_space<semaphore_mem>>)
      %slice3A_193 = vector.extract_strided_slice %get3A_139 {offsets = [4], sizes = [1], strides = [1]} : vector<16xi32> to vector<1xi32>
      %squeeze3A_194 = vector.extract %slice3A_193[0] : i32 from vector<1xi32>
      %mul3A_195 = arith.constant 16 : i32
      %mul3A_196 = arith.muli %scan3A_133, %mul3A_195 : i32
      %add3A_197 = arith.constant 4 : i32
      %add3A_198 = arith.addi %mul3A_196, %add3A_197 : i32
      %dma_start3A_199 = arith.constant 0 : i32
      %dma_start3A_200 = tpu.memref_slice %arg18[%add3A_198, %dma_start3A_199] : memref<256x64xf32, #tpu.memory_space<vmem>> -> memref<1x64xf32, #tpu.memory_space<vmem>>
      %dma_start3A_201 = arith.constant 0 : i32
      %dma_start3A_202 = tpu.memref_slice %arg3[%squeeze3A_194, %dma_start3A_201] : memref<1000x64xf32, #tpu.memory_space<hbm>> -> memref<1x64xf32, #tpu.memory_space<hbm>>
      %dma_start3A_203 = arith.constant 0 : i32
      %dma_start3A_204 = tpu.memref_slice %arg18[%add3A_198, %dma_start3A_203] : memref<256x64xf32, #tpu.memory_space<vmem>> -> memref<1x64xf32, #tpu.memory_space<vmem>>
      %dma_start3A_205 = arith.constant 0 : i32
      %dma_start3A_206 = tpu.memref_slice %arg3[%squeeze3A_194, %dma_start3A_205] : memref<1000x64xf32, #tpu.memory_space<hbm>> -> memref<1x64xf32, #tpu.memory_space<hbm>>
      tpu.enqueue_dma source(%dma_start3A_206 : memref<1x64xf32, #tpu.memory_space<hbm>>) target(%dma_start3A_204 : memref<1x64xf32, #tpu.memory_space<vmem>>) target_semaphore(%arg20 : memref<!tpu.dma_semaphore, #tpu.memory_space<semaphore_mem>>)
      %slice3A_207 = vector.extract_strided_slice %get3A_139 {offsets = [5], sizes = [1], strides = [1]} : vector<16xi32> to vector<1xi32>
      %squeeze3A_208 = vector.extract %slice3A_207[0] : i32 from vector<1xi32>
      %mul3A_209 = arith.constant 16 : i32
      %mul3A_210 = arith.muli %scan3A_133, %mul3A_209 : i32
      %add3A_211 = arith.constant 5 : i32
      %add3A_212 = arith.addi %mul3A_210, %add3A_211 : i32
      %dma_start3A_213 = arith.constant 0 : i32
      %dma_start3A_214 = tpu.memref_slice %arg18[%add3A_212, %dma_start3A_213] : memref<256x64xf32, #tpu.memory_space<vmem>> -> memref<1x64xf32, #tpu.memory_space<vmem>>
      %dma_start3A_215 = arith.constant 0 : i32
      %dma_start3A_216 = tpu.memref_slice %arg3[%squeeze3A_208, %dma_start3A_215] : memref<1000x64xf32, #tpu.memory_space<hbm>> -> memref<1x64xf32, #tpu.memory_space<hbm>>
      %dma_start3A_217 = arith.constant 0 : i32
      %dma_start3A_218 = tpu.memref_slice %arg18[%add3A_212, %dma_start3A_217] : memref<256x64xf32, #tpu.memory_space<vmem>> -> memref<1x64xf32, #tpu.memory_space<vmem>>
      %dma_start3A_219 = arith.constant 0 : i32
      %dma_start3A_220 = tpu.memref_slice %arg3[%squeeze3A_208, %dma_start3A_219] : memref<1000x64xf32, #tpu.memory_space<hbm>> -> memref<1x64xf32, #tpu.memory_space<hbm>>
      tpu.enqueue_dma source(%dma_start3A_220 : memref<1x64xf32, #tpu.memory_space<hbm>>) target(%dma_start3A_218 : memref<1x64xf32, #tpu.memory_space<vmem>>) target_semaphore(%arg20 : memref<!tpu.dma_semaphore, #tpu.memory_space<semaphore_mem>>)
      %slice3A_221 = vector.extract_strided_slice %get3A_139 {offsets = [6], sizes = [1], strides = [1]} : vector<16xi32> to vector<1xi32>
      %squeeze3A_222 = vector.extract %slice3A_221[0] : i32 from vector<1xi32>
      %mul3A_223 = arith.constant 16 : i32
      %mul3A_224 = arith.muli %scan3A_133, %mul3A_223 : i32
      %add3A_225 = arith.constant 6 : i32
      %add3A_226 = arith.addi %mul3A_224, %add3A_225 : i32
      %dma_start3A_227 = arith.constant 0 : i32
      %dma_start3A_228 = tpu.memref_slice %arg18[%add3A_226, %dma_start3A_227] : memref<256x64xf32, #tpu.memory_space<vmem>> -> memref<1x64xf32, #tpu.memory_space<vmem>>
      %dma_start3A_229 = arith.constant 0 : i32
      %dma_start3A_230 = tpu.memref_slice %arg3[%squeeze3A_222, %dma_start3A_229] : memref<1000x64xf32, #tpu.memory_space<hbm>> -> memref<1x64xf32, #tpu.memory_space<hbm>>
      %dma_start3A_231 = arith.constant 0 : i32
      %dma_start3A_232 = tpu.memref_slice %arg18[%add3A_226, %dma_start3A_231] : memref<256x64xf32, #tpu.memory_space<vmem>> -> memref<1x64xf32, #tpu.memory_space<vmem>>
      %dma_start3A_233 = arith.constant 0 : i32
      %dma_start3A_234 = tpu.memref_slice %arg3[%squeeze3A_222, %dma_start3A_233] : memref<1000x64xf32, #tpu.memory_space<hbm>> -> memref<1x64xf32, #tpu.memory_space<hbm>>
      tpu.enqueue_dma source(%dma_start3A_234 : memref<1x64xf32, #tpu.memory_space<hbm>>) target(%dma_start3A_232 : memref<1x64xf32, #tpu.memory_space<vmem>>) target_semaphore(%arg20 : memref<!tpu.dma_semaphore, #tpu.memory_space<semaphore_mem>>)
      %slice3A_235 = vector.extract_strided_slice %get3A_139 {offsets = [7], sizes = [1], strides = [1]} : vector<16xi32> to vector<1xi32>
      %squeeze3A_236 = vector.extract %slice3A_235[0] : i32 from vector<1xi32>
      %mul3A_237 = arith.constant 16 : i32
      %mul3A_238 = arith.muli %scan3A_133, %mul3A_237 : i32
      %add3A_239 = arith.constant 7 : i32
      %add3A_240 = arith.addi %mul3A_238, %add3A_239 : i32
      %dma_start3A_241 = arith.constant 0 : i32
      %dma_start3A_242 = tpu.memref_slice %arg18[%add3A_240, %dma_start3A_241] : memref<256x64xf32, #tpu.memory_space<vmem>> -> memref<1x64xf32, #tpu.memory_space<vmem>>
      %dma_start3A_243 = arith.constant 0 : i32
      %dma_start3A_244 = tpu.memref_slice %arg3[%squeeze3A_236, %dma_start3A_243] : memref<1000x64xf32, #tpu.memory_space<hbm>> -> memref<1x64xf32, #tpu.memory_space<hbm>>
      %dma_start3A_245 = arith.constant 0 : i32
      %dma_start3A_246 = tpu.memref_slice %arg18[%add3A_240, %dma_start3A_245] : memref<256x64xf32, #tpu.memory_space<vmem>> -> memref<1x64xf32, #tpu.memory_space<vmem>>
      %dma_start3A_247 = arith.constant 0 : i32
      %dma_start3A_248 = tpu.memref_slice %arg3[%squeeze3A_236, %dma_start3A_247] : memref<1000x64xf32, #tpu.memory_space<hbm>> -> memref<1x64xf32, #tpu.memory_space<hbm>>
      tpu.enqueue_dma source(%dma_start3A_248 : memref<1x64xf32, #tpu.memory_space<hbm>>) target(%dma_start3A_246 : memref<1x64xf32, #tpu.memory_space<vmem>>) target_semaphore(%arg20 : memref<!tpu.dma_semaphore, #tpu.memory_space<semaphore_mem>>)
      %slice3A_249 = vector.extract_strided_slice %get3A_139 {offsets = [8], sizes = [1], strides = [1]} : vector<16xi32> to vector<1xi32>
      %squeeze3A_250 = vector.extract %slice3A_249[0] : i32 from vector<1xi32>
      %mul3A_251 = arith.constant 16 : i32
      %mul3A_252 = arith.muli %scan3A_133, %mul3A_251 : i32
      %add3A_253 = arith.constant 8 : i32
      %add3A_254 = arith.addi %mul3A_252, %add3A_253 : i32
      %dma_start3A_255 = arith.constant 0 : i32
      %dma_start3A_256 = tpu.memref_slice %arg18[%add3A_254, %dma_start3A_255] : memref<256x64xf32, #tpu.memory_space<vmem>> -> memref<1x64xf32, #tpu.memory_space<vmem>>
      %dma_start3A_257 = arith.constant 0 : i32
      %dma_start3A_258 = tpu.memref_slice %arg3[%squeeze3A_250, %dma_start3A_257] : memref<1000x64xf32, #tpu.memory_space<hbm>> -> memref<1x64xf32, #tpu.memory_space<hbm>>
      %dma_start3A_259 = arith.constant 0 : i32
      %dma_start3A_260 = tpu.memref_slice %arg18[%add3A_254, %dma_start3A_259] : memref<256x64xf32, #tpu.memory_space<vmem>> -> memref<1x64xf32, #tpu.memory_space<vmem>>
      %dma_start3A_261 = arith.constant 0 : i32
      %dma_start3A_262 = tpu.memref_slice %arg3[%squeeze3A_250, %dma_start3A_261] : memref<1000x64xf32, #tpu.memory_space<hbm>> -> memref<1x64xf32, #tpu.memory_space<hbm>>
      tpu.enqueue_dma source(%dma_start3A_262 : memref<1x64xf32, #tpu.memory_space<hbm>>) target(%dma_start3A_260 : memref<1x64xf32, #tpu.memory_space<vmem>>) target_semaphore(%arg20 : memref<!tpu.dma_semaphore, #tpu.memory_space<semaphore_mem>>)
      %slice3A_263 = vector.extract_strided_slice %get3A_139 {offsets = [9], sizes = [1], strides = [1]} : vector<16xi32> to vector<1xi32>
      %squeeze3A_264 = vector.extract %slice3A_263[0] : i32 from vector<1xi32>
      %mul3A_265 = arith.constant 16 : i32
      %mul3A_266 = arith.muli %scan3A_133, %mul3A_265 : i32
      %add3A_267 = arith.constant 9 : i32
      %add3A_268 = arith.addi %mul3A_266, %add3A_267 : i32
      %dma_start3A_269 = arith.constant 0 : i32
      %dma_start3A_270 = tpu.memref_slice %arg18[%add3A_268, %dma_start3A_269] : memref<256x64xf32, #tpu.memory_space<vmem>> -> memref<1x64xf32, #tpu.memory_space<vmem>>
      %dma_start3A_271 = arith.constant 0 : i32
      %dma_start3A_272 = tpu.memref_slice %arg3[%squeeze3A_264, %dma_start3A_271] : memref<1000x64xf32, #tpu.memory_space<hbm>> -> memref<1x64xf32, #tpu.memory_space<hbm>>
      %dma_start3A_273 = arith.constant 0 : i32
      %dma_start3A_274 = tpu.memref_slice %arg18[%add3A_268, %dma_start3A_273] : memref<256x64xf32, #tpu.memory_space<vmem>> -> memref<1x64xf32, #tpu.memory_space<vmem>>
      %dma_start3A_275 = arith.constant 0 : i32
      %dma_start3A_276 = tpu.memref_slice %arg3[%squeeze3A_264, %dma_start3A_275] : memref<1000x64xf32, #tpu.memory_space<hbm>> -> memref<1x64xf32, #tpu.memory_space<hbm>>
      tpu.enqueue_dma source(%dma_start3A_276 : memref<1x64xf32, #tpu.memory_space<hbm>>) target(%dma_start3A_274 : memref<1x64xf32, #tpu.memory_space<vmem>>) target_semaphore(%arg20 : memref<!tpu.dma_semaphore, #tpu.memory_space<semaphore_mem>>)
      %slice3A_277 = vector.extract_strided_slice %get3A_139 {offsets = [10], sizes = [1], strides = [1]} : vector<16xi32> to vector<1xi32>
      %squeeze3A_278 = vector.extract %slice3A_277[0] : i32 from vector<1xi32>
      %mul3A_279 = arith.constant 16 : i32
      %mul3A_280 = arith.muli %scan3A_133, %mul3A_279 : i32
      %add3A_281 = arith.constant 10 : i32
      %add3A_282 = arith.addi %mul3A_280, %add3A_281 : i32
      %dma_start3A_283 = arith.constant 0 : i32
      %dma_start3A_284 = tpu.memref_slice %arg18[%add3A_282, %dma_start3A_283] : memref<256x64xf32, #tpu.memory_space<vmem>> -> memref<1x64xf32, #tpu.memory_space<vmem>>
      %dma_start3A_285 = arith.constant 0 : i32
      %dma_start3A_286 = tpu.memref_slice %arg3[%squeeze3A_278, %dma_start3A_285] : memref<1000x64xf32, #tpu.memory_space<hbm>> -> memref<1x64xf32, #tpu.memory_space<hbm>>
      %dma_start3A_287 = arith.constant 0 : i32
      %dma_start3A_288 = tpu.memref_slice %arg18[%add3A_282, %dma_start3A_287] : memref<256x64xf32, #tpu.memory_space<vmem>> -> memref<1x64xf32, #tpu.memory_space<vmem>>
      %dma_start3A_289 = arith.constant 0 : i32
      %dma_start3A_290 = tpu.memref_slice %arg3[%squeeze3A_278, %dma_start3A_289] : memref<1000x64xf32, #tpu.memory_space<hbm>> -> memref<1x64xf32, #tpu.memory_space<hbm>>
      tpu.enqueue_dma source(%dma_start3A_290 : memref<1x64xf32, #tpu.memory_space<hbm>>) target(%dma_start3A_288 : memref<1x64xf32, #tpu.memory_space<vmem>>) target_semaphore(%arg20 : memref<!tpu.dma_semaphore, #tpu.memory_space<semaphore_mem>>)
      %slice3A_291 = vector.extract_strided_slice %get3A_139 {offsets = [11], sizes = [1], strides = [1]} : vector<16xi32> to vector<1xi32>
      %squeeze3A_292 = vector.extract %slice3A_291[0] : i32 from vector<1xi32>
      %mul3A_293 = arith.constant 16 : i32
      %mul3A_294 = arith.muli %scan3A_133, %mul3A_293 : i32
      %add3A_295 = arith.constant 11 : i32
      %add3A_296 = arith.addi %mul3A_294, %add3A_295 : i32
      %dma_start3A_297 = arith.constant 0 : i32
      %dma_start3A_298 = tpu.memref_slice %arg18[%add3A_296, %dma_start3A_297] : memref<256x64xf32, #tpu.memory_space<vmem>> -> memref<1x64xf32, #tpu.memory_space<vmem>>
      %dma_start3A_299 = arith.constant 0 : i32
      %dma_start3A_300 = tpu.memref_slice %arg3[%squeeze3A_292, %dma_start3A_299] : memref<1000x64xf32, #tpu.memory_space<hbm>> -> memref<1x64xf32, #tpu.memory_space<hbm>>
      %dma_start3A_301 = arith.constant 0 : i32
      %dma_start3A_302 = tpu.memref_slice %arg18[%add3A_296, %dma_start3A_301] : memref<256x64xf32, #tpu.memory_space<vmem>> -> memref<1x64xf32, #tpu.memory_space<vmem>>
      %dma_start3A_303 = arith.constant 0 : i32
      %dma_start3A_304 = tpu.memref_slice %arg3[%squeeze3A_292, %dma_start3A_303] : memref<1000x64xf32, #tpu.memory_space<hbm>> -> memref<1x64xf32, #tpu.memory_space<hbm>>
      tpu.enqueue_dma source(%dma_start3A_304 : memref<1x64xf32, #tpu.memory_space<hbm>>) target(%dma_start3A_302 : memref<1x64xf32, #tpu.memory_space<vmem>>) target_semaphore(%arg20 : memref<!tpu.dma_semaphore, #tpu.memory_space<semaphore_mem>>)
      %slice3A_305 = vector.extract_strided_slice %get3A_139 {offsets = [12], sizes = [1], strides = [1]} : vector<16xi32> to vector<1xi32>
      %squeeze3A_306 = vector.extract %slice3A_305[0] : i32 from vector<1xi32>
      %mul3A_307 = arith.constant 16 : i32
      %mul3A_308 = arith.muli %scan3A_133, %mul3A_307 : i32
      %add3A_309 = arith.constant 12 : i32
      %add3A_310 = arith.addi %mul3A_308, %add3A_309 : i32
      %dma_start3A_311 = arith.constant 0 : i32
      %dma_start3A_312 = tpu.memref_slice %arg18[%add3A_310, %dma_start3A_311] : memref<256x64xf32, #tpu.memory_space<vmem>> -> memref<1x64xf32, #tpu.memory_space<vmem>>
      %dma_start3A_313 = arith.constant 0 : i32
      %dma_start3A_314 = tpu.memref_slice %arg3[%squeeze3A_306, %dma_start3A_313] : memref<1000x64xf32, #tpu.memory_space<hbm>> -> memref<1x64xf32, #tpu.memory_space<hbm>>
      %dma_start3A_315 = arith.constant 0 : i32
      %dma_start3A_316 = tpu.memref_slice %arg18[%add3A_310, %dma_start3A_315] : memref<256x64xf32, #tpu.memory_space<vmem>> -> memref<1x64xf32, #tpu.memory_space<vmem>>
      %dma_start3A_317 = arith.constant 0 : i32
      %dma_start3A_318 = tpu.memref_slice %arg3[%squeeze3A_306, %dma_start3A_317] : memref<1000x64xf32, #tpu.memory_space<hbm>> -> memref<1x64xf32, #tpu.memory_space<hbm>>
      tpu.enqueue_dma source(%dma_start3A_318 : memref<1x64xf32, #tpu.memory_space<hbm>>) target(%dma_start3A_316 : memref<1x64xf32, #tpu.memory_space<vmem>>) target_semaphore(%arg20 : memref<!tpu.dma_semaphore, #tpu.memory_space<semaphore_mem>>)
      %slice3A_319 = vector.extract_strided_slice %get3A_139 {offsets = [13], sizes = [1], strides = [1]} : vector<16xi32> to vector<1xi32>
      %squeeze3A_320 = vector.extract %slice3A_319[0] : i32 from vector<1xi32>
      %mul3A_321 = arith.constant 16 : i32
      %mul3A_322 = arith.muli %scan3A_133, %mul3A_321 : i32
      %add3A_323 = arith.constant 13 : i32
      %add3A_324 = arith.addi %mul3A_322, %add3A_323 : i32
      %dma_start3A_325 = arith.constant 0 : i32
      %dma_start3A_326 = tpu.memref_slice %arg18[%add3A_324, %dma_start3A_325] : memref<256x64xf32, #tpu.memory_space<vmem>> -> memref<1x64xf32, #tpu.memory_space<vmem>>
      %dma_start3A_327 = arith.constant 0 : i32
      %dma_start3A_328 = tpu.memref_slice %arg3[%squeeze3A_320, %dma_start3A_327] : memref<1000x64xf32, #tpu.memory_space<hbm>> -> memref<1x64xf32, #tpu.memory_space<hbm>>
      %dma_start3A_329 = arith.constant 0 : i32
      %dma_start3A_330 = tpu.memref_slice %arg18[%add3A_324, %dma_start3A_329] : memref<256x64xf32, #tpu.memory_space<vmem>> -> memref<1x64xf32, #tpu.memory_space<vmem>>
      %dma_start3A_331 = arith.constant 0 : i32
      %dma_start3A_332 = tpu.memref_slice %arg3[%squeeze3A_320, %dma_start3A_331] : memref<1000x64xf32, #tpu.memory_space<hbm>> -> memref<1x64xf32, #tpu.memory_space<hbm>>
      tpu.enqueue_dma source(%dma_start3A_332 : memref<1x64xf32, #tpu.memory_space<hbm>>) target(%dma_start3A_330 : memref<1x64xf32, #tpu.memory_space<vmem>>) target_semaphore(%arg20 : memref<!tpu.dma_semaphore, #tpu.memory_space<semaphore_mem>>)
      %slice3A_333 = vector.extract_strided_slice %get3A_139 {offsets = [14], sizes = [1], strides = [1]} : vector<16xi32> to vector<1xi32>
      %squeeze3A_334 = vector.extract %slice3A_333[0] : i32 from vector<1xi32>
      %mul3A_335 = arith.constant 16 : i32
      %mul3A_336 = arith.muli %scan3A_133, %mul3A_335 : i32
      %add3A_337 = arith.constant 14 : i32
      %add3A_338 = arith.addi %mul3A_336, %add3A_337 : i32
      %dma_start3A_339 = arith.constant 0 : i32
      %dma_start3A_340 = tpu.memref_slice %arg18[%add3A_338, %dma_start3A_339] : memref<256x64xf32, #tpu.memory_space<vmem>> -> memref<1x64xf32, #tpu.memory_space<vmem>>
      %dma_start3A_341 = arith.constant 0 : i32
      %dma_start3A_342 = tpu.memref_slice %arg3[%squeeze3A_334, %dma_start3A_341] : memref<1000x64xf32, #tpu.memory_space<hbm>> -> memref<1x64xf32, #tpu.memory_space<hbm>>
      %dma_start3A_343 = arith.constant 0 : i32
      %dma_start3A_344 = tpu.memref_slice %arg18[%add3A_338, %dma_start3A_343] : memref<256x64xf32, #tpu.memory_space<vmem>> -> memref<1x64xf32, #tpu.memory_space<vmem>>
      %dma_start3A_345 = arith.constant 0 : i32
      %dma_start3A_346 = tpu.memref_slice %arg3[%squeeze3A_334, %dma_start3A_345] : memref<1000x64xf32, #tpu.memory_space<hbm>> -> memref<1x64xf32, #tpu.memory_space<hbm>>
      tpu.enqueue_dma source(%dma_start3A_346 : memref<1x64xf32, #tpu.memory_space<hbm>>) target(%dma_start3A_344 : memref<1x64xf32, #tpu.memory_space<vmem>>) target_semaphore(%arg20 : memref<!tpu.dma_semaphore, #tpu.memory_space<semaphore_mem>>)
      %slice3A_347 = vector.extract_strided_slice %get3A_139 {offsets = [15], sizes = [1], strides = [1]} : vector<16xi32> to vector<1xi32>
      %squeeze3A_348 = vector.extract %slice3A_347[0] : i32 from vector<1xi32>
      %mul3A_349 = arith.constant 16 : i32
      %mul3A_350 = arith.muli %scan3A_133, %mul3A_349 : i32
      %add3A_351 = arith.constant 15 : i32
      %add3A_352 = arith.addi %mul3A_350, %add3A_351 : i32
      %dma_start3A_353 = arith.constant 0 : i32
      %dma_start3A_354 = tpu.memref_slice %arg18[%add3A_352, %dma_start3A_353] : memref<256x64xf32, #tpu.memory_space<vmem>> -> memref<1x64xf32, #tpu.memory_space<vmem>>
      %dma_start3A_355 = arith.constant 0 : i32
      %dma_start3A_356 = tpu.memref_slice %arg3[%squeeze3A_348, %dma_start3A_355] : memref<1000x64xf32, #tpu.memory_space<hbm>> -> memref<1x64xf32, #tpu.memory_space<hbm>>
      %dma_start3A_357 = arith.constant 0 : i32
      %dma_start3A_358 = tpu.memref_slice %arg18[%add3A_352, %dma_start3A_357] : memref<256x64xf32, #tpu.memory_space<vmem>> -> memref<1x64xf32, #tpu.memory_space<vmem>>
      %dma_start3A_359 = arith.constant 0 : i32
      %dma_start3A_360 = tpu.memref_slice %arg3[%squeeze3A_348, %dma_start3A_359] : memref<1000x64xf32, #tpu.memory_space<hbm>> -> memref<1x64xf32, #tpu.memory_space<hbm>>
      tpu.enqueue_dma source(%dma_start3A_360 : memref<1x64xf32, #tpu.memory_space<hbm>>) target(%dma_start3A_358 : memref<1x64xf32, #tpu.memory_space<vmem>>) target_semaphore(%arg20 : memref<!tpu.dma_semaphore, #tpu.memory_space<semaphore_mem>>)
    }
    %scan3A_98 = arith.constant 16 : i32
    %add3A_99 = arith.constant 0 : i32
    %add3A_100 = arith.addi %mul3A_2, %add3A_99 : i32
    %dma_wait3A_101 = arith.constant 0 : i32
    %dma_wait3A_102 = tpu.memref_slice %arg14[%add3A_100, %dma_wait3A_101] : memref<16384x64xf32, #tpu.memory_space<hbm>> -> memref<256x64xf32, #tpu.memory_space<hbm>>
    %dma_wait3A_103 = arith.constant 0 : i32
    %dma_wait3A_104 = tpu.memref_slice %arg14[%add3A_100, %dma_wait3A_103] : memref<16384x64xf32, #tpu.memory_space<hbm>> -> memref<256x64xf32, #tpu.memory_space<hbm>>
    tpu.wait_dma2 semaphore(%arg19 : memref<!tpu.dma_semaphore, #tpu.memory_space<semaphore_mem>>) src(%dma_wait3A_104 : memref<256x64xf32, #tpu.memory_space<hbm>>) dst(%arg17 : memref<256x64xf32, #tpu.memory_space<vmem>>)
    "tpu.region"() ({
      %run_scoped3A = tpu.sem_alloc : memref<!tpu.dma_semaphore, #tpu.memory_space<semaphore_mem>>
      %dma_start3A = arith.constant 0 : i32
      %dma_start3A_133 = tpu.memref_slice %arg14[%add3A_100, %dma_start3A] : memref<16384x64xf32, #tpu.memory_space<hbm>> -> memref<256x64xf32, #tpu.memory_space<hbm>>
      %dma_start3A_134 = arith.constant 0 : i32
      %dma_start3A_135 = tpu.memref_slice %arg14[%add3A_100, %dma_start3A_134] : memref<16384x64xf32, #tpu.memory_space<hbm>> -> memref<256x64xf32, #tpu.memory_space<hbm>>
      tpu.enqueue_dma source(%arg17 : memref<256x64xf32, #tpu.memory_space<vmem>>) target(%dma_start3A_135 : memref<256x64xf32, #tpu.memory_space<hbm>>) target_semaphore(%run_scoped3A : memref<!tpu.dma_semaphore, #tpu.memory_space<semaphore_mem>>)
      %dma_wait3A_136 = arith.constant 0 : i32
      %dma_wait3A_137 = tpu.memref_slice %arg14[%add3A_100, %dma_wait3A_136] : memref<16384x64xf32, #tpu.memory_space<hbm>> -> memref<256x64xf32, #tpu.memory_space<hbm>>
      %dma_wait3A_138 = arith.constant 0 : i32
      %dma_wait3A_139 = tpu.memref_slice %arg14[%add3A_100, %dma_wait3A_138] : memref<16384x64xf32, #tpu.memory_space<hbm>> -> memref<256x64xf32, #tpu.memory_space<hbm>>
      tpu.wait_dma2 semaphore(%run_scoped3A : memref<!tpu.dma_semaphore, #tpu.memory_space<semaphore_mem>>) src(%arg17 : memref<256x64xf32, #tpu.memory_space<vmem>>) dst(%dma_wait3A_139 : memref<256x64xf32, #tpu.memory_space<hbm>>)
      tpu.yield
    }) : () -> ()
    "tpu.region"() ({
      %run_scoped3A = tpu.sem_alloc : memref<!tpu.dma_semaphore, #tpu.memory_space<semaphore_mem>>
      %dma_start3A = tpu.memref_slice %arg9[%mul3A_2] : memref<16384xi32, #tpu.memory_space<hbm>> -> memref<512xi32, #tpu.memory_space<hbm>>
      %dma_start3A_133 = tpu.memref_slice %arg9[%mul3A_2] : memref<16384xi32, #tpu.memory_space<hbm>> -> memref<512xi32, #tpu.memory_space<hbm>>
      tpu.enqueue_dma source(%dma_start3A_133 : memref<512xi32, #tpu.memory_space<hbm>>) target(%arg16 : memref<512xi32, #tpu.memory_space<vmem>>) target_semaphore(%run_scoped3A : memref<!tpu.dma_semaphore, #tpu.memory_space<semaphore_mem>>)
      %dma_wait3A_134 = tpu.memref_slice %arg9[%mul3A_2] : memref<16384xi32, #tpu.memory_space<hbm>> -> memref<512xi32, #tpu.memory_space<hbm>>
      %dma_wait3A_135 = tpu.memref_slice %arg9[%mul3A_2] : memref<16384xi32, #tpu.memory_space<hbm>> -> memref<512xi32, #tpu.memory_space<hbm>>
      tpu.wait_dma2 semaphore(%run_scoped3A : memref<!tpu.dma_semaphore, #tpu.memory_space<semaphore_mem>>) src(%dma_wait3A_135 : memref<512xi32, #tpu.memory_space<hbm>>) dst(%arg16 : memref<512xi32, #tpu.memory_space<vmem>>)
      tpu.yield
    }) : () -> ()
    %scan3A_105 = arith.constant 0 : i32
    %scan3A_106 = arith.constant 16 : i32
    %scan3A_107 = arith.addi %scan3A_105, %scan3A_106 : i32
    %scan3A_108 = arith.constant 1 : i32
    scf.for %scan3A_133 = %scan3A_105 to %scan3A_107 step %scan3A_108  : i32 {
      %mul3A_134 = arith.constant 16 : i32
      %mul3A_135 = arith.muli %scan3A_133, %mul3A_134 : i32
      %add3A_136 = arith.constant 0 : i32
      %add3A_137 = arith.addi %add3A_136, %mul3A_135 : i32
      %get3A = arith.index_cast %add3A_137 : i32 to index
      %get3A_138 = tpu.vector_load %arg16[%get3A] {strides = array<i32>} : memref<512xi32, #tpu.memory_space<vmem>>, vector<16xi32>,
      %get3A_139 = vector.shape_cast %get3A_138 : vector<16xi32> to vector<16xi32>
      %slice3A = vector.extract_strided_slice %get3A_139 {offsets = [0], sizes = [1], strides = [1]} : vector<16xi32> to vector<1xi32>
      %squeeze3A = vector.extract %slice3A[0] : i32 from vector<1xi32>
      %mul3A_140 = arith.constant 16 : i32
      %mul3A_141 = arith.muli %scan3A_133, %mul3A_140 : i32
      %add3A_142 = arith.constant 0 : i32
      %add3A_143 = arith.addi %mul3A_141, %add3A_142 : i32
      %dma_start3A = arith.constant 0 : i32
      %dma_start3A_144 = tpu.memref_slice %arg17[%add3A_143, %dma_start3A] : memref<256x64xf32, #tpu.memory_space<vmem>> -> memref<1x64xf32, #tpu.memory_space<vmem>>
      %dma_start3A_145 = arith.constant 0 : i32
      %dma_start3A_146 = tpu.memref_slice %arg3[%squeeze3A, %dma_start3A_145] : memref<1000x64xf32, #tpu.memory_space<hbm>> -> memref<1x64xf32, #tpu.memory_space<hbm>>
      %dma_start3A_147 = arith.constant 0 : i32
      %dma_start3A_148 = tpu.memref_slice %arg17[%add3A_143, %dma_start3A_147] : memref<256x64xf32, #tpu.memory_space<vmem>> -> memref<1x64xf32, #tpu.memory_space<vmem>>
      %dma_start3A_149 = arith.constant 0 : i32
      %dma_start3A_150 = tpu.memref_slice %arg3[%squeeze3A, %dma_start3A_149] : memref<1000x64xf32, #tpu.memory_space<hbm>> -> memref<1x64xf32, #tpu.memory_space<hbm>>
      tpu.enqueue_dma source(%dma_start3A_150 : memref<1x64xf32, #tpu.memory_space<hbm>>) target(%dma_start3A_148 : memref<1x64xf32, #tpu.memory_space<vmem>>) target_semaphore(%arg19 : memref<!tpu.dma_semaphore, #tpu.memory_space<semaphore_mem>>)
      %slice3A_151 = vector.extract_strided_slice %get3A_139 {offsets = [1], sizes = [1], strides = [1]} : vector<16xi32> to vector<1xi32>
      %squeeze3A_152 = vector.extract %slice3A_151[0] : i32 from vector<1xi32>
      %mul3A_153 = arith.constant 16 : i32
      %mul3A_154 = arith.muli %scan3A_133, %mul3A_153 : i32
      %add3A_155 = arith.constant 1 : i32
      %add3A_156 = arith.addi %mul3A_154, %add3A_155 : i32
      %dma_start3A_157 = arith.constant 0 : i32
      %dma_start3A_158 = tpu.memref_slice %arg17[%add3A_156, %dma_start3A_157] : memref<256x64xf32, #tpu.memory_space<vmem>> -> memref<1x64xf32, #tpu.memory_space<vmem>>
      %dma_start3A_159 = arith.constant 0 : i32
      %dma_start3A_160 = tpu.memref_slice %arg3[%squeeze3A_152, %dma_start3A_159] : memref<1000x64xf32, #tpu.memory_space<hbm>> -> memref<1x64xf32, #tpu.memory_space<hbm>>
      %dma_start3A_161 = arith.constant 0 : i32
      %dma_start3A_162 = tpu.memref_slice %arg17[%add3A_156, %dma_start3A_161] : memref<256x64xf32, #tpu.memory_space<vmem>> -> memref<1x64xf32, #tpu.memory_space<vmem>>
      %dma_start3A_163 = arith.constant 0 : i32
      %dma_start3A_164 = tpu.memref_slice %arg3[%squeeze3A_152, %dma_start3A_163] : memref<1000x64xf32, #tpu.memory_space<hbm>> -> memref<1x64xf32, #tpu.memory_space<hbm>>
      tpu.enqueue_dma source(%dma_start3A_164 : memref<1x64xf32, #tpu.memory_space<hbm>>) target(%dma_start3A_162 : memref<1x64xf32, #tpu.memory_space<vmem>>) target_semaphore(%arg19 : memref<!tpu.dma_semaphore, #tpu.memory_space<semaphore_mem>>)
      %slice3A_165 = vector.extract_strided_slice %get3A_139 {offsets = [2], sizes = [1], strides = [1]} : vector<16xi32> to vector<1xi32>
      %squeeze3A_166 = vector.extract %slice3A_165[0] : i32 from vector<1xi32>
      %mul3A_167 = arith.constant 16 : i32
      %mul3A_168 = arith.muli %scan3A_133, %mul3A_167 : i32
      %add3A_169 = arith.constant 2 : i32
      %add3A_170 = arith.addi %mul3A_168, %add3A_169 : i32
      %dma_start3A_171 = arith.constant 0 : i32
      %dma_start3A_172 = tpu.memref_slice %arg17[%add3A_170, %dma_start3A_171] : memref<256x64xf32, #tpu.memory_space<vmem>> -> memref<1x64xf32, #tpu.memory_space<vmem>>
      %dma_start3A_173 = arith.constant 0 : i32
      %dma_start3A_174 = tpu.memref_slice %arg3[%squeeze3A_166, %dma_start3A_173] : memref<1000x64xf32, #tpu.memory_space<hbm>> -> memref<1x64xf32, #tpu.memory_space<hbm>>
      %dma_start3A_175 = arith.constant 0 : i32
      %dma_start3A_176 = tpu.memref_slice %arg17[%add3A_170, %dma_start3A_175] : memref<256x64xf32, #tpu.memory_space<vmem>> -> memref<1x64xf32, #tpu.memory_space<vmem>>
      %dma_start3A_177 = arith.constant 0 : i32
      %dma_start3A_178 = tpu.memref_slice %arg3[%squeeze3A_166, %dma_start3A_177] : memref<1000x64xf32, #tpu.memory_space<hbm>> -> memref<1x64xf32, #tpu.memory_space<hbm>>
      tpu.enqueue_dma source(%dma_start3A_178 : memref<1x64xf32, #tpu.memory_space<hbm>>) target(%dma_start3A_176 : memref<1x64xf32, #tpu.memory_space<vmem>>) target_semaphore(%arg19 : memref<!tpu.dma_semaphore, #tpu.memory_space<semaphore_mem>>)
      %slice3A_179 = vector.extract_strided_slice %get3A_139 {offsets = [3], sizes = [1], strides = [1]} : vector<16xi32> to vector<1xi32>
      %squeeze3A_180 = vector.extract %slice3A_179[0] : i32 from vector<1xi32>
      %mul3A_181 = arith.constant 16 : i32
      %mul3A_182 = arith.muli %scan3A_133, %mul3A_181 : i32
      %add3A_183 = arith.constant 3 : i32
      %add3A_184 = arith.addi %mul3A_182, %add3A_183 : i32
      %dma_start3A_185 = arith.constant 0 : i32
      %dma_start3A_186 = tpu.memref_slice %arg17[%add3A_184, %dma_start3A_185] : memref<256x64xf32, #tpu.memory_space<vmem>> -> memref<1x64xf32, #tpu.memory_space<vmem>>
      %dma_start3A_187 = arith.constant 0 : i32
      %dma_start3A_188 = tpu.memref_slice %arg3[%squeeze3A_180, %dma_start3A_187] : memref<1000x64xf32, #tpu.memory_space<hbm>> -> memref<1x64xf32, #tpu.memory_space<hbm>>
      %dma_start3A_189 = arith.constant 0 : i32
      %dma_start3A_190 = tpu.memref_slice %arg17[%add3A_184, %dma_start3A_189] : memref<256x64xf32, #tpu.memory_space<vmem>> -> memref<1x64xf32, #tpu.memory_space<vmem>>
      %dma_start3A_191 = arith.constant 0 : i32
      %dma_start3A_192 = tpu.memref_slice %arg3[%squeeze3A_180, %dma_start3A_191] : memref<1000x64xf32, #tpu.memory_space<hbm>> -> memref<1x64xf32, #tpu.memory_space<hbm>>
      tpu.enqueue_dma source(%dma_start3A_192 : memref<1x64xf32, #tpu.memory_space<hbm>>) target(%dma_start3A_190 : memref<1x64xf32, #tpu.memory_space<vmem>>) target_semaphore(%arg19 : memref<!tpu.dma_semaphore, #tpu.memory_space<semaphore_mem>>)
      %slice3A_193 = vector.extract_strided_slice %get3A_139 {offsets = [4], sizes = [1], strides = [1]} : vector<16xi32> to vector<1xi32>
      %squeeze3A_194 = vector.extract %slice3A_193[0] : i32 from vector<1xi32>
      %mul3A_195 = arith.constant 16 : i32
      %mul3A_196 = arith.muli %scan3A_133, %mul3A_195 : i32
      %add3A_197 = arith.constant 4 : i32
      %add3A_198 = arith.addi %mul3A_196, %add3A_197 : i32
      %dma_start3A_199 = arith.constant 0 : i32
      %dma_start3A_200 = tpu.memref_slice %arg17[%add3A_198, %dma_start3A_199] : memref<256x64xf32, #tpu.memory_space<vmem>> -> memref<1x64xf32, #tpu.memory_space<vmem>>
      %dma_start3A_201 = arith.constant 0 : i32
      %dma_start3A_202 = tpu.memref_slice %arg3[%squeeze3A_194, %dma_start3A_201] : memref<1000x64xf32, #tpu.memory_space<hbm>> -> memref<1x64xf32, #tpu.memory_space<hbm>>
      %dma_start3A_203 = arith.constant 0 : i32
      %dma_start3A_204 = tpu.memref_slice %arg17[%add3A_198, %dma_start3A_203] : memref<256x64xf32, #tpu.memory_space<vmem>> -> memref<1x64xf32, #tpu.memory_space<vmem>>
      %dma_start3A_205 = arith.constant 0 : i32
      %dma_start3A_206 = tpu.memref_slice %arg3[%squeeze3A_194, %dma_start3A_205] : memref<1000x64xf32, #tpu.memory_space<hbm>> -> memref<1x64xf32, #tpu.memory_space<hbm>>
      tpu.enqueue_dma source(%dma_start3A_206 : memref<1x64xf32, #tpu.memory_space<hbm>>) target(%dma_start3A_204 : memref<1x64xf32, #tpu.memory_space<vmem>>) target_semaphore(%arg19 : memref<!tpu.dma_semaphore, #tpu.memory_space<semaphore_mem>>)
      %slice3A_207 = vector.extract_strided_slice %get3A_139 {offsets = [5], sizes = [1], strides = [1]} : vector<16xi32> to vector<1xi32>
      %squeeze3A_208 = vector.extract %slice3A_207[0] : i32 from vector<1xi32>
      %mul3A_209 = arith.constant 16 : i32
      %mul3A_210 = arith.muli %scan3A_133, %mul3A_209 : i32
      %add3A_211 = arith.constant 5 : i32
      %add3A_212 = arith.addi %mul3A_210, %add3A_211 : i32
      %dma_start3A_213 = arith.constant 0 : i32
      %dma_start3A_214 = tpu.memref_slice %arg17[%add3A_212, %dma_start3A_213] : memref<256x64xf32, #tpu.memory_space<vmem>> -> memref<1x64xf32, #tpu.memory_space<vmem>>
      %dma_start3A_215 = arith.constant 0 : i32
      %dma_start3A_216 = tpu.memref_slice %arg3[%squeeze3A_208, %dma_start3A_215] : memref<1000x64xf32, #tpu.memory_space<hbm>> -> memref<1x64xf32, #tpu.memory_space<hbm>>
      %dma_start3A_217 = arith.constant 0 : i32
      %dma_start3A_218 = tpu.memref_slice %arg17[%add3A_212, %dma_start3A_217] : memref<256x64xf32, #tpu.memory_space<vmem>> -> memref<1x64xf32, #tpu.memory_space<vmem>>
      %dma_start3A_219 = arith.constant 0 : i32
      %dma_start3A_220 = tpu.memref_slice %arg3[%squeeze3A_208, %dma_start3A_219] : memref<1000x64xf32, #tpu.memory_space<hbm>> -> memref<1x64xf32, #tpu.memory_space<hbm>>
      tpu.enqueue_dma source(%dma_start3A_220 : memref<1x64xf32, #tpu.memory_space<hbm>>) target(%dma_start3A_218 : memref<1x64xf32, #tpu.memory_space<vmem>>) target_semaphore(%arg19 : memref<!tpu.dma_semaphore, #tpu.memory_space<semaphore_mem>>)
      %slice3A_221 = vector.extract_strided_slice %get3A_139 {offsets = [6], sizes = [1], strides = [1]} : vector<16xi32> to vector<1xi32>
      %squeeze3A_222 = vector.extract %slice3A_221[0] : i32 from vector<1xi32>
      %mul3A_223 = arith.constant 16 : i32
      %mul3A_224 = arith.muli %scan3A_133, %mul3A_223 : i32
      %add3A_225 = arith.constant 6 : i32
      %add3A_226 = arith.addi %mul3A_224, %add3A_225 : i32
      %dma_start3A_227 = arith.constant 0 : i32
      %dma_start3A_228 = tpu.memref_slice %arg17[%add3A_226, %dma_start3A_227] : memref<256x64xf32, #tpu.memory_space<vmem>> -> memref<1x64xf32, #tpu.memory_space<vmem>>
      %dma_start3A_229 = arith.constant 0 : i32
      %dma_start3A_230 = tpu.memref_slice %arg3[%squeeze3A_222, %dma_start3A_229] : memref<1000x64xf32, #tpu.memory_space<hbm>> -> memref<1x64xf32, #tpu.memory_space<hbm>>
      %dma_start3A_231 = arith.constant 0 : i32
      %dma_start3A_232 = tpu.memref_slice %arg17[%add3A_226, %dma_start3A_231] : memref<256x64xf32, #tpu.memory_space<vmem>> -> memref<1x64xf32, #tpu.memory_space<vmem>>
      %dma_start3A_233 = arith.constant 0 : i32
      %dma_start3A_234 = tpu.memref_slice %arg3[%squeeze3A_222, %dma_start3A_233] : memref<1000x64xf32, #tpu.memory_space<hbm>> -> memref<1x64xf32, #tpu.memory_space<hbm>>
      tpu.enqueue_dma source(%dma_start3A_234 : memref<1x64xf32, #tpu.memory_space<hbm>>) target(%dma_start3A_232 : memref<1x64xf32, #tpu.memory_space<vmem>>) target_semaphore(%arg19 : memref<!tpu.dma_semaphore, #tpu.memory_space<semaphore_mem>>)
      %slice3A_235 = vector.extract_strided_slice %get3A_139 {offsets = [7], sizes = [1], strides = [1]} : vector<16xi32> to vector<1xi32>
      %squeeze3A_236 = vector.extract %slice3A_235[0] : i32 from vector<1xi32>
      %mul3A_237 = arith.constant 16 : i32
      %mul3A_238 = arith.muli %scan3A_133, %mul3A_237 : i32
      %add3A_239 = arith.constant 7 : i32
      %add3A_240 = arith.addi %mul3A_238, %add3A_239 : i32
      %dma_start3A_241 = arith.constant 0 : i32
      %dma_start3A_242 = tpu.memref_slice %arg17[%add3A_240, %dma_start3A_241] : memref<256x64xf32, #tpu.memory_space<vmem>> -> memref<1x64xf32, #tpu.memory_space<vmem>>
      %dma_start3A_243 = arith.constant 0 : i32
      %dma_start3A_244 = tpu.memref_slice %arg3[%squeeze3A_236, %dma_start3A_243] : memref<1000x64xf32, #tpu.memory_space<hbm>> -> memref<1x64xf32, #tpu.memory_space<hbm>>
      %dma_start3A_245 = arith.constant 0 : i32
      %dma_start3A_246 = tpu.memref_slice %arg17[%add3A_240, %dma_start3A_245] : memref<256x64xf32, #tpu.memory_space<vmem>> -> memref<1x64xf32, #tpu.memory_space<vmem>>
      %dma_start3A_247 = arith.constant 0 : i32
      %dma_start3A_248 = tpu.memref_slice %arg3[%squeeze3A_236, %dma_start3A_247] : memref<1000x64xf32, #tpu.memory_space<hbm>> -> memref<1x64xf32, #tpu.memory_space<hbm>>
      tpu.enqueue_dma source(%dma_start3A_248 : memref<1x64xf32, #tpu.memory_space<hbm>>) target(%dma_start3A_246 : memref<1x64xf32, #tpu.memory_space<vmem>>) target_semaphore(%arg19 : memref<!tpu.dma_semaphore, #tpu.memory_space<semaphore_mem>>)
      %slice3A_249 = vector.extract_strided_slice %get3A_139 {offsets = [8], sizes = [1], strides = [1]} : vector<16xi32> to vector<1xi32>
      %squeeze3A_250 = vector.extract %slice3A_249[0] : i32 from vector<1xi32>
      %mul3A_251 = arith.constant 16 : i32
      %mul3A_252 = arith.muli %scan3A_133, %mul3A_251 : i32
      %add3A_253 = arith.constant 8 : i32
      %add3A_254 = arith.addi %mul3A_252, %add3A_253 : i32
      %dma_start3A_255 = arith.constant 0 : i32
      %dma_start3A_256 = tpu.memref_slice %arg17[%add3A_254, %dma_start3A_255] : memref<256x64xf32, #tpu.memory_space<vmem>> -> memref<1x64xf32, #tpu.memory_space<vmem>>
      %dma_start3A_257 = arith.constant 0 : i32
      %dma_start3A_258 = tpu.memref_slice %arg3[%squeeze3A_250, %dma_start3A_257] : memref<1000x64xf32, #tpu.memory_space<hbm>> -> memref<1x64xf32, #tpu.memory_space<hbm>>
      %dma_start3A_259 = arith.constant 0 : i32
      %dma_start3A_260 = tpu.memref_slice %arg17[%add3A_254, %dma_start3A_259] : memref<256x64xf32, #tpu.memory_space<vmem>> -> memref<1x64xf32, #tpu.memory_space<vmem>>
      %dma_start3A_261 = arith.constant 0 : i32
      %dma_start3A_262 = tpu.memref_slice %arg3[%squeeze3A_250, %dma_start3A_261] : memref<1000x64xf32, #tpu.memory_space<hbm>> -> memref<1x64xf32, #tpu.memory_space<hbm>>
      tpu.enqueue_dma source(%dma_start3A_262 : memref<1x64xf32, #tpu.memory_space<hbm>>) target(%dma_start3A_260 : memref<1x64xf32, #tpu.memory_space<vmem>>) target_semaphore(%arg19 : memref<!tpu.dma_semaphore, #tpu.memory_space<semaphore_mem>>)
      %slice3A_263 = vector.extract_strided_slice %get3A_139 {offsets = [9], sizes = [1], strides = [1]} : vector<16xi32> to vector<1xi32>
      %squeeze3A_264 = vector.extract %slice3A_263[0] : i32 from vector<1xi32>
      %mul3A_265 = arith.constant 16 : i32
      %mul3A_266 = arith.muli %scan3A_133, %mul3A_265 : i32
      %add3A_267 = arith.constant 9 : i32
      %add3A_268 = arith.addi %mul3A_266, %add3A_267 : i32
      %dma_start3A_269 = arith.constant 0 : i32
      %dma_start3A_270 = tpu.memref_slice %arg17[%add3A_268, %dma_start3A_269] : memref<256x64xf32, #tpu.memory_space<vmem>> -> memref<1x64xf32, #tpu.memory_space<vmem>>
      %dma_start3A_271 = arith.constant 0 : i32
      %dma_start3A_272 = tpu.memref_slice %arg3[%squeeze3A_264, %dma_start3A_271] : memref<1000x64xf32, #tpu.memory_space<hbm>> -> memref<1x64xf32, #tpu.memory_space<hbm>>
      %dma_start3A_273 = arith.constant 0 : i32
      %dma_start3A_274 = tpu.memref_slice %arg17[%add3A_268, %dma_start3A_273] : memref<256x64xf32, #tpu.memory_space<vmem>> -> memref<1x64xf32, #tpu.memory_space<vmem>>
      %dma_start3A_275 = arith.constant 0 : i32
      %dma_start3A_276 = tpu.memref_slice %arg3[%squeeze3A_264, %dma_start3A_275] : memref<1000x64xf32, #tpu.memory_space<hbm>> -> memref<1x64xf32, #tpu.memory_space<hbm>>
      tpu.enqueue_dma source(%dma_start3A_276 : memref<1x64xf32, #tpu.memory_space<hbm>>) target(%dma_start3A_274 : memref<1x64xf32, #tpu.memory_space<vmem>>) target_semaphore(%arg19 : memref<!tpu.dma_semaphore, #tpu.memory_space<semaphore_mem>>)
      %slice3A_277 = vector.extract_strided_slice %get3A_139 {offsets = [10], sizes = [1], strides = [1]} : vector<16xi32> to vector<1xi32>
      %squeeze3A_278 = vector.extract %slice3A_277[0] : i32 from vector<1xi32>
      %mul3A_279 = arith.constant 16 : i32
      %mul3A_280 = arith.muli %scan3A_133, %mul3A_279 : i32
      %add3A_281 = arith.constant 10 : i32
      %add3A_282 = arith.addi %mul3A_280, %add3A_281 : i32
      %dma_start3A_283 = arith.constant 0 : i32
      %dma_start3A_284 = tpu.memref_slice %arg17[%add3A_282, %dma_start3A_283] : memref<256x64xf32, #tpu.memory_space<vmem>> -> memref<1x64xf32, #tpu.memory_space<vmem>>
      %dma_start3A_285 = arith.constant 0 : i32
      %dma_start3A_286 = tpu.memref_slice %arg3[%squeeze3A_278, %dma_start3A_285] : memref<1000x64xf32, #tpu.memory_space<hbm>> -> memref<1x64xf32, #tpu.memory_space<hbm>>
      %dma_start3A_287 = arith.constant 0 : i32
      %dma_start3A_288 = tpu.memref_slice %arg17[%add3A_282, %dma_start3A_287] : memref<256x64xf32, #tpu.memory_space<vmem>> -> memref<1x64xf32, #tpu.memory_space<vmem>>
      %dma_start3A_289 = arith.constant 0 : i32
      %dma_start3A_290 = tpu.memref_slice %arg3[%squeeze3A_278, %dma_start3A_289] : memref<1000x64xf32, #tpu.memory_space<hbm>> -> memref<1x64xf32, #tpu.memory_space<hbm>>
      tpu.enqueue_dma source(%dma_start3A_290 : memref<1x64xf32, #tpu.memory_space<hbm>>) target(%dma_start3A_288 : memref<1x64xf32, #tpu.memory_space<vmem>>) target_semaphore(%arg19 : memref<!tpu.dma_semaphore, #tpu.memory_space<semaphore_mem>>)
      %slice3A_291 = vector.extract_strided_slice %get3A_139 {offsets = [11], sizes = [1], strides = [1]} : vector<16xi32> to vector<1xi32>
      %squeeze3A_292 = vector.extract %slice3A_291[0] : i32 from vector<1xi32>
      %mul3A_293 = arith.constant 16 : i32
      %mul3A_294 = arith.muli %scan3A_133, %mul3A_293 : i32
      %add3A_295 = arith.constant 11 : i32
      %add3A_296 = arith.addi %mul3A_294, %add3A_295 : i32
      %dma_start3A_297 = arith.constant 0 : i32
      %dma_start3A_298 = tpu.memref_slice %arg17[%add3A_296, %dma_start3A_297] : memref<256x64xf32, #tpu.memory_space<vmem>> -> memref<1x64xf32, #tpu.memory_space<vmem>>
      %dma_start3A_299 = arith.constant 0 : i32
      %dma_start3A_300 = tpu.memref_slice %arg3[%squeeze3A_292, %dma_start3A_299] : memref<1000x64xf32, #tpu.memory_space<hbm>> -> memref<1x64xf32, #tpu.memory_space<hbm>>
      %dma_start3A_301 = arith.constant 0 : i32
      %dma_start3A_302 = tpu.memref_slice %arg17[%add3A_296, %dma_start3A_301] : memref<256x64xf32, #tpu.memory_space<vmem>> -> memref<1x64xf32, #tpu.memory_space<vmem>>
      %dma_start3A_303 = arith.constant 0 : i32
      %dma_start3A_304 = tpu.memref_slice %arg3[%squeeze3A_292, %dma_start3A_303] : memref<1000x64xf32, #tpu.memory_space<hbm>> -> memref<1x64xf32, #tpu.memory_space<hbm>>
      tpu.enqueue_dma source(%dma_start3A_304 : memref<1x64xf32, #tpu.memory_space<hbm>>) target(%dma_start3A_302 : memref<1x64xf32, #tpu.memory_space<vmem>>) target_semaphore(%arg19 : memref<!tpu.dma_semaphore, #tpu.memory_space<semaphore_mem>>)
      %slice3A_305 = vector.extract_strided_slice %get3A_139 {offsets = [12], sizes = [1], strides = [1]} : vector<16xi32> to vector<1xi32>
      %squeeze3A_306 = vector.extract %slice3A_305[0] : i32 from vector<1xi32>
      %mul3A_307 = arith.constant 16 : i32
      %mul3A_308 = arith.muli %scan3A_133, %mul3A_307 : i32
      %add3A_309 = arith.constant 12 : i32
      %add3A_310 = arith.addi %mul3A_308, %add3A_309 : i32
      %dma_start3A_311 = arith.constant 0 : i32
      %dma_start3A_312 = tpu.memref_slice %arg17[%add3A_310, %dma_start3A_311] : memref<256x64xf32, #tpu.memory_space<vmem>> -> memref<1x64xf32, #tpu.memory_space<vmem>>
      %dma_start3A_313 = arith.constant 0 : i32
      %dma_start3A_314 = tpu.memref_slice %arg3[%squeeze3A_306, %dma_start3A_313] : memref<1000x64xf32, #tpu.memory_space<hbm>> -> memref<1x64xf32, #tpu.memory_space<hbm>>
      %dma_start3A_315 = arith.constant 0 : i32
      %dma_start3A_316 = tpu.memref_slice %arg17[%add3A_310, %dma_start3A_315] : memref<256x64xf32, #tpu.memory_space<vmem>> -> memref<1x64xf32, #tpu.memory_space<vmem>>
      %dma_start3A_317 = arith.constant 0 : i32
      %dma_start3A_318 = tpu.memref_slice %arg3[%squeeze3A_306, %dma_start3A_317] : memref<1000x64xf32, #tpu.memory_space<hbm>> -> memref<1x64xf32, #tpu.memory_space<hbm>>
      tpu.enqueue_dma source(%dma_start3A_318 : memref<1x64xf32, #tpu.memory_space<hbm>>) target(%dma_start3A_316 : memref<1x64xf32, #tpu.memory_space<vmem>>) target_semaphore(%arg19 : memref<!tpu.dma_semaphore, #tpu.memory_space<semaphore_mem>>)
      %slice3A_319 = vector.extract_strided_slice %get3A_139 {offsets = [13], sizes = [1], strides = [1]} : vector<16xi32> to vector<1xi32>
      %squeeze3A_320 = vector.extract %slice3A_319[0] : i32 from vector<1xi32>
      %mul3A_321 = arith.constant 16 : i32
      %mul3A_322 = arith.muli %scan3A_133, %mul3A_321 : i32
      %add3A_323 = arith.constant 13 : i32
      %add3A_324 = arith.addi %mul3A_322, %add3A_323 : i32
      %dma_start3A_325 = arith.constant 0 : i32
      %dma_start3A_326 = tpu.memref_slice %arg17[%add3A_324, %dma_start3A_325] : memref<256x64xf32, #tpu.memory_space<vmem>> -> memref<1x64xf32, #tpu.memory_space<vmem>>
      %dma_start3A_327 = arith.constant 0 : i32
      %dma_start3A_328 = tpu.memref_slice %arg3[%squeeze3A_320, %dma_start3A_327] : memref<1000x64xf32, #tpu.memory_space<hbm>> -> memref<1x64xf32, #tpu.memory_space<hbm>>
      %dma_start3A_329 = arith.constant 0 : i32
      %dma_start3A_330 = tpu.memref_slice %arg17[%add3A_324, %dma_start3A_329] : memref<256x64xf32, #tpu.memory_space<vmem>> -> memref<1x64xf32, #tpu.memory_space<vmem>>
      %dma_start3A_331 = arith.constant 0 : i32
      %dma_start3A_332 = tpu.memref_slice %arg3[%squeeze3A_320, %dma_start3A_331] : memref<1000x64xf32, #tpu.memory_space<hbm>> -> memref<1x64xf32, #tpu.memory_space<hbm>>
      tpu.enqueue_dma source(%dma_start3A_332 : memref<1x64xf32, #tpu.memory_space<hbm>>) target(%dma_start3A_330 : memref<1x64xf32, #tpu.memory_space<vmem>>) target_semaphore(%arg19 : memref<!tpu.dma_semaphore, #tpu.memory_space<semaphore_mem>>)
      %slice3A_333 = vector.extract_strided_slice %get3A_139 {offsets = [14], sizes = [1], strides = [1]} : vector<16xi32> to vector<1xi32>
      %squeeze3A_334 = vector.extract %slice3A_333[0] : i32 from vector<1xi32>
      %mul3A_335 = arith.constant 16 : i32
      %mul3A_336 = arith.muli %scan3A_133, %mul3A_335 : i32
      %add3A_337 = arith.constant 14 : i32
      %add3A_338 = arith.addi %mul3A_336, %add3A_337 : i32
      %dma_start3A_339 = arith.constant 0 : i32
      %dma_start3A_340 = tpu.memref_slice %arg17[%add3A_338, %dma_start3A_339] : memref<256x64xf32, #tpu.memory_space<vmem>> -> memref<1x64xf32, #tpu.memory_space<vmem>>
      %dma_start3A_341 = arith.constant 0 : i32
      %dma_start3A_342 = tpu.memref_slice %arg3[%squeeze3A_334, %dma_start3A_341] : memref<1000x64xf32, #tpu.memory_space<hbm>> -> memref<1x64xf32, #tpu.memory_space<hbm>>
      %dma_start3A_343 = arith.constant 0 : i32
      %dma_start3A_344 = tpu.memref_slice %arg17[%add3A_338, %dma_start3A_343] : memref<256x64xf32, #tpu.memory_space<vmem>> -> memref<1x64xf32, #tpu.memory_space<vmem>>
      %dma_start3A_345 = arith.constant 0 : i32
      %dma_start3A_346 = tpu.memref_slice %arg3[%squeeze3A_334, %dma_start3A_345] : memref<1000x64xf32, #tpu.memory_space<hbm>> -> memref<1x64xf32, #tpu.memory_space<hbm>>
      tpu.enqueue_dma source(%dma_start3A_346 : memref<1x64xf32, #tpu.memory_space<hbm>>) target(%dma_start3A_344 : memref<1x64xf32, #tpu.memory_space<vmem>>) target_semaphore(%arg19 : memref<!tpu.dma_semaphore, #tpu.memory_space<semaphore_mem>>)
      %slice3A_347 = vector.extract_strided_slice %get3A_139 {offsets = [15], sizes = [1], strides = [1]} : vector<16xi32> to vector<1xi32>
      %squeeze3A_348 = vector.extract %slice3A_347[0] : i32 from vector<1xi32>
      %mul3A_349 = arith.constant 16 : i32
      %mul3A_350 = arith.muli %scan3A_133, %mul3A_349 : i32
      %add3A_351 = arith.constant 15 : i32
      %add3A_352 = arith.addi %mul3A_350, %add3A_351 : i32
      %dma_start3A_353 = arith.constant 0 : i32
      %dma_start3A_354 = tpu.memref_slice %arg17[%add3A_352, %dma_start3A_353] : memref<256x64xf32, #tpu.memory_space<vmem>> -> memref<1x64xf32, #tpu.memory_space<vmem>>
      %dma_start3A_355 = arith.constant 0 : i32
      %dma_start3A_356 = tpu.memref_slice %arg3[%squeeze3A_348, %dma_start3A_355] : memref<1000x64xf32, #tpu.memory_space<hbm>> -> memref<1x64xf32, #tpu.memory_space<hbm>>
      %dma_start3A_357 = arith.constant 0 : i32
      %dma_start3A_358 = tpu.memref_slice %arg17[%add3A_352, %dma_start3A_357] : memref<256x64xf32, #tpu.memory_space<vmem>> -> memref<1x64xf32, #tpu.memory_space<vmem>>
      %dma_start3A_359 = arith.constant 0 : i32
      %dma_start3A_360 = tpu.memref_slice %arg3[%squeeze3A_348, %dma_start3A_359] : memref<1000x64xf32, #tpu.memory_space<hbm>> -> memref<1x64xf32, #tpu.memory_space<hbm>>
      tpu.enqueue_dma source(%dma_start3A_360 : memref<1x64xf32, #tpu.memory_space<hbm>>) target(%dma_start3A_358 : memref<1x64xf32, #tpu.memory_space<vmem>>) target_semaphore(%arg19 : memref<!tpu.dma_semaphore, #tpu.memory_space<semaphore_mem>>)
    }
    %scan3A_109 = arith.constant 16 : i32
    %add3A_110 = arith.constant 256 : i32
    %add3A_111 = arith.addi %mul3A_2, %add3A_110 : i32
    %dma_wait3A_112 = arith.constant 0 : i32
    %dma_wait3A_113 = tpu.memref_slice %arg14[%add3A_111, %dma_wait3A_112] : memref<16384x64xf32, #tpu.memory_space<hbm>> -> memref<256x64xf32, #tpu.memory_space<hbm>>
    %dma_wait3A_114 = arith.constant 0 : i32
    %dma_wait3A_115 = tpu.memref_slice %arg14[%add3A_111, %dma_wait3A_114] : memref<16384x64xf32, #tpu.memory_space<hbm>> -> memref<256x64xf32, #tpu.memory_space<hbm>>
    tpu.wait_dma2 semaphore(%arg20 : memref<!tpu.dma_semaphore, #tpu.memory_space<semaphore_mem>>) src(%dma_wait3A_115 : memref<256x64xf32, #tpu.memory_space<hbm>>) dst(%arg18 : memref<256x64xf32, #tpu.memory_space<vmem>>)
    "tpu.region"() ({
      %run_scoped3A = tpu.sem_alloc : memref<!tpu.dma_semaphore, #tpu.memory_space<semaphore_mem>>
      %dma_start3A = arith.constant 0 : i32
      %dma_start3A_133 = tpu.memref_slice %arg14[%add3A_111, %dma_start3A] : memref<16384x64xf32, #tpu.memory_space<hbm>> -> memref<256x64xf32, #tpu.memory_space<hbm>>
      %dma_start3A_134 = arith.constant 0 : i32
      %dma_start3A_135 = tpu.memref_slice %arg14[%add3A_111, %dma_start3A_134] : memref<16384x64xf32, #tpu.memory_space<hbm>> -> memref<256x64xf32, #tpu.memory_space<hbm>>
      tpu.enqueue_dma source(%arg18 : memref<256x64xf32, #tpu.memory_space<vmem>>) target(%dma_start3A_135 : memref<256x64xf32, #tpu.memory_space<hbm>>) target_semaphore(%run_scoped3A : memref<!tpu.dma_semaphore, #tpu.memory_space<semaphore_mem>>)
      %dma_wait3A_136 = arith.constant 0 : i32
      %dma_wait3A_137 = tpu.memref_slice %arg14[%add3A_111, %dma_wait3A_136] : memref<16384x64xf32, #tpu.memory_space<hbm>> -> memref<256x64xf32, #tpu.memory_space<hbm>>
      %dma_wait3A_138 = arith.constant 0 : i32
      %dma_wait3A_139 = tpu.memref_slice %arg14[%add3A_111, %dma_wait3A_138] : memref<16384x64xf32, #tpu.memory_space<hbm>> -> memref<256x64xf32, #tpu.memory_space<hbm>>
      tpu.wait_dma2 semaphore(%run_scoped3A : memref<!tpu.dma_semaphore, #tpu.memory_space<semaphore_mem>>) src(%arg18 : memref<256x64xf32, #tpu.memory_space<vmem>>) dst(%dma_wait3A_139 : memref<256x64xf32, #tpu.memory_space<hbm>>)
      tpu.yield
    }) : () -> ()
    %scan3A_116 = arith.constant 0 : i32
    %scan3A_117 = arith.constant 16 : i32
    %scan3A_118 = arith.addi %scan3A_116, %scan3A_117 : i32
    %scan3A_119 = arith.constant 1 : i32
    scf.for %scan3A_133 = %scan3A_116 to %scan3A_118 step %scan3A_119  : i32 {
      %mul3A_134 = arith.constant 16 : i32
      %mul3A_135 = arith.muli %scan3A_133, %mul3A_134 : i32
      %add3A_136 = arith.constant 256 : i32
      %add3A_137 = arith.addi %add3A_136, %mul3A_135 : i32
      %get3A = arith.index_cast %add3A_137 : i32 to index
      %get3A_138 = tpu.vector_load %arg16[%get3A] {strides = array<i32>} : memref<512xi32, #tpu.memory_space<vmem>>, vector<16xi32>,
      %get3A_139 = vector.shape_cast %get3A_138 : vector<16xi32> to vector<16xi32>
      %slice3A = vector.extract_strided_slice %get3A_139 {offsets = [0], sizes = [1], strides = [1]} : vector<16xi32> to vector<1xi32>
      %squeeze3A = vector.extract %slice3A[0] : i32 from vector<1xi32>
      %mul3A_140 = arith.constant 16 : i32
      %mul3A_141 = arith.muli %scan3A_133, %mul3A_140 : i32
      %add3A_142 = arith.constant 0 : i32
      %add3A_143 = arith.addi %mul3A_141, %add3A_142 : i32
      %dma_start3A = arith.constant 0 : i32
      %dma_start3A_144 = tpu.memref_slice %arg18[%add3A_143, %dma_start3A] : memref<256x64xf32, #tpu.memory_space<vmem>> -> memref<1x64xf32, #tpu.memory_space<vmem>>
      %dma_start3A_145 = arith.constant 0 : i32
      %dma_start3A_146 = tpu.memref_slice %arg3[%squeeze3A, %dma_start3A_145] : memref<1000x64xf32, #tpu.memory_space<hbm>> -> memref<1x64xf32, #tpu.memory_space<hbm>>
      %dma_start3A_147 = arith.constant 0 : i32
      %dma_start3A_148 = tpu.memref_slice %arg18[%add3A_143, %dma_start3A_147] : memref<256x64xf32, #tpu.memory_space<vmem>> -> memref<1x64xf32, #tpu.memory_space<vmem>>
      %dma_start3A_149 = arith.constant 0 : i32
      %dma_start3A_150 = tpu.memref_slice %arg3[%squeeze3A, %dma_start3A_149] : memref<1000x64xf32, #tpu.memory_space<hbm>> -> memref<1x64xf32, #tpu.memory_space<hbm>>
      tpu.enqueue_dma source(%dma_start3A_150 : memref<1x64xf32, #tpu.memory_space<hbm>>) target(%dma_start3A_148 : memref<1x64xf32, #tpu.memory_space<vmem>>) target_semaphore(%arg20 : memref<!tpu.dma_semaphore, #tpu.memory_space<semaphore_mem>>)
      %slice3A_151 = vector.extract_strided_slice %get3A_139 {offsets = [1], sizes = [1], strides = [1]} : vector<16xi32> to vector<1xi32>
      %squeeze3A_152 = vector.extract %slice3A_151[0] : i32 from vector<1xi32>
      %mul3A_153 = arith.constant 16 : i32
      %mul3A_154 = arith.muli %scan3A_133, %mul3A_153 : i32
      %add3A_155 = arith.constant 1 : i32
      %add3A_156 = arith.addi %mul3A_154, %add3A_155 : i32
      %dma_start3A_157 = arith.constant 0 : i32
      %dma_start3A_158 = tpu.memref_slice %arg18[%add3A_156, %dma_start3A_157] : memref<256x64xf32, #tpu.memory_space<vmem>> -> memref<1x64xf32, #tpu.memory_space<vmem>>
      %dma_start3A_159 = arith.constant 0 : i32
      %dma_start3A_160 = tpu.memref_slice %arg3[%squeeze3A_152, %dma_start3A_159] : memref<1000x64xf32, #tpu.memory_space<hbm>> -> memref<1x64xf32, #tpu.memory_space<hbm>>
      %dma_start3A_161 = arith.constant 0 : i32
      %dma_start3A_162 = tpu.memref_slice %arg18[%add3A_156, %dma_start3A_161] : memref<256x64xf32, #tpu.memory_space<vmem>> -> memref<1x64xf32, #tpu.memory_space<vmem>>
      %dma_start3A_163 = arith.constant 0 : i32
      %dma_start3A_164 = tpu.memref_slice %arg3[%squeeze3A_152, %dma_start3A_163] : memref<1000x64xf32, #tpu.memory_space<hbm>> -> memref<1x64xf32, #tpu.memory_space<hbm>>
      tpu.enqueue_dma source(%dma_start3A_164 : memref<1x64xf32, #tpu.memory_space<hbm>>) target(%dma_start3A_162 : memref<1x64xf32, #tpu.memory_space<vmem>>) target_semaphore(%arg20 : memref<!tpu.dma_semaphore, #tpu.memory_space<semaphore_mem>>)
      %slice3A_165 = vector.extract_strided_slice %get3A_139 {offsets = [2], sizes = [1], strides = [1]} : vector<16xi32> to vector<1xi32>
      %squeeze3A_166 = vector.extract %slice3A_165[0] : i32 from vector<1xi32>
      %mul3A_167 = arith.constant 16 : i32
      %mul3A_168 = arith.muli %scan3A_133, %mul3A_167 : i32
      %add3A_169 = arith.constant 2 : i32
      %add3A_170 = arith.addi %mul3A_168, %add3A_169 : i32
      %dma_start3A_171 = arith.constant 0 : i32
      %dma_start3A_172 = tpu.memref_slice %arg18[%add3A_170, %dma_start3A_171] : memref<256x64xf32, #tpu.memory_space<vmem>> -> memref<1x64xf32, #tpu.memory_space<vmem>>
      %dma_start3A_173 = arith.constant 0 : i32
      %dma_start3A_174 = tpu.memref_slice %arg3[%squeeze3A_166, %dma_start3A_173] : memref<1000x64xf32, #tpu.memory_space<hbm>> -> memref<1x64xf32, #tpu.memory_space<hbm>>
      %dma_start3A_175 = arith.constant 0 : i32
      %dma_start3A_176 = tpu.memref_slice %arg18[%add3A_170, %dma_start3A_175] : memref<256x64xf32, #tpu.memory_space<vmem>> -> memref<1x64xf32, #tpu.memory_space<vmem>>
      %dma_start3A_177 = arith.constant 0 : i32
      %dma_start3A_178 = tpu.memref_slice %arg3[%squeeze3A_166, %dma_start3A_177] : memref<1000x64xf32, #tpu.memory_space<hbm>> -> memref<1x64xf32, #tpu.memory_space<hbm>>
      tpu.enqueue_dma source(%dma_start3A_178 : memref<1x64xf32, #tpu.memory_space<hbm>>) target(%dma_start3A_176 : memref<1x64xf32, #tpu.memory_space<vmem>>) target_semaphore(%arg20 : memref<!tpu.dma_semaphore, #tpu.memory_space<semaphore_mem>>)
      %slice3A_179 = vector.extract_strided_slice %get3A_139 {offsets = [3], sizes = [1], strides = [1]} : vector<16xi32> to vector<1xi32>
      %squeeze3A_180 = vector.extract %slice3A_179[0] : i32 from vector<1xi32>
      %mul3A_181 = arith.constant 16 : i32
      %mul3A_182 = arith.muli %scan3A_133, %mul3A_181 : i32
      %add3A_183 = arith.constant 3 : i32
      %add3A_184 = arith.addi %mul3A_182, %add3A_183 : i32
      %dma_start3A_185 = arith.constant 0 : i32
      %dma_start3A_186 = tpu.memref_slice %arg18[%add3A_184, %dma_start3A_185] : memref<256x64xf32, #tpu.memory_space<vmem>> -> memref<1x64xf32, #tpu.memory_space<vmem>>
      %dma_start3A_187 = arith.constant 0 : i32
      %dma_start3A_188 = tpu.memref_slice %arg3[%squeeze3A_180, %dma_start3A_187] : memref<1000x64xf32, #tpu.memory_space<hbm>> -> memref<1x64xf32, #tpu.memory_space<hbm>>
      %dma_start3A_189 = arith.constant 0 : i32
      %dma_start3A_190 = tpu.memref_slice %arg18[%add3A_184, %dma_start3A_189] : memref<256x64xf32, #tpu.memory_space<vmem>> -> memref<1x64xf32, #tpu.memory_space<vmem>>
      %dma_start3A_191 = arith.constant 0 : i32
      %dma_start3A_192 = tpu.memref_slice %arg3[%squeeze3A_180, %dma_start3A_191] : memref<1000x64xf32, #tpu.memory_space<hbm>> -> memref<1x64xf32, #tpu.memory_space<hbm>>
      tpu.enqueue_dma source(%dma_start3A_192 : memref<1x64xf32, #tpu.memory_space<hbm>>) target(%dma_start3A_190 : memref<1x64xf32, #tpu.memory_space<vmem>>) target_semaphore(%arg20 : memref<!tpu.dma_semaphore, #tpu.memory_space<semaphore_mem>>)
      %slice3A_193 = vector.extract_strided_slice %get3A_139 {offsets = [4], sizes = [1], strides = [1]} : vector<16xi32> to vector<1xi32>
      %squeeze3A_194 = vector.extract %slice3A_193[0] : i32 from vector<1xi32>
      %mul3A_195 = arith.constant 16 : i32
      %mul3A_196 = arith.muli %scan3A_133, %mul3A_195 : i32
      %add3A_197 = arith.constant 4 : i32
      %add3A_198 = arith.addi %mul3A_196, %add3A_197 : i32
      %dma_start3A_199 = arith.constant 0 : i32
      %dma_start3A_200 = tpu.memref_slice %arg18[%add3A_198, %dma_start3A_199] : memref<256x64xf32, #tpu.memory_space<vmem>> -> memref<1x64xf32, #tpu.memory_space<vmem>>
      %dma_start3A_201 = arith.constant 0 : i32
      %dma_start3A_202 = tpu.memref_slice %arg3[%squeeze3A_194, %dma_start3A_201] : memref<1000x64xf32, #tpu.memory_space<hbm>> -> memref<1x64xf32, #tpu.memory_space<hbm>>
      %dma_start3A_203 = arith.constant 0 : i32
      %dma_start3A_204 = tpu.memref_slice %arg18[%add3A_198, %dma_start3A_203] : memref<256x64xf32, #tpu.memory_space<vmem>> -> memref<1x64xf32, #tpu.memory_space<vmem>>
      %dma_start3A_205 = arith.constant 0 : i32
      %dma_start3A_206 = tpu.memref_slice %arg3[%squeeze3A_194, %dma_start3A_205] : memref<1000x64xf32, #tpu.memory_space<hbm>> -> memref<1x64xf32, #tpu.memory_space<hbm>>
      tpu.enqueue_dma source(%dma_start3A_206 : memref<1x64xf32, #tpu.memory_space<hbm>>) target(%dma_start3A_204 : memref<1x64xf32, #tpu.memory_space<vmem>>) target_semaphore(%arg20 : memref<!tpu.dma_semaphore, #tpu.memory_space<semaphore_mem>>)
      %slice3A_207 = vector.extract_strided_slice %get3A_139 {offsets = [5], sizes = [1], strides = [1]} : vector<16xi32> to vector<1xi32>
      %squeeze3A_208 = vector.extract %slice3A_207[0] : i32 from vector<1xi32>
      %mul3A_209 = arith.constant 16 : i32
      %mul3A_210 = arith.muli %scan3A_133, %mul3A_209 : i32
      %add3A_211 = arith.constant 5 : i32
      %add3A_212 = arith.addi %mul3A_210, %add3A_211 : i32
      %dma_start3A_213 = arith.constant 0 : i32
      %dma_start3A_214 = tpu.memref_slice %arg18[%add3A_212, %dma_start3A_213] : memref<256x64xf32, #tpu.memory_space<vmem>> -> memref<1x64xf32, #tpu.memory_space<vmem>>
      %dma_start3A_215 = arith.constant 0 : i32
      %dma_start3A_216 = tpu.memref_slice %arg3[%squeeze3A_208, %dma_start3A_215] : memref<1000x64xf32, #tpu.memory_space<hbm>> -> memref<1x64xf32, #tpu.memory_space<hbm>>
      %dma_start3A_217 = arith.constant 0 : i32
      %dma_start3A_218 = tpu.memref_slice %arg18[%add3A_212, %dma_start3A_217] : memref<256x64xf32, #tpu.memory_space<vmem>> -> memref<1x64xf32, #tpu.memory_space<vmem>>
      %dma_start3A_219 = arith.constant 0 : i32
      %dma_start3A_220 = tpu.memref_slice %arg3[%squeeze3A_208, %dma_start3A_219] : memref<1000x64xf32, #tpu.memory_space<hbm>> -> memref<1x64xf32, #tpu.memory_space<hbm>>
      tpu.enqueue_dma source(%dma_start3A_220 : memref<1x64xf32, #tpu.memory_space<hbm>>) target(%dma_start3A_218 : memref<1x64xf32, #tpu.memory_space<vmem>>) target_semaphore(%arg20 : memref<!tpu.dma_semaphore, #tpu.memory_space<semaphore_mem>>)
      %slice3A_221 = vector.extract_strided_slice %get3A_139 {offsets = [6], sizes = [1], strides = [1]} : vector<16xi32> to vector<1xi32>
      %squeeze3A_222 = vector.extract %slice3A_221[0] : i32 from vector<1xi32>
      %mul3A_223 = arith.constant 16 : i32
      %mul3A_224 = arith.muli %scan3A_133, %mul3A_223 : i32
      %add3A_225 = arith.constant 6 : i32
      %add3A_226 = arith.addi %mul3A_224, %add3A_225 : i32
      %dma_start3A_227 = arith.constant 0 : i32
      %dma_start3A_228 = tpu.memref_slice %arg18[%add3A_226, %dma_start3A_227] : memref<256x64xf32, #tpu.memory_space<vmem>> -> memref<1x64xf32, #tpu.memory_space<vmem>>
      %dma_start3A_229 = arith.constant 0 : i32
      %dma_start3A_230 = tpu.memref_slice %arg3[%squeeze3A_222, %dma_start3A_229] : memref<1000x64xf32, #tpu.memory_space<hbm>> -> memref<1x64xf32, #tpu.memory_space<hbm>>
      %dma_start3A_231 = arith.constant 0 : i32
      %dma_start3A_232 = tpu.memref_slice %arg18[%add3A_226, %dma_start3A_231] : memref<256x64xf32, #tpu.memory_space<vmem>> -> memref<1x64xf32, #tpu.memory_space<vmem>>
      %dma_start3A_233 = arith.constant 0 : i32
      %dma_start3A_234 = tpu.memref_slice %arg3[%squeeze3A_222, %dma_start3A_233] : memref<1000x64xf32, #tpu.memory_space<hbm>> -> memref<1x64xf32, #tpu.memory_space<hbm>>
      tpu.enqueue_dma source(%dma_start3A_234 : memref<1x64xf32, #tpu.memory_space<hbm>>) target(%dma_start3A_232 : memref<1x64xf32, #tpu.memory_space<vmem>>) target_semaphore(%arg20 : memref<!tpu.dma_semaphore, #tpu.memory_space<semaphore_mem>>)
      %slice3A_235 = vector.extract_strided_slice %get3A_139 {offsets = [7], sizes = [1], strides = [1]} : vector<16xi32> to vector<1xi32>
      %squeeze3A_236 = vector.extract %slice3A_235[0] : i32 from vector<1xi32>
      %mul3A_237 = arith.constant 16 : i32
      %mul3A_238 = arith.muli %scan3A_133, %mul3A_237 : i32
      %add3A_239 = arith.constant 7 : i32
      %add3A_240 = arith.addi %mul3A_238, %add3A_239 : i32
      %dma_start3A_241 = arith.constant 0 : i32
      %dma_start3A_242 = tpu.memref_slice %arg18[%add3A_240, %dma_start3A_241] : memref<256x64xf32, #tpu.memory_space<vmem>> -> memref<1x64xf32, #tpu.memory_space<vmem>>
      %dma_start3A_243 = arith.constant 0 : i32
      %dma_start3A_244 = tpu.memref_slice %arg3[%squeeze3A_236, %dma_start3A_243] : memref<1000x64xf32, #tpu.memory_space<hbm>> -> memref<1x64xf32, #tpu.memory_space<hbm>>
      %dma_start3A_245 = arith.constant 0 : i32
      %dma_start3A_246 = tpu.memref_slice %arg18[%add3A_240, %dma_start3A_245] : memref<256x64xf32, #tpu.memory_space<vmem>> -> memref<1x64xf32, #tpu.memory_space<vmem>>
      %dma_start3A_247 = arith.constant 0 : i32
      %dma_start3A_248 = tpu.memref_slice %arg3[%squeeze3A_236, %dma_start3A_247] : memref<1000x64xf32, #tpu.memory_space<hbm>> -> memref<1x64xf32, #tpu.memory_space<hbm>>
      tpu.enqueue_dma source(%dma_start3A_248 : memref<1x64xf32, #tpu.memory_space<hbm>>) target(%dma_start3A_246 : memref<1x64xf32, #tpu.memory_space<vmem>>) target_semaphore(%arg20 : memref<!tpu.dma_semaphore, #tpu.memory_space<semaphore_mem>>)
      %slice3A_249 = vector.extract_strided_slice %get3A_139 {offsets = [8], sizes = [1], strides = [1]} : vector<16xi32> to vector<1xi32>
      %squeeze3A_250 = vector.extract %slice3A_249[0] : i32 from vector<1xi32>
      %mul3A_251 = arith.constant 16 : i32
      %mul3A_252 = arith.muli %scan3A_133, %mul3A_251 : i32
      %add3A_253 = arith.constant 8 : i32
      %add3A_254 = arith.addi %mul3A_252, %add3A_253 : i32
      %dma_start3A_255 = arith.constant 0 : i32
      %dma_start3A_256 = tpu.memref_slice %arg18[%add3A_254, %dma_start3A_255] : memref<256x64xf32, #tpu.memory_space<vmem>> -> memref<1x64xf32, #tpu.memory_space<vmem>>
      %dma_start3A_257 = arith.constant 0 : i32
      %dma_start3A_258 = tpu.memref_slice %arg3[%squeeze3A_250, %dma_start3A_257] : memref<1000x64xf32, #tpu.memory_space<hbm>> -> memref<1x64xf32, #tpu.memory_space<hbm>>
      %dma_start3A_259 = arith.constant 0 : i32
      %dma_start3A_260 = tpu.memref_slice %arg18[%add3A_254, %dma_start3A_259] : memref<256x64xf32, #tpu.memory_space<vmem>> -> memref<1x64xf32, #tpu.memory_space<vmem>>
      %dma_start3A_261 = arith.constant 0 : i32
      %dma_start3A_262 = tpu.memref_slice %arg3[%squeeze3A_250, %dma_start3A_261] : memref<1000x64xf32, #tpu.memory_space<hbm>> -> memref<1x64xf32, #tpu.memory_space<hbm>>
      tpu.enqueue_dma source(%dma_start3A_262 : memref<1x64xf32, #tpu.memory_space<hbm>>) target(%dma_start3A_260 : memref<1x64xf32, #tpu.memory_space<vmem>>) target_semaphore(%arg20 : memref<!tpu.dma_semaphore, #tpu.memory_space<semaphore_mem>>)
      %slice3A_263 = vector.extract_strided_slice %get3A_139 {offsets = [9], sizes = [1], strides = [1]} : vector<16xi32> to vector<1xi32>
      %squeeze3A_264 = vector.extract %slice3A_263[0] : i32 from vector<1xi32>
      %mul3A_265 = arith.constant 16 : i32
      %mul3A_266 = arith.muli %scan3A_133, %mul3A_265 : i32
      %add3A_267 = arith.constant 9 : i32
      %add3A_268 = arith.addi %mul3A_266, %add3A_267 : i32
      %dma_start3A_269 = arith.constant 0 : i32
      %dma_start3A_270 = tpu.memref_slice %arg18[%add3A_268, %dma_start3A_269] : memref<256x64xf32, #tpu.memory_space<vmem>> -> memref<1x64xf32, #tpu.memory_space<vmem>>
      %dma_start3A_271 = arith.constant 0 : i32
      %dma_start3A_272 = tpu.memref_slice %arg3[%squeeze3A_264, %dma_start3A_271] : memref<1000x64xf32, #tpu.memory_space<hbm>> -> memref<1x64xf32, #tpu.memory_space<hbm>>
      %dma_start3A_273 = arith.constant 0 : i32
      %dma_start3A_274 = tpu.memref_slice %arg18[%add3A_268, %dma_start3A_273] : memref<256x64xf32, #tpu.memory_space<vmem>> -> memref<1x64xf32, #tpu.memory_space<vmem>>
      %dma_start3A_275 = arith.constant 0 : i32
      %dma_start3A_276 = tpu.memref_slice %arg3[%squeeze3A_264, %dma_start3A_275] : memref<1000x64xf32, #tpu.memory_space<hbm>> -> memref<1x64xf32, #tpu.memory_space<hbm>>
      tpu.enqueue_dma source(%dma_start3A_276 : memref<1x64xf32, #tpu.memory_space<hbm>>) target(%dma_start3A_274 : memref<1x64xf32, #tpu.memory_space<vmem>>) target_semaphore(%arg20 : memref<!tpu.dma_semaphore, #tpu.memory_space<semaphore_mem>>)
      %slice3A_277 = vector.extract_strided_slice %get3A_139 {offsets = [10], sizes = [1], strides = [1]} : vector<16xi32> to vector<1xi32>
      %squeeze3A_278 = vector.extract %slice3A_277[0] : i32 from vector<1xi32>
      %mul3A_279 = arith.constant 16 : i32
      %mul3A_280 = arith.muli %scan3A_133, %mul3A_279 : i32
      %add3A_281 = arith.constant 10 : i32
      %add3A_282 = arith.addi %mul3A_280, %add3A_281 : i32
      %dma_start3A_283 = arith.constant 0 : i32
      %dma_start3A_284 = tpu.memref_slice %arg18[%add3A_282, %dma_start3A_283] : memref<256x64xf32, #tpu.memory_space<vmem>> -> memref<1x64xf32, #tpu.memory_space<vmem>>
      %dma_start3A_285 = arith.constant 0 : i32
      %dma_start3A_286 = tpu.memref_slice %arg3[%squeeze3A_278, %dma_start3A_285] : memref<1000x64xf32, #tpu.memory_space<hbm>> -> memref<1x64xf32, #tpu.memory_space<hbm>>
      %dma_start3A_287 = arith.constant 0 : i32
      %dma_start3A_288 = tpu.memref_slice %arg18[%add3A_282, %dma_start3A_287] : memref<256x64xf32, #tpu.memory_space<vmem>> -> memref<1x64xf32, #tpu.memory_space<vmem>>
      %dma_start3A_289 = arith.constant 0 : i32
      %dma_start3A_290 = tpu.memref_slice %arg3[%squeeze3A_278, %dma_start3A_289] : memref<1000x64xf32, #tpu.memory_space<hbm>> -> memref<1x64xf32, #tpu.memory_space<hbm>>
      tpu.enqueue_dma source(%dma_start3A_290 : memref<1x64xf32, #tpu.memory_space<hbm>>) target(%dma_start3A_288 : memref<1x64xf32, #tpu.memory_space<vmem>>) target_semaphore(%arg20 : memref<!tpu.dma_semaphore, #tpu.memory_space<semaphore_mem>>)
      %slice3A_291 = vector.extract_strided_slice %get3A_139 {offsets = [11], sizes = [1], strides = [1]} : vector<16xi32> to vector<1xi32>
      %squeeze3A_292 = vector.extract %slice3A_291[0] : i32 from vector<1xi32>
      %mul3A_293 = arith.constant 16 : i32
      %mul3A_294 = arith.muli %scan3A_133, %mul3A_293 : i32
      %add3A_295 = arith.constant 11 : i32
      %add3A_296 = arith.addi %mul3A_294, %add3A_295 : i32
      %dma_start3A_297 = arith.constant 0 : i32
      %dma_start3A_298 = tpu.memref_slice %arg18[%add3A_296, %dma_start3A_297] : memref<256x64xf32, #tpu.memory_space<vmem>> -> memref<1x64xf32, #tpu.memory_space<vmem>>
      %dma_start3A_299 = arith.constant 0 : i32
      %dma_start3A_300 = tpu.memref_slice %arg3[%squeeze3A_292, %dma_start3A_299] : memref<1000x64xf32, #tpu.memory_space<hbm>> -> memref<1x64xf32, #tpu.memory_space<hbm>>
      %dma_start3A_301 = arith.constant 0 : i32
      %dma_start3A_302 = tpu.memref_slice %arg18[%add3A_296, %dma_start3A_301] : memref<256x64xf32, #tpu.memory_space<vmem>> -> memref<1x64xf32, #tpu.memory_space<vmem>>
      %dma_start3A_303 = arith.constant 0 : i32
      %dma_start3A_304 = tpu.memref_slice %arg3[%squeeze3A_292, %dma_start3A_303] : memref<1000x64xf32, #tpu.memory_space<hbm>> -> memref<1x64xf32, #tpu.memory_space<hbm>>
      tpu.enqueue_dma source(%dma_start3A_304 : memref<1x64xf32, #tpu.memory_space<hbm>>) target(%dma_start3A_302 : memref<1x64xf32, #tpu.memory_space<vmem>>) target_semaphore(%arg20 : memref<!tpu.dma_semaphore, #tpu.memory_space<semaphore_mem>>)
      %slice3A_305 = vector.extract_strided_slice %get3A_139 {offsets = [12], sizes = [1], strides = [1]} : vector<16xi32> to vector<1xi32>
      %squeeze3A_306 = vector.extract %slice3A_305[0] : i32 from vector<1xi32>
      %mul3A_307 = arith.constant 16 : i32
      %mul3A_308 = arith.muli %scan3A_133, %mul3A_307 : i32
      %add3A_309 = arith.constant 12 : i32
      %add3A_310 = arith.addi %mul3A_308, %add3A_309 : i32
      %dma_start3A_311 = arith.constant 0 : i32
      %dma_start3A_312 = tpu.memref_slice %arg18[%add3A_310, %dma_start3A_311] : memref<256x64xf32, #tpu.memory_space<vmem>> -> memref<1x64xf32, #tpu.memory_space<vmem>>
      %dma_start3A_313 = arith.constant 0 : i32
      %dma_start3A_314 = tpu.memref_slice %arg3[%squeeze3A_306, %dma_start3A_313] : memref<1000x64xf32, #tpu.memory_space<hbm>> -> memref<1x64xf32, #tpu.memory_space<hbm>>
      %dma_start3A_315 = arith.constant 0 : i32
      %dma_start3A_316 = tpu.memref_slice %arg18[%add3A_310, %dma_start3A_315] : memref<256x64xf32, #tpu.memory_space<vmem>> -> memref<1x64xf32, #tpu.memory_space<vmem>>
      %dma_start3A_317 = arith.constant 0 : i32
      %dma_start3A_318 = tpu.memref_slice %arg3[%squeeze3A_306, %dma_start3A_317] : memref<1000x64xf32, #tpu.memory_space<hbm>> -> memref<1x64xf32, #tpu.memory_space<hbm>>
      tpu.enqueue_dma source(%dma_start3A_318 : memref<1x64xf32, #tpu.memory_space<hbm>>) target(%dma_start3A_316 : memref<1x64xf32, #tpu.memory_space<vmem>>) target_semaphore(%arg20 : memref<!tpu.dma_semaphore, #tpu.memory_space<semaphore_mem>>)
      %slice3A_319 = vector.extract_strided_slice %get3A_139 {offsets = [13], sizes = [1], strides = [1]} : vector<16xi32> to vector<1xi32>
      %squeeze3A_320 = vector.extract %slice3A_319[0] : i32 from vector<1xi32>
      %mul3A_321 = arith.constant 16 : i32
      %mul3A_322 = arith.muli %scan3A_133, %mul3A_321 : i32
      %add3A_323 = arith.constant 13 : i32
      %add3A_324 = arith.addi %mul3A_322, %add3A_323 : i32
      %dma_start3A_325 = arith.constant 0 : i32
      %dma_start3A_326 = tpu.memref_slice %arg18[%add3A_324, %dma_start3A_325] : memref<256x64xf32, #tpu.memory_space<vmem>> -> memref<1x64xf32, #tpu.memory_space<vmem>>
      %dma_start3A_327 = arith.constant 0 : i32
      %dma_start3A_328 = tpu.memref_slice %arg3[%squeeze3A_320, %dma_start3A_327] : memref<1000x64xf32, #tpu.memory_space<hbm>> -> memref<1x64xf32, #tpu.memory_space<hbm>>
      %dma_start3A_329 = arith.constant 0 : i32
      %dma_start3A_330 = tpu.memref_slice %arg18[%add3A_324, %dma_start3A_329] : memref<256x64xf32, #tpu.memory_space<vmem>> -> memref<1x64xf32, #tpu.memory_space<vmem>>
      %dma_start3A_331 = arith.constant 0 : i32
      %dma_start3A_332 = tpu.memref_slice %arg3[%squeeze3A_320, %dma_start3A_331] : memref<1000x64xf32, #tpu.memory_space<hbm>> -> memref<1x64xf32, #tpu.memory_space<hbm>>
      tpu.enqueue_dma source(%dma_start3A_332 : memref<1x64xf32, #tpu.memory_space<hbm>>) target(%dma_start3A_330 : memref<1x64xf32, #tpu.memory_space<vmem>>) target_semaphore(%arg20 : memref<!tpu.dma_semaphore, #tpu.memory_space<semaphore_mem>>)
      %slice3A_333 = vector.extract_strided_slice %get3A_139 {offsets = [14], sizes = [1], strides = [1]} : vector<16xi32> to vector<1xi32>
      %squeeze3A_334 = vector.extract %slice3A_333[0] : i32 from vector<1xi32>
      %mul3A_335 = arith.constant 16 : i32
      %mul3A_336 = arith.muli %scan3A_133, %mul3A_335 : i32
      %add3A_337 = arith.constant 14 : i32
      %add3A_338 = arith.addi %mul3A_336, %add3A_337 : i32
      %dma_start3A_339 = arith.constant 0 : i32
      %dma_start3A_340 = tpu.memref_slice %arg18[%add3A_338, %dma_start3A_339] : memref<256x64xf32, #tpu.memory_space<vmem>> -> memref<1x64xf32, #tpu.memory_space<vmem>>
      %dma_start3A_341 = arith.constant 0 : i32
      %dma_start3A_342 = tpu.memref_slice %arg3[%squeeze3A_334, %dma_start3A_341] : memref<1000x64xf32, #tpu.memory_space<hbm>> -> memref<1x64xf32, #tpu.memory_space<hbm>>
      %dma_start3A_343 = arith.constant 0 : i32
      %dma_start3A_344 = tpu.memref_slice %arg18[%add3A_338, %dma_start3A_343] : memref<256x64xf32, #tpu.memory_space<vmem>> -> memref<1x64xf32, #tpu.memory_space<vmem>>
      %dma_start3A_345 = arith.constant 0 : i32
      %dma_start3A_346 = tpu.memref_slice %arg3[%squeeze3A_334, %dma_start3A_345] : memref<1000x64xf32, #tpu.memory_space<hbm>> -> memref<1x64xf32, #tpu.memory_space<hbm>>
      tpu.enqueue_dma source(%dma_start3A_346 : memref<1x64xf32, #tpu.memory_space<hbm>>) target(%dma_start3A_344 : memref<1x64xf32, #tpu.memory_space<vmem>>) target_semaphore(%arg20 : memref<!tpu.dma_semaphore, #tpu.memory_space<semaphore_mem>>)
      %slice3A_347 = vector.extract_strided_slice %get3A_139 {offsets = [15], sizes = [1], strides = [1]} : vector<16xi32> to vector<1xi32>
      %squeeze3A_348 = vector.extract %slice3A_347[0] : i32 from vector<1xi32>
      %mul3A_349 = arith.constant 16 : i32
      %mul3A_350 = arith.muli %scan3A_133, %mul3A_349 : i32
      %add3A_351 = arith.constant 15 : i32
      %add3A_352 = arith.addi %mul3A_350, %add3A_351 : i32
      %dma_start3A_353 = arith.constant 0 : i32
      %dma_start3A_354 = tpu.memref_slice %arg18[%add3A_352, %dma_start3A_353] : memref<256x64xf32, #tpu.memory_space<vmem>> -> memref<1x64xf32, #tpu.memory_space<vmem>>
      %dma_start3A_355 = arith.constant 0 : i32
      %dma_start3A_356 = tpu.memref_slice %arg3[%squeeze3A_348, %dma_start3A_355] : memref<1000x64xf32, #tpu.memory_space<hbm>> -> memref<1x64xf32, #tpu.memory_space<hbm>>
      %dma_start3A_357 = arith.constant 0 : i32
      %dma_start3A_358 = tpu.memref_slice %arg18[%add3A_352, %dma_start3A_357] : memref<256x64xf32, #tpu.memory_space<vmem>> -> memref<1x64xf32, #tpu.memory_space<vmem>>
      %dma_start3A_359 = arith.constant 0 : i32
      %dma_start3A_360 = tpu.memref_slice %arg3[%squeeze3A_348, %dma_start3A_359] : memref<1000x64xf32, #tpu.memory_space<hbm>> -> memref<1x64xf32, #tpu.memory_space<hbm>>
      tpu.enqueue_dma source(%dma_start3A_360 : memref<1x64xf32, #tpu.memory_space<hbm>>) target(%dma_start3A_358 : memref<1x64xf32, #tpu.memory_space<vmem>>) target_semaphore(%arg20 : memref<!tpu.dma_semaphore, #tpu.memory_space<semaphore_mem>>)
    }
    %scan3A_120 = arith.constant 16 : i32
    %add3A_121 = arith.constant 0 : i32
    %add3A_122 = arith.addi %mul3A_2, %add3A_121 : i32
    %dma_wait3A_123 = arith.constant 0 : i32
    %dma_wait3A_124 = tpu.memref_slice %arg15[%add3A_122, %dma_wait3A_123] : memref<16384x64xf32, #tpu.memory_space<hbm>> -> memref<256x64xf32, #tpu.memory_space<hbm>>
    %dma_wait3A_125 = arith.constant 0 : i32
    %dma_wait3A_126 = tpu.memref_slice %arg15[%add3A_122, %dma_wait3A_125] : memref<16384x64xf32, #tpu.memory_space<hbm>> -> memref<256x64xf32, #tpu.memory_space<hbm>>
    tpu.wait_dma2 semaphore(%arg19 : memref<!tpu.dma_semaphore, #tpu.memory_space<semaphore_mem>>) src(%dma_wait3A_126 : memref<256x64xf32, #tpu.memory_space<hbm>>) dst(%arg17 : memref<256x64xf32, #tpu.memory_space<vmem>>)
    "tpu.region"() ({
      %run_scoped3A = tpu.sem_alloc : memref<!tpu.dma_semaphore, #tpu.memory_space<semaphore_mem>>
      %dma_start3A = arith.constant 0 : i32
      %dma_start3A_133 = tpu.memref_slice %arg15[%add3A_122, %dma_start3A] : memref<16384x64xf32, #tpu.memory_space<hbm>> -> memref<256x64xf32, #tpu.memory_space<hbm>>
      %dma_start3A_134 = arith.constant 0 : i32
      %dma_start3A_135 = tpu.memref_slice %arg15[%add3A_122, %dma_start3A_134] : memref<16384x64xf32, #tpu.memory_space<hbm>> -> memref<256x64xf32, #tpu.memory_space<hbm>>
      tpu.enqueue_dma source(%arg17 : memref<256x64xf32, #tpu.memory_space<vmem>>) target(%dma_start3A_135 : memref<256x64xf32, #tpu.memory_space<hbm>>) target_semaphore(%run_scoped3A : memref<!tpu.dma_semaphore, #tpu.memory_space<semaphore_mem>>)
      %dma_wait3A_136 = arith.constant 0 : i32
      %dma_wait3A_137 = tpu.memref_slice %arg15[%add3A_122, %dma_wait3A_136] : memref<16384x64xf32, #tpu.memory_space<hbm>> -> memref<256x64xf32, #tpu.memory_space<hbm>>
      %dma_wait3A_138 = arith.constant 0 : i32
      %dma_wait3A_139 = tpu.memref_slice %arg15[%add3A_122, %dma_wait3A_138] : memref<16384x64xf32, #tpu.memory_space<hbm>> -> memref<256x64xf32, #tpu.memory_space<hbm>>
      tpu.wait_dma2 semaphore(%run_scoped3A : memref<!tpu.dma_semaphore, #tpu.memory_space<semaphore_mem>>) src(%arg17 : memref<256x64xf32, #tpu.memory_space<vmem>>) dst(%dma_wait3A_139 : memref<256x64xf32, #tpu.memory_space<hbm>>)
      tpu.yield
    }) : () -> ()
    %add3A_127 = arith.constant 256 : i32
    %add3A_128 = arith.addi %mul3A_2, %add3A_127 : i32
    %dma_wait3A_129 = arith.constant 0 : i32
    %dma_wait3A_130 = tpu.memref_slice %arg15[%add3A_128, %dma_wait3A_129] : memref<16384x64xf32, #tpu.memory_space<hbm>> -> memref<256x64xf32, #tpu.memory_space<hbm>>
    %dma_wait3A_131 = arith.constant 0 : i32
    %dma_wait3A_132 = tpu.memref_slice %arg15[%add3A_128, %dma_wait3A_131] : memref<16384x64xf32, #tpu.memory_space<hbm>> -> memref<256x64xf32, #tpu.memory_space<hbm>>
    tpu.wait_dma2 semaphore(%arg20 : memref<!tpu.dma_semaphore, #tpu.memory_space<semaphore_mem>>) src(%dma_wait3A_132 : memref<256x64xf32, #tpu.memory_space<hbm>>) dst(%arg18 : memref<256x64xf32, #tpu.memory_space<vmem>>)
    "tpu.region"() ({
      %run_scoped3A = tpu.sem_alloc : memref<!tpu.dma_semaphore, #tpu.memory_space<semaphore_mem>>
      %dma_start3A = arith.constant 0 : i32
      %dma_start3A_133 = tpu.memref_slice %arg15[%add3A_128, %dma_start3A] : memref<16384x64xf32, #tpu.memory_space<hbm>> -> memref<256x64xf32, #tpu.memory_space<hbm>>
      %dma_start3A_134 = arith.constant 0 : i32
      %dma_start3A_135 = tpu.memref_slice %arg15[%add3A_128, %dma_start3A_134] : memref<16384x64xf32, #tpu.memory_space<hbm>> -> memref<256x64xf32, #tpu.memory_space<hbm>>
      tpu.enqueue_dma source(%arg18 : memref<256x64xf32, #tpu.memory_space<vmem>>) target(%dma_start3A_135 : memref<256x64xf32, #tpu.memory_space<hbm>>) target_semaphore(%run_scoped3A : memref<!tpu.dma_semaphore, #tpu.memory_space<semaphore_mem>>)
      %dma_wait3A_136 = arith.constant 0 : i32
      %dma_wait3A_137 = tpu.memref_slice %arg15[%add3A_128, %dma_wait3A_136] : memref<16384x64xf32, #tpu.memory_space<hbm>> -> memref<256x64xf32, #tpu.memory_space<hbm>>
      %dma_wait3A_138 = arith.constant 0 : i32
      %dma_wait3A_139 = tpu.memref_slice %arg15[%add3A_128, %dma_wait3A_138] : memref<16384x64xf32, #tpu.memory_space<hbm>> -> memref<256x64xf32, #tpu.memory_space<hbm>>
      tpu.wait_dma2 semaphore(%run_scoped3A : memref<!tpu.dma_semaphore, #tpu.memory_space<semaphore_mem>>) src(%arg18 : memref<256x64xf32, #tpu.memory_space<vmem>>) dst(%dma_wait3A_139 : memref<256x64xf32, #tpu.memory_space<hbm>>)
      tpu.yield
    }) : () -> ()
    return
  }
}

module attributes {stable_mosaic.version = 14 : i64} {
  func.func @_tc_body(%arg0: i32, %arg1: memref<2048x64xf32, #tpu.memory_space<vmem>>, %arg2: memref<2048x64xf32, #tpu.memory_space<vmem>>, %arg3: memref<2048x64xf32, #tpu.memory_space<vmem>>, %arg4: memref<2048x64xf32, #tpu.memory_space<vmem>>, %arg5: memref<2048x64xf32, #tpu.memory_space<vmem>>, %arg6: memref<2048x64xf32, #tpu.memory_space<vmem>>, %arg7: memref<128x64xf32, #tpu.memory_space<vmem>>, %arg8: memref<1x64xf32, #tpu.memory_space<vmem>>, %arg9: memref<64x2048xf32, #tpu.memory_space<vmem>>, %arg10: memref<64x2048xf32, #tpu.memory_space<vmem>>, %arg11: memref<64x2048xf32, #tpu.memory_space<vmem>>, %arg12: memref<64x2048xf32, #tpu.memory_space<vmem>>, %arg13: memref<64x2048xf32, #tpu.memory_space<vmem>>, %arg14: memref<64x2048xf32, #tpu.memory_space<vmem>>) attributes {dimension_semantics = [#tpu.dimension_semantics<arbitrary>], iteration_bounds = array<i64: 8>, scalar_prefetch = 0 : i64, scratch_operands = 0 : i64, tpu.core_type = #tpu.core_type<tc>, window_params = [{transform_indices = @transform_0, window_bounds = array<i64: 2048, 64>}, {transform_indices = @transform_1, window_bounds = array<i64: 2048, 64>}, {transform_indices = @transform_2, window_bounds = array<i64: 2048, 64>}, {transform_indices = @transform_3, window_bounds = array<i64: 2048, 64>}, {transform_indices = @transform_4, window_bounds = array<i64: 2048, 64>}, {transform_indices = @transform_5, window_bounds = array<i64: 2048, 64>}, {pipeline_mode = #tpu.pipeline_mode<synchronous>, transform_indices = @transform_6, window_bounds = array<i64: 128, 64>}, {pipeline_mode = #tpu.pipeline_mode<synchronous>, transform_indices = @transform_7, window_bounds = array<i64: 1, 64>}, {transform_indices = @transform_8, window_bounds = array<i64: 64, 2048>}, {transform_indices = @transform_9, window_bounds = array<i64: 64, 2048>}, {transform_indices = @transform_10, window_bounds = array<i64: 64, 2048>}, {transform_indices = @transform_11, window_bounds = array<i64: 64, 2048>}, {transform_indices = @transform_12, window_bounds = array<i64: 64, 2048>}, {transform_indices = @transform_13, window_bounds = array<i64: 64, 2048>}]} {
    %get3A = arith.constant 0 : index
    %get3A_0 = arith.constant 0 : index
    %get3A_1 = vector.load %arg1[%get3A, %get3A_0] : memref<2048x64xf32, #tpu.memory_space<vmem>>, vector<2048x64xf32>
    %mul3A = arith.mulf %get3A_1, %get3A_1 : vector<2048x64xf32>
    %reduce_sum3A = arith.constant dense<0.000000e+00> : vector<2048xf32>
    %reduce_sum3A_2 = vector.multi_reduction <add>, %mul3A, %reduce_sum3A [1] : vector<2048x64xf32> to vector<2048xf32>
    %broadcast_in_dim3A = vector.shape_cast %reduce_sum3A_2 : vector<2048xf32> to vector<2048x1xf32>
    %max3A = arith.constant 1.000000e-24 : f32
    %max3A_3 = vector.broadcast %max3A : f32 to vector<2048x1xf32>
    %max3A_4 = arith.maximumf %broadcast_in_dim3A, %max3A_3 : vector<2048x1xf32>
    %rsqrt3A = math.rsqrt %max3A_4 : vector<2048x1xf32>
    %mul3A_5 = vector.broadcast %rsqrt3A : vector<2048x1xf32> to vector<2048x64xf32>
    %mul3A_6 = arith.mulf %get3A_1, %mul3A_5 : vector<2048x64xf32>
    %get3A_7 = arith.constant 0 : index
    %get3A_8 = arith.constant 0 : index
    %get3A_9 = vector.load %arg2[%get3A_7, %get3A_8] : memref<2048x64xf32, #tpu.memory_space<vmem>>, vector<2048x64xf32>
    %mul3A_10 = arith.mulf %get3A_9, %get3A_9 : vector<2048x64xf32>
    %reduce_sum3A_11 = arith.constant dense<0.000000e+00> : vector<2048xf32>
    %reduce_sum3A_12 = vector.multi_reduction <add>, %mul3A_10, %reduce_sum3A_11 [1] : vector<2048x64xf32> to vector<2048xf32>
    %broadcast_in_dim3A_13 = vector.shape_cast %reduce_sum3A_12 : vector<2048xf32> to vector<2048x1xf32>
    %max3A_14 = arith.constant 1.000000e-24 : f32
    %max3A_15 = vector.broadcast %max3A_14 : f32 to vector<2048x1xf32>
    %max3A_16 = arith.maximumf %broadcast_in_dim3A_13, %max3A_15 : vector<2048x1xf32>
    %rsqrt3A_17 = math.rsqrt %max3A_16 : vector<2048x1xf32>
    %mul3A_18 = vector.broadcast %rsqrt3A_17 : vector<2048x1xf32> to vector<2048x64xf32>
    %mul3A_19 = arith.mulf %get3A_9, %mul3A_18 : vector<2048x64xf32>
    %get3A_20 = arith.constant 0 : index
    %get3A_21 = arith.constant 0 : index
    %get3A_22 = vector.load %arg3[%get3A_20, %get3A_21] : memref<2048x64xf32, #tpu.memory_space<vmem>>, vector<2048x64xf32>
    %mul3A_23 = arith.mulf %get3A_22, %get3A_22 : vector<2048x64xf32>
    %reduce_sum3A_24 = arith.constant dense<0.000000e+00> : vector<2048xf32>
    %reduce_sum3A_25 = vector.multi_reduction <add>, %mul3A_23, %reduce_sum3A_24 [1] : vector<2048x64xf32> to vector<2048xf32>
    %broadcast_in_dim3A_26 = vector.shape_cast %reduce_sum3A_25 : vector<2048xf32> to vector<2048x1xf32>
    %max3A_27 = arith.constant 1.000000e-24 : f32
    %max3A_28 = vector.broadcast %max3A_27 : f32 to vector<2048x1xf32>
    %max3A_29 = arith.maximumf %broadcast_in_dim3A_26, %max3A_28 : vector<2048x1xf32>
    %rsqrt3A_30 = math.rsqrt %max3A_29 : vector<2048x1xf32>
    %mul3A_31 = vector.broadcast %rsqrt3A_30 : vector<2048x1xf32> to vector<2048x64xf32>
    %mul3A_32 = arith.mulf %get3A_22, %mul3A_31 : vector<2048x64xf32>
    %get3A_33 = arith.constant 0 : index
    %get3A_34 = arith.constant 0 : index
    %get3A_35 = vector.load %arg4[%get3A_33, %get3A_34] : memref<2048x64xf32, #tpu.memory_space<vmem>>, vector<2048x64xf32>
    %mul3A_36 = arith.mulf %get3A_35, %get3A_35 : vector<2048x64xf32>
    %reduce_sum3A_37 = arith.constant dense<0.000000e+00> : vector<2048xf32>
    %reduce_sum3A_38 = vector.multi_reduction <add>, %mul3A_36, %reduce_sum3A_37 [1] : vector<2048x64xf32> to vector<2048xf32>
    %broadcast_in_dim3A_39 = vector.shape_cast %reduce_sum3A_38 : vector<2048xf32> to vector<2048x1xf32>
    %max3A_40 = arith.constant 1.000000e-24 : f32
    %max3A_41 = vector.broadcast %max3A_40 : f32 to vector<2048x1xf32>
    %max3A_42 = arith.maximumf %broadcast_in_dim3A_39, %max3A_41 : vector<2048x1xf32>
    %rsqrt3A_43 = math.rsqrt %max3A_42 : vector<2048x1xf32>
    %mul3A_44 = vector.broadcast %rsqrt3A_43 : vector<2048x1xf32> to vector<2048x64xf32>
    %mul3A_45 = arith.mulf %get3A_35, %mul3A_44 : vector<2048x64xf32>
    %get3A_46 = arith.constant 0 : index
    %get3A_47 = arith.constant 0 : index
    %get3A_48 = vector.load %arg5[%get3A_46, %get3A_47] : memref<2048x64xf32, #tpu.memory_space<vmem>>, vector<2048x64xf32>
    %mul3A_49 = arith.mulf %get3A_48, %get3A_48 : vector<2048x64xf32>
    %reduce_sum3A_50 = arith.constant dense<0.000000e+00> : vector<2048xf32>
    %reduce_sum3A_51 = vector.multi_reduction <add>, %mul3A_49, %reduce_sum3A_50 [1] : vector<2048x64xf32> to vector<2048xf32>
    %broadcast_in_dim3A_52 = vector.shape_cast %reduce_sum3A_51 : vector<2048xf32> to vector<2048x1xf32>
    %max3A_53 = arith.constant 1.000000e-24 : f32
    %max3A_54 = vector.broadcast %max3A_53 : f32 to vector<2048x1xf32>
    %max3A_55 = arith.maximumf %broadcast_in_dim3A_52, %max3A_54 : vector<2048x1xf32>
    %rsqrt3A_56 = math.rsqrt %max3A_55 : vector<2048x1xf32>
    %mul3A_57 = vector.broadcast %rsqrt3A_56 : vector<2048x1xf32> to vector<2048x64xf32>
    %mul3A_58 = arith.mulf %get3A_48, %mul3A_57 : vector<2048x64xf32>
    %get3A_59 = arith.constant 0 : index
    %get3A_60 = arith.constant 0 : index
    %get3A_61 = vector.load %arg6[%get3A_59, %get3A_60] : memref<2048x64xf32, #tpu.memory_space<vmem>>, vector<2048x64xf32>
    %mul3A_62 = arith.mulf %get3A_61, %get3A_61 : vector<2048x64xf32>
    %reduce_sum3A_63 = arith.constant dense<0.000000e+00> : vector<2048xf32>
    %reduce_sum3A_64 = vector.multi_reduction <add>, %mul3A_62, %reduce_sum3A_63 [1] : vector<2048x64xf32> to vector<2048xf32>
    %broadcast_in_dim3A_65 = vector.shape_cast %reduce_sum3A_64 : vector<2048xf32> to vector<2048x1xf32>
    %max3A_66 = arith.constant 1.000000e-24 : f32
    %max3A_67 = vector.broadcast %max3A_66 : f32 to vector<2048x1xf32>
    %max3A_68 = arith.maximumf %broadcast_in_dim3A_65, %max3A_67 : vector<2048x1xf32>
    %rsqrt3A_69 = math.rsqrt %max3A_68 : vector<2048x1xf32>
    %mul3A_70 = vector.broadcast %rsqrt3A_69 : vector<2048x1xf32> to vector<2048x64xf32>
    %mul3A_71 = arith.mulf %get3A_61, %mul3A_70 : vector<2048x64xf32>
    %get3A_72 = arith.constant 0 : index
    %get3A_73 = arith.constant 0 : index
    %get3A_74 = vector.load %arg7[%get3A_72, %get3A_73] : memref<128x64xf32, #tpu.memory_space<vmem>>, vector<128x64xf32>
    %get3A_75 = arith.constant 0 : index
    %get3A_76 = arith.constant 0 : index
    %get3A_77 = vector.load %arg8[%get3A_75, %get3A_76] : memref<1x64xf32, #tpu.memory_space<vmem>>, vector<1x64xf32>
    %transpose3A = tpu.transpose %mul3A_6, [1, 0] : vector<2048x64xf32> -> vector<64x2048xf32>
    %swap3A = arith.constant 0 : index
    %swap3A_78 = arith.constant 0 : index
    %swap3A_79 = vector.load %arg9[%swap3A, %swap3A_78] : memref<64x2048xf32, #tpu.memory_space<vmem>>, vector<64x2048xf32>
    tpu.vector_store %arg9[%swap3A, %swap3A_78], %transpose3A {strides = array<i32>} : memref<64x2048xf32, #tpu.memory_space<vmem>>, vector<64x2048xf32>,
    %transpose3A_80 = tpu.transpose %mul3A_19, [1, 0] : vector<2048x64xf32> -> vector<64x2048xf32>
    %swap3A_81 = arith.constant 0 : index
    %swap3A_82 = arith.constant 0 : index
    %swap3A_83 = vector.load %arg11[%swap3A_81, %swap3A_82] : memref<64x2048xf32, #tpu.memory_space<vmem>>, vector<64x2048xf32>
    tpu.vector_store %arg11[%swap3A_81, %swap3A_82], %transpose3A_80 {strides = array<i32>} : memref<64x2048xf32, #tpu.memory_space<vmem>>, vector<64x2048xf32>,
    %transpose3A_84 = tpu.transpose %mul3A_32, [1, 0] : vector<2048x64xf32> -> vector<64x2048xf32>
    %swap3A_85 = arith.constant 0 : index
    %swap3A_86 = arith.constant 0 : index
    %swap3A_87 = vector.load %arg12[%swap3A_85, %swap3A_86] : memref<64x2048xf32, #tpu.memory_space<vmem>>, vector<64x2048xf32>
    tpu.vector_store %arg12[%swap3A_85, %swap3A_86], %transpose3A_84 {strides = array<i32>} : memref<64x2048xf32, #tpu.memory_space<vmem>>, vector<64x2048xf32>,
    %transpose3A_88 = tpu.transpose %mul3A_45, [1, 0] : vector<2048x64xf32> -> vector<64x2048xf32>
    %swap3A_89 = arith.constant 0 : index
    %swap3A_90 = arith.constant 0 : index
    %swap3A_91 = vector.load %arg14[%swap3A_89, %swap3A_90] : memref<64x2048xf32, #tpu.memory_space<vmem>>, vector<64x2048xf32>
    tpu.vector_store %arg14[%swap3A_89, %swap3A_90], %transpose3A_88 {strides = array<i32>} : memref<64x2048xf32, #tpu.memory_space<vmem>>, vector<64x2048xf32>,
    %concatenate3A = tpu.concatenate %mul3A_6, %mul3A_19 in 1 : vector<2048x64xf32>, vector<2048x64xf32> -> vector<2048x128xf32>
    %mul3A_92 = arith.mulf %concatenate3A, %concatenate3A : vector<2048x128xf32>
    %reduce_sum3A_93 = arith.constant dense<0.000000e+00> : vector<2048xf32>
    %reduce_sum3A_94 = vector.multi_reduction <add>, %mul3A_92, %reduce_sum3A_93 [1] : vector<2048x128xf32> to vector<2048xf32>
    %broadcast_in_dim3A_95 = vector.shape_cast %reduce_sum3A_94 : vector<2048xf32> to vector<2048x1xf32>
    %max3A_96 = arith.constant 1.000000e-24 : f32
    %max3A_97 = vector.broadcast %max3A_96 : f32 to vector<2048x1xf32>
    %max3A_98 = arith.maximumf %broadcast_in_dim3A_95, %max3A_97 : vector<2048x1xf32>
    %rsqrt3A_99 = math.rsqrt %max3A_98 : vector<2048x1xf32>
    %mul3A_100 = vector.broadcast %rsqrt3A_99 : vector<2048x1xf32> to vector<2048x128xf32>
    %mul3A_101 = arith.mulf %concatenate3A, %mul3A_100 : vector<2048x128xf32>
    %dot_general3A = arith.constant dense<0.000000e+00> : vector<2048x64xf32>
    %dot_general3A_102 = tpu.matmul %mul3A_101, %get3A_74, %dot_general3A {dimension_numbers = #tpu.dot_dimension_numbers<[1], [0], [0], [1], [0, 0, 1, 1], [], []>, transpose_lhs_hint = false} : vector<2048x128xf32>, vector<128x64xf32>, vector<2048x64xf32> -> vector<2048x64xf32>
    %add3A = vector.broadcast %get3A_77 : vector<1x64xf32> to vector<2048x64xf32>
    %add3A_103 = arith.addf %dot_general3A_102, %add3A : vector<2048x64xf32>
    %tanh3A = math.tanh %add3A_103 : vector<2048x64xf32>
    %mul3A_104 = arith.mulf %tanh3A, %tanh3A : vector<2048x64xf32>
    %reduce_sum3A_105 = arith.constant dense<0.000000e+00> : vector<2048xf32>
    %reduce_sum3A_106 = vector.multi_reduction <add>, %mul3A_104, %reduce_sum3A_105 [1] : vector<2048x64xf32> to vector<2048xf32>
    %broadcast_in_dim3A_107 = vector.shape_cast %reduce_sum3A_106 : vector<2048xf32> to vector<2048x1xf32>
    %max3A_108 = arith.constant 1.000000e-24 : f32
    %max3A_109 = vector.broadcast %max3A_108 : f32 to vector<2048x1xf32>
    %max3A_110 = arith.maximumf %broadcast_in_dim3A_107, %max3A_109 : vector<2048x1xf32>
    %rsqrt3A_111 = math.rsqrt %max3A_110 : vector<2048x1xf32>
    %mul3A_112 = vector.broadcast %rsqrt3A_111 : vector<2048x1xf32> to vector<2048x64xf32>
    %mul3A_113 = arith.mulf %tanh3A, %mul3A_112 : vector<2048x64xf32>
    %mul3A_114 = arith.mulf %mul3A_58, %mul3A_113 : vector<2048x64xf32>
    %reduce_sum3A_115 = arith.constant dense<0.000000e+00> : vector<2048xf32>
    %reduce_sum3A_116 = vector.multi_reduction <add>, %mul3A_114, %reduce_sum3A_115 [1] : vector<2048x64xf32> to vector<2048xf32>
    %broadcast_in_dim3A_117 = vector.shape_cast %reduce_sum3A_116 : vector<2048xf32> to vector<2048x1xf32>
    %mul3A_118 = vector.broadcast %broadcast_in_dim3A_117 : vector<2048x1xf32> to vector<2048x64xf32>
    %mul3A_119 = arith.mulf %mul3A_118, %mul3A_113 : vector<2048x64xf32>
    %sub3A = arith.subf %mul3A_58, %mul3A_119 : vector<2048x64xf32>
    %mul3A_120 = arith.mulf %sub3A, %sub3A : vector<2048x64xf32>
    %reduce_sum3A_121 = arith.constant dense<0.000000e+00> : vector<2048xf32>
    %reduce_sum3A_122 = vector.multi_reduction <add>, %mul3A_120, %reduce_sum3A_121 [1] : vector<2048x64xf32> to vector<2048xf32>
    %broadcast_in_dim3A_123 = vector.shape_cast %reduce_sum3A_122 : vector<2048xf32> to vector<2048x1xf32>
    %max3A_124 = arith.constant 1.000000e-24 : f32
    %max3A_125 = vector.broadcast %max3A_124 : f32 to vector<2048x1xf32>
    %max3A_126 = arith.maximumf %broadcast_in_dim3A_123, %max3A_125 : vector<2048x1xf32>
    %rsqrt3A_127 = math.rsqrt %max3A_126 : vector<2048x1xf32>
    %mul3A_128 = vector.broadcast %rsqrt3A_127 : vector<2048x1xf32> to vector<2048x64xf32>
    %mul3A_129 = arith.mulf %sub3A, %mul3A_128 : vector<2048x64xf32>
    %transpose3A_130 = tpu.transpose %mul3A_129, [1, 0] : vector<2048x64xf32> -> vector<64x2048xf32>
    %swap3A_131 = arith.constant 0 : index
    %swap3A_132 = arith.constant 0 : index
    %swap3A_133 = vector.load %arg10[%swap3A_131, %swap3A_132] : memref<64x2048xf32, #tpu.memory_space<vmem>>, vector<64x2048xf32>
    tpu.vector_store %arg10[%swap3A_131, %swap3A_132], %transpose3A_130 {strides = array<i32>} : memref<64x2048xf32, #tpu.memory_space<vmem>>, vector<64x2048xf32>,
    %concatenate3A_134 = tpu.concatenate %mul3A_32, %mul3A_45 in 1 : vector<2048x64xf32>, vector<2048x64xf32> -> vector<2048x128xf32>
    %mul3A_135 = arith.mulf %concatenate3A_134, %concatenate3A_134 : vector<2048x128xf32>
    %reduce_sum3A_136 = arith.constant dense<0.000000e+00> : vector<2048xf32>
    %reduce_sum3A_137 = vector.multi_reduction <add>, %mul3A_135, %reduce_sum3A_136 [1] : vector<2048x128xf32> to vector<2048xf32>
    %broadcast_in_dim3A_138 = vector.shape_cast %reduce_sum3A_137 : vector<2048xf32> to vector<2048x1xf32>
    %max3A_139 = arith.constant 1.000000e-24 : f32
    %max3A_140 = vector.broadcast %max3A_139 : f32 to vector<2048x1xf32>
    %max3A_141 = arith.maximumf %broadcast_in_dim3A_138, %max3A_140 : vector<2048x1xf32>
    %rsqrt3A_142 = math.rsqrt %max3A_141 : vector<2048x1xf32>
    %mul3A_143 = vector.broadcast %rsqrt3A_142 : vector<2048x1xf32> to vector<2048x128xf32>
    %mul3A_144 = arith.mulf %concatenate3A_134, %mul3A_143 : vector<2048x128xf32>
    %dot_general3A_145 = arith.constant dense<0.000000e+00> : vector<2048x64xf32>
    %dot_general3A_146 = tpu.matmul %mul3A_144, %get3A_74, %dot_general3A_145 {dimension_numbers = #tpu.dot_dimension_numbers<[1], [0], [0], [1], [0, 0, 1, 1], [], []>, transpose_lhs_hint = false} : vector<2048x128xf32>, vector<128x64xf32>, vector<2048x64xf32> -> vector<2048x64xf32>
    %add3A_147 = vector.broadcast %get3A_77 : vector<1x64xf32> to vector<2048x64xf32>
    %add3A_148 = arith.addf %dot_general3A_146, %add3A_147 : vector<2048x64xf32>
    %tanh3A_149 = math.tanh %add3A_148 : vector<2048x64xf32>
    %mul3A_150 = arith.mulf %tanh3A_149, %tanh3A_149 : vector<2048x64xf32>
    %reduce_sum3A_151 = arith.constant dense<0.000000e+00> : vector<2048xf32>
    %reduce_sum3A_152 = vector.multi_reduction <add>, %mul3A_150, %reduce_sum3A_151 [1] : vector<2048x64xf32> to vector<2048xf32>
    %broadcast_in_dim3A_153 = vector.shape_cast %reduce_sum3A_152 : vector<2048xf32> to vector<2048x1xf32>
    %max3A_154 = arith.constant 1.000000e-24 : f32
    %max3A_155 = vector.broadcast %max3A_154 : f32 to vector<2048x1xf32>
    %max3A_156 = arith.maximumf %broadcast_in_dim3A_153, %max3A_155 : vector<2048x1xf32>
    %rsqrt3A_157 = math.rsqrt %max3A_156 : vector<2048x1xf32>
    %mul3A_158 = vector.broadcast %rsqrt3A_157 : vector<2048x1xf32> to vector<2048x64xf32>
    %mul3A_159 = arith.mulf %tanh3A_149, %mul3A_158 : vector<2048x64xf32>
    %mul3A_160 = arith.mulf %mul3A_71, %mul3A_159 : vector<2048x64xf32>
    %reduce_sum3A_161 = arith.constant dense<0.000000e+00> : vector<2048xf32>
    %reduce_sum3A_162 = vector.multi_reduction <add>, %mul3A_160, %reduce_sum3A_161 [1] : vector<2048x64xf32> to vector<2048xf32>
    %broadcast_in_dim3A_163 = vector.shape_cast %reduce_sum3A_162 : vector<2048xf32> to vector<2048x1xf32>
    %mul3A_164 = vector.broadcast %broadcast_in_dim3A_163 : vector<2048x1xf32> to vector<2048x64xf32>
    %mul3A_165 = arith.mulf %mul3A_164, %mul3A_159 : vector<2048x64xf32>
    %sub3A_166 = arith.subf %mul3A_71, %mul3A_165 : vector<2048x64xf32>
    %mul3A_167 = arith.mulf %sub3A_166, %sub3A_166 : vector<2048x64xf32>
    %reduce_sum3A_168 = arith.constant dense<0.000000e+00> : vector<2048xf32>
    %reduce_sum3A_169 = vector.multi_reduction <add>, %mul3A_167, %reduce_sum3A_168 [1] : vector<2048x64xf32> to vector<2048xf32>
    %broadcast_in_dim3A_170 = vector.shape_cast %reduce_sum3A_169 : vector<2048xf32> to vector<2048x1xf32>
    %max3A_171 = arith.constant 1.000000e-24 : f32
    %max3A_172 = vector.broadcast %max3A_171 : f32 to vector<2048x1xf32>
    %max3A_173 = arith.maximumf %broadcast_in_dim3A_170, %max3A_172 : vector<2048x1xf32>
    %rsqrt3A_174 = math.rsqrt %max3A_173 : vector<2048x1xf32>
    %mul3A_175 = vector.broadcast %rsqrt3A_174 : vector<2048x1xf32> to vector<2048x64xf32>
    %mul3A_176 = arith.mulf %sub3A_166, %mul3A_175 : vector<2048x64xf32>
    %transpose3A_177 = tpu.transpose %mul3A_176, [1, 0] : vector<2048x64xf32> -> vector<64x2048xf32>
    %swap3A_178 = arith.constant 0 : index
    %swap3A_179 = arith.constant 0 : index
    %swap3A_180 = vector.load %arg13[%swap3A_178, %swap3A_179] : memref<64x2048xf32, #tpu.memory_space<vmem>>, vector<64x2048xf32>
    tpu.vector_store %arg13[%swap3A_178, %swap3A_179], %transpose3A_177 {strides = array<i32>} : memref<64x2048xf32, #tpu.memory_space<vmem>>, vector<64x2048xf32>,
    return
  }
  func.func @transform_0(%arg0: i32) -> (i32, i32) {
    %c0_i32 = arith.constant 0 : i32
    %c0_i32_0 = arith.constant 0 : i32
    return %arg0, %c0_i32 : i32, i32
  }
  func.func @transform_1(%arg0: i32) -> (i32, i32) {
    %c0_i32 = arith.constant 0 : i32
    %c0_i32_0 = arith.constant 0 : i32
    return %arg0, %c0_i32 : i32, i32
  }
  func.func @transform_2(%arg0: i32) -> (i32, i32) {
    %c0_i32 = arith.constant 0 : i32
    %c0_i32_0 = arith.constant 0 : i32
    return %arg0, %c0_i32 : i32, i32
  }
  func.func @transform_3(%arg0: i32) -> (i32, i32) {
    %c0_i32 = arith.constant 0 : i32
    %c0_i32_0 = arith.constant 0 : i32
    return %arg0, %c0_i32 : i32, i32
  }
  func.func @transform_4(%arg0: i32) -> (i32, i32) {
    %c0_i32 = arith.constant 0 : i32
    %c0_i32_0 = arith.constant 0 : i32
    return %arg0, %c0_i32 : i32, i32
  }
  func.func @transform_5(%arg0: i32) -> (i32, i32) {
    %c0_i32 = arith.constant 0 : i32
    %c0_i32_0 = arith.constant 0 : i32
    return %arg0, %c0_i32 : i32, i32
  }
  func.func @transform_6(%arg0: i32) -> (i32, i32) {
    %c0_i32 = arith.constant 0 : i32
    %c0_i32_0 = arith.constant 0 : i32
    %c0_i32_1 = arith.constant 0 : i32
    return %c0_i32, %c0_i32_0 : i32, i32
  }
  func.func @transform_7(%arg0: i32) -> (i32, i32) {
    %c0_i32 = arith.constant 0 : i32
    %c0_i32_0 = arith.constant 0 : i32
    %c0_i32_1 = arith.constant 0 : i32
    return %c0_i32, %c0_i32_0 : i32, i32
  }
  func.func @transform_8(%arg0: i32) -> (i32, i32) {
    %c0_i32 = arith.constant 0 : i32
    %c0_i32_0 = arith.constant 0 : i32
    return %c0_i32, %arg0 : i32, i32
  }
  func.func @transform_9(%arg0: i32) -> (i32, i32) {
    %c0_i32 = arith.constant 0 : i32
    %c0_i32_0 = arith.constant 0 : i32
    return %c0_i32, %arg0 : i32, i32
  }
  func.func @transform_10(%arg0: i32) -> (i32, i32) {
    %c0_i32 = arith.constant 0 : i32
    %c0_i32_0 = arith.constant 0 : i32
    return %c0_i32, %arg0 : i32, i32
  }
  func.func @transform_11(%arg0: i32) -> (i32, i32) {
    %c0_i32 = arith.constant 0 : i32
    %c0_i32_0 = arith.constant 0 : i32
    return %c0_i32, %arg0 : i32, i32
  }
  func.func @transform_12(%arg0: i32) -> (i32, i32) {
    %c0_i32 = arith.constant 0 : i32
    %c0_i32_0 = arith.constant 0 : i32
    return %c0_i32, %arg0 : i32, i32
  }
  func.func @transform_13(%arg0: i32) -> (i32, i32) {
    %c0_i32 = arith.constant 0 : i32
    %c0_i32_0 = arith.constant 0 : i32
    return %c0_i32, %arg0 : i32, i32
  }
}

</mosaic_0001>

<sc_bundles>
// kernel: kernel.4.cloned.1.call-start
scs
__scs_entry_jumppad:
0x0: {  	(pc) =	sbr.rel $0x88, $3  }
0x1: {  	(tag) =	ssettag $0x0;
	lr =	simm.s32 $0x1  }
0x2: {  	[smem:$0x3F97] =	sst lr;
	_ =	strace $0xD0000000  }
0x3: {  	_ = 	snop  }
0x4: {  	_ = 	snop  }
0x5: {  	_ = 	snop  }
0x6: {  	_ = 	snop  }
0x7: {  	_ = 	snop  }
__scs_overlays_trampoline_lowered:
0x8: {  	[smem:$0x3FA6] =	sst s0  }
0x9: {  	[smem:$0x3FA7] =	sst s1  }
0xa: {  	[smem:$0x3FA8] =	sst s2  }
0xb: {  	[smem:$0x3FA9] =	sst s3  }
0xc: {  	[smem:$0x3FAA] =	sst s4  }
0xd: {  	[smem:$0x3FAB] =	sst s5  }
0xe: {  	[smem:$0x3FAC] =	sst s6  }
0xf: {  	[smem:$0x3FAD] =	sst s7  }
0x10: {  	[smem:$0x3FAE] =	sst s8  }
0x11: {  	[smem:$0x3FAF] =	sst s9;
	s0 =	simm.s32 @!p0 $0x0  }
0x12: {  	s1 =	sld [smem:$0x3F95];
	s0 =	simm.s32 @p0 $0x1  }
0x13: {  	[smem:$0x3FB0] =	sst s0;
	s0 =	simm.s32 @!p1 $0x0  }
0x14: {  	s2 =	sld [smem:$0x3F94];
	s0 =	simm.s32 @p1 $0x1  }
0x15: {  	[smem:$0x3FB1] =	sst s0;
	s0 =	simm.s32 @!p2 $0x0  }
0x16: {  	s3 =	sld [smem:$0x3FDB];
	s0 =	simm.s32 @p2 $0x1  }
0x17: {  	s4 =	simm.s32 $0x1BF5;
	[smem:$0x3FB3] =	sst s0  }
0x18: {  	s0 =	sld [smem:$0x3F96];
	_ =	swait.ge [sflag:s4], $0x0  }
0x19: {  	s7 =	sld [smem:$0x3F97]  }
0x1a: {  	s8 =	sadd.s32 $0xFFFFE003, lr  }
0x1b: {  	s9 =	sadd.s32 $0xFFFFFEF7, lr;
	s5 =	simm.s32 $0xFFFFFFFF;
	p2 =	slt.u32 s8, $0xFFFFF086  }
0x1c: {  	p1 =	slt.u32 s9, $0xF7A;
	s5 =	simm.s32 @!p2 $0x0  }
0x1d: {  	s5 =	simm.s32 @p1 $0x1;
	p0 =	seq.s32 s7, s2  }
0x1e: {  	s7 =	smul.u32 @!p0 $0xF7A, s2;
	p2 =	seq.s32 @!p0 s5, $0x0  }
0x1f: {  	s9 =	smul.u32 $0xF7A, s1;
	s8 =	simm.s32 @!p0 $0x1BF5;
	p2 =	por !p2, p0  }
0x20: {  	[sflag:s8] =	ssyncset.s32 @!p0 $0xFFFFF086;
	s6 =	sadd.s32 @!p0 s3, s7;
	s7 =	simm.s32 @!p0 $0x108  }
0x21: {  	s3 =	sadd.s32 s3, s9;
	s6 =	sadd.s32 @!p0 $0x88, s6;
	s7 =	simm.s32 @p2 $0x1082  }
0x22: {  	[simem:s7], [sflag:s8] =	dma.local @!p0 [hbm:s6], $0xF7A  }
0x23: {  	s9 =	sor.u32 $0xD0000000, s2;
	s6 =	simm.s32 $0x108;
	_ =	swait.ge @!p0 [sflag:s8], $0x0  }
0x24: {  	s3 =	sadd.s32 $0x88, s3;
	s6 =	simm.s32 @!p1 $0x1082;
	[sflag:s4] =	ssyncset.s32 $0xFFFFF086  }
0x25: {  	[simem:s6], [sflag:s4] =	dma.local [hbm:s3], $0xF7A  }
0x26: {  	[smem:$0x3F97] =	sst s1;
	(tag) =	ssettag s2;
	_ =	strace s9  }
0x27: {  	s1 =	sld [smem:$0x3FA7]  }
0x28: {  	s2 =	sld [smem:$0x3FA8]  }
0x29: {  	s4 =	sld [smem:$0x3FAA]  }
0x2a: {  	p0 =	seq.s32 s5, $0x0;
	s5 =	sld [smem:$0x3FAB]  }
0x2b: {  	s6 =	sld [smem:$0x3FAC]  }
0x2c: {  	s7 =	sld [smem:$0x3FAD]  }
0x2d: {  	s3 =	simm.s32 $0x108;
	s8 =	sld [smem:$0x3FAE]  }
0x2e: {  	s3 =	simm.s32 @!p0 $0x1082;
	s9 =	sld [smem:$0x3FAF]  }
0x2f: {  	lr =	sadd.s32 s0, s3;
	s0 =	sld [smem:$0x3FA6]  }
0x30: {  	s3 =	sld [smem:$0x3FA9]  }
0x31: {  	[smem:$0x3FB2] =	sst s10  }
0x32: {  	s10 =	sld [smem:$0x3FB0];
	_ =	sdelay $0x3  }
0x33: {  	p0 =	seq.s32 s10, $0x1;
	s10 =	sld [smem:$0x3FB2];
	_ =	sdelay $0x3  }
0x34: {  	[smem:$0x3FB2] =	sst s10  }
0x35: {  	s10 =	sld [smem:$0x3FB1];
	_ =	sdelay $0x3  }
0x36: {  	p1 =	seq.s32 s10, $0x1;
	s10 =	sld [smem:$0x3FB2];
	_ =	sdelay $0x3  }
0x37: {  	[smem:$0x3FB2] =	sst s10  }
0x38: {  	s10 =	sld [smem:$0x3FB3]  }
0x39: {  	_ = 	snop;
	(pc) =	sbr.ind lr, $3  }
0x3a: {  	_ = 	snop  }
0x3b: {  	_ = 	snop  }
0x3c: {  	p2 =	seq.s32 s10, $0x1;
	s10 =	sld [smem:$0x3FB2]  }
0x3d: {  	_ =	shalt  }
0x3e: {  	_ =	shalt  }
0x3f: {  	_ =	shalt  }
0x40: {  	_ =	shalt  }
0x41: {  	_ =	shalt  }
0x42: {  	_ =	shalt  }
0x43: {  	_ =	shalt  }
0x44: {  	_ =	shalt  }
0x45: {  	_ =	shalt  }
0x46: {  	_ =	shalt  }
0x47: {  	_ =	shalt  }
0x48: {  	_ =	shalt  }
0x49: {  	_ =	shalt  }
0x4a: {  	_ =	shalt  }
0x4b: {  	_ =	shalt  }
0x4c: {  	_ =	shalt  }
0x4d: {  	_ =	shalt  }
0x4e: {  	_ =	shalt  }
0x4f: {  	_ =	shalt  }
0x50: {  	_ =	shalt  }
0x51: {  	_ =	shalt  }
0x52: {  	_ =	shalt  }
0x53: {  	_ =	shalt  }
0x54: {  	_ =	shalt  }
0x55: {  	_ =	shalt  }
0x56: {  	_ =	shalt  }
0x57: {  	_ =	shalt  }
0x58: {  	_ =	shalt  }
0x59: {  	_ =	shalt  }
0x5a: {  	_ =	shalt  }
0x5b: {  	_ =	shalt  }
0x5c: {  	_ =	shalt  }
0x5d: {  	_ =	shalt  }
0x5e: {  	_ =	shalt  }
0x5f: {  	_ =	shalt  }
0x60: {  	_ =	shalt  }
0x61: {  	_ =	shalt  }
0x62: {  	_ =	shalt  }
0x63: {  	_ =	shalt  }
0x64: {  	_ =	shalt  }
0x65: {  	_ =	shalt  }
0x66: {  	_ =	shalt  }
0x67: {  	_ =	shalt  }
0x68: {  	_ =	shalt  }
0x69: {  	_ =	shalt  }
0x6a: {  	_ =	shalt  }
0x6b: {  	_ =	shalt  }
0x6c: {  	_ =	shalt  }
0x6d: {  	_ =	shalt  }
0x6e: {  	_ =	shalt  }
0x6f: {  	_ =	shalt  }
0x70: {  	_ =	shalt  }
0x71: {  	_ =	shalt  }
0x72: {  	_ =	shalt  }
0x73: {  	_ =	shalt  }
0x74: {  	_ =	shalt  }
0x75: {  	_ =	shalt  }
0x76: {  	_ =	shalt  }
0x77: {  	_ =	shalt  }
0x78: {  	_ =	shalt  }
0x79: {  	_ =	shalt  }
0x7a: {  	_ =	shalt  }
0x7b: {  	_ =	shalt  }
0x7c: {  	_ =	shalt  }
0x7d: {  	_ =	shalt  }
0x7e: {  	_ =	shalt  }
0x7f: {  	_ =	shalt  }
0x80: {  	_ =	shalt  }
0x81: {  	_ =	shalt  }
0x82: {  	_ =	shalt  }
0x83: {  	_ =	shalt  }
0x84: {  	_ =	shalt  }
0x85: {  	_ =	shalt  }
0x86: {  	_ =	shalt  }
0x87: {  	_ =	shalt  }
.Lfunc_end0:
.L_simem_size_0:
called_computation_lowered:
.L_overlay_start_0:
0x88: {  	s2 =	sld [smem:$0x3FD9]  }
0x89: {  	s3 =	sld [smem:$0x3FFE];
	_ =	sdelay $0x1  }
0x8a: {  	s1 =	srdreg.scid  }
0x8b: {  	s0 =	sand.u32 $0x1, s1  }
0x8c: {  	s14 =	sshll.u32 s0, $0xA;
	s2 =	sadd.s32 s3, s2  }
0x8d: {  	s2 =	sadd.s32 s2, s14  }
0x8e: {  	[smem:$0x3FBE] =	sst s2  }
0x8f: {  	_ = 	snop  }
0x90: {  	s15 =	sld [smem:$0x3FC5]  }
0x91: {  	s2 =	sld [smem:$0x3FC4]  }
0x92: {  	s4 =	sld [smem:$0x3FC3]  }
0x93: {  	s5 =	sld [smem:$0x3FD0]  }
0x94: {  	s6 =	sld [smem:$0x3FC2]  }
0x95: {  	s7 =	sld [smem:$0x3FC1]  }
0x96: {  	s9 =	simm.s32 $0xA;
	s10 =	simm.s32 $0x10;
	s8 =	sld [smem:$0x3FC0]  }
0x97: {  	[smem:s10], [sflag:s9] =	dma.local [hbm:s5], $0x1  }
0x98: {  	_ =	swait.eq [sflag:s9], $0x1  }
0x99: {  	[sflag:s9] =	ssyncset.done $0x0  }
0x9a: {  	[sflag:s9] =	ssyncadd.s32 $0xFFFFFFFF  }
0x9b: {  	s16 =	sld [smem:$0x15];
	(tm) =	ssettm $0x1  }
0x9c: {  	s17 =	sld [smem:$0x3FFB];
	_ =	sdelay $0x3  }
0x9d: {  	_ =	strace s17  }
0x9e: {  	s9 =	sld [smem:$0x3FFC];
	_ =	sdelay $0x3  }
0x9f: {  	_ =	strace s9  }
0xa0: {  	s9 =	sld [smem:$0x3FFD];
	_ =	sdelay $0x3  }
0xa1: {  	_ =	strace s9  }
0xa2: {  	_ =	strace $0x8FFFFFFF  }
0xa3: {  	s18 =	sld [smem:$0x3FDB];
	_ =	sdelay $0x1  }
0xa4: {  	s19 =	simm.s32 $_scs_section_size  }
0xa5: {  	s11 =	simm.s32 $_size__tile_overlayer_lowered;
	s12 =	simm.s32 $_tile_overlayer_lowered  }
0xa6: {  	s22 =	simm.s32 $0x1BFF;
	s21 =	sshll.u32 s12, $0x1;
	s9 =	sadd.s32 s19, s18  }
0xa7: {  	s13 =	simm.s32 $0x0;
	s20 =	sshll.u32 s11, $0x1;
	s11 =	sadd.s32 s21, s9  }
0xa8: {  	[timem:s13], [sflag:s22] =	dma.local [hbm:s11], s20  }
0xa9: {  	_ =	swait.ge [sflag:s22], s20  }
0xaa: {  	s10 =	ssub.s32 $0x0, s20;
	[sflag:s22] =	ssyncset.done $0x0  }
0xab: {  	[sflag:s22] =	ssyncadd.s32 s10;
	_ =	sdelay $0x1  }
0xac: {  	s23 =	simm.s32 $0x1B8B  }
0xad: {  	_ =	swait.ge [sflag:s23], $0x1  }
0xae: {  	[sflag:s23] =	ssyncset.done $0x0  }
0xaf: {  	s25 =	simm.s32 $0x1B8E;
	s24 =	sld [smem:$0x3FFE];
	[sflag:s23] =	ssyncadd.s32 $0xFFFFFFFF  }
0xb0: {  	s26 =	simm.s32 $execute0_lowered;
	[smem:$0x3FD2] =	sst s25  }
0xb1: {  	s11 =	sshll.u32 s26, $0x1;
	_ =	strace $0x80000046;
	[dreg:$0x1] =	wrdreg $0xFFFFFFFF  }
0xb2: {  	s28 =	simm.s32 $_size_execute0_lowered;
	s9 =	sadd.s32 s9, s11;
	[dreg:$0x0] =	wrdreg $0x0  }
0xb3: {  	s11 =	sshll.u32 s28, $0x1;
	[dreg:$0x2] =	wrdreg s9  }
0xb4: {  	[dreg:$0x3] =	wrdreg s11  }
0xb5: {  	[dreg:$0x4] =	wrdreg $0xC0  }
0xb6: {  	_ =	task [dreg:s13], $0x5FFFF  }
0xb7: {  	[dreg:$0x1] =	wrdreg $0xFFFFFFFF  }
0xb8: {  	[dreg:$0x0] =	wrdreg $0x60  }
0xb9: {  	[dreg:$0x2] =	wrdreg s24  }
0xba: {  	[dreg:$0x3] =	wrdreg s16  }
0xbb: {  	[dreg:$0x4] =	wrdreg s15  }
0xbc: {  	[dreg:$0x5] =	wrdreg s4  }
0xbd: {  	[dreg:$0x6] =	wrdreg s6  }
0xbe: {  	[dreg:$0x7] =	wrdreg s8  }
0xbf: {  	[dreg:$0x8] =	wrdreg s2  }
0xc0: {  	[dreg:$0x9] =	wrdreg s7  }
0xc1: {  	[dreg:$0xa] =	wrdreg $0x9  }
0xc2: {  	_ =	task.clear_ibuf [dreg:s13], $0xBFFFF;
	_ =	strace $0x90000046  }
0xc3: {  	s29 =	simm.s32 $0x9;
	_ =	strace $0x80000048  }
0xc4: {  	_ =	swait.ge [sflag:s29], $0x1  }
0xc5: {  	[sflag:s29] =	ssyncadd.s32 $0xFFFFFFFF  }
0xc6: {  	_ =	strace $0x90000048  }
0xc7: {  	_ =	sfence  }
0xc8: {  	s30 =	sld [smem:$0x0];
	_ =	sdelay $0x2  }
0xc9: {  	s31 =	sshll.u32 s1, $0xD;
	s1 =	sshrl.u32 s1, $0x2  }
0xca: {  	s3 =	sand.u32 $0x4000, s31;
	s1 =	sadd.s32 s1, s30  }
0xcb: {  	s0 =	sor.u32 s3, s0;
	s1 =	sshll.u32 s1, $0x11  }
0xcc: {  	s0 =	sor.u32 s1, s0  }
0xcd: {  	s0 =	sadd.s32 $0x8F2B, s0  }
0xce: {  	[sflag:s0] =	ssyncadd.remote.s32 $0x1  }
0xcf: {  	_ =	sfence.sel $0xFFFF  }
0xd0: {  	[dreg:$0x0] =	wrdreg $0xFFFFFFFF;
	(pc) =	sbr.abs _section_cstart, $3  }
0xd1: {  	[dreg:$0x1] =	wrdreg $0xFFFFFFFF  }
0xd2: {  	_ =	task.clear_ibuf [dreg:s13], $0x2FFFF;
	_ =	strace $0x9FFFFFFF  }
0xd3: {  	(tm) =	ssettm $0x7FFFFFFF  }
tec
execute0_lowered:
.L_overlay_start_1:
0x0: {  	(tag) =	ssettag $0x1  }
0x1: {  	s1 =	rddreg [dreg:$0x0]  }
0x2: {  	s0 =	rddreg [dreg:$0x1]  }
0x3: {  	s4 =	rddreg [dreg:$0x2]  }
0x4: {  	s5 =	rddreg [dreg:$0x3]  }
0x5: {  	s6 =	rddreg [dreg:$0x4];
	s13 =	srdreg.scid  }
0x6: {  	s7 =	rddreg [dreg:$0x5];
	s15 =	stileid.u32;
	s13 =	sand.u32 $0x1, s13  }
0x7: {  	s8 =	rddreg [dreg:$0x6];
	s15 =	sshll.u32 s15, $0xA;
	s16 =	sshll.u32 s13, $0x9  }
0x8: {  	s9 =	rddreg [dreg:$0x7];
	s2 =	simm.s32 $0x0;
	s15 =	sor.u32 s16, s15  }
0x9: {  	[smem:$0x7FF] =	sst s2;
	s3 =	sadd.s32 $0x1400, s1;
	s19 =	sshrl.u32 s15, $0x3  }
0xa: {  	s10 =	sadd.s32 $0xF43800, s1;
	s21 =	sshll.u32 s15, $0x4;
	s4 =	sadd.s32 s4, s19  }
0xb: {  	_ =	strace $0x80000047;
	s15 =	sadd.s32 s10, s21;
	[dreg:$0x9] =	wrdreg s4  }
0xc: {  	s11 =	sadd.s32 $0xF83800, s1;
	s5 =	sadd.s32 s5, s19;
	[dreg:$0xa] =	wrdreg s15  }
0xd: {  	s12 =	sadd.s32 $0xFC3800, s1;
	s31 =	sadd.s32 s11, s21;
	[dreg:$0xb] =	wrdreg s5  }
0xe: {  	s14 =	sadd.s32 $0x1003800, s1;
	s16 =	sadd.s32 s7, s19;
	[dreg:$0xd] =	wrdreg s31  }
0xf: {  	s20 =	sadd.s32 $0x1043800, s1;
	s18 =	sadd.s32 s14, s21;
	[dreg:$0x11] =	wrdreg s16  }
0x10: {  	s13 =	ssub.s32 $0x2, s13;
	s22 =	sadd.s32 s8, s19;
	[dreg:$0x13] =	wrdreg s18  }
0x11: {  	s25 =	sshrl.u32 s13, $0x1;
	s24 =	sadd.s32 s20, s21;
	[dreg:$0x14] =	wrdreg s22  }
0x12: {  	s13 =	ssub.s32 s13, s25;
	s25 =	sadd.s32 s9, s19;
	[dreg:$0x16] =	wrdreg s24  }
0x13: {  	s1 =	sadd.s32 $0x1083800, s1;
	s15 =	sadd.s32 s12, s21;
	[dreg:$0x17] =	wrdreg s25  }
0x14: {  	s4 =	sor.u32 $0x1000, s21;
	s31 =	sadd.s32 s1, s21;
	[dreg:$0x10] =	wrdreg s15  }
0x15: {  	s26 =	sadd.s32 s10, s4;
	[dreg:$0x19] =	wrdreg s31  }
0x16: {  	s10 =	sadd.s32 s6, s19;
	[dreg:$0xc] =	wrdreg s26  }
0x17: {  	s28 =	simm.s32 $0x2;
	s11 =	sadd.s32 s11, s4;
	[dreg:$0xe] =	wrdreg s10  }
0x18: {  	s29 =	simm.s32 $0x8200;
	s17 =	sadd.s32 s12, s4;
	[dreg:$0xf] =	wrdreg s11  }
0x19: {  	s30 =	simm.s32 $0x0;
	s23 =	sadd.s32 s14, s4;
	[dreg:$0x12] =	wrdreg s17  }
0x1a: {  	s24 =	simm.s32 $0x3;
	s1 =	sadd.s32 s1, s4;
	[dreg:$0x15] =	wrdreg s23  }
0x1b: {  	s25 =	simm.s32 $0x1;
	s26 =	sadd.s32 s20, s4;
	[dreg:$0x1a] =	wrdreg s1  }
0x1c: {  	s23 =	smax.u32 s13, $0x1;
	[dreg:$0x18] =	wrdreg s26;
	s26 =	simm.s32 $0x200  }
.LBB2_1:
0x1d: {  	s1 =	rddreg [dreg:$0x9]  }
0x1e: {  	[tilespmem:s2], [sflag:$0x3] =	stream.linear.gather [hbm4b:s1+s2], $0x200, $0x38;
	[tilespmem:$0x10200] =	vst v63  }
0x1f: {  	_ =	swait.ge [sflag:s24], $0x200  }
0x20: {  	[sflag:s24] =	ssyncset.done $0x0  }
0x21: {  	[sflag:s24] =	ssyncadd.s32 $0xFFFFFE00  }
0x22: {  	v0 =	vld [tilespmem:s2+$0x0];
	_ =	sdelay $0x4  }
0x23: {  	v0 =	vshll.u32 v0, $0x4  }
0x24: {  	(v2sf) =	vpush v0, $0x0  }
0x25: {  	(v2sf) =	vpush v0, $0x1  }
0x26: {  	(v2sf) =	vpush v0, $0x2;
	_ =	sdelay $0x1  }
0x27: {  	(v2sf) =	vpush v0, $0x4;
	_ =	sdelay $0x1  }
0x28: {  	(v2sf) =	vpush v0, $0x3  }
0x29: {  	(v2sf) =	vpush v0, $0x5  }
0x2a: {  	s4 =	simm.s32 $0x2000;
	s5 =	simm.s32 $0x0;
	s1 =	simm.s32 $0x0;
	(v2sf) =	vpush v0, $0x6  }
.LBB2_2:
0x2b: {  	p0 =	sne.s32 s4, $0x1E000  }
0x2c: {  	s15 =	sadd.s32 $0x280, s1;
	s9 =	sadd.s32 $0x780, s1;
	s6 =	smov.u32 s4  }
0x2d: {  	s4 =	sadd.s32 $0x2000, s4;
	s12 =	sadd.s32 $0x580, s1;
	s7 =	sadd.s32 $0x800, s1;
	(v2sf) =	vpush v0, $0x7  }
0x2e: {  	s14 =	sadd.s32 $0x480, s1;
	s10 =	sadd.s32 $0x600, s1;
	s8 =	sadd.s32 $0x880, s1  }
0x2f: {  	s16 =	sadd.s32 $0x200, s1;
	s17 =	sadd.s32 $0x400, s1;
	(v2sf) =	vpush v0, $0x8  }
0x30: {  	s31 =	simm.s32 $0x0;
	s18 =	sadd.s32 $0x500, s1;
	s5 =	sadd.s32 $0x10, s5  }
0x31: {  	s19 =	sadd.s32 $0x300, s1;
	s11 =	sadd.s32 $0x700, s1;
	s13 =	spop (v2sf);
	(v2sf) =	vpush v0, $0x9  }
0x32: {  	s20 =	sand.u32 $0x1FFFFFF0, s13;
	s13 =	sadd.s32 $0x680, s1;
	s21 =	spop (v2sf)  }
0x33: {  	s20 =	sadd.s32 s3, s20;
	s21 =	sand.u32 $0x1FFFFFF0, s21;
	s22 =	spop (v2sf);
	(v2sf) =	vpush v0, $0xA  }
0x34: {  	[tilespmem:s16], [sflag:$0x1] =	stream.linear.gather [hbm4b:s20+s31], $0x80, $0x38;
	[tilespmem:$0x10200] =	vst v63  }
0x35: {  	s16 =	sadd.s32 s3, s21;
	s20 =	sadd.s32 $0x380, s1;
	s21 =	spop (v2sf);
	(v2sf) =	vpush v0, $0xB  }
0x36: {  	[tilespmem:s15], [sflag:$0x1] =	stream.linear.gather [hbm4b:s16+s31], $0x80, $0x38;
	[tilespmem:$0x10200] =	vst v63  }
0x37: {  	s15 =	sand.u32 $0x1FFFFFF0, s22;
	s16 =	sand.u32 $0x1FFFFFF0, s21;
	s21 =	spop (v2sf);
	(v2sf) =	vpush v0, $0xC  }
0x38: {  	s15 =	sadd.s32 s3, s15;
	s21 =	sand.u32 $0x1FFFFFF0, s21;
	s22 =	spop (v2sf)  }
0x39: {  	[tilespmem:s19], [sflag:$0x1] =	stream.linear.gather [hbm4b:s15+s31], $0x80, $0x38;
	(v2sf) =	vpush v0, $0xD;
	[tilespmem:$0x10200] =	vst v63  }
0x3a: {  	s15 =	sadd.s32 s3, s21;
	s19 =	sand.u32 $0x1FFFFFF0, s22;
	s21 =	spop (v2sf)  }
0x3b: {  	[tilespmem:s20], [sflag:$0x1] =	stream.linear.gather [hbm4b:s15+s31], $0x80, $0x38;
	(v2sf) =	vpush v0, $0xE;
	[tilespmem:$0x10200] =	vst v63  }
0x3c: {  	s15 =	sadd.s32 s3, s16;
	s16 =	sand.u32 $0x1FFFFFF0, s21;
	s20 =	spop (v2sf)  }
0x3d: {  	[tilespmem:s17], [sflag:$0x1] =	stream.linear.gather [hbm4b:s15+s31], $0x80, $0x38;
	(v2sf) =	vpush v0, $0xF;
	[tilespmem:$0x10200] =	vst v63  }
0x3e: {  	s15 =	sadd.s32 s3, s19;
	s17 =	sand.u32 $0x1FFFFFF0, s20;
	s19 =	spop (v2sf)  }
0x3f: {  	[tilespmem:s14], [sflag:$0x1] =	stream.linear.gather [hbm4b:s15+s31], $0x80, $0x38;
	[tilespmem:$0x10200] =	vst v63  }
0x40: {  	s14 =	sadd.s32 s3, s16;
	s15 =	sand.u32 $0x1FFFFFF0, s19;
	s16 =	spop (v2sf)  }
0x41: {  	[tilespmem:s18], [sflag:$0x1] =	stream.linear.gather [hbm4b:s14+s31], $0x80, $0x38;
	[tilespmem:$0x10200] =	vst v63  }
0x42: {  	s14 =	sadd.s32 s3, s17;
	s16 =	sand.u32 $0x1FFFFFF0, s16;
	s17 =	spop (v2sf)  }
0x43: {  	[tilespmem:s12], [sflag:$0x1] =	stream.linear.gather [hbm4b:s14+s31], $0x80, $0x38;
	[tilespmem:$0x10200] =	vst v63  }
0x44: {  	s12 =	sadd.s32 s3, s15;
	s14 =	sand.u32 $0x1FFFFFF0, s17;
	s15 =	spop (v2sf)  }
0x45: {  	[tilespmem:s10], [sflag:$0x1] =	stream.linear.gather [hbm4b:s12+s31], $0x80, $0x38;
	[tilespmem:$0x10200] =	vst v63  }
0x46: {  	s10 =	sadd.s32 s3, s16;
	s12 =	sand.u32 $0x1FFFFFF0, s15;
	s15 =	spop (v2sf)  }
0x47: {  	[tilespmem:s13], [sflag:$0x1] =	stream.linear.gather [hbm4b:s10+s31], $0x80, $0x38;
	[tilespmem:$0x10200] =	vst v63  }
0x48: {  	s10 =	sadd.s32 s3, s14;
	s13 =	sand.u32 $0x1FFFFFF0, s15;
	s14 =	spop (v2sf)  }
0x49: {  	[tilespmem:s11], [sflag:$0x1] =	stream.linear.gather [hbm4b:s10+s31], $0x80, $0x38;
	[tilespmem:$0x10200] =	vst v63  }
0x4a: {  	s10 =	sadd.s32 s3, s12;
	s11 =	sand.u32 $0x1FFFFFF0, s14;
	s12 =	spop (v2sf)  }
0x4b: {  	[tilespmem:s9], [sflag:$0x1] =	stream.linear.gather [hbm4b:s10+s31], $0x80, $0x38;
	[tilespmem:$0x10200] =	vst v63  }
0x4c: {  	s9 =	sadd.s32 s3, s13;
	s10 =	sand.u32 $0x1FFFFFF0, s12;
	s12 =	spop (v2sf)  }
0x4d: {  	[tilespmem:s7], [sflag:$0x1] =	stream.linear.gather [hbm4b:s9+s31], $0x80, $0x38;
	[tilespmem:$0x10200] =	vst v63  }
0x4e: {  	s7 =	sadd.s32 s3, s11;
	s9 =	sand.u32 $0x1FFFFFF0, s12  }
0x4f: {  	[tilespmem:s8], [sflag:$0x1] =	stream.linear.gather [hbm4b:s7+s31], $0x80, $0x38;
	[tilespmem:$0x10200] =	vst v63  }
0x50: {  	s7 =	sadd.s32 $0x900, s1;
	s8 =	sadd.s32 s3, s10  }
0x51: {  	[tilespmem:s7], [sflag:$0x1] =	stream.linear.gather [hbm4b:s8+s31], $0x80, $0x38;
	[tilespmem:$0x10200] =	vst v63  }
0x52: {  	s1 =	sadd.s32 $0x980, s1;
	s7 =	sadd.s32 s3, s9  }
0x53: {  	[tilespmem:s1], [sflag:$0x1] =	stream.linear.gather [hbm4b:s7+s31], $0x80, $0x38;
	[tilespmem:$0x10200] =	vst v63  }
0x54: {  	v0 =	vld [tilespmem:s5+$0x0];
	_ =	sdelay $0x4  }
0x55: {  	v0 =	vshll.u32 v0, $0x4  }
0x56: {  	(v2sf) =	vpush v0, $0x0  }
0x57: {  	(v2sf) =	vpush v0, $0x1  }
0x58: {  	(v2sf) =	vpush v0, $0x2;
	_ =	sdelay $0x1  }
0x59: {  	(v2sf) =	vpush v0, $0x4  }
.Ltmp0:
0x5a: {  	(pc) =	sbr.rel @p0 .LBB2_2-.Ltmp0, $3  }
0x5b: {  	(v2sf) =	vpush v0, $0x3  }
0x5c: {  	(v2sf) =	vpush v0, $0x5;
	_ =	sdelay $0x1  }
0x5d: {  	s1 =	sshra.s32 s6, $0x2;
	(v2sf) =	vpush v0, $0x6  }
0x5e: {  	_ =	sdelay $0x1  }
0x5f: {  	s7 =	sadd.s32 $0x280, s1;
	s6 =	sadd.s32 $0x780, s1  }
0x60: {  	s8 =	sadd.s32 $0x580, s1;
	s4 =	sadd.s32 $0x800, s1;
	(v2sf) =	vpush v0, $0x7;
	s9 =	sadd.s32 $0x480, s1  }
0x61: {  	s10 =	sadd.s32 $0x600, s1;
	s5 =	sadd.s32 $0x880, s1;
	s11 =	sadd.s32 $0x200, s1  }
0x62: {  	s12 =	sadd.s32 $0x400, s1;
	s13 =	sadd.s32 $0x500, s1;
	(v2sf) =	vpush v0, $0x8;
	s14 =	spop (v2sf)  }
0x63: {  	s15 =	sadd.s32 $0x300, s1;
	s14 =	sand.u32 $0x1FFFFFF0, s14;
	s16 =	spop (v2sf)  }
0x64: {  	(v2sf) =	vpush v0, $0x9;
	s14 =	sadd.s32 s3, s14;
	s16 =	sand.u32 $0x1FFFFFF0, s16;
	s17 =	spop (v2sf)  }
0x65: {  	[tilespmem:s11], [sflag:$0x1] =	stream.linear.gather [hbm4b:s14+s31], $0x80, $0x38;
	[tilespmem:$0x10200] =	vst v63  }
0x66: {  	s18 =	sadd.s32 $0x380, s1;
	(v2sf) =	vpush v0, $0xA;
	s21 =	sadd.s32 s3, s16;
	s22 =	spop (v2sf)  }
0x67: {  	[tilespmem:s7], [sflag:$0x1] =	stream.linear.gather [hbm4b:s21+s31], $0x80, $0x38;
	[tilespmem:$0x10200] =	vst v63  }
0x68: {  	s11 =	sadd.s32 $0x700, s1;
	s19 =	sand.u32 $0x1FFFFFF0, s17;
	(v2sf) =	vpush v0, $0xB;
	s20 =	spop (v2sf)  }
0x69: {  	s14 =	sadd.s32 s3, s19;
	s7 =	sadd.s32 $0x680, s1;
	s17 =	sand.u32 $0x1FFFFFF0, s20  }
0x6a: {  	(v2sf) =	vpush v0, $0xC;
	[tilespmem:s15], [sflag:$0x1] =	stream.linear.gather [hbm4b:s14+s31], $0x80, $0x38;
	[tilespmem:$0x10200] =	vst v63  }
0x6b: {  	s21 =	sand.u32 $0x1FFFFFF0, s22;
	s22 =	spop (v2sf);
	s19 =	sadd.s32 s3, s17  }
0x6c: {  	(v2sf) =	vpush v0, $0xD;
	[tilespmem:s18], [sflag:$0x1] =	stream.linear.gather [hbm4b:s19+s31], $0x80, $0x38;
	[tilespmem:$0x10200] =	vst v63  }
0x6d: {  	s14 =	sadd.s32 s3, s21;
	s15 =	sand.u32 $0x1FFFFFF0, s22;
	s20 =	spop (v2sf)  }
0x6e: {  	(v2sf) =	vpush v0, $0xE;
	[tilespmem:s12], [sflag:$0x1] =	stream.linear.gather [hbm4b:s14+s31], $0x80, $0x38;
	[tilespmem:$0x10200] =	vst v63  }
0x6f: {  	s15 =	sadd.s32 s3, s15;
	s21 =	sand.u32 $0x1FFFFFF0, s20;
	s22 =	spop (v2sf)  }
0x70: {  	(v2sf) =	vpush v0, $0xF;
	[tilespmem:s9], [sflag:$0x1] =	stream.linear.gather [hbm4b:s15+s31], $0x80, $0x38;
	[tilespmem:$0x10200] =	vst v63  }
0x71: {  	s16 =	sand.u32 $0x1FFFFFF0, s22;
	s17 =	spop (v2sf);
	s12 =	sadd.s32 s3, s21  }
0x72: {  	[tilespmem:s13], [sflag:$0x1] =	stream.linear.gather [hbm4b:s12+s31], $0x80, $0x38;
	[tilespmem:$0x10200] =	vst v63  }
0x73: {  	s18 =	sand.u32 $0x1FFFFFF0, s17;
	s9 =	sadd.s32 s3, s16;
	s19 =	spop (v2sf)  }
0x74: {  	[tilespmem:s8], [sflag:$0x1] =	stream.linear.gather [hbm4b:s9+s31], $0x80, $0x38;
	[tilespmem:$0x10200] =	vst v63  }
0x75: {  	s12 =	sadd.s32 s3, s18;
	s20 =	sand.u32 $0x1FFFFFF0, s19;
	s21 =	spop (v2sf)  }
0x76: {  	[tilespmem:s10], [sflag:$0x1] =	stream.linear.gather [hbm4b:s12+s31], $0x80, $0x38;
	[tilespmem:$0x10200] =	vst v63  }
0x77: {  	s9 =	sand.u32 $0x1FFFFFF0, s21;
	s8 =	sadd.s32 s3, s20;
	s22 =	spop (v2sf)  }
0x78: {  	[tilespmem:s7], [sflag:$0x1] =	stream.linear.gather [hbm4b:s8+s31], $0x80, $0x38;
	[tilespmem:$0x10200] =	vst v63  }
0x79: {  	s9 =	sadd.s32 s3, s9;
	s10 =	sand.u32 $0x1FFFFFF0, s22;
	s12 =	spop (v2sf)  }
0x7a: {  	[tilespmem:s11], [sflag:$0x1] =	stream.linear.gather [hbm4b:s9+s31], $0x80, $0x38;
	[tilespmem:$0x10200] =	vst v63  }
0x7b: {  	s7 =	sadd.s32 s3, s10;
	s8 =	sand.u32 $0x1FFFFFF0, s12;
	s13 =	spop (v2sf)  }
0x7c: {  	[tilespmem:s6], [sflag:$0x1] =	stream.linear.gather [hbm4b:s7+s31], $0x80, $0x38;
	[tilespmem:$0x10200] =	vst v63  }
0x7d: {  	s14 =	sand.u32 $0x1FFFFFF0, s13;
	s8 =	sadd.s32 s3, s8;
	s15 =	spop (v2sf)  }
0x7e: {  	[tilespmem:s4], [sflag:$0x1] =	stream.linear.gather [hbm4b:s8+s31], $0x80, $0x38;
	[tilespmem:$0x10200] =	vst v63  }
0x7f: {  	s16 =	sand.u32 $0x1FFFFFF0, s15;
	s17 =	spop (v2sf);
	s6 =	sadd.s32 s3, s14  }
0x80: {  	[tilespmem:s5], [sflag:$0x1] =	stream.linear.gather [hbm4b:s6+s31], $0x80, $0x38;
	[tilespmem:$0x10200] =	vst v63  }
0x81: {  	s19 =	sadd.s32 $0x900, s1;
	s18 =	sand.u32 $0x1FFFFFF0, s17;
	s4 =	sadd.s32 s3, s16  }
0x82: {  	[tilespmem:s19], [sflag:$0x1] =	stream.linear.gather [hbm4b:s4+s31], $0x80, $0x38;
	[tilespmem:$0x10200] =	vst v63  }
0x83: {  	s20 =	sadd.s32 $0x980, s1;
	s22 =	sand.u32 $0xF0, s31;
	s21 =	sadd.s32 s3, s18  }
0x84: {  	[tilespmem:s20], [sflag:$0x1] =	stream.linear.gather [hbm4b:s21+s31], $0x80, $0x38;
	[tilespmem:$0x10200] =	vst v63  }
0x85: {  	v0 =	vld [tilespmem:s22+$0x100];
	_ =	sdelay $0x4  }
0x86: {  	v0 =	vshll.u32 v0, $0x4  }
0x87: {  	(v2sf) =	vpush v0, $0x0  }
0x88: {  	(v2sf) =	vpush v0, $0x2  }
0x89: {  	(v2sf) =	vpush v0, $0x1;
	_ =	sdelay $0x1  }
0x8a: {  	(v2sf) =	vpush v0, $0x3  }
0x8b: {  	(v2sf) =	vpush v0, $0x4;
	_ =	sdelay $0x2  }
0x8c: {  	s1 =	simm.s32 $0x2000;
	s4 =	simm.s32 $0x10  }
.LBB2_4:
0x8d: {  	p0 =	sne.s32 s1, $0x1E000;
	(v2sf) =	vpush v0, $0x5;
	s6 =	smov.u32 s1;
	s1 =	sadd.s32 $0x2000, s1  }
0x8e: {  	s5 =	sshra.s32 s31, $0x2;
	s31 =	smov.u32 s6  }
0x8f: {  	s13 =	sadd.s32 $0x8280, s5;
	(v2sf) =	vpush v0, $0x6  }
0x90: {  	s14 =	sadd.s32 $0x8200, s5  }
0x91: {  	s8 =	sadd.s32 $0x8780, s5;
	s7 =	sadd.s32 $0x8800, s5;
	s6 =	sadd.s32 $0x8880, s5;
	(v2sf) =	vpush v0, $0x7  }
0x92: {  	s11 =	sadd.s32 $0x8600, s5;
	s10 =	sadd.s32 $0x8680, s5;
	s9 =	sadd.s32 $0x8700, s5  }
0x93: {  	s15 =	sadd.s32 $0x8500, s5;
	s12 =	sadd.s32 $0x8580, s5;
	s16 =	spop (v2sf);
	(v2sf) =	vpush v0, $0x8  }
0x94: {  	s17 =	sadd.s32 $0x8300, s5;
	s16 =	sand.u32 $0x1FFFFFF0, s16;
	s18 =	spop (v2sf)  }
0x95: {  	s19 =	sadd.s32 $0x8480, s5;
	s16 =	sadd.s32 s3, s16;
	s20 =	spop (v2sf);
	(v2sf) =	vpush v0, $0x9  }
0x96: {  	[tilespmem:s14], [sflag:$0x2] =	stream.linear.gather [hbm4b:s16+s2], $0x80, $0x38;
	[tilespmem:$0x10200] =	vst v63  }
0x97: {  	s14 =	sand.u32 $0x1FFFFFF0, s20;
	s16 =	sand.u32 $0x1FFFFFF0, s18;
	s18 =	spop (v2sf);
	(v2sf) =	vpush v0, $0xA  }
0x98: {  	s20 =	sadd.s32 $0x8400, s5;
	s14 =	sadd.s32 s3, s14;
	s21 =	spop (v2sf)  }
0x99: {  	[tilespmem:s13], [sflag:$0x2] =	stream.linear.gather [hbm4b:s14+s2], $0x80, $0x38;
	(v2sf) =	vpush v0, $0xB;
	[tilespmem:$0x10200] =	vst v63  }
0x9a: {  	s13 =	sadd.s32 s3, s16;
	s14 =	sand.u32 $0x1FFFFFF0, s18;
	s16 =	sand.u32 $0x1FFFFFF0, s21  }
0x9b: {  	[tilespmem:s17], [sflag:$0x2] =	stream.linear.gather [hbm4b:s13+s2], $0x80, $0x38;
	(v2sf) =	vpush v0, $0xC;
	[tilespmem:$0x10200] =	vst v63  }
0x9c: {  	s14 =	sadd.s32 s3, s14;
	s13 =	sadd.s32 $0x8380, s5;
	s17 =	spop (v2sf)  }
0x9d: {  	[tilespmem:s13], [sflag:$0x2] =	stream.linear.gather [hbm4b:s14+s2], $0x80, $0x38;
	(v2sf) =	vpush v0, $0xD;
	[tilespmem:$0x10200] =	vst v63  }
0x9e: {  	s13 =	sadd.s32 s3, s16;
	s14 =	sand.u32 $0x1FFFFFF0, s17;
	s16 =	spop (v2sf)  }
0x9f: {  	[tilespmem:s20], [sflag:$0x2] =	stream.linear.gather [hbm4b:s13+s2], $0x80, $0x38;
	(v2sf) =	vpush v0, $0xE;
	[tilespmem:$0x10200] =	vst v63  }
0xa0: {  	s13 =	sadd.s32 s3, s14;
	s14 =	sand.u32 $0x1FFFFFF0, s16;
	s16 =	spop (v2sf)  }
0xa1: {  	[tilespmem:s19], [sflag:$0x2] =	stream.linear.gather [hbm4b:s13+s2], $0x80, $0x38;
	(v2sf) =	vpush v0, $0xF;
	[tilespmem:$0x10200] =	vst v63  }
0xa2: {  	s13 =	sadd.s32 s3, s14;
	s14 =	sand.u32 $0x1FFFFFF0, s16;
	s16 =	spop (v2sf)  }
0xa3: {  	[tilespmem:s15], [sflag:$0x2] =	stream.linear.gather [hbm4b:s13+s2], $0x80, $0x38;
	[tilespmem:$0x10200] =	vst v63  }
0xa4: {  	s13 =	sadd.s32 s3, s14;
	s14 =	sand.u32 $0x1FFFFFF0, s16;
	s15 =	spop (v2sf)  }
0xa5: {  	[tilespmem:s12], [sflag:$0x2] =	stream.linear.gather [hbm4b:s13+s2], $0x80, $0x38;
	[tilespmem:$0x10200] =	vst v63  }
0xa6: {  	s12 =	sadd.s32 s3, s14;
	s13 =	sand.u32 $0x1FFFFFF0, s15;
	s14 =	spop (v2sf)  }
0xa7: {  	[tilespmem:s11], [sflag:$0x2] =	stream.linear.gather [hbm4b:s12+s2], $0x80, $0x38;
	[tilespmem:$0x10200] =	vst v63  }
0xa8: {  	s11 =	sadd.s32 s3, s13;
	s12 =	sand.u32 $0x1FFFFFF0, s14;
	s13 =	spop (v2sf)  }
0xa9: {  	[tilespmem:s10], [sflag:$0x2] =	stream.linear.gather [hbm4b:s11+s2], $0x80, $0x38;
	[tilespmem:$0x10200] =	vst v63  }
0xaa: {  	s10 =	sadd.s32 s3, s12;
	s11 =	sand.u32 $0x1FFFFFF0, s13;
	s12 =	spop (v2sf)  }
0xab: {  	[tilespmem:s9], [sflag:$0x2] =	stream.linear.gather [hbm4b:s10+s2], $0x80, $0x38;
	[tilespmem:$0x10200] =	vst v63  }
0xac: {  	s9 =	sadd.s32 s3, s11;
	s10 =	sand.u32 $0x1FFFFFF0, s12;
	s11 =	spop (v2sf)  }
0xad: {  	[tilespmem:s8], [sflag:$0x2] =	stream.linear.gather [hbm4b:s9+s2], $0x80, $0x38;
	[tilespmem:$0x10200] =	vst v63  }
0xae: {  	s8 =	sadd.s32 s3, s10;
	s9 =	sand.u32 $0x1FFFFFF0, s11;
	s10 =	spop (v2sf)  }
0xaf: {  	[tilespmem:s7], [sflag:$0x2] =	stream.linear.gather [hbm4b:s8+s2], $0x80, $0x38;
	[tilespmem:$0x10200] =	vst v63  }
0xb0: {  	s7 =	sadd.s32 s3, s9;
	s8 =	sand.u32 $0x1FFFFFF0, s10;
	s9 =	spop (v2sf)  }
0xb1: {  	[tilespmem:s6], [sflag:$0x2] =	stream.linear.gather [hbm4b:s7+s2], $0x80, $0x38;
	[tilespmem:$0x10200] =	vst v63  }
0xb2: {  	s6 =	sadd.s32 $0x8900, s5;
	s7 =	sadd.s32 s3, s8;
	s8 =	sand.u32 $0x1FFFFFF0, s9  }
0xb3: {  	[tilespmem:s6], [sflag:$0x2] =	stream.linear.gather [hbm4b:s7+s2], $0x80, $0x38;
	[tilespmem:$0x10200] =	vst v63  }
0xb4: {  	s5 =	sadd.s32 $0x8980, s5;
	s6 =	sand.u32 $0xF0, s4;
	s7 =	sadd.s32 s3, s8  }
0xb5: {  	[tilespmem:s5], [sflag:$0x2] =	stream.linear.gather [hbm4b:s7+s2], $0x80, $0x38;
	[tilespmem:$0x10200] =	vst v63  }
0xb6: {  	v0 =	vld [tilespmem:s6+$0x100];
	_ =	sdelay $0x4  }
0xb7: {  	v0 =	vshll.u32 v0, $0x4  }
0xb8: {  	(v2sf) =	vpush v0, $0x0  }
0xb9: {  	(v2sf) =	vpush v0, $0x2  }
0xba: {  	(v2sf) =	vpush v0, $0x1;
	_ =	sdelay $0x1  }
.Ltmp1:
0xbb: {  	(v2sf) =	vpush v0, $0x3;
	(pc) =	sbr.rel @p0 .LBB2_4-.Ltmp1, $2  }
0xbc: {  	(v2sf) =	vpush v0, $0x4;
	_ =	sdelay $0x2  }
0xbd: {  	s4 =	sadd.s32 $0x10, s4  }
0xbe: {  	(v2sf) =	vpush v0, $0x5;
	_ =	sdelay $0x1  }
0xbf: {  	s1 =	sshra.s32 s31, $0x2;
	(v2sf) =	vpush v0, $0x6  }
0xc0: {  	s7 =	sadd.s32 $0x8280, s1;
	s8 =	sadd.s32 $0x8200, s1  }
0xc1: {  	s6 =	sadd.s32 $0x8780, s1;
	s5 =	sadd.s32 $0x8800, s1;
	s4 =	sadd.s32 $0x8880, s1;
	(v2sf) =	vpush v0, $0x7  }
0xc2: {  	s9 =	sadd.s32 $0x8600, s1;
	s10 =	sadd.s32 $0x8680, s1;
	s11 =	sadd.s32 $0x8700, s1  }
0xc3: {  	s12 =	sadd.s32 $0x8500, s1;
	s13 =	sadd.s32 $0x8580, s1;
	s14 =	spop (v2sf);
	(v2sf) =	vpush v0, $0x8  }
0xc4: {  	s15 =	sadd.s32 $0x8300, s1;
	s14 =	sand.u32 $0x1FFFFFF0, s14;
	s16 =	spop (v2sf)  }
0xc5: {  	s17 =	sadd.s32 $0x8480, s1;
	s14 =	sadd.s32 s3, s14;
	s18 =	spop (v2sf);
	(v2sf) =	vpush v0, $0x9  }
0xc6: {  	[tilespmem:s8], [sflag:$0x2] =	stream.linear.gather [hbm4b:s14+s2], $0x80, $0x38;
	[tilespmem:$0x10200] =	vst v63  }
0xc7: {  	s21 =	sand.u32 $0x1FFFFFF0, s16;
	s20 =	sand.u32 $0x1FFFFFF0, s18;
	s22 =	spop (v2sf);
	(v2sf) =	vpush v0, $0xA  }
0xc8: {  	s16 =	sadd.s32 $0x8380, s1;
	s8 =	sadd.s32 s3, s20;
	s19 =	spop (v2sf)  }
0xc9: {  	[tilespmem:s7], [sflag:$0x2] =	stream.linear.gather [hbm4b:s8+s2], $0x80, $0x38;
	(v2sf) =	vpush v0, $0xB;
	[tilespmem:$0x10200] =	vst v63  }
0xca: {  	s18 =	sadd.s32 $0x8400, s1;
	s20 =	sadd.s32 s3, s21;
	s21 =	sand.u32 $0x1FFFFFF0, s22  }
0xcb: {  	(v2sf) =	vpush v0, $0xC;
	[tilespmem:s15], [sflag:$0x2] =	stream.linear.gather [hbm4b:s20+s2], $0x80, $0x38;
	[tilespmem:$0x10200] =	vst v63  }
0xcc: {  	s22 =	sand.u32 $0x1FFFFFF0, s19;
	s8 =	sadd.s32 s3, s21;
	s19 =	spop (v2sf)  }
0xcd: {  	[tilespmem:s16], [sflag:$0x2] =	stream.linear.gather [hbm4b:s8+s2], $0x80, $0x38;
	(v2sf) =	vpush v0, $0xD;
	[tilespmem:$0x10200] =	vst v63  }
0xce: {  	s20 =	sadd.s32 s3, s22;
	s21 =	sand.u32 $0x1FFFFFF0, s19;
	s22 =	spop (v2sf)  }
0xcf: {  	(v2sf) =	vpush v0, $0xE;
	[tilespmem:s18], [sflag:$0x2] =	stream.linear.gather [hbm4b:s20+s2], $0x80, $0x38;
	[tilespmem:$0x10200] =	vst v63  }
0xd0: {  	s8 =	sadd.s32 s3, s21;
	s15 =	sand.u32 $0x1FFFFFF0, s22;
	s16 =	spop (v2sf)  }
0xd1: {  	(v2sf) =	vpush v0, $0xF;
	[tilespmem:s17], [sflag:$0x2] =	stream.linear.gather [hbm4b:s8+s2], $0x80, $0x38;
	[tilespmem:$0x10200] =	vst v63  }
0xd2: {  	s18 =	sand.u32 $0x1FFFFFF0, s16;
	s17 =	sadd.s32 s3, s15;
	s19 =	spop (v2sf)  }
0xd3: {  	[tilespmem:s12], [sflag:$0x2] =	stream.linear.gather [hbm4b:s17+s2], $0x80, $0x38;
	[tilespmem:$0x10200] =	vst v63  }
0xd4: {  	s20 =	sadd.s32 s3, s18;
	s21 =	sand.u32 $0x1FFFFFF0, s19;
	s22 =	spop (v2sf)  }
0xd5: {  	[tilespmem:s13], [sflag:$0x2] =	stream.linear.gather [hbm4b:s20+s2], $0x80, $0x38;
	[tilespmem:$0x10200] =	vst v63  }
0xd6: {  	s14 =	sadd.s32 s3, s21;
	s15 =	sand.u32 $0x1FFFFFF0, s22;
	s16 =	spop (v2sf)  }
0xd7: {  	[tilespmem:s9], [sflag:$0x2] =	stream.linear.gather [hbm4b:s14+s2], $0x80, $0x38;
	[tilespmem:$0x10200] =	vst v63  }
0xd8: {  	s17 =	sadd.s32 s3, s15;
	s18 =	sand.u32 $0x1FFFFFF0, s16;
	s19 =	spop (v2sf)  }
0xd9: {  	[tilespmem:s10], [sflag:$0x2] =	stream.linear.gather [hbm4b:s17+s2], $0x80, $0x38;
	[tilespmem:$0x10200] =	vst v63  }
0xda: {  	s20 =	sadd.s32 s3, s18;
	s21 =	sand.u32 $0x1FFFFFF0, s19;
	s22 =	spop (v2sf)  }
0xdb: {  	[tilespmem:s11], [sflag:$0x2] =	stream.linear.gather [hbm4b:s20+s2], $0x80, $0x38;
	[tilespmem:$0x10200] =	vst v63  }
0xdc: {  	s8 =	sadd.s32 s3, s21;
	s9 =	sand.u32 $0x1FFFFFF0, s22;
	s10 =	spop (v2sf)  }
0xdd: {  	[tilespmem:s6], [sflag:$0x2] =	stream.linear.gather [hbm4b:s8+s2], $0x80, $0x38;
	[tilespmem:$0x10200] =	vst v63  }
0xde: {  	s11 =	sadd.s32 s3, s9;
	s12 =	sand.u32 $0x1FFFFFF0, s10;
	s13 =	spop (v2sf)  }
0xdf: {  	[tilespmem:s5], [sflag:$0x2] =	stream.linear.gather [hbm4b:s11+s2], $0x80, $0x38;
	[tilespmem:$0x10200] =	vst v63  }
0xe0: {  	s14 =	sadd.s32 s3, s12;
	s15 =	sand.u32 $0x1FFFFFF0, s13;
	s16 =	spop (v2sf)  }
0xe1: {  	[tilespmem:s4], [sflag:$0x2] =	stream.linear.gather [hbm4b:s14+s2], $0x80, $0x38;
	[tilespmem:$0x10200] =	vst v63  }
0xe2: {  	s17 =	sadd.s32 $0x8900, s1;
	s18 =	sadd.s32 s3, s15;
	s19 =	sand.u32 $0x1FFFFFF0, s16  }
0xe3: {  	[tilespmem:s17], [sflag:$0x2] =	stream.linear.gather [hbm4b:s18+s2], $0x80, $0x38;
	[tilespmem:$0x10200] =	vst v63  }
0xe4: {  	s1 =	sadd.s32 $0x8980, s1;
	s20 =	sadd.s32 s3, s19  }
0xe5: {  	[tilespmem:s1], [sflag:$0x2] =	stream.linear.gather [hbm4b:s20+s2], $0x80, $0x38;
	[tilespmem:$0x10200] =	vst v63  }
0xe6: {  	_ =	swait.ge [sflag:s25], $0x8000  }
0xe7: {  	[sflag:s25] =	ssyncset.done $0x0  }
0xe8: {  	s31 =	simm.s32 $0x0;
	s21 =	rddreg [dreg:$0xa];
	[sflag:s25] =	ssyncadd.s32 $0xFFFF8000  }
0xe9: {  	[hbm4b:s21+s31] =	stream.linear.scatter [tilespmem:s26], [sflag:$0x3], $0x8000, $0x38;
	[tilespmem:$0x10200] =	vst v63  }
0xea: {  	_ =	swait.ge [sflag:s24], $0x8000  }
0xeb: {  	[sflag:s24] =	ssyncset.done $0x0  }
0xec: {  	s22 =	rddreg [dreg:$0xb];
	[sflag:s24] =	ssyncadd.s32 $0xFFFF8000  }
0xed: {  	[tilespmem:s31], [sflag:$0x3] =	stream.linear.gather [hbm4b:s22+s31], $0x200, $0x38;
	[tilespmem:$0x10200] =	vst v63  }
0xee: {  	_ =	swait.ge [sflag:s24], $0x200  }
0xef: {  	[sflag:s24] =	ssyncset.done $0x0  }
0xf0: {  	[sflag:s24] =	ssyncadd.s32 $0xFFFFFE00  }
0xf1: {  	v0 =	vld [tilespmem:s31+$0x0];
	_ =	sdelay $0x4  }
0xf2: {  	v0 =	vshll.u32 v0, $0x4  }
0xf3: {  	(v2sf) =	vpush v0, $0x0  }
0xf4: {  	(v2sf) =	vpush v0, $0x1  }
0xf5: {  	(v2sf) =	vpush v0, $0x2;
	_ =	sdelay $0x1  }
0xf6: {  	(v2sf) =	vpush v0, $0x4;
	_ =	sdelay $0x1  }
0xf7: {  	(v2sf) =	vpush v0, $0x3  }
0xf8: {  	(v2sf) =	vpush v0, $0x5  }
0xf9: {  	s4 =	simm.s32 $0x2000;
	s1 =	simm.s32 $0x0;
	(v2sf) =	vpush v0, $0x6  }
.LBB2_6:
0xfa: {  	p0 =	sne.s32 s4, $0x1E000  }
0xfb: {  	s14 =	sadd.s32 $0x280, s1;
	s8 =	sadd.s32 $0x780, s1;
	s5 =	smov.u32 s4  }
0xfc: {  	s4 =	sadd.s32 $0x2000, s4;
	s11 =	sadd.s32 $0x580, s1;
	s6 =	sadd.s32 $0x800, s1;
	(v2sf) =	vpush v0, $0x7  }
0xfd: {  	s13 =	sadd.s32 $0x480, s1;
	s10 =	sadd.s32 $0x600, s1;
	s7 =	sadd.s32 $0x880, s1  }
0xfe: {  	s15 =	sadd.s32 $0x200, s1;
	s16 =	sadd.s32 $0x400, s1;
	(v2sf) =	vpush v0, $0x8  }
0xff: {  	s17 =	sadd.s32 $0x500, s1;
	s31 =	sadd.s32 $0x10, s31  }
0x100: {  	s18 =	sadd.s32 $0x300, s1;
	s9 =	sadd.s32 $0x700, s1;
	s12 =	spop (v2sf);
	(v2sf) =	vpush v0, $0x9  }
0x101: {  	s19 =	sand.u32 $0x1FFFFFF0, s12;
	s12 =	sadd.s32 $0x680, s1;
	s20 =	spop (v2sf)  }
0x102: {  	s19 =	sadd.s32 s3, s19;
	s20 =	sand.u32 $0x1FFFFFF0, s20;
	s21 =	spop (v2sf);
	(v2sf) =	vpush v0, $0xA  }
0x103: {  	[tilespmem:s15], [sflag:$0x1] =	stream.linear.gather [hbm4b:s19+s2], $0x80, $0x38;
	[tilespmem:$0x10200] =	vst v63  }
0x104: {  	s15 =	sadd.s32 s3, s20;
	s19 =	sadd.s32 $0x380, s1;
	s20 =	spop (v2sf);
	(v2sf) =	vpush v0, $0xB  }
0x105: {  	[tilespmem:s14], [sflag:$0x1] =	stream.linear.gather [hbm4b:s15+s2], $0x80, $0x38;
	[tilespmem:$0x10200] =	vst v63  }
0x106: {  	s14 =	sand.u32 $0x1FFFFFF0, s21;
	s15 =	sand.u32 $0x1FFFFFF0, s20;
	s20 =	spop (v2sf);
	(v2sf) =	vpush v0, $0xC  }
0x107: {  	s14 =	sadd.s32 s3, s14;
	s20 =	sand.u32 $0x1FFFFFF0, s20;
	s21 =	spop (v2sf)  }
0x108: {  	[tilespmem:s18], [sflag:$0x1] =	stream.linear.gather [hbm4b:s14+s2], $0x80, $0x38;
	(v2sf) =	vpush v0, $0xD;
	[tilespmem:$0x10200] =	vst v63  }
0x109: {  	s14 =	sadd.s32 s3, s20;
	s18 =	sand.u32 $0x1FFFFFF0, s21;
	s20 =	spop (v2sf)  }
0x10a: {  	[tilespmem:s19], [sflag:$0x1] =	stream.linear.gather [hbm4b:s14+s2], $0x80, $0x38;
	(v2sf) =	vpush v0, $0xE;
	[tilespmem:$0x10200] =	vst v63  }
0x10b: {  	s14 =	sadd.s32 s3, s15;
	s15 =	sand.u32 $0x1FFFFFF0, s20;
	s19 =	spop (v2sf)  }
0x10c: {  	[tilespmem:s16], [sflag:$0x1] =	stream.linear.gather [hbm4b:s14+s2], $0x80, $0x38;
	(v2sf) =	vpush v0, $0xF;
	[tilespmem:$0x10200] =	vst v63  }
0x10d: {  	s14 =	sadd.s32 s3, s18;
	s16 =	sand.u32 $0x1FFFFFF0, s19;
	s18 =	spop (v2sf)  }
0x10e: {  	[tilespmem:s13], [sflag:$0x1] =	stream.linear.gather [hbm4b:s14+s2], $0x80, $0x38;
	[tilespmem:$0x10200] =	vst v63  }
0x10f: {  	s13 =	sadd.s32 s3, s15;
	s14 =	sand.u32 $0x1FFFFFF0, s18;
	s15 =	spop (v2sf)  }
0x110: {  	[tilespmem:s17], [sflag:$0x1] =	stream.linear.gather [hbm4b:s13+s2], $0x80, $0x38;
	[tilespmem:$0x10200] =	vst v63  }
0x111: {  	s13 =	sadd.s32 s3, s16;
	s15 =	sand.u32 $0x1FFFFFF0, s15;
	s16 =	spop (v2sf)  }
0x112: {  	[tilespmem:s11], [sflag:$0x1] =	stream.linear.gather [hbm4b:s13+s2], $0x80, $0x38;
	[tilespmem:$0x10200] =	vst v63  }
0x113: {  	s11 =	sadd.s32 s3, s14;
	s13 =	sand.u32 $0x1FFFFFF0, s16;
	s14 =	spop (v2sf)  }
0x114: {  	[tilespmem:s10], [sflag:$0x1] =	stream.linear.gather [hbm4b:s11+s2], $0x80, $0x38;
	[tilespmem:$0x10200] =	vst v63  }
0x115: {  	s10 =	sadd.s32 s3, s15;
	s11 =	sand.u32 $0x1FFFFFF0, s14;
	s14 =	spop (v2sf)  }
0x116: {  	[tilespmem:s12], [sflag:$0x1] =	stream.linear.gather [hbm4b:s10+s2], $0x80, $0x38;
	[tilespmem:$0x10200] =	vst v63  }
0x117: {  	s10 =	sadd.s32 s3, s13;
	s12 =	sand.u32 $0x1FFFFFF0, s14;
	s13 =	spop (v2sf)  }
0x118: {  	[tilespmem:s9], [sflag:$0x1] =	stream.linear.gather [hbm4b:s10+s2], $0x80, $0x38;
	[tilespmem:$0x10200] =	vst v63  }
0x119: {  	s9 =	sadd.s32 s3, s11;
	s10 =	sand.u32 $0x1FFFFFF0, s13;
	s11 =	spop (v2sf)  }
0x11a: {  	[tilespmem:s8], [sflag:$0x1] =	stream.linear.gather [hbm4b:s9+s2], $0x80, $0x38;
	[tilespmem:$0x10200] =	vst v63  }
0x11b: {  	s8 =	sadd.s32 s3, s12;
	s9 =	sand.u32 $0x1FFFFFF0, s11;
	s11 =	spop (v2sf)  }
0x11c: {  	[tilespmem:s6], [sflag:$0x1] =	stream.linear.gather [hbm4b:s8+s2], $0x80, $0x38;
	[tilespmem:$0x10200] =	vst v63  }
0x11d: {  	s6 =	sadd.s32 s3, s10;
	s8 =	sand.u32 $0x1FFFFFF0, s11  }
0x11e: {  	[tilespmem:s7], [sflag:$0x1] =	stream.linear.gather [hbm4b:s6+s2], $0x80, $0x38;
	[tilespmem:$0x10200] =	vst v63  }
0x11f: {  	s6 =	sadd.s32 $0x900, s1;
	s7 =	sadd.s32 s3, s9  }
0x120: {  	[tilespmem:s6], [sflag:$0x1] =	stream.linear.gather [hbm4b:s7+s2], $0x80, $0x38;
	[tilespmem:$0x10200] =	vst v63  }
0x121: {  	s1 =	sadd.s32 $0x980, s1;
	s6 =	sadd.s32 s3, s8  }
0x122: {  	[tilespmem:s1], [sflag:$0x1] =	stream.linear.gather [hbm4b:s6+s2], $0x80, $0x38;
	[tilespmem:$0x10200] =	vst v63  }
0x123: {  	v0 =	vld [tilespmem:s31+$0x0];
	_ =	sdelay $0x4  }
0x124: {  	v0 =	vshll.u32 v0, $0x4  }
0x125: {  	(v2sf) =	vpush v0, $0x0  }
0x126: {  	(v2sf) =	vpush v0, $0x1  }
0x127: {  	(v2sf) =	vpush v0, $0x2;
	_ =	sdelay $0x1  }
0x128: {  	(v2sf) =	vpush v0, $0x4  }
.Ltmp2:
0x129: {  	(pc) =	sbr.rel @p0 .LBB2_6-.Ltmp2, $3  }
0x12a: {  	(v2sf) =	vpush v0, $0x3  }
0x12b: {  	(v2sf) =	vpush v0, $0x5;
	_ =	sdelay $0x1  }
0x12c: {  	s1 =	sshra.s32 s5, $0x2;
	(v2sf) =	vpush v0, $0x6  }
0x12d: {  	_ =	sdelay $0x1  }
0x12e: {  	s7 =	sadd.s32 $0x280, s1;
	s6 =	sadd.s32 $0x780, s1  }
0x12f: {  	s8 =	sadd.s32 $0x580, s1;
	s4 =	sadd.s32 $0x800, s1;
	(v2sf) =	vpush v0, $0x7;
	s9 =	sadd.s32 $0x480, s1  }
0x130: {  	s10 =	sadd.s32 $0x600, s1;
	s5 =	sadd.s32 $0x880, s1;
	s11 =	sadd.s32 $0x200, s1  }
0x131: {  	s12 =	sadd.s32 $0x400, s1;
	s13 =	sadd.s32 $0x500, s1;
	(v2sf) =	vpush v0, $0x8;
	s14 =	spop (v2sf)  }
0x132: {  	s15 =	sadd.s32 $0x300, s1;
	s14 =	sand.u32 $0x1FFFFFF0, s14;
	s16 =	spop (v2sf)  }
0x133: {  	(v2sf) =	vpush v0, $0x9;
	s14 =	sadd.s32 s3, s14;
	s16 =	sand.u32 $0x1FFFFFF0, s16;
	s17 =	spop (v2sf)  }
0x134: {  	[tilespmem:s11], [sflag:$0x1] =	stream.linear.gather [hbm4b:s14+s2], $0x80, $0x38;
	[tilespmem:$0x10200] =	vst v63  }
0x135: {  	s18 =	sadd.s32 $0x380, s1;
	(v2sf) =	vpush v0, $0xA;
	s21 =	sadd.s32 s3, s16;
	s22 =	spop (v2sf)  }
0x136: {  	[tilespmem:s7], [sflag:$0x1] =	stream.linear.gather [hbm4b:s21+s2], $0x80, $0x38;
	[tilespmem:$0x10200] =	vst v63  }
0x137: {  	s11 =	sadd.s32 $0x700, s1;
	s19 =	sand.u32 $0x1FFFFFF0, s17;
	(v2sf) =	vpush v0, $0xB;
	s20 =	spop (v2sf)  }
0x138: {  	s14 =	sadd.s32 s3, s19;
	s7 =	sadd.s32 $0x680, s1;
	s17 =	sand.u32 $0x1FFFFFF0, s20  }
0x139: {  	(v2sf) =	vpush v0, $0xC;
	[tilespmem:s15], [sflag:$0x1] =	stream.linear.gather [hbm4b:s14+s2], $0x80, $0x38;
	[tilespmem:$0x10200] =	vst v63  }
0x13a: {  	s21 =	sand.u32 $0x1FFFFFF0, s22;
	s22 =	spop (v2sf);
	s19 =	sadd.s32 s3, s17  }
0x13b: {  	(v2sf) =	vpush v0, $0xD;
	[tilespmem:s18], [sflag:$0x1] =	stream.linear.gather [hbm4b:s19+s2], $0x80, $0x38;
	[tilespmem:$0x10200] =	vst v63  }
0x13c: {  	s14 =	sadd.s32 s3, s21;
	s15 =	sand.u32 $0x1FFFFFF0, s22;
	s20 =	spop (v2sf)  }
0x13d: {  	(v2sf) =	vpush v0, $0xE;
	[tilespmem:s12], [sflag:$0x1] =	stream.linear.gather [hbm4b:s14+s2], $0x80, $0x38;
	[tilespmem:$0x10200] =	vst v63  }
0x13e: {  	s15 =	sadd.s32 s3, s15;
	s21 =	sand.u32 $0x1FFFFFF0, s20;
	s22 =	spop (v2sf)  }
0x13f: {  	(v2sf) =	vpush v0, $0xF;
	[tilespmem:s9], [sflag:$0x1] =	stream.linear.gather [hbm4b:s15+s2], $0x80, $0x38;
	[tilespmem:$0x10200] =	vst v63  }
0x140: {  	s16 =	spop (v2sf);
	s12 =	sadd.s32 s3, s21;
	s15 =	sand.u32 $0x1FFFFFF0, s22  }
0x141: {  	[tilespmem:s13], [sflag:$0x1] =	stream.linear.gather [hbm4b:s12+s2], $0x80, $0x38;
	[tilespmem:$0x10200] =	vst v63  }
0x142: {  	s17 =	sand.u32 $0x1FFFFFF0, s16;
	s9 =	sadd.s32 s3, s15;
	s18 =	spop (v2sf)  }
0x143: {  	[tilespmem:s8], [sflag:$0x1] =	stream.linear.gather [hbm4b:s9+s2], $0x80, $0x38;
	[tilespmem:$0x10200] =	vst v63  }
0x144: {  	s12 =	sadd.s32 s3, s17;
	s19 =	sand.u32 $0x1FFFFFF0, s18;
	s20 =	spop (v2sf)  }
0x145: {  	[tilespmem:s10], [sflag:$0x1] =	stream.linear.gather [hbm4b:s12+s2], $0x80, $0x38;
	[tilespmem:$0x10200] =	vst v63  }
0x146: {  	s9 =	sand.u32 $0x1FFFFFF0, s20;
	s8 =	sadd.s32 s3, s19;
	s21 =	spop (v2sf)  }
0x147: {  	[tilespmem:s7], [sflag:$0x1] =	stream.linear.gather [hbm4b:s8+s2], $0x80, $0x38;
	[tilespmem:$0x10200] =	vst v63  }
0x148: {  	s9 =	sadd.s32 s3, s9;
	s22 =	sand.u32 $0x1FFFFFF0, s21;
	s10 =	spop (v2sf)  }
0x149: {  	[tilespmem:s11], [sflag:$0x1] =	stream.linear.gather [hbm4b:s9+s2], $0x80, $0x38;
	[tilespmem:$0x10200] =	vst v63  }
0x14a: {  	s7 =	sadd.s32 s3, s22;
	s8 =	sand.u32 $0x1FFFFFF0, s10;
	s12 =	spop (v2sf)  }
0x14b: {  	[tilespmem:s6], [sflag:$0x1] =	stream.linear.gather [hbm4b:s7+s2], $0x80, $0x38;
	[tilespmem:$0x10200] =	vst v63  }
0x14c: {  	s13 =	sand.u32 $0x1FFFFFF0, s12;
	s8 =	sadd.s32 s3, s8;
	s14 =	spop (v2sf)  }
0x14d: {  	[tilespmem:s4], [sflag:$0x1] =	stream.linear.gather [hbm4b:s8+s2], $0x80, $0x38;
	[tilespmem:$0x10200] =	vst v63  }
0x14e: {  	s15 =	sand.u32 $0x1FFFFFF0, s14;
	s16 =	spop (v2sf);
	s6 =	sadd.s32 s3, s13  }
0x14f: {  	[tilespmem:s5], [sflag:$0x1] =	stream.linear.gather [hbm4b:s6+s2], $0x80, $0x38;
	[tilespmem:$0x10200] =	vst v63  }
0x150: {  	s18 =	sadd.s32 $0x900, s1;
	s17 =	sand.u32 $0x1FFFFFF0, s16;
	s4 =	sadd.s32 s3, s15  }
0x151: {  	[tilespmem:s18], [sflag:$0x1] =	stream.linear.gather [hbm4b:s4+s2], $0x80, $0x38;
	[tilespmem:$0x10200] =	vst v63  }
0x152: {  	s19 =	sadd.s32 $0x980, s1;
	s20 =	sadd.s32 s3, s17  }
0x153: {  	[tilespmem:s19], [sflag:$0x1] =	stream.linear.gather [hbm4b:s20+s2], $0x80, $0x38;
	[tilespmem:$0x10200] =	vst v63  }
0x154: {  	_ =	swait.ge [sflag:s28], $0x8000  }
0x155: {  	[sflag:s28] =	ssyncset.done $0x0  }
0x156: {  	s1 =	simm.s32 $0x0;
	s21 =	rddreg [dreg:$0xc];
	[sflag:s28] =	ssyncadd.s32 $0xFFFF8000  }
0x157: {  	[hbm4b:s21+s1] =	stream.linear.scatter [tilespmem:s29], [sflag:$0x3], $0x8000, $0x38;
	[tilespmem:$0x10200] =	vst v63  }
0x158: {  	_ =	swait.ge [sflag:s24], $0x8000  }
0x159: {  	[sflag:s24] =	ssyncset.done $0x0  }
0x15a: {  	s22 =	sand.u32 $0xF0, s1;
	[sflag:s24] =	ssyncadd.s32 $0xFFFF8000  }
0x15b: {  	v0 =	vld [tilespmem:s22+$0x100];
	_ =	sdelay $0x4  }
0x15c: {  	v0 =	vshll.u32 v0, $0x4  }
0x15d: {  	(v2sf) =	vpush v0, $0x0  }
0x15e: {  	(v2sf) =	vpush v0, $0x2  }
0x15f: {  	(v2sf) =	vpush v0, $0x1;
	_ =	sdelay $0x1  }
0x160: {  	(v2sf) =	vpush v0, $0x3  }
0x161: {  	(v2sf) =	vpush v0, $0x4;
	_ =	sdelay $0x2  }
0x162: {  	s31 =	simm.s32 $0x10;
	s4 =	simm.s32 $0x2000  }
.LBB2_8:
0x163: {  	p0 =	sne.s32 s4, $0x1E000;
	(v2sf) =	vpush v0, $0x5;
	s6 =	smov.u32 s4;
	s4 =	sadd.s32 $0x2000, s4  }
0x164: {  	s5 =	sshra.s32 s1, $0x2;
	s1 =	smov.u32 s6  }
0x165: {  	s13 =	sadd.s32 $0x8280, s5;
	(v2sf) =	vpush v0, $0x6  }
0x166: {  	s14 =	sadd.s32 $0x8200, s5  }
0x167: {  	s8 =	sadd.s32 $0x8780, s5;
	s7 =	sadd.s32 $0x8800, s5;
	s6 =	sadd.s32 $0x8880, s5;
	(v2sf) =	vpush v0, $0x7  }
0x168: {  	s11 =	sadd.s32 $0x8600, s5;
	s10 =	sadd.s32 $0x8680, s5;
	s9 =	sadd.s32 $0x8700, s5  }
0x169: {  	s15 =	sadd.s32 $0x8500, s5;
	s12 =	sadd.s32 $0x8580, s5;
	s16 =	spop (v2sf);
	(v2sf) =	vpush v0, $0x8  }
0x16a: {  	s17 =	sadd.s32 $0x8300, s5;
	s16 =	sand.u32 $0x1FFFFFF0, s16;
	s18 =	spop (v2sf)  }
0x16b: {  	s19 =	sadd.s32 $0x8480, s5;
	s16 =	sadd.s32 s3, s16;
	s20 =	spop (v2sf);
	(v2sf) =	vpush v0, $0x9  }
0x16c: {  	[tilespmem:s14], [sflag:$0x2] =	stream.linear.gather [hbm4b:s16+s2], $0x80, $0x38;
	[tilespmem:$0x10200] =	vst v63  }
0x16d: {  	s14 =	sand.u32 $0x1FFFFFF0, s20;
	s16 =	sand.u32 $0x1FFFFFF0, s18;
	s18 =	spop (v2sf);
	(v2sf) =	vpush v0, $0xA  }
0x16e: {  	s20 =	sadd.s32 $0x8400, s5;
	s14 =	sadd.s32 s3, s14;
	s21 =	spop (v2sf)  }
0x16f: {  	[tilespmem:s13], [sflag:$0x2] =	stream.linear.gather [hbm4b:s14+s2], $0x80, $0x38;
	(v2sf) =	vpush v0, $0xB;
	[tilespmem:$0x10200] =	vst v63  }
0x170: {  	s13 =	sadd.s32 s3, s16;
	s14 =	sand.u32 $0x1FFFFFF0, s18;
	s16 =	sand.u32 $0x1FFFFFF0, s21  }
0x171: {  	[tilespmem:s17], [sflag:$0x2] =	stream.linear.gather [hbm4b:s13+s2], $0x80, $0x38;
	(v2sf) =	vpush v0, $0xC;
	[tilespmem:$0x10200] =	vst v63  }
0x172: {  	s14 =	sadd.s32 s3, s14;
	s13 =	sadd.s32 $0x8380, s5;
	s17 =	spop (v2sf)  }
0x173: {  	[tilespmem:s13], [sflag:$0x2] =	stream.linear.gather [hbm4b:s14+s2], $0x80, $0x38;
	(v2sf) =	vpush v0, $0xD;
	[tilespmem:$0x10200] =	vst v63  }
0x174: {  	s13 =	sadd.s32 s3, s16;
	s14 =	sand.u32 $0x1FFFFFF0, s17;
	s16 =	spop (v2sf)  }
0x175: {  	[tilespmem:s20], [sflag:$0x2] =	stream.linear.gather [hbm4b:s13+s2], $0x80, $0x38;
	(v2sf) =	vpush v0, $0xE;
	[tilespmem:$0x10200] =	vst v63  }
0x176: {  	s13 =	sadd.s32 s3, s14;
	s14 =	sand.u32 $0x1FFFFFF0, s16;
	s16 =	spop (v2sf)  }
0x177: {  	[tilespmem:s19], [sflag:$0x2] =	stream.linear.gather [hbm4b:s13+s2], $0x80, $0x38;
	(v2sf) =	vpush v0, $0xF;
	[tilespmem:$0x10200] =	vst v63  }
0x178: {  	s13 =	sadd.s32 s3, s14;
	s14 =	sand.u32 $0x1FFFFFF0, s16;
	s16 =	spop (v2sf)  }
0x179: {  	[tilespmem:s15], [sflag:$0x2] =	stream.linear.gather [hbm4b:s13+s2], $0x80, $0x38;
	[tilespmem:$0x10200] =	vst v63  }
0x17a: {  	s13 =	sadd.s32 s3, s14;
	s14 =	sand.u32 $0x1FFFFFF0, s16;
	s15 =	spop (v2sf)  }
0x17b: {  	[tilespmem:s12], [sflag:$0x2] =	stream.linear.gather [hbm4b:s13+s2], $0x80, $0x38;
	[tilespmem:$0x10200] =	vst v63  }
0x17c: {  	s12 =	sadd.s32 s3, s14;
	s13 =	sand.u32 $0x1FFFFFF0, s15;
	s14 =	spop (v2sf)  }
0x17d: {  	[tilespmem:s11], [sflag:$0x2] =	stream.linear.gather [hbm4b:s12+s2], $0x80, $0x38;
	[tilespmem:$0x10200] =	vst v63  }
0x17e: {  	s11 =	sadd.s32 s3, s13;
	s12 =	sand.u32 $0x1FFFFFF0, s14;
	s13 =	spop (v2sf)  }
0x17f: {  	[tilespmem:s10], [sflag:$0x2] =	stream.linear.gather [hbm4b:s11+s2], $0x80, $0x38;
	[tilespmem:$0x10200] =	vst v63  }
0x180: {  	s10 =	sadd.s32 s3, s12;
	s11 =	sand.u32 $0x1FFFFFF0, s13;
	s12 =	spop (v2sf)  }
0x181: {  	[tilespmem:s9], [sflag:$0x2] =	stream.linear.gather [hbm4b:s10+s2], $0x80, $0x38;
	[tilespmem:$0x10200] =	vst v63  }
0x182: {  	s9 =	sadd.s32 s3, s11;
	s10 =	sand.u32 $0x1FFFFFF0, s12;
	s11 =	spop (v2sf)  }
0x183: {  	[tilespmem:s8], [sflag:$0x2] =	stream.linear.gather [hbm4b:s9+s2], $0x80, $0x38;
	[tilespmem:$0x10200] =	vst v63  }
0x184: {  	s8 =	sadd.s32 s3, s10;
	s9 =	sand.u32 $0x1FFFFFF0, s11;
	s10 =	spop (v2sf)  }
0x185: {  	[tilespmem:s7], [sflag:$0x2] =	stream.linear.gather [hbm4b:s8+s2], $0x80, $0x38;
	[tilespmem:$0x10200] =	vst v63  }
0x186: {  	s7 =	sadd.s32 s3, s9;
	s8 =	sand.u32 $0x1FFFFFF0, s10;
	s9 =	spop (v2sf)  }
0x187: {  	[tilespmem:s6], [sflag:$0x2] =	stream.linear.gather [hbm4b:s7+s2], $0x80, $0x38;
	[tilespmem:$0x10200] =	vst v63  }
0x188: {  	s6 =	sadd.s32 $0x8900, s5;
	s7 =	sadd.s32 s3, s8;
	s8 =	sand.u32 $0x1FFFFFF0, s9  }
0x189: {  	[tilespmem:s6], [sflag:$0x2] =	stream.linear.gather [hbm4b:s7+s2], $0x80, $0x38;
	[tilespmem:$0x10200] =	vst v63  }
0x18a: {  	s5 =	sadd.s32 $0x8980, s5;
	s6 =	sand.u32 $0xF0, s31;
	s7 =	sadd.s32 s3, s8  }
0x18b: {  	[tilespmem:s5], [sflag:$0x2] =	stream.linear.gather [hbm4b:s7+s2], $0x80, $0x38;
	[tilespmem:$0x10200] =	vst v63  }
0x18c: {  	v0 =	vld [tilespmem:s6+$0x100];
	_ =	sdelay $0x4  }
0x18d: {  	v0 =	vshll.u32 v0, $0x4  }
0x18e: {  	(v2sf) =	vpush v0, $0x0  }
0x18f: {  	(v2sf) =	vpush v0, $0x2  }
0x190: {  	(v2sf) =	vpush v0, $0x1;
	_ =	sdelay $0x1  }
.Ltmp3:
0x191: {  	(v2sf) =	vpush v0, $0x3;
	(pc) =	sbr.rel @p0 .LBB2_8-.Ltmp3, $2  }
0x192: {  	(v2sf) =	vpush v0, $0x4;
	_ =	sdelay $0x2  }
0x193: {  	s31 =	sadd.s32 $0x10, s31  }
0x194: {  	(v2sf) =	vpush v0, $0x5;
	_ =	sdelay $0x1  }
0x195: {  	s1 =	sshra.s32 s1, $0x2;
	(v2sf) =	vpush v0, $0x6  }
0x196: {  	s7 =	sadd.s32 $0x8280, s1;
	s8 =	sadd.s32 $0x8200, s1  }
0x197: {  	s6 =	sadd.s32 $0x8780, s1;
	s5 =	sadd.s32 $0x8800, s1;
	s4 =	sadd.s32 $0x8880, s1;
	(v2sf) =	vpush v0, $0x7  }
0x198: {  	s9 =	sadd.s32 $0x8600, s1;
	s10 =	sadd.s32 $0x8680, s1;
	s11 =	sadd.s32 $0x8700, s1  }
0x199: {  	s12 =	sadd.s32 $0x8500, s1;
	s13 =	sadd.s32 $0x8580, s1;
	s14 =	spop (v2sf);
	(v2sf) =	vpush v0, $0x8  }
0x19a: {  	s15 =	sadd.s32 $0x8300, s1;
	s14 =	sand.u32 $0x1FFFFFF0, s14;
	s16 =	spop (v2sf)  }
0x19b: {  	s17 =	sadd.s32 $0x8480, s1;
	s14 =	sadd.s32 s3, s14;
	s18 =	spop (v2sf);
	(v2sf) =	vpush v0, $0x9  }
0x19c: {  	[tilespmem:s8], [sflag:$0x2] =	stream.linear.gather [hbm4b:s14+s2], $0x80, $0x38;
	[tilespmem:$0x10200] =	vst v63  }
0x19d: {  	s21 =	sand.u32 $0x1FFFFFF0, s16;
	s20 =	sand.u32 $0x1FFFFFF0, s18;
	s22 =	spop (v2sf);
	(v2sf) =	vpush v0, $0xA  }
0x19e: {  	s16 =	sadd.s32 $0x8380, s1;
	s8 =	sadd.s32 s3, s20;
	s19 =	spop (v2sf)  }
0x19f: {  	[tilespmem:s7], [sflag:$0x2] =	stream.linear.gather [hbm4b:s8+s2], $0x80, $0x38;
	(v2sf) =	vpush v0, $0xB;
	[tilespmem:$0x10200] =	vst v63  }
0x1a0: {  	s18 =	sadd.s32 $0x8400, s1;
	s20 =	sadd.s32 s3, s21;
	s21 =	sand.u32 $0x1FFFFFF0, s22  }
0x1a1: {  	(v2sf) =	vpush v0, $0xC;
	[tilespmem:s15], [sflag:$0x2] =	stream.linear.gather [hbm4b:s20+s2], $0x80, $0x38;
	[tilespmem:$0x10200] =	vst v63  }
0x1a2: {  	s22 =	sand.u32 $0x1FFFFFF0, s19;
	s8 =	sadd.s32 s3, s21;
	s19 =	spop (v2sf)  }
0x1a3: {  	[tilespmem:s16], [sflag:$0x2] =	stream.linear.gather [hbm4b:s8+s2], $0x80, $0x38;
	(v2sf) =	vpush v0, $0xD;
	[tilespmem:$0x10200] =	vst v63  }
0x1a4: {  	s20 =	sadd.s32 s3, s22;
	s21 =	sand.u32 $0x1FFFFFF0, s19;
	s22 =	spop (v2sf)  }
0x1a5: {  	(v2sf) =	vpush v0, $0xE;
	[tilespmem:s18], [sflag:$0x2] =	stream.linear.gather [hbm4b:s20+s2], $0x80, $0x38;
	[tilespmem:$0x10200] =	vst v63  }
0x1a6: {  	s8 =	sadd.s32 s3, s21;
	s15 =	sand.u32 $0x1FFFFFF0, s22;
	s16 =	spop (v2sf)  }
0x1a7: {  	(v2sf) =	vpush v0, $0xF;
	[tilespmem:s17], [sflag:$0x2] =	stream.linear.gather [hbm4b:s8+s2], $0x80, $0x38;
	[tilespmem:$0x10200] =	vst v63  }
0x1a8: {  	s18 =	sand.u32 $0x1FFFFFF0, s16;
	s17 =	sadd.s32 s3, s15;
	s19 =	spop (v2sf)  }
0x1a9: {  	[tilespmem:s12], [sflag:$0x2] =	stream.linear.gather [hbm4b:s17+s2], $0x80, $0x38;
	[tilespmem:$0x10200] =	vst v63  }
0x1aa: {  	s20 =	sadd.s32 s3, s18;
	s21 =	sand.u32 $0x1FFFFFF0, s19;
	s22 =	spop (v2sf)  }
0x1ab: {  	[tilespmem:s13], [sflag:$0x2] =	stream.linear.gather [hbm4b:s20+s2], $0x80, $0x38;
	[tilespmem:$0x10200] =	vst v63  }
0x1ac: {  	s14 =	sadd.s32 s3, s21;
	s15 =	sand.u32 $0x1FFFFFF0, s22;
	s16 =	spop (v2sf)  }
0x1ad: {  	[tilespmem:s9], [sflag:$0x2] =	stream.linear.gather [hbm4b:s14+s2], $0x80, $0x38;
	[tilespmem:$0x10200] =	vst v63  }
0x1ae: {  	s17 =	sadd.s32 s3, s15;
	s18 =	sand.u32 $0x1FFFFFF0, s16;
	s19 =	spop (v2sf)  }
0x1af: {  	[tilespmem:s10], [sflag:$0x2] =	stream.linear.gather [hbm4b:s17+s2], $0x80, $0x38;
	[tilespmem:$0x10200] =	vst v63  }
0x1b0: {  	s20 =	sadd.s32 s3, s18;
	s21 =	sand.u32 $0x1FFFFFF0, s19;
	s22 =	spop (v2sf)  }
0x1b1: {  	[tilespmem:s11], [sflag:$0x2] =	stream.linear.gather [hbm4b:s20+s2], $0x80, $0x38;
	[tilespmem:$0x10200] =	vst v63  }
0x1b2: {  	s8 =	sadd.s32 s3, s21;
	s9 =	sand.u32 $0x1FFFFFF0, s22;
	s10 =	spop (v2sf)  }
0x1b3: {  	[tilespmem:s6], [sflag:$0x2] =	stream.linear.gather [hbm4b:s8+s2], $0x80, $0x38;
	[tilespmem:$0x10200] =	vst v63  }
0x1b4: {  	s11 =	sadd.s32 s3, s9;
	s12 =	sand.u32 $0x1FFFFFF0, s10;
	s13 =	spop (v2sf)  }
0x1b5: {  	[tilespmem:s5], [sflag:$0x2] =	stream.linear.gather [hbm4b:s11+s2], $0x80, $0x38;
	[tilespmem:$0x10200] =	vst v63  }
0x1b6: {  	s14 =	sadd.s32 s3, s12;
	s15 =	sand.u32 $0x1FFFFFF0, s13;
	s16 =	spop (v2sf)  }
0x1b7: {  	[tilespmem:s4], [sflag:$0x2] =	stream.linear.gather [hbm4b:s14+s2], $0x80, $0x38;
	[tilespmem:$0x10200] =	vst v63  }
0x1b8: {  	s17 =	sadd.s32 $0x8900, s1;
	s18 =	sadd.s32 s3, s15;
	s19 =	sand.u32 $0x1FFFFFF0, s16  }
0x1b9: {  	[tilespmem:s17], [sflag:$0x2] =	stream.linear.gather [hbm4b:s18+s2], $0x80, $0x38;
	[tilespmem:$0x10200] =	vst v63  }
0x1ba: {  	s1 =	sadd.s32 $0x8980, s1;
	s20 =	sadd.s32 s3, s19  }
0x1bb: {  	[tilespmem:s1], [sflag:$0x2] =	stream.linear.gather [hbm4b:s20+s2], $0x80, $0x38;
	[tilespmem:$0x10200] =	vst v63  }
0x1bc: {  	_ =	swait.ge [sflag:s25], $0x8000  }
0x1bd: {  	[sflag:s25] =	ssyncset.done $0x0  }
0x1be: {  	s31 =	simm.s32 $0x0;
	s21 =	rddreg [dreg:$0xd];
	[sflag:s25] =	ssyncadd.s32 $0xFFFF8000  }
0x1bf: {  	[hbm4b:s21+s31] =	stream.linear.scatter [tilespmem:s26], [sflag:$0x3], $0x8000, $0x38;
	[tilespmem:$0x10200] =	vst v63  }
0x1c0: {  	_ =	swait.ge [sflag:s24], $0x8000  }
0x1c1: {  	[sflag:s24] =	ssyncset.done $0x0  }
0x1c2: {  	s22 =	rddreg [dreg:$0xe];
	[sflag:s24] =	ssyncadd.s32 $0xFFFF8000  }
0x1c3: {  	[tilespmem:s31], [sflag:$0x3] =	stream.linear.gather [hbm4b:s22+s31], $0x200, $0x38;
	[tilespmem:$0x10200] =	vst v63  }
0x1c4: {  	_ =	swait.ge [sflag:s24], $0x200  }
0x1c5: {  	[sflag:s24] =	ssyncset.done $0x0  }
0x1c6: {  	[sflag:s24] =	ssyncadd.s32 $0xFFFFFE00  }
0x1c7: {  	v0 =	vld [tilespmem:s31+$0x0];
	_ =	sdelay $0x4  }
0x1c8: {  	v0 =	vshll.u32 v0, $0x4  }
0x1c9: {  	(v2sf) =	vpush v0, $0x0  }
0x1ca: {  	(v2sf) =	vpush v0, $0x1  }
0x1cb: {  	(v2sf) =	vpush v0, $0x2;
	_ =	sdelay $0x1  }
0x1cc: {  	(v2sf) =	vpush v0, $0x4;
	_ =	sdelay $0x1  }
0x1cd: {  	(v2sf) =	vpush v0, $0x3  }
0x1ce: {  	(v2sf) =	vpush v0, $0x5  }
0x1cf: {  	s4 =	simm.s32 $0x2000;
	s1 =	simm.s32 $0x0;
	(v2sf) =	vpush v0, $0x6  }
.LBB2_10:
0x1d0: {  	p0 =	sne.s32 s4, $0x1E000  }
0x1d1: {  	s14 =	sadd.s32 $0x280, s1;
	s8 =	sadd.s32 $0x780, s1;
	s5 =	smov.u32 s4  }
0x1d2: {  	s4 =	sadd.s32 $0x2000, s4;
	s11 =	sadd.s32 $0x580, s1;
	s6 =	sadd.s32 $0x800, s1;
	(v2sf) =	vpush v0, $0x7  }
0x1d3: {  	s13 =	sadd.s32 $0x480, s1;
	s10 =	sadd.s32 $0x600, s1;
	s7 =	sadd.s32 $0x880, s1  }
0x1d4: {  	s15 =	sadd.s32 $0x200, s1;
	s16 =	sadd.s32 $0x400, s1;
	(v2sf) =	vpush v0, $0x8  }
0x1d5: {  	s17 =	sadd.s32 $0x500, s1;
	s31 =	sadd.s32 $0x10, s31  }
0x1d6: {  	s18 =	sadd.s32 $0x300, s1;
	s9 =	sadd.s32 $0x700, s1;
	s12 =	spop (v2sf);
	(v2sf) =	vpush v0, $0x9  }
0x1d7: {  	s19 =	sand.u32 $0x1FFFFFF0, s12;
	s12 =	sadd.s32 $0x680, s1;
	s20 =	spop (v2sf)  }
0x1d8: {  	s19 =	sadd.s32 s3, s19;
	s20 =	sand.u32 $0x1FFFFFF0, s20;
	s21 =	spop (v2sf);
	(v2sf) =	vpush v0, $0xA  }
0x1d9: {  	[tilespmem:s15], [sflag:$0x1] =	stream.linear.gather [hbm4b:s19+s2], $0x80, $0x38;
	[tilespmem:$0x10200] =	vst v63  }
0x1da: {  	s15 =	sadd.s32 s3, s20;
	s19 =	sadd.s32 $0x380, s1;
	s20 =	spop (v2sf);
	(v2sf) =	vpush v0, $0xB  }
0x1db: {  	[tilespmem:s14], [sflag:$0x1] =	stream.linear.gather [hbm4b:s15+s2], $0x80, $0x38;
	[tilespmem:$0x10200] =	vst v63  }
0x1dc: {  	s14 =	sand.u32 $0x1FFFFFF0, s21;
	s15 =	sand.u32 $0x1FFFFFF0, s20;
	s20 =	spop (v2sf);
	(v2sf) =	vpush v0, $0xC  }
0x1dd: {  	s14 =	sadd.s32 s3, s14;
	s20 =	sand.u32 $0x1FFFFFF0, s20;
	s21 =	spop (v2sf)  }
0x1de: {  	[tilespmem:s18], [sflag:$0x1] =	stream.linear.gather [hbm4b:s14+s2], $0x80, $0x38;
	(v2sf) =	vpush v0, $0xD;
	[tilespmem:$0x10200] =	vst v63  }
0x1df: {  	s14 =	sadd.s32 s3, s20;
	s18 =	sand.u32 $0x1FFFFFF0, s21;
	s20 =	spop (v2sf)  }
0x1e0: {  	[tilespmem:s19], [sflag:$0x1] =	stream.linear.gather [hbm4b:s14+s2], $0x80, $0x38;
	(v2sf) =	vpush v0, $0xE;
	[tilespmem:$0x10200] =	vst v63  }
0x1e1: {  	s14 =	sadd.s32 s3, s15;
	s15 =	sand.u32 $0x1FFFFFF0, s20;
	s19 =	spop (v2sf)  }
0x1e2: {  	[tilespmem:s16], [sflag:$0x1] =	stream.linear.gather [hbm4b:s14+s2], $0x80, $0x38;
	(v2sf) =	vpush v0, $0xF;
	[tilespmem:$0x10200] =	vst v63  }
0x1e3: {  	s14 =	sadd.s32 s3, s18;
	s16 =	sand.u32 $0x1FFFFFF0, s19;
	s18 =	spop (v2sf)  }
0x1e4: {  	[tilespmem:s13], [sflag:$0x1] =	stream.linear.gather [hbm4b:s14+s2], $0x80, $0x38;
	[tilespmem:$0x10200] =	vst v63  }
0x1e5: {  	s13 =	sadd.s32 s3, s15;
	s14 =	sand.u32 $0x1FFFFFF0, s18;
	s15 =	spop (v2sf)  }
0x1e6: {  	[tilespmem:s17], [sflag:$0x1] =	stream.linear.gather [hbm4b:s13+s2], $0x80, $0x38;
	[tilespmem:$0x10200] =	vst v63  }
0x1e7: {  	s13 =	sadd.s32 s3, s16;
	s15 =	sand.u32 $0x1FFFFFF0, s15;
	s16 =	spop (v2sf)  }
0x1e8: {  	[tilespmem:s11], [sflag:$0x1] =	stream.linear.gather [hbm4b:s13+s2], $0x80, $0x38;
	[tilespmem:$0x10200] =	vst v63  }
0x1e9: {  	s11 =	sadd.s32 s3, s14;
	s13 =	sand.u32 $0x1FFFFFF0, s16;
	s14 =	spop (v2sf)  }
0x1ea: {  	[tilespmem:s10], [sflag:$0x1] =	stream.linear.gather [hbm4b:s11+s2], $0x80, $0x38;
	[tilespmem:$0x10200] =	vst v63  }
0x1eb: {  	s10 =	sadd.s32 s3, s15;
	s11 =	sand.u32 $0x1FFFFFF0, s14;
	s14 =	spop (v2sf)  }
0x1ec: {  	[tilespmem:s12], [sflag:$0x1] =	stream.linear.gather [hbm4b:s10+s2], $0x80, $0x38;
	[tilespmem:$0x10200] =	vst v63  }
0x1ed: {  	s10 =	sadd.s32 s3, s13;
	s12 =	sand.u32 $0x1FFFFFF0, s14;
	s13 =	spop (v2sf)  }
0x1ee: {  	[tilespmem:s9], [sflag:$0x1] =	stream.linear.gather [hbm4b:s10+s2], $0x80, $0x38;
	[tilespmem:$0x10200] =	vst v63  }
0x1ef: {  	s9 =	sadd.s32 s3, s11;
	s10 =	sand.u32 $0x1FFFFFF0, s13;
	s11 =	spop (v2sf)  }
0x1f0: {  	[tilespmem:s8], [sflag:$0x1] =	stream.linear.gather [hbm4b:s9+s2], $0x80, $0x38;
	[tilespmem:$0x10200] =	vst v63  }
0x1f1: {  	s8 =	sadd.s32 s3, s12;
	s9 =	sand.u32 $0x1FFFFFF0, s11;
	s11 =	spop (v2sf)  }
0x1f2: {  	[tilespmem:s6], [sflag:$0x1] =	stream.linear.gather [hbm4b:s8+s2], $0x80, $0x38;
	[tilespmem:$0x10200] =	vst v63  }
0x1f3: {  	s6 =	sadd.s32 s3, s10;
	s8 =	sand.u32 $0x1FFFFFF0, s11  }
0x1f4: {  	[tilespmem:s7], [sflag:$0x1] =	stream.linear.gather [hbm4b:s6+s2], $0x80, $0x38;
	[tilespmem:$0x10200] =	vst v63  }
0x1f5: {  	s6 =	sadd.s32 $0x900, s1;
	s7 =	sadd.s32 s3, s9  }
0x1f6: {  	[tilespmem:s6], [sflag:$0x1] =	stream.linear.gather [hbm4b:s7+s2], $0x80, $0x38;
	[tilespmem:$0x10200] =	vst v63  }
0x1f7: {  	s1 =	sadd.s32 $0x980, s1;
	s6 =	sadd.s32 s3, s8  }
0x1f8: {  	[tilespmem:s1], [sflag:$0x1] =	stream.linear.gather [hbm4b:s6+s2], $0x80, $0x38;
	[tilespmem:$0x10200] =	vst v63  }
0x1f9: {  	v0 =	vld [tilespmem:s31+$0x0];
	_ =	sdelay $0x4  }
0x1fa: {  	v0 =	vshll.u32 v0, $0x4  }
0x1fb: {  	(v2sf) =	vpush v0, $0x0  }
0x1fc: {  	(v2sf) =	vpush v0, $0x1  }
0x1fd: {  	(v2sf) =	vpush v0, $0x2;
	_ =	sdelay $0x1  }
0x1fe: {  	(v2sf) =	vpush v0, $0x4  }
.Ltmp4:
0x1ff: {  	(pc) =	sbr.rel @p0 .LBB2_10-.Ltmp4, $3  }
0x200: {  	(v2sf) =	vpush v0, $0x3  }
0x201: {  	(v2sf) =	vpush v0, $0x5;
	_ =	sdelay $0x1  }
0x202: {  	s1 =	sshra.s32 s5, $0x2;
	(v2sf) =	vpush v0, $0x6  }
0x203: {  	_ =	sdelay $0x1  }
0x204: {  	s7 =	sadd.s32 $0x280, s1;
	s6 =	sadd.s32 $0x780, s1  }
0x205: {  	s8 =	sadd.s32 $0x580, s1;
	s4 =	sadd.s32 $0x800, s1;
	(v2sf) =	vpush v0, $0x7;
	s9 =	sadd.s32 $0x480, s1  }
0x206: {  	s10 =	sadd.s32 $0x600, s1;
	s5 =	sadd.s32 $0x880, s1;
	s11 =	sadd.s32 $0x200, s1  }
0x207: {  	s12 =	sadd.s32 $0x400, s1;
	s13 =	sadd.s32 $0x500, s1;
	(v2sf) =	vpush v0, $0x8;
	s14 =	spop (v2sf)  }
0x208: {  	s15 =	sadd.s32 $0x300, s1;
	s14 =	sand.u32 $0x1FFFFFF0, s14;
	s16 =	spop (v2sf)  }
0x209: {  	(v2sf) =	vpush v0, $0x9;
	s14 =	sadd.s32 s3, s14;
	s16 =	sand.u32 $0x1FFFFFF0, s16;
	s17 =	spop (v2sf)  }
0x20a: {  	[tilespmem:s11], [sflag:$0x1] =	stream.linear.gather [hbm4b:s14+s2], $0x80, $0x38;
	[tilespmem:$0x10200] =	vst v63  }
0x20b: {  	s18 =	sadd.s32 $0x380, s1;
	(v2sf) =	vpush v0, $0xA;
	s21 =	sadd.s32 s3, s16;
	s22 =	spop (v2sf)  }
0x20c: {  	[tilespmem:s7], [sflag:$0x1] =	stream.linear.gather [hbm4b:s21+s2], $0x80, $0x38;
	[tilespmem:$0x10200] =	vst v63  }
0x20d: {  	s11 =	sadd.s32 $0x700, s1;
	s19 =	sand.u32 $0x1FFFFFF0, s17;
	(v2sf) =	vpush v0, $0xB;
	s20 =	spop (v2sf)  }
0x20e: {  	s14 =	sadd.s32 s3, s19;
	s7 =	sadd.s32 $0x680, s1;
	s17 =	sand.u32 $0x1FFFFFF0, s20  }
0x20f: {  	(v2sf) =	vpush v0, $0xC;
	[tilespmem:s15], [sflag:$0x1] =	stream.linear.gather [hbm4b:s14+s2], $0x80, $0x38;
	[tilespmem:$0x10200] =	vst v63  }
0x210: {  	s21 =	sand.u32 $0x1FFFFFF0, s22;
	s22 =	spop (v2sf);
	s19 =	sadd.s32 s3, s17  }
0x211: {  	(v2sf) =	vpush v0, $0xD;
	[tilespmem:s18], [sflag:$0x1] =	stream.linear.gather [hbm4b:s19+s2], $0x80, $0x38;
	[tilespmem:$0x10200] =	vst v63  }
0x212: {  	s14 =	sadd.s32 s3, s21;
	s15 =	sand.u32 $0x1FFFFFF0, s22;
	s20 =	spop (v2sf)  }
0x213: {  	(v2sf) =	vpush v0, $0xE;
	[tilespmem:s12], [sflag:$0x1] =	stream.linear.gather [hbm4b:s14+s2], $0x80, $0x38;
	[tilespmem:$0x10200] =	vst v63  }
0x214: {  	s15 =	sadd.s32 s3, s15;
	s21 =	sand.u32 $0x1FFFFFF0, s20;
	s22 =	spop (v2sf)  }
0x215: {  	(v2sf) =	vpush v0, $0xF;
	[tilespmem:s9], [sflag:$0x1] =	stream.linear.gather [hbm4b:s15+s2], $0x80, $0x38;
	[tilespmem:$0x10200] =	vst v63  }
0x216: {  	s16 =	spop (v2sf);
	s12 =	sadd.s32 s3, s21;
	s15 =	sand.u32 $0x1FFFFFF0, s22  }
0x217: {  	[tilespmem:s13], [sflag:$0x1] =	stream.linear.gather [hbm4b:s12+s2], $0x80, $0x38;
	[tilespmem:$0x10200] =	vst v63  }
0x218: {  	s17 =	sand.u32 $0x1FFFFFF0, s16;
	s9 =	sadd.s32 s3, s15;
	s18 =	spop (v2sf)  }
0x219: {  	[tilespmem:s8], [sflag:$0x1] =	stream.linear.gather [hbm4b:s9+s2], $0x80, $0x38;
	[tilespmem:$0x10200] =	vst v63  }
0x21a: {  	s12 =	sadd.s32 s3, s17;
	s19 =	sand.u32 $0x1FFFFFF0, s18;
	s20 =	spop (v2sf)  }
0x21b: {  	[tilespmem:s10], [sflag:$0x1] =	stream.linear.gather [hbm4b:s12+s2], $0x80, $0x38;
	[tilespmem:$0x10200] =	vst v63  }
0x21c: {  	s9 =	sand.u32 $0x1FFFFFF0, s20;
	s8 =	sadd.s32 s3, s19;
	s21 =	spop (v2sf)  }
0x21d: {  	[tilespmem:s7], [sflag:$0x1] =	stream.linear.gather [hbm4b:s8+s2], $0x80, $0x38;
	[tilespmem:$0x10200] =	vst v63  }
0x21e: {  	s9 =	sadd.s32 s3, s9;
	s22 =	sand.u32 $0x1FFFFFF0, s21;
	s10 =	spop (v2sf)  }
0x21f: {  	[tilespmem:s11], [sflag:$0x1] =	stream.linear.gather [hbm4b:s9+s2], $0x80, $0x38;
	[tilespmem:$0x10200] =	vst v63  }
0x220: {  	s7 =	sadd.s32 s3, s22;
	s8 =	sand.u32 $0x1FFFFFF0, s10;
	s12 =	spop (v2sf)  }
0x221: {  	[tilespmem:s6], [sflag:$0x1] =	stream.linear.gather [hbm4b:s7+s2], $0x80, $0x38;
	[tilespmem:$0x10200] =	vst v63  }
0x222: {  	s13 =	sand.u32 $0x1FFFFFF0, s12;
	s8 =	sadd.s32 s3, s8;
	s14 =	spop (v2sf)  }
0x223: {  	[tilespmem:s4], [sflag:$0x1] =	stream.linear.gather [hbm4b:s8+s2], $0x80, $0x38;
	[tilespmem:$0x10200] =	vst v63  }
0x224: {  	s15 =	sand.u32 $0x1FFFFFF0, s14;
	s16 =	spop (v2sf);
	s6 =	sadd.s32 s3, s13  }
0x225: {  	[tilespmem:s5], [sflag:$0x1] =	stream.linear.gather [hbm4b:s6+s2], $0x80, $0x38;
	[tilespmem:$0x10200] =	vst v63  }
0x226: {  	s18 =	sadd.s32 $0x900, s1;
	s17 =	sand.u32 $0x1FFFFFF0, s16;
	s4 =	sadd.s32 s3, s15  }
0x227: {  	[tilespmem:s18], [sflag:$0x1] =	stream.linear.gather [hbm4b:s4+s2], $0x80, $0x38;
	[tilespmem:$0x10200] =	vst v63  }
0x228: {  	s19 =	sadd.s32 $0x980, s1;
	s20 =	sadd.s32 s3, s17  }
0x229: {  	[tilespmem:s19], [sflag:$0x1] =	stream.linear.gather [hbm4b:s20+s2], $0x80, $0x38;
	[tilespmem:$0x10200] =	vst v63  }
0x22a: {  	_ =	swait.ge [sflag:s28], $0x8000  }
0x22b: {  	[sflag:s28] =	ssyncset.done $0x0  }
0x22c: {  	s1 =	simm.s32 $0x0;
	s21 =	rddreg [dreg:$0xf];
	[sflag:s28] =	ssyncadd.s32 $0xFFFF8000  }
0x22d: {  	[hbm4b:s21+s1] =	stream.linear.scatter [tilespmem:s29], [sflag:$0x3], $0x8000, $0x38;
	[tilespmem:$0x10200] =	vst v63  }
0x22e: {  	_ =	swait.ge [sflag:s24], $0x8000  }
0x22f: {  	[sflag:s24] =	ssyncset.done $0x0  }
0x230: {  	s22 =	sand.u32 $0xF0, s1;
	[sflag:s24] =	ssyncadd.s32 $0xFFFF8000  }
0x231: {  	v0 =	vld [tilespmem:s22+$0x100];
	_ =	sdelay $0x4  }
0x232: {  	v0 =	vshll.u32 v0, $0x4  }
0x233: {  	(v2sf) =	vpush v0, $0x0  }
0x234: {  	(v2sf) =	vpush v0, $0x2  }
0x235: {  	(v2sf) =	vpush v0, $0x1;
	_ =	sdelay $0x1  }
0x236: {  	(v2sf) =	vpush v0, $0x3  }
0x237: {  	(v2sf) =	vpush v0, $0x4;
	_ =	sdelay $0x2  }
0x238: {  	s31 =	simm.s32 $0x10;
	s4 =	simm.s32 $0x2000  }
.LBB2_12:
0x239: {  	p0 =	sne.s32 s4, $0x1E000;
	(v2sf) =	vpush v0, $0x5;
	s6 =	smov.u32 s4;
	s4 =	sadd.s32 $0x2000, s4  }
0x23a: {  	s5 =	sshra.s32 s1, $0x2;
	s1 =	smov.u32 s6  }
0x23b: {  	s13 =	sadd.s32 $0x8280, s5;
	(v2sf) =	vpush v0, $0x6  }
0x23c: {  	s14 =	sadd.s32 $0x8200, s5  }
0x23d: {  	s8 =	sadd.s32 $0x8780, s5;
	s7 =	sadd.s32 $0x8800, s5;
	s6 =	sadd.s32 $0x8880, s5;
	(v2sf) =	vpush v0, $0x7  }
0x23e: {  	s11 =	sadd.s32 $0x8600, s5;
	s10 =	sadd.s32 $0x8680, s5;
	s9 =	sadd.s32 $0x8700, s5  }
0x23f: {  	s15 =	sadd.s32 $0x8500, s5;
	s12 =	sadd.s32 $0x8580, s5;
	s16 =	spop (v2sf);
	(v2sf) =	vpush v0, $0x8  }
0x240: {  	s17 =	sadd.s32 $0x8300, s5;
	s16 =	sand.u32 $0x1FFFFFF0, s16;
	s18 =	spop (v2sf)  }
0x241: {  	s19 =	sadd.s32 $0x8480, s5;
	s16 =	sadd.s32 s3, s16;
	s20 =	spop (v2sf);
	(v2sf) =	vpush v0, $0x9  }
0x242: {  	[tilespmem:s14], [sflag:$0x2] =	stream.linear.gather [hbm4b:s16+s2], $0x80, $0x38;
	[tilespmem:$0x10200] =	vst v63  }
0x243: {  	s14 =	sand.u32 $0x1FFFFFF0, s20;
	s16 =	sand.u32 $0x1FFFFFF0, s18;
	s18 =	spop (v2sf);
	(v2sf) =	vpush v0, $0xA  }
0x244: {  	s20 =	sadd.s32 $0x8400, s5;
	s14 =	sadd.s32 s3, s14;
	s21 =	spop (v2sf)  }
0x245: {  	[tilespmem:s13], [sflag:$0x2] =	stream.linear.gather [hbm4b:s14+s2], $0x80, $0x38;
	(v2sf) =	vpush v0, $0xB;
	[tilespmem:$0x10200] =	vst v63  }
0x246: {  	s13 =	sadd.s32 s3, s16;
	s14 =	sand.u32 $0x1FFFFFF0, s18;
	s16 =	sand.u32 $0x1FFFFFF0, s21  }
0x247: {  	[tilespmem:s17], [sflag:$0x2] =	stream.linear.gather [hbm4b:s13+s2], $0x80, $0x38;
	(v2sf) =	vpush v0, $0xC;
	[tilespmem:$0x10200] =	vst v63  }
0x248: {  	s14 =	sadd.s32 s3, s14;
	s13 =	sadd.s32 $0x8380, s5;
	s17 =	spop (v2sf)  }
0x249: {  	[tilespmem:s13], [sflag:$0x2] =	stream.linear.gather [hbm4b:s14+s2], $0x80, $0x38;
	(v2sf) =	vpush v0, $0xD;
	[tilespmem:$0x10200] =	vst v63  }
0x24a: {  	s13 =	sadd.s32 s3, s16;
	s14 =	sand.u32 $0x1FFFFFF0, s17;
	s16 =	spop (v2sf)  }
0x24b: {  	[tilespmem:s20], [sflag:$0x2] =	stream.linear.gather [hbm4b:s13+s2], $0x80, $0x38;
	(v2sf) =	vpush v0, $0xE;
	[tilespmem:$0x10200] =	vst v63  }
0x24c: {  	s13 =	sadd.s32 s3, s14;
	s14 =	sand.u32 $0x1FFFFFF0, s16;
	s16 =	spop (v2sf)  }
0x24d: {  	[tilespmem:s19], [sflag:$0x2] =	stream.linear.gather [hbm4b:s13+s2], $0x80, $0x38;
	(v2sf) =	vpush v0, $0xF;
	[tilespmem:$0x10200] =	vst v63  }
0x24e: {  	s13 =	sadd.s32 s3, s14;
	s14 =	sand.u32 $0x1FFFFFF0, s16;
	s16 =	spop (v2sf)  }
0x24f: {  	[tilespmem:s15], [sflag:$0x2] =	stream.linear.gather [hbm4b:s13+s2], $0x80, $0x38;
	[tilespmem:$0x10200] =	vst v63  }
0x250: {  	s13 =	sadd.s32 s3, s14;
	s14 =	sand.u32 $0x1FFFFFF0, s16;
	s15 =	spop (v2sf)  }
0x251: {  	[tilespmem:s12], [sflag:$0x2] =	stream.linear.gather [hbm4b:s13+s2], $0x80, $0x38;
	[tilespmem:$0x10200] =	vst v63  }
0x252: {  	s12 =	sadd.s32 s3, s14;
	s13 =	sand.u32 $0x1FFFFFF0, s15;
	s14 =	spop (v2sf)  }
0x253: {  	[tilespmem:s11], [sflag:$0x2] =	stream.linear.gather [hbm4b:s12+s2], $0x80, $0x38;
	[tilespmem:$0x10200] =	vst v63  }
0x254: {  	s11 =	sadd.s32 s3, s13;
	s12 =	sand.u32 $0x1FFFFFF0, s14;
	s13 =	spop (v2sf)  }
0x255: {  	[tilespmem:s10], [sflag:$0x2] =	stream.linear.gather [hbm4b:s11+s2], $0x80, $0x38;
	[tilespmem:$0x10200] =	vst v63  }
0x256: {  	s10 =	sadd.s32 s3, s12;
	s11 =	sand.u32 $0x1FFFFFF0, s13;
	s12 =	spop (v2sf)  }
0x257: {  	[tilespmem:s9], [sflag:$0x2] =	stream.linear.gather [hbm4b:s10+s2], $0x80, $0x38;
	[tilespmem:$0x10200] =	vst v63  }
0x258: {  	s9 =	sadd.s32 s3, s11;
	s10 =	sand.u32 $0x1FFFFFF0, s12;
	s11 =	spop (v2sf)  }
0x259: {  	[tilespmem:s8], [sflag:$0x2] =	stream.linear.gather [hbm4b:s9+s2], $0x80, $0x38;
	[tilespmem:$0x10200] =	vst v63  }
0x25a: {  	s8 =	sadd.s32 s3, s10;
	s9 =	sand.u32 $0x1FFFFFF0, s11;
	s10 =	spop (v2sf)  }
0x25b: {  	[tilespmem:s7], [sflag:$0x2] =	stream.linear.gather [hbm4b:s8+s2], $0x80, $0x38;
	[tilespmem:$0x10200] =	vst v63  }
0x25c: {  	s7 =	sadd.s32 s3, s9;
	s8 =	sand.u32 $0x1FFFFFF0, s10;
	s9 =	spop (v2sf)  }
0x25d: {  	[tilespmem:s6], [sflag:$0x2] =	stream.linear.gather [hbm4b:s7+s2], $0x80, $0x38;
	[tilespmem:$0x10200] =	vst v63  }
0x25e: {  	s6 =	sadd.s32 $0x8900, s5;
	s7 =	sadd.s32 s3, s8;
	s8 =	sand.u32 $0x1FFFFFF0, s9  }
0x25f: {  	[tilespmem:s6], [sflag:$0x2] =	stream.linear.gather [hbm4b:s7+s2], $0x80, $0x38;
	[tilespmem:$0x10200] =	vst v63  }
0x260: {  	s5 =	sadd.s32 $0x8980, s5;
	s6 =	sand.u32 $0xF0, s31;
	s7 =	sadd.s32 s3, s8  }
0x261: {  	[tilespmem:s5], [sflag:$0x2] =	stream.linear.gather [hbm4b:s7+s2], $0x80, $0x38;
	[tilespmem:$0x10200] =	vst v63  }
0x262: {  	v0 =	vld [tilespmem:s6+$0x100];
	_ =	sdelay $0x4  }
0x263: {  	v0 =	vshll.u32 v0, $0x4  }
0x264: {  	(v2sf) =	vpush v0, $0x0  }
0x265: {  	(v2sf) =	vpush v0, $0x2  }
0x266: {  	(v2sf) =	vpush v0, $0x1;
	_ =	sdelay $0x1  }
.Ltmp5:
0x267: {  	(v2sf) =	vpush v0, $0x3;
	(pc) =	sbr.rel @p0 .LBB2_12-.Ltmp5, $2  }
0x268: {  	(v2sf) =	vpush v0, $0x4;
	_ =	sdelay $0x2  }
0x269: {  	s31 =	sadd.s32 $0x10, s31  }
0x26a: {  	(v2sf) =	vpush v0, $0x5;
	_ =	sdelay $0x1  }
0x26b: {  	s1 =	sshra.s32 s1, $0x2;
	(v2sf) =	vpush v0, $0x6  }
0x26c: {  	s7 =	sadd.s32 $0x8280, s1;
	s8 =	sadd.s32 $0x8200, s1  }
0x26d: {  	s6 =	sadd.s32 $0x8780, s1;
	s5 =	sadd.s32 $0x8800, s1;
	s4 =	sadd.s32 $0x8880, s1;
	(v2sf) =	vpush v0, $0x7  }
0x26e: {  	s9 =	sadd.s32 $0x8600, s1;
	s10 =	sadd.s32 $0x8680, s1;
	s11 =	sadd.s32 $0x8700, s1  }
0x26f: {  	s12 =	sadd.s32 $0x8500, s1;
	s13 =	sadd.s32 $0x8580, s1;
	s14 =	spop (v2sf);
	(v2sf) =	vpush v0, $0x8  }
0x270: {  	s15 =	sadd.s32 $0x8300, s1;
	s14 =	sand.u32 $0x1FFFFFF0, s14;
	s16 =	spop (v2sf)  }
0x271: {  	s17 =	sadd.s32 $0x8480, s1;
	s14 =	sadd.s32 s3, s14;
	s18 =	spop (v2sf);
	(v2sf) =	vpush v0, $0x9  }
0x272: {  	[tilespmem:s8], [sflag:$0x2] =	stream.linear.gather [hbm4b:s14+s2], $0x80, $0x38;
	[tilespmem:$0x10200] =	vst v63  }
0x273: {  	s21 =	sand.u32 $0x1FFFFFF0, s16;
	s20 =	sand.u32 $0x1FFFFFF0, s18;
	s22 =	spop (v2sf);
	(v2sf) =	vpush v0, $0xA  }
0x274: {  	s16 =	sadd.s32 $0x8380, s1;
	s8 =	sadd.s32 s3, s20;
	s19 =	spop (v2sf)  }
0x275: {  	[tilespmem:s7], [sflag:$0x2] =	stream.linear.gather [hbm4b:s8+s2], $0x80, $0x38;
	(v2sf) =	vpush v0, $0xB;
	[tilespmem:$0x10200] =	vst v63  }
0x276: {  	s18 =	sadd.s32 $0x8400, s1;
	s20 =	sadd.s32 s3, s21;
	s21 =	sand.u32 $0x1FFFFFF0, s22  }
0x277: {  	(v2sf) =	vpush v0, $0xC;
	[tilespmem:s15], [sflag:$0x2] =	stream.linear.gather [hbm4b:s20+s2], $0x80, $0x38;
	[tilespmem:$0x10200] =	vst v63  }
0x278: {  	s22 =	sand.u32 $0x1FFFFFF0, s19;
	s8 =	sadd.s32 s3, s21;
	s19 =	spop (v2sf)  }
0x279: {  	[tilespmem:s16], [sflag:$0x2] =	stream.linear.gather [hbm4b:s8+s2], $0x80, $0x38;
	(v2sf) =	vpush v0, $0xD;
	[tilespmem:$0x10200] =	vst v63  }
0x27a: {  	s20 =	sadd.s32 s3, s22;
	s21 =	sand.u32 $0x1FFFFFF0, s19;
	s22 =	spop (v2sf)  }
0x27b: {  	(v2sf) =	vpush v0, $0xE;
	[tilespmem:s18], [sflag:$0x2] =	stream.linear.gather [hbm4b:s20+s2], $0x80, $0x38;
	[tilespmem:$0x10200] =	vst v63  }
0x27c: {  	s8 =	sadd.s32 s3, s21;
	s15 =	sand.u32 $0x1FFFFFF0, s22;
	s16 =	spop (v2sf)  }
0x27d: {  	(v2sf) =	vpush v0, $0xF;
	[tilespmem:s17], [sflag:$0x2] =	stream.linear.gather [hbm4b:s8+s2], $0x80, $0x38;
	[tilespmem:$0x10200] =	vst v63  }
0x27e: {  	s18 =	sand.u32 $0x1FFFFFF0, s16;
	s17 =	sadd.s32 s3, s15;
	s19 =	spop (v2sf)  }
0x27f: {  	[tilespmem:s12], [sflag:$0x2] =	stream.linear.gather [hbm4b:s17+s2], $0x80, $0x38;
	[tilespmem:$0x10200] =	vst v63  }
0x280: {  	s20 =	sadd.s32 s3, s18;
	s21 =	sand.u32 $0x1FFFFFF0, s19;
	s22 =	spop (v2sf)  }
0x281: {  	[tilespmem:s13], [sflag:$0x2] =	stream.linear.gather [hbm4b:s20+s2], $0x80, $0x38;
	[tilespmem:$0x10200] =	vst v63  }
0x282: {  	s14 =	sadd.s32 s3, s21;
	s15 =	sand.u32 $0x1FFFFFF0, s22;
	s16 =	spop (v2sf)  }
0x283: {  	[tilespmem:s9], [sflag:$0x2] =	stream.linear.gather [hbm4b:s14+s2], $0x80, $0x38;
	[tilespmem:$0x10200] =	vst v63  }
0x284: {  	s17 =	sadd.s32 s3, s15;
	s18 =	sand.u32 $0x1FFFFFF0, s16;
	s19 =	spop (v2sf)  }
0x285: {  	[tilespmem:s10], [sflag:$0x2] =	stream.linear.gather [hbm4b:s17+s2], $0x80, $0x38;
	[tilespmem:$0x10200] =	vst v63  }
0x286: {  	s20 =	sadd.s32 s3, s18;
	s21 =	sand.u32 $0x1FFFFFF0, s19;
	s22 =	spop (v2sf)  }
0x287: {  	[tilespmem:s11], [sflag:$0x2] =	stream.linear.gather [hbm4b:s20+s2], $0x80, $0x38;
	[tilespmem:$0x10200] =	vst v63  }
0x288: {  	s8 =	sadd.s32 s3, s21;
	s9 =	sand.u32 $0x1FFFFFF0, s22;
	s10 =	spop (v2sf)  }
0x289: {  	[tilespmem:s6], [sflag:$0x2] =	stream.linear.gather [hbm4b:s8+s2], $0x80, $0x38;
	[tilespmem:$0x10200] =	vst v63  }
0x28a: {  	s11 =	sadd.s32 s3, s9;
	s12 =	sand.u32 $0x1FFFFFF0, s10;
	s13 =	spop (v2sf)  }
0x28b: {  	[tilespmem:s5], [sflag:$0x2] =	stream.linear.gather [hbm4b:s11+s2], $0x80, $0x38;
	[tilespmem:$0x10200] =	vst v63  }
0x28c: {  	s14 =	sadd.s32 s3, s12;
	s15 =	sand.u32 $0x1FFFFFF0, s13;
	s16 =	spop (v2sf)  }
0x28d: {  	[tilespmem:s4], [sflag:$0x2] =	stream.linear.gather [hbm4b:s14+s2], $0x80, $0x38;
	[tilespmem:$0x10200] =	vst v63  }
0x28e: {  	s17 =	sadd.s32 $0x8900, s1;
	s18 =	sadd.s32 s3, s15;
	s19 =	sand.u32 $0x1FFFFFF0, s16  }
0x28f: {  	[tilespmem:s17], [sflag:$0x2] =	stream.linear.gather [hbm4b:s18+s2], $0x80, $0x38;
	[tilespmem:$0x10200] =	vst v63  }
0x290: {  	s1 =	sadd.s32 $0x8980, s1;
	s20 =	sadd.s32 s3, s19  }
0x291: {  	[tilespmem:s1], [sflag:$0x2] =	stream.linear.gather [hbm4b:s20+s2], $0x80, $0x38;
	[tilespmem:$0x10200] =	vst v63  }
0x292: {  	_ =	swait.ge [sflag:s25], $0x8000  }
0x293: {  	[sflag:s25] =	ssyncset.done $0x0  }
0x294: {  	s31 =	simm.s32 $0x0;
	s21 =	rddreg [dreg:$0x10];
	[sflag:s25] =	ssyncadd.s32 $0xFFFF8000  }
0x295: {  	[hbm4b:s21+s31] =	stream.linear.scatter [tilespmem:s26], [sflag:$0x3], $0x8000, $0x38;
	[tilespmem:$0x10200] =	vst v63  }
0x296: {  	_ =	swait.ge [sflag:s24], $0x8000  }
0x297: {  	[sflag:s24] =	ssyncset.done $0x0  }
0x298: {  	s22 =	rddreg [dreg:$0x11];
	[sflag:s24] =	ssyncadd.s32 $0xFFFF8000  }
0x299: {  	[tilespmem:s31], [sflag:$0x3] =	stream.linear.gather [hbm4b:s22+s31], $0x200, $0x38;
	[tilespmem:$0x10200] =	vst v63  }
0x29a: {  	_ =	swait.ge [sflag:s24], $0x200  }
0x29b: {  	[sflag:s24] =	ssyncset.done $0x0  }
0x29c: {  	[sflag:s24] =	ssyncadd.s32 $0xFFFFFE00  }
0x29d: {  	v0 =	vld [tilespmem:s31+$0x0];
	_ =	sdelay $0x4  }
0x29e: {  	v0 =	vshll.u32 v0, $0x4  }
0x29f: {  	(v2sf) =	vpush v0, $0x0  }
0x2a0: {  	(v2sf) =	vpush v0, $0x1  }
0x2a1: {  	(v2sf) =	vpush v0, $0x2;
	_ =	sdelay $0x1  }
0x2a2: {  	(v2sf) =	vpush v0, $0x4;
	_ =	sdelay $0x1  }
0x2a3: {  	(v2sf) =	vpush v0, $0x3  }
0x2a4: {  	(v2sf) =	vpush v0, $0x5  }
0x2a5: {  	s4 =	simm.s32 $0x2000;
	s1 =	simm.s32 $0x0;
	(v2sf) =	vpush v0, $0x6  }
.LBB2_14:
0x2a6: {  	p0 =	sne.s32 s4, $0x1E000  }
0x2a7: {  	s14 =	sadd.s32 $0x280, s1;
	s8 =	sadd.s32 $0x780, s1;
	s5 =	smov.u32 s4  }
0x2a8: {  	s4 =	sadd.s32 $0x2000, s4;
	s11 =	sadd.s32 $0x580, s1;
	s6 =	sadd.s32 $0x800, s1;
	(v2sf) =	vpush v0, $0x7  }
0x2a9: {  	s13 =	sadd.s32 $0x480, s1;
	s10 =	sadd.s32 $0x600, s1;
	s7 =	sadd.s32 $0x880, s1  }
0x2aa: {  	s15 =	sadd.s32 $0x200, s1;
	s16 =	sadd.s32 $0x400, s1;
	(v2sf) =	vpush v0, $0x8  }
0x2ab: {  	s17 =	sadd.s32 $0x500, s1;
	s31 =	sadd.s32 $0x10, s31  }
0x2ac: {  	s18 =	sadd.s32 $0x300, s1;
	s9 =	sadd.s32 $0x700, s1;
	s12 =	spop (v2sf);
	(v2sf) =	vpush v0, $0x9  }
0x2ad: {  	s19 =	sand.u32 $0x1FFFFFF0, s12;
	s12 =	sadd.s32 $0x680, s1;
	s20 =	spop (v2sf)  }
0x2ae: {  	s19 =	sadd.s32 s3, s19;
	s20 =	sand.u32 $0x1FFFFFF0, s20;
	s21 =	spop (v2sf);
	(v2sf) =	vpush v0, $0xA  }
0x2af: {  	[tilespmem:s15], [sflag:$0x1] =	stream.linear.gather [hbm4b:s19+s2], $0x80, $0x38;
	[tilespmem:$0x10200] =	vst v63  }
0x2b0: {  	s15 =	sadd.s32 s3, s20;
	s19 =	sadd.s32 $0x380, s1;
	s20 =	spop (v2sf);
	(v2sf) =	vpush v0, $0xB  }
0x2b1: {  	[tilespmem:s14], [sflag:$0x1] =	stream.linear.gather [hbm4b:s15+s2], $0x80, $0x38;
	[tilespmem:$0x10200] =	vst v63  }
0x2b2: {  	s14 =	sand.u32 $0x1FFFFFF0, s21;
	s15 =	sand.u32 $0x1FFFFFF0, s20;
	s20 =	spop (v2sf);
	(v2sf) =	vpush v0, $0xC  }
0x2b3: {  	s14 =	sadd.s32 s3, s14;
	s20 =	sand.u32 $0x1FFFFFF0, s20;
	s21 =	spop (v2sf)  }
0x2b4: {  	[tilespmem:s18], [sflag:$0x1] =	stream.linear.gather [hbm4b:s14+s2], $0x80, $0x38;
	(v2sf) =	vpush v0, $0xD;
	[tilespmem:$0x10200] =	vst v63  }
0x2b5: {  	s14 =	sadd.s32 s3, s20;
	s18 =	sand.u32 $0x1FFFFFF0, s21;
	s20 =	spop (v2sf)  }
0x2b6: {  	[tilespmem:s19], [sflag:$0x1] =	stream.linear.gather [hbm4b:s14+s2], $0x80, $0x38;
	(v2sf) =	vpush v0, $0xE;
	[tilespmem:$0x10200] =	vst v63  }
0x2b7: {  	s14 =	sadd.s32 s3, s15;
	s15 =	sand.u32 $0x1FFFFFF0, s20;
	s19 =	spop (v2sf)  }
0x2b8: {  	[tilespmem:s16], [sflag:$0x1] =	stream.linear.gather [hbm4b:s14+s2], $0x80, $0x38;
	(v2sf) =	vpush v0, $0xF;
	[tilespmem:$0x10200] =	vst v63  }
0x2b9: {  	s14 =	sadd.s32 s3, s18;
	s16 =	sand.u32 $0x1FFFFFF0, s19;
	s18 =	spop (v2sf)  }
0x2ba: {  	[tilespmem:s13], [sflag:$0x1] =	stream.linear.gather [hbm4b:s14+s2], $0x80, $0x38;
	[tilespmem:$0x10200] =	vst v63  }
0x2bb: {  	s13 =	sadd.s32 s3, s15;
	s14 =	sand.u32 $0x1FFFFFF0, s18;
	s15 =	spop (v2sf)  }
0x2bc: {  	[tilespmem:s17], [sflag:$0x1] =	stream.linear.gather [hbm4b:s13+s2], $0x80, $0x38;
	[tilespmem:$0x10200] =	vst v63  }
0x2bd: {  	s13 =	sadd.s32 s3, s16;
	s15 =	sand.u32 $0x1FFFFFF0, s15;
	s16 =	spop (v2sf)  }
0x2be: {  	[tilespmem:s11], [sflag:$0x1] =	stream.linear.gather [hbm4b:s13+s2], $0x80, $0x38;
	[tilespmem:$0x10200] =	vst v63  }
0x2bf: {  	s11 =	sadd.s32 s3, s14;
	s13 =	sand.u32 $0x1FFFFFF0, s16;
	s14 =	spop (v2sf)  }
0x2c0: {  	[tilespmem:s10], [sflag:$0x1] =	stream.linear.gather [hbm4b:s11+s2], $0x80, $0x38;
	[tilespmem:$0x10200] =	vst v63  }
0x2c1: {  	s10 =	sadd.s32 s3, s15;
	s11 =	sand.u32 $0x1FFFFFF0, s14;
	s14 =	spop (v2sf)  }
0x2c2: {  	[tilespmem:s12], [sflag:$0x1] =	stream.linear.gather [hbm4b:s10+s2], $0x80, $0x38;
	[tilespmem:$0x10200] =	vst v63  }
0x2c3: {  	s10 =	sadd.s32 s3, s13;
	s12 =	sand.u32 $0x1FFFFFF0, s14;
	s13 =	spop (v2sf)  }
0x2c4: {  	[tilespmem:s9], [sflag:$0x1] =	stream.linear.gather [hbm4b:s10+s2], $0x80, $0x38;
	[tilespmem:$0x10200] =	vst v63  }
0x2c5: {  	s9 =	sadd.s32 s3, s11;
	s10 =	sand.u32 $0x1FFFFFF0, s13;
	s11 =	spop (v2sf)  }
0x2c6: {  	[tilespmem:s8], [sflag:$0x1] =	stream.linear.gather [hbm4b:s9+s2], $0x80, $0x38;
	[tilespmem:$0x10200] =	vst v63  }
0x2c7: {  	s8 =	sadd.s32 s3, s12;
	s9 =	sand.u32 $0x1FFFFFF0, s11;
	s11 =	spop (v2sf)  }
0x2c8: {  	[tilespmem:s6], [sflag:$0x1] =	stream.linear.gather [hbm4b:s8+s2], $0x80, $0x38;
	[tilespmem:$0x10200] =	vst v63  }
0x2c9: {  	s6 =	sadd.s32 s3, s10;
	s8 =	sand.u32 $0x1FFFFFF0, s11  }
0x2ca: {  	[tilespmem:s7], [sflag:$0x1] =	stream.linear.gather [hbm4b:s6+s2], $0x80, $0x38;
	[tilespmem:$0x10200] =	vst v63  }
0x2cb: {  	s6 =	sadd.s32 $0x900, s1;
	s7 =	sadd.s32 s3, s9  }
0x2cc: {  	[tilespmem:s6], [sflag:$0x1] =	stream.linear.gather [hbm4b:s7+s2], $0x80, $0x38;
	[tilespmem:$0x10200] =	vst v63  }
0x2cd: {  	s1 =	sadd.s32 $0x980, s1;
	s6 =	sadd.s32 s3, s8  }
0x2ce: {  	[tilespmem:s1], [sflag:$0x1] =	stream.linear.gather [hbm4b:s6+s2], $0x80, $0x38;
	[tilespmem:$0x10200] =	vst v63  }
0x2cf: {  	v0 =	vld [tilespmem:s31+$0x0];
	_ =	sdelay $0x4  }
0x2d0: {  	v0 =	vshll.u32 v0, $0x4  }
0x2d1: {  	(v2sf) =	vpush v0, $0x0  }
0x2d2: {  	(v2sf) =	vpush v0, $0x1  }
0x2d3: {  	(v2sf) =	vpush v0, $0x2;
	_ =	sdelay $0x1  }
0x2d4: {  	(v2sf) =	vpush v0, $0x4  }
.Ltmp6:
0x2d5: {  	(pc) =	sbr.rel @p0 .LBB2_14-.Ltmp6, $3  }
0x2d6: {  	(v2sf) =	vpush v0, $0x3  }
0x2d7: {  	(v2sf) =	vpush v0, $0x5;
	_ =	sdelay $0x1  }
0x2d8: {  	s1 =	sshra.s32 s5, $0x2;
	(v2sf) =	vpush v0, $0x6  }
0x2d9: {  	_ =	sdelay $0x1  }
0x2da: {  	s7 =	sadd.s32 $0x280, s1;
	s6 =	sadd.s32 $0x780, s1  }
0x2db: {  	s8 =	sadd.s32 $0x580, s1;
	s4 =	sadd.s32 $0x800, s1;
	(v2sf) =	vpush v0, $0x7;
	s9 =	sadd.s32 $0x480, s1  }
0x2dc: {  	s10 =	sadd.s32 $0x600, s1;
	s5 =	sadd.s32 $0x880, s1;
	s11 =	sadd.s32 $0x200, s1  }
0x2dd: {  	s12 =	sadd.s32 $0x400, s1;
	s13 =	sadd.s32 $0x500, s1;
	(v2sf) =	vpush v0, $0x8;
	s14 =	spop (v2sf)  }
0x2de: {  	s15 =	sadd.s32 $0x300, s1;
	s14 =	sand.u32 $0x1FFFFFF0, s14;
	s16 =	spop (v2sf)  }
0x2df: {  	(v2sf) =	vpush v0, $0x9;
	s14 =	sadd.s32 s3, s14;
	s16 =	sand.u32 $0x1FFFFFF0, s16;
	s17 =	spop (v2sf)  }
0x2e0: {  	[tilespmem:s11], [sflag:$0x1] =	stream.linear.gather [hbm4b:s14+s2], $0x80, $0x38;
	[tilespmem:$0x10200] =	vst v63  }
0x2e1: {  	s18 =	sadd.s32 $0x380, s1;
	(v2sf) =	vpush v0, $0xA;
	s21 =	sadd.s32 s3, s16;
	s22 =	spop (v2sf)  }
0x2e2: {  	[tilespmem:s7], [sflag:$0x1] =	stream.linear.gather [hbm4b:s21+s2], $0x80, $0x38;
	[tilespmem:$0x10200] =	vst v63  }
0x2e3: {  	s11 =	sadd.s32 $0x700, s1;
	s19 =	sand.u32 $0x1FFFFFF0, s17;
	(v2sf) =	vpush v0, $0xB;
	s20 =	spop (v2sf)  }
0x2e4: {  	s14 =	sadd.s32 s3, s19;
	s7 =	sadd.s32 $0x680, s1;
	s17 =	sand.u32 $0x1FFFFFF0, s20  }
0x2e5: {  	(v2sf) =	vpush v0, $0xC;
	[tilespmem:s15], [sflag:$0x1] =	stream.linear.gather [hbm4b:s14+s2], $0x80, $0x38;
	[tilespmem:$0x10200] =	vst v63  }
0x2e6: {  	s21 =	sand.u32 $0x1FFFFFF0, s22;
	s22 =	spop (v2sf);
	s19 =	sadd.s32 s3, s17  }
0x2e7: {  	(v2sf) =	vpush v0, $0xD;
	[tilespmem:s18], [sflag:$0x1] =	stream.linear.gather [hbm4b:s19+s2], $0x80, $0x38;
	[tilespmem:$0x10200] =	vst v63  }
0x2e8: {  	s14 =	sadd.s32 s3, s21;
	s15 =	sand.u32 $0x1FFFFFF0, s22;
	s20 =	spop (v2sf)  }
0x2e9: {  	(v2sf) =	vpush v0, $0xE;
	[tilespmem:s12], [sflag:$0x1] =	stream.linear.gather [hbm4b:s14+s2], $0x80, $0x38;
	[tilespmem:$0x10200] =	vst v63  }
0x2ea: {  	s15 =	sadd.s32 s3, s15;
	s21 =	sand.u32 $0x1FFFFFF0, s20;
	s22 =	spop (v2sf)  }
0x2eb: {  	(v2sf) =	vpush v0, $0xF;
	[tilespmem:s9], [sflag:$0x1] =	stream.linear.gather [hbm4b:s15+s2], $0x80, $0x38;
	[tilespmem:$0x10200] =	vst v63  }
0x2ec: {  	s16 =	spop (v2sf);
	s12 =	sadd.s32 s3, s21;
	s15 =	sand.u32 $0x1FFFFFF0, s22  }
0x2ed: {  	[tilespmem:s13], [sflag:$0x1] =	stream.linear.gather [hbm4b:s12+s2], $0x80, $0x38;
	[tilespmem:$0x10200] =	vst v63  }
0x2ee: {  	s17 =	sand.u32 $0x1FFFFFF0, s16;
	s9 =	sadd.s32 s3, s15;
	s18 =	spop (v2sf)  }
0x2ef: {  	[tilespmem:s8], [sflag:$0x1] =	stream.linear.gather [hbm4b:s9+s2], $0x80, $0x38;
	[tilespmem:$0x10200] =	vst v63  }
0x2f0: {  	s12 =	sadd.s32 s3, s17;
	s19 =	sand.u32 $0x1FFFFFF0, s18;
	s20 =	spop (v2sf)  }
0x2f1: {  	[tilespmem:s10], [sflag:$0x1] =	stream.linear.gather [hbm4b:s12+s2], $0x80, $0x38;
	[tilespmem:$0x10200] =	vst v63  }
0x2f2: {  	s9 =	sand.u32 $0x1FFFFFF0, s20;
	s8 =	sadd.s32 s3, s19;
	s21 =	spop (v2sf)  }
0x2f3: {  	[tilespmem:s7], [sflag:$0x1] =	stream.linear.gather [hbm4b:s8+s2], $0x80, $0x38;
	[tilespmem:$0x10200] =	vst v63  }
0x2f4: {  	s9 =	sadd.s32 s3, s9;
	s22 =	sand.u32 $0x1FFFFFF0, s21;
	s10 =	spop (v2sf)  }
0x2f5: {  	[tilespmem:s11], [sflag:$0x1] =	stream.linear.gather [hbm4b:s9+s2], $0x80, $0x38;
	[tilespmem:$0x10200] =	vst v63  }
0x2f6: {  	s7 =	sadd.s32 s3, s22;
	s8 =	sand.u32 $0x1FFFFFF0, s10;
	s12 =	spop (v2sf)  }
0x2f7: {  	[tilespmem:s6], [sflag:$0x1] =	stream.linear.gather [hbm4b:s7+s2], $0x80, $0x38;
	[tilespmem:$0x10200] =	vst v63  }
0x2f8: {  	s13 =	sand.u32 $0x1FFFFFF0, s12;
	s8 =	sadd.s32 s3, s8;
	s14 =	spop (v2sf)  }
0x2f9: {  	[tilespmem:s4], [sflag:$0x1] =	stream.linear.gather [hbm4b:s8+s2], $0x80, $0x38;
	[tilespmem:$0x10200] =	vst v63  }
0x2fa: {  	s15 =	sand.u32 $0x1FFFFFF0, s14;
	s16 =	spop (v2sf);
	s6 =	sadd.s32 s3, s13  }
0x2fb: {  	[tilespmem:s5], [sflag:$0x1] =	stream.linear.gather [hbm4b:s6+s2], $0x80, $0x38;
	[tilespmem:$0x10200] =	vst v63  }
0x2fc: {  	s18 =	sadd.s32 $0x900, s1;
	s17 =	sand.u32 $0x1FFFFFF0, s16;
	s4 =	sadd.s32 s3, s15  }
0x2fd: {  	[tilespmem:s18], [sflag:$0x1] =	stream.linear.gather [hbm4b:s4+s2], $0x80, $0x38;
	[tilespmem:$0x10200] =	vst v63  }
0x2fe: {  	s19 =	sadd.s32 $0x980, s1;
	s20 =	sadd.s32 s3, s17  }
0x2ff: {  	[tilespmem:s19], [sflag:$0x1] =	stream.linear.gather [hbm4b:s20+s2], $0x80, $0x38;
	[tilespmem:$0x10200] =	vst v63  }
0x300: {  	_ =	swait.ge [sflag:s28], $0x8000  }
0x301: {  	[sflag:s28] =	ssyncset.done $0x0  }
0x302: {  	s1 =	simm.s32 $0x0;
	s21 =	rddreg [dreg:$0x12];
	[sflag:s28] =	ssyncadd.s32 $0xFFFF8000  }
0x303: {  	[hbm4b:s21+s1] =	stream.linear.scatter [tilespmem:s29], [sflag:$0x3], $0x8000, $0x38;
	[tilespmem:$0x10200] =	vst v63  }
0x304: {  	_ =	swait.ge [sflag:s24], $0x8000  }
0x305: {  	[sflag:s24] =	ssyncset.done $0x0  }
0x306: {  	s22 =	sand.u32 $0xF0, s1;
	[sflag:s24] =	ssyncadd.s32 $0xFFFF8000  }
0x307: {  	v0 =	vld [tilespmem:s22+$0x100];
	_ =	sdelay $0x4  }
0x308: {  	v0 =	vshll.u32 v0, $0x4  }
0x309: {  	(v2sf) =	vpush v0, $0x0  }
0x30a: {  	(v2sf) =	vpush v0, $0x2  }
0x30b: {  	(v2sf) =	vpush v0, $0x1;
	_ =	sdelay $0x1  }
0x30c: {  	(v2sf) =	vpush v0, $0x3  }
0x30d: {  	(v2sf) =	vpush v0, $0x4;
	_ =	sdelay $0x2  }
0x30e: {  	s31 =	simm.s32 $0x10;
	s4 =	simm.s32 $0x2000  }
.LBB2_16:
0x30f: {  	p0 =	sne.s32 s4, $0x1E000;
	(v2sf) =	vpush v0, $0x5;
	s6 =	smov.u32 s4;
	s4 =	sadd.s32 $0x2000, s4  }
0x310: {  	s5 =	sshra.s32 s1, $0x2;
	s1 =	smov.u32 s6  }
0x311: {  	s13 =	sadd.s32 $0x8280, s5;
	(v2sf) =	vpush v0, $0x6  }
0x312: {  	s14 =	sadd.s32 $0x8200, s5  }
0x313: {  	s8 =	sadd.s32 $0x8780, s5;
	s7 =	sadd.s32 $0x8800, s5;
	s6 =	sadd.s32 $0x8880, s5;
	(v2sf) =	vpush v0, $0x7  }
0x314: {  	s11 =	sadd.s32 $0x8600, s5;
	s10 =	sadd.s32 $0x8680, s5;
	s9 =	sadd.s32 $0x8700, s5  }
0x315: {  	s15 =	sadd.s32 $0x8500, s5;
	s12 =	sadd.s32 $0x8580, s5;
	s16 =	spop (v2sf);
	(v2sf) =	vpush v0, $0x8  }
0x316: {  	s17 =	sadd.s32 $0x8300, s5;
	s16 =	sand.u32 $0x1FFFFFF0, s16;
	s18 =	spop (v2sf)  }
0x317: {  	s19 =	sadd.s32 $0x8480, s5;
	s16 =	sadd.s32 s3, s16;
	s20 =	spop (v2sf);
	(v2sf) =	vpush v0, $0x9  }
0x318: {  	[tilespmem:s14], [sflag:$0x2] =	stream.linear.gather [hbm4b:s16+s2], $0x80, $0x38;
	[tilespmem:$0x10200] =	vst v63  }
0x319: {  	s14 =	sand.u32 $0x1FFFFFF0, s20;
	s16 =	sand.u32 $0x1FFFFFF0, s18;
	s18 =	spop (v2sf);
	(v2sf) =	vpush v0, $0xA  }
0x31a: {  	s20 =	sadd.s32 $0x8400, s5;
	s14 =	sadd.s32 s3, s14;
	s21 =	spop (v2sf)  }
0x31b: {  	[tilespmem:s13], [sflag:$0x2] =	stream.linear.gather [hbm4b:s14+s2], $0x80, $0x38;
	(v2sf) =	vpush v0, $0xB;
	[tilespmem:$0x10200] =	vst v63  }
0x31c: {  	s13 =	sadd.s32 s3, s16;
	s14 =	sand.u32 $0x1FFFFFF0, s18;
	s16 =	sand.u32 $0x1FFFFFF0, s21  }
0x31d: {  	[tilespmem:s17], [sflag:$0x2] =	stream.linear.gather [hbm4b:s13+s2], $0x80, $0x38;
	(v2sf) =	vpush v0, $0xC;
	[tilespmem:$0x10200] =	vst v63  }
0x31e: {  	s14 =	sadd.s32 s3, s14;
	s13 =	sadd.s32 $0x8380, s5;
	s17 =	spop (v2sf)  }
0x31f: {  	[tilespmem:s13], [sflag:$0x2] =	stream.linear.gather [hbm4b:s14+s2], $0x80, $0x38;
	(v2sf) =	vpush v0, $0xD;
	[tilespmem:$0x10200] =	vst v63  }
0x320: {  	s13 =	sadd.s32 s3, s16;
	s14 =	sand.u32 $0x1FFFFFF0, s17;
	s16 =	spop (v2sf)  }
0x321: {  	[tilespmem:s20], [sflag:$0x2] =	stream.linear.gather [hbm4b:s13+s2], $0x80, $0x38;
	(v2sf) =	vpush v0, $0xE;
	[tilespmem:$0x10200] =	vst v63  }
0x322: {  	s13 =	sadd.s32 s3, s14;
	s14 =	sand.u32 $0x1FFFFFF0, s16;
	s16 =	spop (v2sf)  }
0x323: {  	[tilespmem:s19], [sflag:$0x2] =	stream.linear.gather [hbm4b:s13+s2], $0x80, $0x38;
	(v2sf) =	vpush v0, $0xF;
	[tilespmem:$0x10200] =	vst v63  }
0x324: {  	s13 =	sadd.s32 s3, s14;
	s14 =	sand.u32 $0x1FFFFFF0, s16;
	s16 =	spop (v2sf)  }
0x325: {  	[tilespmem:s15], [sflag:$0x2] =	stream.linear.gather [hbm4b:s13+s2], $0x80, $0x38;
	[tilespmem:$0x10200] =	vst v63  }
0x326: {  	s13 =	sadd.s32 s3, s14;
	s14 =	sand.u32 $0x1FFFFFF0, s16;
	s15 =	spop (v2sf)  }
0x327: {  	[tilespmem:s12], [sflag:$0x2] =	stream.linear.gather [hbm4b:s13+s2], $0x80, $0x38;
	[tilespmem:$0x10200] =	vst v63  }
0x328: {  	s12 =	sadd.s32 s3, s14;
	s13 =	sand.u32 $0x1FFFFFF0, s15;
	s14 =	spop (v2sf)  }
0x329: {  	[tilespmem:s11], [sflag:$0x2] =	stream.linear.gather [hbm4b:s12+s2], $0x80, $0x38;
	[tilespmem:$0x10200] =	vst v63  }
0x32a: {  	s11 =	sadd.s32 s3, s13;
	s12 =	sand.u32 $0x1FFFFFF0, s14;
	s13 =	spop (v2sf)  }
0x32b: {  	[tilespmem:s10], [sflag:$0x2] =	stream.linear.gather [hbm4b:s11+s2], $0x80, $0x38;
	[tilespmem:$0x10200] =	vst v63  }
0x32c: {  	s10 =	sadd.s32 s3, s12;
	s11 =	sand.u32 $0x1FFFFFF0, s13;
	s12 =	spop (v2sf)  }
0x32d: {  	[tilespmem:s9], [sflag:$0x2] =	stream.linear.gather [hbm4b:s10+s2], $0x80, $0x38;
	[tilespmem:$0x10200] =	vst v63  }
0x32e: {  	s9 =	sadd.s32 s3, s11;
	s10 =	sand.u32 $0x1FFFFFF0, s12;
	s11 =	spop (v2sf)  }
0x32f: {  	[tilespmem:s8], [sflag:$0x2] =	stream.linear.gather [hbm4b:s9+s2], $0x80, $0x38;
	[tilespmem:$0x10200] =	vst v63  }
0x330: {  	s8 =	sadd.s32 s3, s10;
	s9 =	sand.u32 $0x1FFFFFF0, s11;
	s10 =	spop (v2sf)  }
0x331: {  	[tilespmem:s7], [sflag:$0x2] =	stream.linear.gather [hbm4b:s8+s2], $0x80, $0x38;
	[tilespmem:$0x10200] =	vst v63  }
0x332: {  	s7 =	sadd.s32 s3, s9;
	s8 =	sand.u32 $0x1FFFFFF0, s10;
	s9 =	spop (v2sf)  }
0x333: {  	[tilespmem:s6], [sflag:$0x2] =	stream.linear.gather [hbm4b:s7+s2], $0x80, $0x38;
	[tilespmem:$0x10200] =	vst v63  }
0x334: {  	s6 =	sadd.s32 $0x8900, s5;
	s7 =	sadd.s32 s3, s8;
	s8 =	sand.u32 $0x1FFFFFF0, s9  }
0x335: {  	[tilespmem:s6], [sflag:$0x2] =	stream.linear.gather [hbm4b:s7+s2], $0x80, $0x38;
	[tilespmem:$0x10200] =	vst v63  }
0x336: {  	s5 =	sadd.s32 $0x8980, s5;
	s6 =	sand.u32 $0xF0, s31;
	s7 =	sadd.s32 s3, s8  }
0x337: {  	[tilespmem:s5], [sflag:$0x2] =	stream.linear.gather [hbm4b:s7+s2], $0x80, $0x38;
	[tilespmem:$0x10200] =	vst v63  }
0x338: {  	v0 =	vld [tilespmem:s6+$0x100];
	_ =	sdelay $0x4  }
0x339: {  	v0 =	vshll.u32 v0, $0x4  }
0x33a: {  	(v2sf) =	vpush v0, $0x0  }
0x33b: {  	(v2sf) =	vpush v0, $0x2  }
0x33c: {  	(v2sf) =	vpush v0, $0x1;
	_ =	sdelay $0x1  }
.Ltmp7:
0x33d: {  	(v2sf) =	vpush v0, $0x3;
	(pc) =	sbr.rel @p0 .LBB2_16-.Ltmp7, $2  }
0x33e: {  	(v2sf) =	vpush v0, $0x4;
	_ =	sdelay $0x2  }
0x33f: {  	s31 =	sadd.s32 $0x10, s31  }
0x340: {  	(v2sf) =	vpush v0, $0x5;
	_ =	sdelay $0x1  }
0x341: {  	s1 =	sshra.s32 s1, $0x2;
	(v2sf) =	vpush v0, $0x6  }
0x342: {  	s7 =	sadd.s32 $0x8280, s1;
	s8 =	sadd.s32 $0x8200, s1  }
0x343: {  	s6 =	sadd.s32 $0x8780, s1;
	s5 =	sadd.s32 $0x8800, s1;
	s4 =	sadd.s32 $0x8880, s1;
	(v2sf) =	vpush v0, $0x7  }
0x344: {  	s9 =	sadd.s32 $0x8600, s1;
	s10 =	sadd.s32 $0x8680, s1;
	s11 =	sadd.s32 $0x8700, s1  }
0x345: {  	s12 =	sadd.s32 $0x8500, s1;
	s13 =	sadd.s32 $0x8580, s1;
	s14 =	spop (v2sf);
	(v2sf) =	vpush v0, $0x8  }
0x346: {  	s15 =	sadd.s32 $0x8300, s1;
	s14 =	sand.u32 $0x1FFFFFF0, s14;
	s16 =	spop (v2sf)  }
0x347: {  	s17 =	sadd.s32 $0x8480, s1;
	s14 =	sadd.s32 s3, s14;
	s18 =	spop (v2sf);
	(v2sf) =	vpush v0, $0x9  }
0x348: {  	[tilespmem:s8], [sflag:$0x2] =	stream.linear.gather [hbm4b:s14+s2], $0x80, $0x38;
	[tilespmem:$0x10200] =	vst v63  }
0x349: {  	s21 =	sand.u32 $0x1FFFFFF0, s16;
	s20 =	sand.u32 $0x1FFFFFF0, s18;
	s22 =	spop (v2sf);
	(v2sf) =	vpush v0, $0xA  }
0x34a: {  	s16 =	sadd.s32 $0x8380, s1;
	s8 =	sadd.s32 s3, s20;
	s19 =	spop (v2sf)  }
0x34b: {  	[tilespmem:s7], [sflag:$0x2] =	stream.linear.gather [hbm4b:s8+s2], $0x80, $0x38;
	(v2sf) =	vpush v0, $0xB;
	[tilespmem:$0x10200] =	vst v63  }
0x34c: {  	s18 =	sadd.s32 $0x8400, s1;
	s20 =	sadd.s32 s3, s21;
	s21 =	sand.u32 $0x1FFFFFF0, s22  }
0x34d: {  	(v2sf) =	vpush v0, $0xC;
	[tilespmem:s15], [sflag:$0x2] =	stream.linear.gather [hbm4b:s20+s2], $0x80, $0x38;
	[tilespmem:$0x10200] =	vst v63  }
0x34e: {  	s22 =	sand.u32 $0x1FFFFFF0, s19;
	s8 =	sadd.s32 s3, s21;
	s19 =	spop (v2sf)  }
0x34f: {  	[tilespmem:s16], [sflag:$0x2] =	stream.linear.gather [hbm4b:s8+s2], $0x80, $0x38;
	(v2sf) =	vpush v0, $0xD;
	[tilespmem:$0x10200] =	vst v63  }
0x350: {  	s20 =	sadd.s32 s3, s22;
	s21 =	sand.u32 $0x1FFFFFF0, s19;
	s22 =	spop (v2sf)  }
0x351: {  	(v2sf) =	vpush v0, $0xE;
	[tilespmem:s18], [sflag:$0x2] =	stream.linear.gather [hbm4b:s20+s2], $0x80, $0x38;
	[tilespmem:$0x10200] =	vst v63  }
0x352: {  	s8 =	sadd.s32 s3, s21;
	s15 =	sand.u32 $0x1FFFFFF0, s22;
	s16 =	spop (v2sf)  }
0x353: {  	(v2sf) =	vpush v0, $0xF;
	[tilespmem:s17], [sflag:$0x2] =	stream.linear.gather [hbm4b:s8+s2], $0x80, $0x38;
	[tilespmem:$0x10200] =	vst v63  }
0x354: {  	s18 =	sand.u32 $0x1FFFFFF0, s16;
	s17 =	sadd.s32 s3, s15;
	s19 =	spop (v2sf)  }
0x355: {  	[tilespmem:s12], [sflag:$0x2] =	stream.linear.gather [hbm4b:s17+s2], $0x80, $0x38;
	[tilespmem:$0x10200] =	vst v63  }
0x356: {  	s20 =	sadd.s32 s3, s18;
	s21 =	sand.u32 $0x1FFFFFF0, s19;
	s22 =	spop (v2sf)  }
0x357: {  	[tilespmem:s13], [sflag:$0x2] =	stream.linear.gather [hbm4b:s20+s2], $0x80, $0x38;
	[tilespmem:$0x10200] =	vst v63  }
0x358: {  	s14 =	sadd.s32 s3, s21;
	s15 =	sand.u32 $0x1FFFFFF0, s22;
	s16 =	spop (v2sf)  }
0x359: {  	[tilespmem:s9], [sflag:$0x2] =	stream.linear.gather [hbm4b:s14+s2], $0x80, $0x38;
	[tilespmem:$0x10200] =	vst v63  }
0x35a: {  	s17 =	sadd.s32 s3, s15;
	s18 =	sand.u32 $0x1FFFFFF0, s16;
	s19 =	spop (v2sf)  }
0x35b: {  	[tilespmem:s10], [sflag:$0x2] =	stream.linear.gather [hbm4b:s17+s2], $0x80, $0x38;
	[tilespmem:$0x10200] =	vst v63  }
0x35c: {  	s20 =	sadd.s32 s3, s18;
	s21 =	sand.u32 $0x1FFFFFF0, s19;
	s22 =	spop (v2sf)  }
0x35d: {  	[tilespmem:s11], [sflag:$0x2] =	stream.linear.gather [hbm4b:s20+s2], $0x80, $0x38;
	[tilespmem:$0x10200] =	vst v63  }
0x35e: {  	s8 =	sadd.s32 s3, s21;
	s9 =	sand.u32 $0x1FFFFFF0, s22;
	s10 =	spop (v2sf)  }
0x35f: {  	[tilespmem:s6], [sflag:$0x2] =	stream.linear.gather [hbm4b:s8+s2], $0x80, $0x38;
	[tilespmem:$0x10200] =	vst v63  }
0x360: {  	s11 =	sadd.s32 s3, s9;
	s12 =	sand.u32 $0x1FFFFFF0, s10;
	s13 =	spop (v2sf)  }
0x361: {  	[tilespmem:s5], [sflag:$0x2] =	stream.linear.gather [hbm4b:s11+s2], $0x80, $0x38;
	[tilespmem:$0x10200] =	vst v63  }
0x362: {  	s14 =	sadd.s32 s3, s12;
	s15 =	sand.u32 $0x1FFFFFF0, s13;
	s16 =	spop (v2sf)  }
0x363: {  	[tilespmem:s4], [sflag:$0x2] =	stream.linear.gather [hbm4b:s14+s2], $0x80, $0x38;
	[tilespmem:$0x10200] =	vst v63  }
0x364: {  	s17 =	sadd.s32 $0x8900, s1;
	s18 =	sadd.s32 s3, s15;
	s19 =	sand.u32 $0x1FFFFFF0, s16  }
0x365: {  	[tilespmem:s17], [sflag:$0x2] =	stream.linear.gather [hbm4b:s18+s2], $0x80, $0x38;
	[tilespmem:$0x10200] =	vst v63  }
0x366: {  	s1 =	sadd.s32 $0x8980, s1;
	s20 =	sadd.s32 s3, s19  }
0x367: {  	[tilespmem:s1], [sflag:$0x2] =	stream.linear.gather [hbm4b:s20+s2], $0x80, $0x38;
	[tilespmem:$0x10200] =	vst v63  }
0x368: {  	_ =	swait.ge [sflag:s25], $0x8000  }
0x369: {  	[sflag:s25] =	ssyncset.done $0x0  }
0x36a: {  	s31 =	simm.s32 $0x0;
	s21 =	rddreg [dreg:$0x13];
	[sflag:s25] =	ssyncadd.s32 $0xFFFF8000  }
0x36b: {  	[hbm4b:s21+s31] =	stream.linear.scatter [tilespmem:s26], [sflag:$0x3], $0x8000, $0x38;
	[tilespmem:$0x10200] =	vst v63  }
0x36c: {  	_ =	swait.ge [sflag:s24], $0x8000  }
0x36d: {  	[sflag:s24] =	ssyncset.done $0x0  }
0x36e: {  	s22 =	rddreg [dreg:$0x14];
	[sflag:s24] =	ssyncadd.s32 $0xFFFF8000  }
0x36f: {  	[tilespmem:s31], [sflag:$0x3] =	stream.linear.gather [hbm4b:s22+s31], $0x200, $0x38;
	[tilespmem:$0x10200] =	vst v63  }
0x370: {  	_ =	swait.ge [sflag:s24], $0x200  }
0x371: {  	[sflag:s24] =	ssyncset.done $0x0  }
0x372: {  	[sflag:s24] =	ssyncadd.s32 $0xFFFFFE00  }
0x373: {  	v0 =	vld [tilespmem:s31+$0x0];
	_ =	sdelay $0x4  }
0x374: {  	v0 =	vshll.u32 v0, $0x4  }
0x375: {  	(v2sf) =	vpush v0, $0x0  }
0x376: {  	(v2sf) =	vpush v0, $0x1  }
0x377: {  	(v2sf) =	vpush v0, $0x2;
	_ =	sdelay $0x1  }
0x378: {  	(v2sf) =	vpush v0, $0x4;
	_ =	sdelay $0x1  }
0x379: {  	(v2sf) =	vpush v0, $0x3  }
0x37a: {  	(v2sf) =	vpush v0, $0x5  }
0x37b: {  	s4 =	simm.s32 $0x2000;
	s1 =	simm.s32 $0x0;
	(v2sf) =	vpush v0, $0x6  }
.LBB2_18:
0x37c: {  	p0 =	sne.s32 s4, $0x1E000  }
0x37d: {  	s14 =	sadd.s32 $0x280, s1;
	s8 =	sadd.s32 $0x780, s1;
	s5 =	smov.u32 s4  }
0x37e: {  	s4 =	sadd.s32 $0x2000, s4;
	s11 =	sadd.s32 $0x580, s1;
	s6 =	sadd.s32 $0x800, s1;
	(v2sf) =	vpush v0, $0x7  }
0x37f: {  	s13 =	sadd.s32 $0x480, s1;
	s10 =	sadd.s32 $0x600, s1;
	s7 =	sadd.s32 $0x880, s1  }
0x380: {  	s15 =	sadd.s32 $0x200, s1;
	s16 =	sadd.s32 $0x400, s1;
	(v2sf) =	vpush v0, $0x8  }
0x381: {  	s17 =	sadd.s32 $0x500, s1;
	s31 =	sadd.s32 $0x10, s31  }
0x382: {  	s18 =	sadd.s32 $0x300, s1;
	s9 =	sadd.s32 $0x700, s1;
	s12 =	spop (v2sf);
	(v2sf) =	vpush v0, $0x9  }
0x383: {  	s19 =	sand.u32 $0x1FFFFFF0, s12;
	s12 =	sadd.s32 $0x680, s1;
	s20 =	spop (v2sf)  }
0x384: {  	s19 =	sadd.s32 s0, s19;
	s20 =	sand.u32 $0x1FFFFFF0, s20;
	s21 =	spop (v2sf);
	(v2sf) =	vpush v0, $0xA  }
0x385: {  	[tilespmem:s15], [sflag:$0x1] =	stream.linear.gather [hbm4b:s19+s2], $0x80, $0x38;
	[tilespmem:$0x10200] =	vst v63  }
0x386: {  	s15 =	sadd.s32 s0, s20;
	s19 =	sadd.s32 $0x380, s1;
	s20 =	spop (v2sf);
	(v2sf) =	vpush v0, $0xB  }
0x387: {  	[tilespmem:s14], [sflag:$0x1] =	stream.linear.gather [hbm4b:s15+s2], $0x80, $0x38;
	[tilespmem:$0x10200] =	vst v63  }
0x388: {  	s14 =	sand.u32 $0x1FFFFFF0, s21;
	s15 =	sand.u32 $0x1FFFFFF0, s20;
	s20 =	spop (v2sf);
	(v2sf) =	vpush v0, $0xC  }
0x389: {  	s14 =	sadd.s32 s0, s14;
	s20 =	sand.u32 $0x1FFFFFF0, s20;
	s21 =	spop (v2sf)  }
0x38a: {  	[tilespmem:s18], [sflag:$0x1] =	stream.linear.gather [hbm4b:s14+s2], $0x80, $0x38;
	(v2sf) =	vpush v0, $0xD;
	[tilespmem:$0x10200] =	vst v63  }
0x38b: {  	s14 =	sadd.s32 s0, s20;
	s18 =	sand.u32 $0x1FFFFFF0, s21;
	s20 =	spop (v2sf)  }
0x38c: {  	[tilespmem:s19], [sflag:$0x1] =	stream.linear.gather [hbm4b:s14+s2], $0x80, $0x38;
	(v2sf) =	vpush v0, $0xE;
	[tilespmem:$0x10200] =	vst v63  }
0x38d: {  	s14 =	sadd.s32 s0, s15;
	s15 =	sand.u32 $0x1FFFFFF0, s20;
	s19 =	spop (v2sf)  }
0x38e: {  	[tilespmem:s16], [sflag:$0x1] =	stream.linear.gather [hbm4b:s14+s2], $0x80, $0x38;
	(v2sf) =	vpush v0, $0xF;
	[tilespmem:$0x10200] =	vst v63  }
0x38f: {  	s14 =	sadd.s32 s0, s18;
	s16 =	sand.u32 $0x1FFFFFF0, s19;
	s18 =	spop (v2sf)  }
0x390: {  	[tilespmem:s13], [sflag:$0x1] =	stream.linear.gather [hbm4b:s14+s2], $0x80, $0x38;
	[tilespmem:$0x10200] =	vst v63  }
0x391: {  	s13 =	sadd.s32 s0, s15;
	s14 =	sand.u32 $0x1FFFFFF0, s18;
	s15 =	spop (v2sf)  }
0x392: {  	[tilespmem:s17], [sflag:$0x1] =	stream.linear.gather [hbm4b:s13+s2], $0x80, $0x38;
	[tilespmem:$0x10200] =	vst v63  }
0x393: {  	s13 =	sadd.s32 s0, s16;
	s15 =	sand.u32 $0x1FFFFFF0, s15;
	s16 =	spop (v2sf)  }
0x394: {  	[tilespmem:s11], [sflag:$0x1] =	stream.linear.gather [hbm4b:s13+s2], $0x80, $0x38;
	[tilespmem:$0x10200] =	vst v63  }
0x395: {  	s11 =	sadd.s32 s0, s14;
	s13 =	sand.u32 $0x1FFFFFF0, s16;
	s14 =	spop (v2sf)  }
0x396: {  	[tilespmem:s10], [sflag:$0x1] =	stream.linear.gather [hbm4b:s11+s2], $0x80, $0x38;
	[tilespmem:$0x10200] =	vst v63  }
0x397: {  	s10 =	sadd.s32 s0, s15;
	s11 =	sand.u32 $0x1FFFFFF0, s14;
	s14 =	spop (v2sf)  }
0x398: {  	[tilespmem:s12], [sflag:$0x1] =	stream.linear.gather [hbm4b:s10+s2], $0x80, $0x38;
	[tilespmem:$0x10200] =	vst v63  }
0x399: {  	s10 =	sadd.s32 s0, s13;
	s12 =	sand.u32 $0x1FFFFFF0, s14;
	s13 =	spop (v2sf)  }
0x39a: {  	[tilespmem:s9], [sflag:$0x1] =	stream.linear.gather [hbm4b:s10+s2], $0x80, $0x38;
	[tilespmem:$0x10200] =	vst v63  }
0x39b: {  	s9 =	sadd.s32 s0, s11;
	s10 =	sand.u32 $0x1FFFFFF0, s13;
	s11 =	spop (v2sf)  }
0x39c: {  	[tilespmem:s8], [sflag:$0x1] =	stream.linear.gather [hbm4b:s9+s2], $0x80, $0x38;
	[tilespmem:$0x10200] =	vst v63  }
0x39d: {  	s8 =	sadd.s32 s0, s12;
	s9 =	sand.u32 $0x1FFFFFF0, s11;
	s11 =	spop (v2sf)  }
0x39e: {  	[tilespmem:s6], [sflag:$0x1] =	stream.linear.gather [hbm4b:s8+s2], $0x80, $0x38;
	[tilespmem:$0x10200] =	vst v63  }
0x39f: {  	s6 =	sadd.s32 s0, s10;
	s8 =	sand.u32 $0x1FFFFFF0, s11  }
0x3a0: {  	[tilespmem:s7], [sflag:$0x1] =	stream.linear.gather [hbm4b:s6+s2], $0x80, $0x38;
	[tilespmem:$0x10200] =	vst v63  }
0x3a1: {  	s6 =	sadd.s32 $0x900, s1;
	s7 =	sadd.s32 s0, s9  }
0x3a2: {  	[tilespmem:s6], [sflag:$0x1] =	stream.linear.gather [hbm4b:s7+s2], $0x80, $0x38;
	[tilespmem:$0x10200] =	vst v63  }
0x3a3: {  	s1 =	sadd.s32 $0x980, s1;
	s6 =	sadd.s32 s0, s8  }
0x3a4: {  	[tilespmem:s1], [sflag:$0x1] =	stream.linear.gather [hbm4b:s6+s2], $0x80, $0x38;
	[tilespmem:$0x10200] =	vst v63  }
0x3a5: {  	v0 =	vld [tilespmem:s31+$0x0];
	_ =	sdelay $0x4  }
0x3a6: {  	v0 =	vshll.u32 v0, $0x4  }
0x3a7: {  	(v2sf) =	vpush v0, $0x0  }
0x3a8: {  	(v2sf) =	vpush v0, $0x1  }
0x3a9: {  	(v2sf) =	vpush v0, $0x2;
	_ =	sdelay $0x1  }
0x3aa: {  	(v2sf) =	vpush v0, $0x4  }
.Ltmp8:
0x3ab: {  	(pc) =	sbr.rel @p0 .LBB2_18-.Ltmp8, $3  }
0x3ac: {  	(v2sf) =	vpush v0, $0x3  }
0x3ad: {  	(v2sf) =	vpush v0, $0x5;
	_ =	sdelay $0x1  }
0x3ae: {  	s1 =	sshra.s32 s5, $0x2;
	(v2sf) =	vpush v0, $0x6  }
0x3af: {  	_ =	sdelay $0x1  }
0x3b0: {  	s7 =	sadd.s32 $0x280, s1;
	s6 =	sadd.s32 $0x780, s1  }
0x3b1: {  	s8 =	sadd.s32 $0x580, s1;
	s4 =	sadd.s32 $0x800, s1;
	(v2sf) =	vpush v0, $0x7;
	s9 =	sadd.s32 $0x480, s1  }
0x3b2: {  	s10 =	sadd.s32 $0x600, s1;
	s5 =	sadd.s32 $0x880, s1;
	s11 =	sadd.s32 $0x200, s1  }
0x3b3: {  	s12 =	sadd.s32 $0x400, s1;
	s13 =	sadd.s32 $0x500, s1;
	(v2sf) =	vpush v0, $0x8;
	s14 =	spop (v2sf)  }
0x3b4: {  	s15 =	sadd.s32 $0x300, s1;
	s14 =	sand.u32 $0x1FFFFFF0, s14;
	s16 =	spop (v2sf)  }
0x3b5: {  	(v2sf) =	vpush v0, $0x9;
	s14 =	sadd.s32 s0, s14;
	s16 =	sand.u32 $0x1FFFFFF0, s16;
	s17 =	spop (v2sf)  }
0x3b6: {  	[tilespmem:s11], [sflag:$0x1] =	stream.linear.gather [hbm4b:s14+s2], $0x80, $0x38;
	[tilespmem:$0x10200] =	vst v63  }
0x3b7: {  	s18 =	sadd.s32 $0x380, s1;
	(v2sf) =	vpush v0, $0xA;
	s21 =	sadd.s32 s0, s16;
	s22 =	spop (v2sf)  }
0x3b8: {  	[tilespmem:s7], [sflag:$0x1] =	stream.linear.gather [hbm4b:s21+s2], $0x80, $0x38;
	[tilespmem:$0x10200] =	vst v63  }
0x3b9: {  	s11 =	sadd.s32 $0x700, s1;
	s19 =	sand.u32 $0x1FFFFFF0, s17;
	(v2sf) =	vpush v0, $0xB;
	s20 =	spop (v2sf)  }
0x3ba: {  	s14 =	sadd.s32 s0, s19;
	s7 =	sadd.s32 $0x680, s1;
	s17 =	sand.u32 $0x1FFFFFF0, s20  }
0x3bb: {  	(v2sf) =	vpush v0, $0xC;
	[tilespmem:s15], [sflag:$0x1] =	stream.linear.gather [hbm4b:s14+s2], $0x80, $0x38;
	[tilespmem:$0x10200] =	vst v63  }
0x3bc: {  	s21 =	sand.u32 $0x1FFFFFF0, s22;
	s22 =	spop (v2sf);
	s19 =	sadd.s32 s0, s17  }
0x3bd: {  	(v2sf) =	vpush v0, $0xD;
	[tilespmem:s18], [sflag:$0x1] =	stream.linear.gather [hbm4b:s19+s2], $0x80, $0x38;
	[tilespmem:$0x10200] =	vst v63  }
0x3be: {  	s14 =	sadd.s32 s0, s21;
	s15 =	sand.u32 $0x1FFFFFF0, s22;
	s20 =	spop (v2sf)  }
0x3bf: {  	(v2sf) =	vpush v0, $0xE;
	[tilespmem:s12], [sflag:$0x1] =	stream.linear.gather [hbm4b:s14+s2], $0x80, $0x38;
	[tilespmem:$0x10200] =	vst v63  }
0x3c0: {  	s15 =	sadd.s32 s0, s15;
	s21 =	sand.u32 $0x1FFFFFF0, s20;
	s22 =	spop (v2sf)  }
0x3c1: {  	(v2sf) =	vpush v0, $0xF;
	[tilespmem:s9], [sflag:$0x1] =	stream.linear.gather [hbm4b:s15+s2], $0x80, $0x38;
	[tilespmem:$0x10200] =	vst v63  }
0x3c2: {  	s16 =	spop (v2sf);
	s12 =	sadd.s32 s0, s21;
	s15 =	sand.u32 $0x1FFFFFF0, s22  }
0x3c3: {  	[tilespmem:s13], [sflag:$0x1] =	stream.linear.gather [hbm4b:s12+s2], $0x80, $0x38;
	[tilespmem:$0x10200] =	vst v63  }
0x3c4: {  	s17 =	sand.u32 $0x1FFFFFF0, s16;
	s9 =	sadd.s32 s0, s15;
	s18 =	spop (v2sf)  }
0x3c5: {  	[tilespmem:s8], [sflag:$0x1] =	stream.linear.gather [hbm4b:s9+s2], $0x80, $0x38;
	[tilespmem:$0x10200] =	vst v63  }
0x3c6: {  	s12 =	sadd.s32 s0, s17;
	s19 =	sand.u32 $0x1FFFFFF0, s18;
	s20 =	spop (v2sf)  }
0x3c7: {  	[tilespmem:s10], [sflag:$0x1] =	stream.linear.gather [hbm4b:s12+s2], $0x80, $0x38;
	[tilespmem:$0x10200] =	vst v63  }
0x3c8: {  	s9 =	sand.u32 $0x1FFFFFF0, s20;
	s8 =	sadd.s32 s0, s19;
	s21 =	spop (v2sf)  }
0x3c9: {  	[tilespmem:s7], [sflag:$0x1] =	stream.linear.gather [hbm4b:s8+s2], $0x80, $0x38;
	[tilespmem:$0x10200] =	vst v63  }
0x3ca: {  	s9 =	sadd.s32 s0, s9;
	s22 =	sand.u32 $0x1FFFFFF0, s21;
	s10 =	spop (v2sf)  }
0x3cb: {  	[tilespmem:s11], [sflag:$0x1] =	stream.linear.gather [hbm4b:s9+s2], $0x80, $0x38;
	[tilespmem:$0x10200] =	vst v63  }
0x3cc: {  	s7 =	sadd.s32 s0, s22;
	s8 =	sand.u32 $0x1FFFFFF0, s10;
	s12 =	spop (v2sf)  }
0x3cd: {  	[tilespmem:s6], [sflag:$0x1] =	stream.linear.gather [hbm4b:s7+s2], $0x80, $0x38;
	[tilespmem:$0x10200] =	vst v63  }
0x3ce: {  	s13 =	sand.u32 $0x1FFFFFF0, s12;
	s8 =	sadd.s32 s0, s8;
	s14 =	spop (v2sf)  }
0x3cf: {  	[tilespmem:s4], [sflag:$0x1] =	stream.linear.gather [hbm4b:s8+s2], $0x80, $0x38;
	[tilespmem:$0x10200] =	vst v63  }
0x3d0: {  	s15 =	sand.u32 $0x1FFFFFF0, s14;
	s16 =	spop (v2sf);
	s6 =	sadd.s32 s0, s13  }
0x3d1: {  	[tilespmem:s5], [sflag:$0x1] =	stream.linear.gather [hbm4b:s6+s2], $0x80, $0x38;
	[tilespmem:$0x10200] =	vst v63  }
0x3d2: {  	s18 =	sadd.s32 $0x900, s1;
	s17 =	sand.u32 $0x1FFFFFF0, s16;
	s4 =	sadd.s32 s0, s15  }
0x3d3: {  	[tilespmem:s18], [sflag:$0x1] =	stream.linear.gather [hbm4b:s4+s2], $0x80, $0x38;
	[tilespmem:$0x10200] =	vst v63  }
0x3d4: {  	s19 =	sadd.s32 $0x980, s1;
	s20 =	sadd.s32 s0, s17  }
0x3d5: {  	[tilespmem:s19], [sflag:$0x1] =	stream.linear.gather [hbm4b:s20+s2], $0x80, $0x38;
	[tilespmem:$0x10200] =	vst v63  }
0x3d6: {  	_ =	swait.ge [sflag:s28], $0x8000  }
0x3d7: {  	[sflag:s28] =	ssyncset.done $0x0  }
0x3d8: {  	s1 =	simm.s32 $0x0;
	s21 =	rddreg [dreg:$0x15];
	[sflag:s28] =	ssyncadd.s32 $0xFFFF8000  }
0x3d9: {  	[hbm4b:s21+s1] =	stream.linear.scatter [tilespmem:s29], [sflag:$0x3], $0x8000, $0x38;
	[tilespmem:$0x10200] =	vst v63  }
0x3da: {  	_ =	swait.ge [sflag:s24], $0x8000  }
0x3db: {  	[sflag:s24] =	ssyncset.done $0x0  }
0x3dc: {  	s22 =	sand.u32 $0xF0, s1;
	[sflag:s24] =	ssyncadd.s32 $0xFFFF8000  }
0x3dd: {  	v0 =	vld [tilespmem:s22+$0x100];
	_ =	sdelay $0x4  }
0x3de: {  	v0 =	vshll.u32 v0, $0x4  }
0x3df: {  	(v2sf) =	vpush v0, $0x0  }
0x3e0: {  	(v2sf) =	vpush v0, $0x2  }
0x3e1: {  	(v2sf) =	vpush v0, $0x1;
	_ =	sdelay $0x1  }
0x3e2: {  	(v2sf) =	vpush v0, $0x3  }
0x3e3: {  	(v2sf) =	vpush v0, $0x4;
	_ =	sdelay $0x2  }
0x3e4: {  	s31 =	simm.s32 $0x10;
	s4 =	simm.s32 $0x2000  }
.LBB2_20:
0x3e5: {  	p0 =	sne.s32 s4, $0x1E000;
	(v2sf) =	vpush v0, $0x5;
	s6 =	smov.u32 s4;
	s4 =	sadd.s32 $0x2000, s4  }
0x3e6: {  	s5 =	sshra.s32 s1, $0x2;
	s1 =	smov.u32 s6  }
0x3e7: {  	s13 =	sadd.s32 $0x8280, s5;
	(v2sf) =	vpush v0, $0x6  }
0x3e8: {  	s14 =	sadd.s32 $0x8200, s5  }
0x3e9: {  	s8 =	sadd.s32 $0x8780, s5;
	s7 =	sadd.s32 $0x8800, s5;
	s6 =	sadd.s32 $0x8880, s5;
	(v2sf) =	vpush v0, $0x7  }
0x3ea: {  	s11 =	sadd.s32 $0x8600, s5;
	s10 =	sadd.s32 $0x8680, s5;
	s9 =	sadd.s32 $0x8700, s5  }
0x3eb: {  	s15 =	sadd.s32 $0x8500, s5;
	s12 =	sadd.s32 $0x8580, s5;
	s16 =	spop (v2sf);
	(v2sf) =	vpush v0, $0x8  }
0x3ec: {  	s17 =	sadd.s32 $0x8300, s5;
	s16 =	sand.u32 $0x1FFFFFF0, s16;
	s18 =	spop (v2sf)  }
0x3ed: {  	s19 =	sadd.s32 $0x8480, s5;
	s16 =	sadd.s32 s0, s16;
	s20 =	spop (v2sf);
	(v2sf) =	vpush v0, $0x9  }
0x3ee: {  	[tilespmem:s14], [sflag:$0x2] =	stream.linear.gather [hbm4b:s16+s2], $0x80, $0x38;
	[tilespmem:$0x10200] =	vst v63  }
0x3ef: {  	s14 =	sand.u32 $0x1FFFFFF0, s20;
	s16 =	sand.u32 $0x1FFFFFF0, s18;
	s18 =	spop (v2sf);
	(v2sf) =	vpush v0, $0xA  }
0x3f0: {  	s20 =	sadd.s32 $0x8400, s5;
	s14 =	sadd.s32 s0, s14;
	s21 =	spop (v2sf)  }
0x3f1: {  	[tilespmem:s13], [sflag:$0x2] =	stream.linear.gather [hbm4b:s14+s2], $0x80, $0x38;
	(v2sf) =	vpush v0, $0xB;
	[tilespmem:$0x10200] =	vst v63  }
0x3f2: {  	s13 =	sadd.s32 s0, s16;
	s14 =	sand.u32 $0x1FFFFFF0, s18;
	s16 =	sand.u32 $0x1FFFFFF0, s21  }
0x3f3: {  	[tilespmem:s17], [sflag:$0x2] =	stream.linear.gather [hbm4b:s13+s2], $0x80, $0x38;
	(v2sf) =	vpush v0, $0xC;
	[tilespmem:$0x10200] =	vst v63  }
0x3f4: {  	s14 =	sadd.s32 s0, s14;
	s13 =	sadd.s32 $0x8380, s5;
	s17 =	spop (v2sf)  }
0x3f5: {  	[tilespmem:s13], [sflag:$0x2] =	stream.linear.gather [hbm4b:s14+s2], $0x80, $0x38;
	(v2sf) =	vpush v0, $0xD;
	[tilespmem:$0x10200] =	vst v63  }
0x3f6: {  	s13 =	sadd.s32 s0, s16;
	s14 =	sand.u32 $0x1FFFFFF0, s17;
	s16 =	spop (v2sf)  }
0x3f7: {  	[tilespmem:s20], [sflag:$0x2] =	stream.linear.gather [hbm4b:s13+s2], $0x80, $0x38;
	(v2sf) =	vpush v0, $0xE;
	[tilespmem:$0x10200] =	vst v63  }
0x3f8: {  	s13 =	sadd.s32 s0, s14;
	s14 =	sand.u32 $0x1FFFFFF0, s16;
	s16 =	spop (v2sf)  }
0x3f9: {  	[tilespmem:s19], [sflag:$0x2] =	stream.linear.gather [hbm4b:s13+s2], $0x80, $0x38;
	(v2sf) =	vpush v0, $0xF;
	[tilespmem:$0x10200] =	vst v63  }
0x3fa: {  	s13 =	sadd.s32 s0, s14;
	s14 =	sand.u32 $0x1FFFFFF0, s16;
	s16 =	spop (v2sf)  }
0x3fb: {  	[tilespmem:s15], [sflag:$0x2] =	stream.linear.gather [hbm4b:s13+s2], $0x80, $0x38;
	[tilespmem:$0x10200] =	vst v63  }
0x3fc: {  	s13 =	sadd.s32 s0, s14;
	s14 =	sand.u32 $0x1FFFFFF0, s16;
	s15 =	spop (v2sf)  }
0x3fd: {  	[tilespmem:s12], [sflag:$0x2] =	stream.linear.gather [hbm4b:s13+s2], $0x80, $0x38;
	[tilespmem:$0x10200] =	vst v63  }
0x3fe: {  	s12 =	sadd.s32 s0, s14;
	s13 =	sand.u32 $0x1FFFFFF0, s15;
	s14 =	spop (v2sf)  }
0x3ff: {  	[tilespmem:s11], [sflag:$0x2] =	stream.linear.gather [hbm4b:s12+s2], $0x80, $0x38;
	[tilespmem:$0x10200] =	vst v63  }
0x400: {  	s11 =	sadd.s32 s0, s13;
	s12 =	sand.u32 $0x1FFFFFF0, s14;
	s13 =	spop (v2sf)  }
0x401: {  	[tilespmem:s10], [sflag:$0x2] =	stream.linear.gather [hbm4b:s11+s2], $0x80, $0x38;
	[tilespmem:$0x10200] =	vst v63  }
0x402: {  	s10 =	sadd.s32 s0, s12;
	s11 =	sand.u32 $0x1FFFFFF0, s13;
	s12 =	spop (v2sf)  }
0x403: {  	[tilespmem:s9], [sflag:$0x2] =	stream.linear.gather [hbm4b:s10+s2], $0x80, $0x38;
	[tilespmem:$0x10200] =	vst v63  }
0x404: {  	s9 =	sadd.s32 s0, s11;
	s10 =	sand.u32 $0x1FFFFFF0, s12;
	s11 =	spop (v2sf)  }
0x405: {  	[tilespmem:s8], [sflag:$0x2] =	stream.linear.gather [hbm4b:s9+s2], $0x80, $0x38;
	[tilespmem:$0x10200] =	vst v63  }
0x406: {  	s8 =	sadd.s32 s0, s10;
	s9 =	sand.u32 $0x1FFFFFF0, s11;
	s10 =	spop (v2sf)  }
0x407: {  	[tilespmem:s7], [sflag:$0x2] =	stream.linear.gather [hbm4b:s8+s2], $0x80, $0x38;
	[tilespmem:$0x10200] =	vst v63  }
0x408: {  	s7 =	sadd.s32 s0, s9;
	s8 =	sand.u32 $0x1FFFFFF0, s10;
	s9 =	spop (v2sf)  }
0x409: {  	[tilespmem:s6], [sflag:$0x2] =	stream.linear.gather [hbm4b:s7+s2], $0x80, $0x38;
	[tilespmem:$0x10200] =	vst v63  }
0x40a: {  	s6 =	sadd.s32 $0x8900, s5;
	s7 =	sadd.s32 s0, s8;
	s8 =	sand.u32 $0x1FFFFFF0, s9  }
0x40b: {  	[tilespmem:s6], [sflag:$0x2] =	stream.linear.gather [hbm4b:s7+s2], $0x80, $0x38;
	[tilespmem:$0x10200] =	vst v63  }
0x40c: {  	s5 =	sadd.s32 $0x8980, s5;
	s6 =	sand.u32 $0xF0, s31;
	s7 =	sadd.s32 s0, s8  }
0x40d: {  	[tilespmem:s5], [sflag:$0x2] =	stream.linear.gather [hbm4b:s7+s2], $0x80, $0x38;
	[tilespmem:$0x10200] =	vst v63  }
0x40e: {  	v0 =	vld [tilespmem:s6+$0x100];
	_ =	sdelay $0x4  }
0x40f: {  	v0 =	vshll.u32 v0, $0x4  }
0x410: {  	(v2sf) =	vpush v0, $0x0  }
0x411: {  	(v2sf) =	vpush v0, $0x2  }
0x412: {  	(v2sf) =	vpush v0, $0x1;
	_ =	sdelay $0x1  }
.Ltmp9:
0x413: {  	(v2sf) =	vpush v0, $0x3;
	(pc) =	sbr.rel @p0 .LBB2_20-.Ltmp9, $2  }
0x414: {  	(v2sf) =	vpush v0, $0x4;
	_ =	sdelay $0x2  }
0x415: {  	s31 =	sadd.s32 $0x10, s31  }
0x416: {  	(v2sf) =	vpush v0, $0x5;
	_ =	sdelay $0x1  }
0x417: {  	s1 =	sshra.s32 s1, $0x2;
	(v2sf) =	vpush v0, $0x6  }
0x418: {  	s7 =	sadd.s32 $0x8280, s1;
	s8 =	sadd.s32 $0x8200, s1  }
0x419: {  	s6 =	sadd.s32 $0x8780, s1;
	s5 =	sadd.s32 $0x8800, s1;
	s4 =	sadd.s32 $0x8880, s1;
	(v2sf) =	vpush v0, $0x7  }
0x41a: {  	s9 =	sadd.s32 $0x8600, s1;
	s10 =	sadd.s32 $0x8680, s1;
	s11 =	sadd.s32 $0x8700, s1  }
0x41b: {  	s12 =	sadd.s32 $0x8500, s1;
	s13 =	sadd.s32 $0x8580, s1;
	s14 =	spop (v2sf);
	(v2sf) =	vpush v0, $0x8  }
0x41c: {  	s15 =	sadd.s32 $0x8300, s1;
	s14 =	sand.u32 $0x1FFFFFF0, s14;
	s16 =	spop (v2sf)  }
0x41d: {  	s17 =	sadd.s32 $0x8480, s1;
	s14 =	sadd.s32 s0, s14;
	s18 =	spop (v2sf);
	(v2sf) =	vpush v0, $0x9  }
0x41e: {  	[tilespmem:s8], [sflag:$0x2] =	stream.linear.gather [hbm4b:s14+s2], $0x80, $0x38;
	[tilespmem:$0x10200] =	vst v63  }
0x41f: {  	s21 =	sand.u32 $0x1FFFFFF0, s16;
	s20 =	sand.u32 $0x1FFFFFF0, s18;
	s22 =	spop (v2sf);
	(v2sf) =	vpush v0, $0xA  }
0x420: {  	s16 =	sadd.s32 $0x8380, s1;
	s8 =	sadd.s32 s0, s20;
	s19 =	spop (v2sf)  }
0x421: {  	[tilespmem:s7], [sflag:$0x2] =	stream.linear.gather [hbm4b:s8+s2], $0x80, $0x38;
	(v2sf) =	vpush v0, $0xB;
	[tilespmem:$0x10200] =	vst v63  }
0x422: {  	s18 =	sadd.s32 $0x8400, s1;
	s20 =	sadd.s32 s0, s21;
	s21 =	sand.u32 $0x1FFFFFF0, s22  }
0x423: {  	(v2sf) =	vpush v0, $0xC;
	[tilespmem:s15], [sflag:$0x2] =	stream.linear.gather [hbm4b:s20+s2], $0x80, $0x38;
	[tilespmem:$0x10200] =	vst v63  }
0x424: {  	s22 =	sand.u32 $0x1FFFFFF0, s19;
	s8 =	sadd.s32 s0, s21;
	s19 =	spop (v2sf)  }
0x425: {  	[tilespmem:s16], [sflag:$0x2] =	stream.linear.gather [hbm4b:s8+s2], $0x80, $0x38;
	(v2sf) =	vpush v0, $0xD;
	[tilespmem:$0x10200] =	vst v63  }
0x426: {  	s20 =	sadd.s32 s0, s22;
	s21 =	sand.u32 $0x1FFFFFF0, s19;
	s22 =	spop (v2sf)  }
0x427: {  	(v2sf) =	vpush v0, $0xE;
	[tilespmem:s18], [sflag:$0x2] =	stream.linear.gather [hbm4b:s20+s2], $0x80, $0x38;
	[tilespmem:$0x10200] =	vst v63  }
0x428: {  	s8 =	sadd.s32 s0, s21;
	s15 =	sand.u32 $0x1FFFFFF0, s22;
	s16 =	spop (v2sf)  }
0x429: {  	(v2sf) =	vpush v0, $0xF;
	[tilespmem:s17], [sflag:$0x2] =	stream.linear.gather [hbm4b:s8+s2], $0x80, $0x38;
	[tilespmem:$0x10200] =	vst v63  }
0x42a: {  	s18 =	sand.u32 $0x1FFFFFF0, s16;
	s17 =	sadd.s32 s0, s15;
	s19 =	spop (v2sf)  }
0x42b: {  	[tilespmem:s12], [sflag:$0x2] =	stream.linear.gather [hbm4b:s17+s2], $0x80, $0x38;
	[tilespmem:$0x10200] =	vst v63  }
0x42c: {  	s20 =	sadd.s32 s0, s18;
	s21 =	sand.u32 $0x1FFFFFF0, s19;
	s22 =	spop (v2sf)  }
0x42d: {  	[tilespmem:s13], [sflag:$0x2] =	stream.linear.gather [hbm4b:s20+s2], $0x80, $0x38;
	[tilespmem:$0x10200] =	vst v63  }
0x42e: {  	s14 =	sadd.s32 s0, s21;
	s15 =	sand.u32 $0x1FFFFFF0, s22;
	s16 =	spop (v2sf)  }
0x42f: {  	[tilespmem:s9], [sflag:$0x2] =	stream.linear.gather [hbm4b:s14+s2], $0x80, $0x38;
	[tilespmem:$0x10200] =	vst v63  }
0x430: {  	s17 =	sadd.s32 s0, s15;
	s18 =	sand.u32 $0x1FFFFFF0, s16;
	s19 =	spop (v2sf)  }
0x431: {  	[tilespmem:s10], [sflag:$0x2] =	stream.linear.gather [hbm4b:s17+s2], $0x80, $0x38;
	[tilespmem:$0x10200] =	vst v63  }
0x432: {  	s20 =	sadd.s32 s0, s18;
	s21 =	sand.u32 $0x1FFFFFF0, s19;
	s22 =	spop (v2sf)  }
0x433: {  	[tilespmem:s11], [sflag:$0x2] =	stream.linear.gather [hbm4b:s20+s2], $0x80, $0x38;
	[tilespmem:$0x10200] =	vst v63  }
0x434: {  	s8 =	sadd.s32 s0, s21;
	s9 =	sand.u32 $0x1FFFFFF0, s22;
	s10 =	spop (v2sf)  }
0x435: {  	[tilespmem:s6], [sflag:$0x2] =	stream.linear.gather [hbm4b:s8+s2], $0x80, $0x38;
	[tilespmem:$0x10200] =	vst v63  }
0x436: {  	s11 =	sadd.s32 s0, s9;
	s12 =	sand.u32 $0x1FFFFFF0, s10;
	s13 =	spop (v2sf)  }
0x437: {  	[tilespmem:s5], [sflag:$0x2] =	stream.linear.gather [hbm4b:s11+s2], $0x80, $0x38;
	[tilespmem:$0x10200] =	vst v63  }
0x438: {  	s14 =	sadd.s32 s0, s12;
	s15 =	sand.u32 $0x1FFFFFF0, s13;
	s16 =	spop (v2sf)  }
0x439: {  	[tilespmem:s4], [sflag:$0x2] =	stream.linear.gather [hbm4b:s14+s2], $0x80, $0x38;
	[tilespmem:$0x10200] =	vst v63  }
0x43a: {  	s17 =	sadd.s32 $0x8900, s1;
	s18 =	sadd.s32 s0, s15;
	s19 =	sand.u32 $0x1FFFFFF0, s16  }
0x43b: {  	[tilespmem:s17], [sflag:$0x2] =	stream.linear.gather [hbm4b:s18+s2], $0x80, $0x38;
	[tilespmem:$0x10200] =	vst v63  }
0x43c: {  	s1 =	sadd.s32 $0x8980, s1;
	s20 =	sadd.s32 s0, s19  }
0x43d: {  	[tilespmem:s1], [sflag:$0x2] =	stream.linear.gather [hbm4b:s20+s2], $0x80, $0x38;
	[tilespmem:$0x10200] =	vst v63  }
0x43e: {  	_ =	swait.ge [sflag:s25], $0x8000  }
0x43f: {  	[sflag:s25] =	ssyncset.done $0x0  }
0x440: {  	s31 =	simm.s32 $0x0;
	s21 =	rddreg [dreg:$0x16];
	[sflag:s25] =	ssyncadd.s32 $0xFFFF8000  }
0x441: {  	[hbm4b:s21+s31] =	stream.linear.scatter [tilespmem:s26], [sflag:$0x3], $0x8000, $0x38;
	[tilespmem:$0x10200] =	vst v63  }
0x442: {  	_ =	swait.ge [sflag:s24], $0x8000  }
0x443: {  	[sflag:s24] =	ssyncset.done $0x0  }
0x444: {  	s22 =	rddreg [dreg:$0x17];
	[sflag:s24] =	ssyncadd.s32 $0xFFFF8000  }
0x445: {  	[tilespmem:s31], [sflag:$0x3] =	stream.linear.gather [hbm4b:s22+s31], $0x200, $0x38;
	[tilespmem:$0x10200] =	vst v63  }
0x446: {  	_ =	swait.ge [sflag:s24], $0x200  }
0x447: {  	[sflag:s24] =	ssyncset.done $0x0  }
0x448: {  	[sflag:s24] =	ssyncadd.s32 $0xFFFFFE00  }
0x449: {  	v0 =	vld [tilespmem:s31+$0x0];
	_ =	sdelay $0x4  }
0x44a: {  	v0 =	vshll.u32 v0, $0x4  }
0x44b: {  	(v2sf) =	vpush v0, $0x0  }
0x44c: {  	(v2sf) =	vpush v0, $0x1  }
0x44d: {  	(v2sf) =	vpush v0, $0x2;
	_ =	sdelay $0x1  }
0x44e: {  	(v2sf) =	vpush v0, $0x4;
	_ =	sdelay $0x1  }
0x44f: {  	(v2sf) =	vpush v0, $0x3  }
0x450: {  	(v2sf) =	vpush v0, $0x5  }
0x451: {  	s4 =	simm.s32 $0x2000;
	s1 =	simm.s32 $0x0;
	(v2sf) =	vpush v0, $0x6  }
.LBB2_22:
0x452: {  	p0 =	sne.s32 s4, $0x1E000  }
0x453: {  	s14 =	sadd.s32 $0x280, s1;
	s8 =	sadd.s32 $0x780, s1;
	s5 =	smov.u32 s4  }
0x454: {  	s4 =	sadd.s32 $0x2000, s4;
	s11 =	sadd.s32 $0x580, s1;
	s6 =	sadd.s32 $0x800, s1;
	(v2sf) =	vpush v0, $0x7  }
0x455: {  	s13 =	sadd.s32 $0x480, s1;
	s10 =	sadd.s32 $0x600, s1;
	s7 =	sadd.s32 $0x880, s1  }
0x456: {  	s15 =	sadd.s32 $0x200, s1;
	s16 =	sadd.s32 $0x400, s1;
	(v2sf) =	vpush v0, $0x8  }
0x457: {  	s17 =	sadd.s32 $0x500, s1;
	s31 =	sadd.s32 $0x10, s31  }
0x458: {  	s18 =	sadd.s32 $0x300, s1;
	s9 =	sadd.s32 $0x700, s1;
	s12 =	spop (v2sf);
	(v2sf) =	vpush v0, $0x9  }
0x459: {  	s19 =	sand.u32 $0x1FFFFFF0, s12;
	s12 =	sadd.s32 $0x680, s1;
	s20 =	spop (v2sf)  }
0x45a: {  	s19 =	sadd.s32 s0, s19;
	s20 =	sand.u32 $0x1FFFFFF0, s20;
	s21 =	spop (v2sf);
	(v2sf) =	vpush v0, $0xA  }
0x45b: {  	[tilespmem:s15], [sflag:$0x1] =	stream.linear.gather [hbm4b:s19+s2], $0x80, $0x38;
	[tilespmem:$0x10200] =	vst v63  }
0x45c: {  	s15 =	sadd.s32 s0, s20;
	s19 =	sadd.s32 $0x380, s1;
	s20 =	spop (v2sf);
	(v2sf) =	vpush v0, $0xB  }
0x45d: {  	[tilespmem:s14], [sflag:$0x1] =	stream.linear.gather [hbm4b:s15+s2], $0x80, $0x38;
	[tilespmem:$0x10200] =	vst v63  }
0x45e: {  	s14 =	sand.u32 $0x1FFFFFF0, s21;
	s15 =	sand.u32 $0x1FFFFFF0, s20;
	s20 =	spop (v2sf);
	(v2sf) =	vpush v0, $0xC  }
0x45f: {  	s14 =	sadd.s32 s0, s14;
	s20 =	sand.u32 $0x1FFFFFF0, s20;
	s21 =	spop (v2sf)  }
0x460: {  	[tilespmem:s18], [sflag:$0x1] =	stream.linear.gather [hbm4b:s14+s2], $0x80, $0x38;
	(v2sf) =	vpush v0, $0xD;
	[tilespmem:$0x10200] =	vst v63  }
0x461: {  	s14 =	sadd.s32 s0, s20;
	s18 =	sand.u32 $0x1FFFFFF0, s21;
	s20 =	spop (v2sf)  }
0x462: {  	[tilespmem:s19], [sflag:$0x1] =	stream.linear.gather [hbm4b:s14+s2], $0x80, $0x38;
	(v2sf) =	vpush v0, $0xE;
	[tilespmem:$0x10200] =	vst v63  }
0x463: {  	s14 =	sadd.s32 s0, s15;
	s15 =	sand.u32 $0x1FFFFFF0, s20;
	s19 =	spop (v2sf)  }
0x464: {  	[tilespmem:s16], [sflag:$0x1] =	stream.linear.gather [hbm4b:s14+s2], $0x80, $0x38;
	(v2sf) =	vpush v0, $0xF;
	[tilespmem:$0x10200] =	vst v63  }
0x465: {  	s14 =	sadd.s32 s0, s18;
	s16 =	sand.u32 $0x1FFFFFF0, s19;
	s18 =	spop (v2sf)  }
0x466: {  	[tilespmem:s13], [sflag:$0x1] =	stream.linear.gather [hbm4b:s14+s2], $0x80, $0x38;
	[tilespmem:$0x10200] =	vst v63  }
0x467: {  	s13 =	sadd.s32 s0, s15;
	s14 =	sand.u32 $0x1FFFFFF0, s18;
	s15 =	spop (v2sf)  }
0x468: {  	[tilespmem:s17], [sflag:$0x1] =	stream.linear.gather [hbm4b:s13+s2], $0x80, $0x38;
	[tilespmem:$0x10200] =	vst v63  }
0x469: {  	s13 =	sadd.s32 s0, s16;
	s15 =	sand.u32 $0x1FFFFFF0, s15;
	s16 =	spop (v2sf)  }
0x46a: {  	[tilespmem:s11], [sflag:$0x1] =	stream.linear.gather [hbm4b:s13+s2], $0x80, $0x38;
	[tilespmem:$0x10200] =	vst v63  }
0x46b: {  	s11 =	sadd.s32 s0, s14;
	s13 =	sand.u32 $0x1FFFFFF0, s16;
	s14 =	spop (v2sf)  }
0x46c: {  	[tilespmem:s10], [sflag:$0x1] =	stream.linear.gather [hbm4b:s11+s2], $0x80, $0x38;
	[tilespmem:$0x10200] =	vst v63  }
0x46d: {  	s10 =	sadd.s32 s0, s15;
	s11 =	sand.u32 $0x1FFFFFF0, s14;
	s14 =	spop (v2sf)  }
0x46e: {  	[tilespmem:s12], [sflag:$0x1] =	stream.linear.gather [hbm4b:s10+s2], $0x80, $0x38;
	[tilespmem:$0x10200] =	vst v63  }
0x46f: {  	s10 =	sadd.s32 s0, s13;
	s12 =	sand.u32 $0x1FFFFFF0, s14;
	s13 =	spop (v2sf)  }
0x470: {  	[tilespmem:s9], [sflag:$0x1] =	stream.linear.gather [hbm4b:s10+s2], $0x80, $0x38;
	[tilespmem:$0x10200] =	vst v63  }
0x471: {  	s9 =	sadd.s32 s0, s11;
	s10 =	sand.u32 $0x1FFFFFF0, s13;
	s11 =	spop (v2sf)  }
0x472: {  	[tilespmem:s8], [sflag:$0x1] =	stream.linear.gather [hbm4b:s9+s2], $0x80, $0x38;
	[tilespmem:$0x10200] =	vst v63  }
0x473: {  	s8 =	sadd.s32 s0, s12;
	s9 =	sand.u32 $0x1FFFFFF0, s11;
	s11 =	spop (v2sf)  }
0x474: {  	[tilespmem:s6], [sflag:$0x1] =	stream.linear.gather [hbm4b:s8+s2], $0x80, $0x38;
	[tilespmem:$0x10200] =	vst v63  }
0x475: {  	s6 =	sadd.s32 s0, s10;
	s8 =	sand.u32 $0x1FFFFFF0, s11  }
0x476: {  	[tilespmem:s7], [sflag:$0x1] =	stream.linear.gather [hbm4b:s6+s2], $0x80, $0x38;
	[tilespmem:$0x10200] =	vst v63  }
0x477: {  	s6 =	sadd.s32 $0x900, s1;
	s7 =	sadd.s32 s0, s9  }
0x478: {  	[tilespmem:s6], [sflag:$0x1] =	stream.linear.gather [hbm4b:s7+s2], $0x80, $0x38;
	[tilespmem:$0x10200] =	vst v63  }
0x479: {  	s1 =	sadd.s32 $0x980, s1;
	s6 =	sadd.s32 s0, s8  }
0x47a: {  	[tilespmem:s1], [sflag:$0x1] =	stream.linear.gather [hbm4b:s6+s2], $0x80, $0x38;
	[tilespmem:$0x10200] =	vst v63  }
0x47b: {  	v0 =	vld [tilespmem:s31+$0x0];
	_ =	sdelay $0x4  }
0x47c: {  	v0 =	vshll.u32 v0, $0x4  }
0x47d: {  	(v2sf) =	vpush v0, $0x0  }
0x47e: {  	(v2sf) =	vpush v0, $0x1  }
0x47f: {  	(v2sf) =	vpush v0, $0x2;
	_ =	sdelay $0x1  }
0x480: {  	(v2sf) =	vpush v0, $0x4  }
.Ltmp10:
0x481: {  	(pc) =	sbr.rel @p0 .LBB2_22-.Ltmp10, $3  }
0x482: {  	(v2sf) =	vpush v0, $0x3  }
0x483: {  	(v2sf) =	vpush v0, $0x5;
	_ =	sdelay $0x1  }
0x484: {  	s1 =	sshra.s32 s5, $0x2;
	(v2sf) =	vpush v0, $0x6  }
0x485: {  	_ =	sdelay $0x1  }
0x486: {  	s7 =	sadd.s32 $0x280, s1;
	s6 =	sadd.s32 $0x780, s1  }
0x487: {  	s8 =	sadd.s32 $0x580, s1;
	s4 =	sadd.s32 $0x800, s1;
	(v2sf) =	vpush v0, $0x7;
	s9 =	sadd.s32 $0x480, s1  }
0x488: {  	s10 =	sadd.s32 $0x600, s1;
	s5 =	sadd.s32 $0x880, s1;
	s11 =	sadd.s32 $0x200, s1  }
0x489: {  	s12 =	sadd.s32 $0x400, s1;
	s13 =	sadd.s32 $0x500, s1;
	(v2sf) =	vpush v0, $0x8;
	s14 =	spop (v2sf)  }
0x48a: {  	s15 =	sadd.s32 $0x300, s1;
	s14 =	sand.u32 $0x1FFFFFF0, s14;
	s16 =	spop (v2sf)  }
0x48b: {  	(v2sf) =	vpush v0, $0x9;
	s14 =	sadd.s32 s0, s14;
	s16 =	sand.u32 $0x1FFFFFF0, s16;
	s17 =	spop (v2sf)  }
0x48c: {  	[tilespmem:s11], [sflag:$0x1] =	stream.linear.gather [hbm4b:s14+s2], $0x80, $0x38;
	[tilespmem:$0x10200] =	vst v63  }
0x48d: {  	s18 =	sadd.s32 $0x380, s1;
	(v2sf) =	vpush v0, $0xA;
	s21 =	sadd.s32 s0, s16;
	s22 =	spop (v2sf)  }
0x48e: {  	[tilespmem:s7], [sflag:$0x1] =	stream.linear.gather [hbm4b:s21+s2], $0x80, $0x38;
	[tilespmem:$0x10200] =	vst v63  }
0x48f: {  	s11 =	sadd.s32 $0x700, s1;
	s19 =	sand.u32 $0x1FFFFFF0, s17;
	(v2sf) =	vpush v0, $0xB;
	s20 =	spop (v2sf)  }
0x490: {  	s14 =	sadd.s32 s0, s19;
	s7 =	sadd.s32 $0x680, s1;
	s17 =	sand.u32 $0x1FFFFFF0, s20  }
0x491: {  	(v2sf) =	vpush v0, $0xC;
	[tilespmem:s15], [sflag:$0x1] =	stream.linear.gather [hbm4b:s14+s2], $0x80, $0x38;
	[tilespmem:$0x10200] =	vst v63  }
0x492: {  	s21 =	sand.u32 $0x1FFFFFF0, s22;
	s22 =	spop (v2sf);
	s19 =	sadd.s32 s0, s17  }
0x493: {  	(v2sf) =	vpush v0, $0xD;
	[tilespmem:s18], [sflag:$0x1] =	stream.linear.gather [hbm4b:s19+s2], $0x80, $0x38;
	[tilespmem:$0x10200] =	vst v63  }
0x494: {  	s14 =	sadd.s32 s0, s21;
	s15 =	sand.u32 $0x1FFFFFF0, s22;
	s20 =	spop (v2sf)  }
0x495: {  	(v2sf) =	vpush v0, $0xE;
	[tilespmem:s12], [sflag:$0x1] =	stream.linear.gather [hbm4b:s14+s2], $0x80, $0x38;
	[tilespmem:$0x10200] =	vst v63  }
0x496: {  	s15 =	sadd.s32 s0, s15;
	s21 =	sand.u32 $0x1FFFFFF0, s20;
	s22 =	spop (v2sf)  }
0x497: {  	(v2sf) =	vpush v0, $0xF;
	[tilespmem:s9], [sflag:$0x1] =	stream.linear.gather [hbm4b:s15+s2], $0x80, $0x38;
	[tilespmem:$0x10200] =	vst v63  }
0x498: {  	s16 =	spop (v2sf);
	s12 =	sadd.s32 s0, s21;
	s15 =	sand.u32 $0x1FFFFFF0, s22  }
0x499: {  	[tilespmem:s13], [sflag:$0x1] =	stream.linear.gather [hbm4b:s12+s2], $0x80, $0x38;
	[tilespmem:$0x10200] =	vst v63  }
0x49a: {  	s17 =	sand.u32 $0x1FFFFFF0, s16;
	s9 =	sadd.s32 s0, s15;
	s18 =	spop (v2sf)  }
0x49b: {  	[tilespmem:s8], [sflag:$0x1] =	stream.linear.gather [hbm4b:s9+s2], $0x80, $0x38;
	[tilespmem:$0x10200] =	vst v63  }
0x49c: {  	s12 =	sadd.s32 s0, s17;
	s19 =	sand.u32 $0x1FFFFFF0, s18;
	s20 =	spop (v2sf)  }
0x49d: {  	[tilespmem:s10], [sflag:$0x1] =	stream.linear.gather [hbm4b:s12+s2], $0x80, $0x38;
	[tilespmem:$0x10200] =	vst v63  }
0x49e: {  	s9 =	sand.u32 $0x1FFFFFF0, s20;
	s8 =	sadd.s32 s0, s19;
	s21 =	spop (v2sf)  }
0x49f: {  	[tilespmem:s7], [sflag:$0x1] =	stream.linear.gather [hbm4b:s8+s2], $0x80, $0x38;
	[tilespmem:$0x10200] =	vst v63  }
0x4a0: {  	s9 =	sadd.s32 s0, s9;
	s22 =	sand.u32 $0x1FFFFFF0, s21;
	s10 =	spop (v2sf)  }
0x4a1: {  	[tilespmem:s11], [sflag:$0x1] =	stream.linear.gather [hbm4b:s9+s2], $0x80, $0x38;
	[tilespmem:$0x10200] =	vst v63  }
0x4a2: {  	s7 =	sadd.s32 s0, s22;
	s8 =	sand.u32 $0x1FFFFFF0, s10;
	s12 =	spop (v2sf)  }
0x4a3: {  	[tilespmem:s6], [sflag:$0x1] =	stream.linear.gather [hbm4b:s7+s2], $0x80, $0x38;
	[tilespmem:$0x10200] =	vst v63  }
0x4a4: {  	s13 =	sand.u32 $0x1FFFFFF0, s12;
	s8 =	sadd.s32 s0, s8;
	s14 =	spop (v2sf)  }
0x4a5: {  	[tilespmem:s4], [sflag:$0x1] =	stream.linear.gather [hbm4b:s8+s2], $0x80, $0x38;
	[tilespmem:$0x10200] =	vst v63  }
0x4a6: {  	s15 =	sand.u32 $0x1FFFFFF0, s14;
	s16 =	spop (v2sf);
	s6 =	sadd.s32 s0, s13  }
0x4a7: {  	[tilespmem:s5], [sflag:$0x1] =	stream.linear.gather [hbm4b:s6+s2], $0x80, $0x38;
	[tilespmem:$0x10200] =	vst v63  }
0x4a8: {  	s18 =	sadd.s32 $0x900, s1;
	s17 =	sand.u32 $0x1FFFFFF0, s16;
	s4 =	sadd.s32 s0, s15  }
0x4a9: {  	[tilespmem:s18], [sflag:$0x1] =	stream.linear.gather [hbm4b:s4+s2], $0x80, $0x38;
	[tilespmem:$0x10200] =	vst v63  }
0x4aa: {  	s19 =	sadd.s32 $0x980, s1;
	s20 =	sadd.s32 s0, s17  }
0x4ab: {  	[tilespmem:s19], [sflag:$0x1] =	stream.linear.gather [hbm4b:s20+s2], $0x80, $0x38;
	[tilespmem:$0x10200] =	vst v63  }
0x4ac: {  	_ =	swait.ge [sflag:s28], $0x8000  }
0x4ad: {  	[sflag:s28] =	ssyncset.done $0x0  }
0x4ae: {  	s1 =	simm.s32 $0x0;
	s21 =	rddreg [dreg:$0x18];
	[sflag:s28] =	ssyncadd.s32 $0xFFFF8000  }
0x4af: {  	[hbm4b:s21+s1] =	stream.linear.scatter [tilespmem:s29], [sflag:$0x3], $0x8000, $0x38;
	[tilespmem:$0x10200] =	vst v63  }
0x4b0: {  	_ =	swait.ge [sflag:s24], $0x8000  }
0x4b1: {  	[sflag:s24] =	ssyncset.done $0x0  }
0x4b2: {  	s22 =	sand.u32 $0xF0, s1;
	[sflag:s24] =	ssyncadd.s32 $0xFFFF8000  }
0x4b3: {  	v0 =	vld [tilespmem:s22+$0x100];
	_ =	sdelay $0x4  }
0x4b4: {  	v0 =	vshll.u32 v0, $0x4  }
0x4b5: {  	(v2sf) =	vpush v0, $0x0  }
0x4b6: {  	(v2sf) =	vpush v0, $0x2  }
0x4b7: {  	(v2sf) =	vpush v0, $0x1;
	_ =	sdelay $0x1  }
0x4b8: {  	(v2sf) =	vpush v0, $0x3  }
0x4b9: {  	(v2sf) =	vpush v0, $0x4;
	_ =	sdelay $0x2  }
0x4ba: {  	s31 =	simm.s32 $0x10;
	s4 =	simm.s32 $0x2000  }
.LBB2_24:
0x4bb: {  	p0 =	sne.s32 s4, $0x1E000;
	(v2sf) =	vpush v0, $0x5;
	s6 =	smov.u32 s4;
	s4 =	sadd.s32 $0x2000, s4  }
0x4bc: {  	s5 =	sshra.s32 s1, $0x2;
	s1 =	smov.u32 s6  }
0x4bd: {  	s13 =	sadd.s32 $0x8280, s5;
	(v2sf) =	vpush v0, $0x6  }
0x4be: {  	s14 =	sadd.s32 $0x8200, s5  }
0x4bf: {  	s8 =	sadd.s32 $0x8780, s5;
	s7 =	sadd.s32 $0x8800, s5;
	s6 =	sadd.s32 $0x8880, s5;
	(v2sf) =	vpush v0, $0x7  }
0x4c0: {  	s11 =	sadd.s32 $0x8600, s5;
	s10 =	sadd.s32 $0x8680, s5;
	s9 =	sadd.s32 $0x8700, s5  }
0x4c1: {  	s15 =	sadd.s32 $0x8500, s5;
	s12 =	sadd.s32 $0x8580, s5;
	s16 =	spop (v2sf);
	(v2sf) =	vpush v0, $0x8  }
0x4c2: {  	s17 =	sadd.s32 $0x8300, s5;
	s16 =	sand.u32 $0x1FFFFFF0, s16;
	s18 =	spop (v2sf)  }
0x4c3: {  	s19 =	sadd.s32 $0x8480, s5;
	s16 =	sadd.s32 s0, s16;
	s20 =	spop (v2sf);
	(v2sf) =	vpush v0, $0x9  }
0x4c4: {  	[tilespmem:s14], [sflag:$0x2] =	stream.linear.gather [hbm4b:s16+s2], $0x80, $0x38;
	[tilespmem:$0x10200] =	vst v63  }
0x4c5: {  	s14 =	sand.u32 $0x1FFFFFF0, s20;
	s16 =	sand.u32 $0x1FFFFFF0, s18;
	s18 =	spop (v2sf);
	(v2sf) =	vpush v0, $0xA  }
0x4c6: {  	s20 =	sadd.s32 $0x8400, s5;
	s14 =	sadd.s32 s0, s14;
	s21 =	spop (v2sf)  }
0x4c7: {  	[tilespmem:s13], [sflag:$0x2] =	stream.linear.gather [hbm4b:s14+s2], $0x80, $0x38;
	(v2sf) =	vpush v0, $0xB;
	[tilespmem:$0x10200] =	vst v63  }
0x4c8: {  	s13 =	sadd.s32 s0, s16;
	s14 =	sand.u32 $0x1FFFFFF0, s18;
	s16 =	sand.u32 $0x1FFFFFF0, s21  }
0x4c9: {  	[tilespmem:s17], [sflag:$0x2] =	stream.linear.gather [hbm4b:s13+s2], $0x80, $0x38;
	(v2sf) =	vpush v0, $0xC;
	[tilespmem:$0x10200] =	vst v63  }
0x4ca: {  	s14 =	sadd.s32 s0, s14;
	s13 =	sadd.s32 $0x8380, s5;
	s17 =	spop (v2sf)  }
0x4cb: {  	[tilespmem:s13], [sflag:$0x2] =	stream.linear.gather [hbm4b:s14+s2], $0x80, $0x38;
	(v2sf) =	vpush v0, $0xD;
	[tilespmem:$0x10200] =	vst v63  }
0x4cc: {  	s13 =	sadd.s32 s0, s16;
	s14 =	sand.u32 $0x1FFFFFF0, s17;
	s16 =	spop (v2sf)  }
0x4cd: {  	[tilespmem:s20], [sflag:$0x2] =	stream.linear.gather [hbm4b:s13+s2], $0x80, $0x38;
	(v2sf) =	vpush v0, $0xE;
	[tilespmem:$0x10200] =	vst v63  }
0x4ce: {  	s13 =	sadd.s32 s0, s14;
	s14 =	sand.u32 $0x1FFFFFF0, s16;
	s16 =	spop (v2sf)  }
0x4cf: {  	[tilespmem:s19], [sflag:$0x2] =	stream.linear.gather [hbm4b:s13+s2], $0x80, $0x38;
	(v2sf) =	vpush v0, $0xF;
	[tilespmem:$0x10200] =	vst v63  }
0x4d0: {  	s13 =	sadd.s32 s0, s14;
	s14 =	sand.u32 $0x1FFFFFF0, s16;
	s16 =	spop (v2sf)  }
0x4d1: {  	[tilespmem:s15], [sflag:$0x2] =	stream.linear.gather [hbm4b:s13+s2], $0x80, $0x38;
	[tilespmem:$0x10200] =	vst v63  }
0x4d2: {  	s13 =	sadd.s32 s0, s14;
	s14 =	sand.u32 $0x1FFFFFF0, s16;
	s15 =	spop (v2sf)  }
0x4d3: {  	[tilespmem:s12], [sflag:$0x2] =	stream.linear.gather [hbm4b:s13+s2], $0x80, $0x38;
	[tilespmem:$0x10200] =	vst v63  }
0x4d4: {  	s12 =	sadd.s32 s0, s14;
	s13 =	sand.u32 $0x1FFFFFF0, s15;
	s14 =	spop (v2sf)  }
0x4d5: {  	[tilespmem:s11], [sflag:$0x2] =	stream.linear.gather [hbm4b:s12+s2], $0x80, $0x38;
	[tilespmem:$0x10200] =	vst v63  }
0x4d6: {  	s11 =	sadd.s32 s0, s13;
	s12 =	sand.u32 $0x1FFFFFF0, s14;
	s13 =	spop (v2sf)  }
0x4d7: {  	[tilespmem:s10], [sflag:$0x2] =	stream.linear.gather [hbm4b:s11+s2], $0x80, $0x38;
	[tilespmem:$0x10200] =	vst v63  }
0x4d8: {  	s10 =	sadd.s32 s0, s12;
	s11 =	sand.u32 $0x1FFFFFF0, s13;
	s12 =	spop (v2sf)  }
0x4d9: {  	[tilespmem:s9], [sflag:$0x2] =	stream.linear.gather [hbm4b:s10+s2], $0x80, $0x38;
	[tilespmem:$0x10200] =	vst v63  }
0x4da: {  	s9 =	sadd.s32 s0, s11;
	s10 =	sand.u32 $0x1FFFFFF0, s12;
	s11 =	spop (v2sf)  }
0x4db: {  	[tilespmem:s8], [sflag:$0x2] =	stream.linear.gather [hbm4b:s9+s2], $0x80, $0x38;
	[tilespmem:$0x10200] =	vst v63  }
0x4dc: {  	s8 =	sadd.s32 s0, s10;
	s9 =	sand.u32 $0x1FFFFFF0, s11;
	s10 =	spop (v2sf)  }
0x4dd: {  	[tilespmem:s7], [sflag:$0x2] =	stream.linear.gather [hbm4b:s8+s2], $0x80, $0x38;
	[tilespmem:$0x10200] =	vst v63  }
0x4de: {  	s7 =	sadd.s32 s0, s9;
	s8 =	sand.u32 $0x1FFFFFF0, s10;
	s9 =	spop (v2sf)  }
0x4df: {  	[tilespmem:s6], [sflag:$0x2] =	stream.linear.gather [hbm4b:s7+s2], $0x80, $0x38;
	[tilespmem:$0x10200] =	vst v63  }
0x4e0: {  	s6 =	sadd.s32 $0x8900, s5;
	s7 =	sadd.s32 s0, s8;
	s8 =	sand.u32 $0x1FFFFFF0, s9  }
0x4e1: {  	[tilespmem:s6], [sflag:$0x2] =	stream.linear.gather [hbm4b:s7+s2], $0x80, $0x38;
	[tilespmem:$0x10200] =	vst v63  }
0x4e2: {  	s5 =	sadd.s32 $0x8980, s5;
	s6 =	sand.u32 $0xF0, s31;
	s7 =	sadd.s32 s0, s8  }
0x4e3: {  	[tilespmem:s5], [sflag:$0x2] =	stream.linear.gather [hbm4b:s7+s2], $0x80, $0x38;
	[tilespmem:$0x10200] =	vst v63  }
0x4e4: {  	v0 =	vld [tilespmem:s6+$0x100];
	_ =	sdelay $0x4  }
0x4e5: {  	v0 =	vshll.u32 v0, $0x4  }
0x4e6: {  	(v2sf) =	vpush v0, $0x0  }
0x4e7: {  	(v2sf) =	vpush v0, $0x2  }
0x4e8: {  	(v2sf) =	vpush v0, $0x1;
	_ =	sdelay $0x1  }
.Ltmp11:
0x4e9: {  	(v2sf) =	vpush v0, $0x3;
	(pc) =	sbr.rel @p0 .LBB2_24-.Ltmp11, $2  }
0x4ea: {  	(v2sf) =	vpush v0, $0x4;
	_ =	sdelay $0x2  }
0x4eb: {  	s31 =	sadd.s32 $0x10, s31  }
0x4ec: {  	_ =	sdelay $0x5  }
0x4ed: {  	s4 =	spop (v2sf)  }
0x4ee: {  	s6 =	spop (v2sf);
	(v2sf) =	vpush v0, $0x5;
	_ =	sdelay $0x1  }
0x4ef: {  	s12 =	spop (v2sf);
	(v2sf) =	vpush v0, $0x6;
	_ =	sdelay $0x2  }
0x4f0: {  	s16 =	spop (v2sf);
	(v2sf) =	vpush v0, $0x7  }
0x4f1: {  	s1 =	sshra.s32 s1, $0x2;
	s4 =	sand.u32 $0x1FFFFFF0, s4  }
0x4f2: {  	s5 =	sadd.s32 $0x8200, s1;
	s4 =	sadd.s32 s0, s4  }
0x4f3: {  	[tilespmem:s5], [sflag:$0x2] =	stream.linear.gather [hbm4b:s4+s2], $0x80, $0x38;
	[tilespmem:$0x10200] =	vst v63  }
0x4f4: {  	s4 =	sand.u32 $0x1FFFFFF0, s12;
	s18 =	spop (v2sf);
	(v2sf) =	vpush v0, $0x8  }
0x4f5: {  	s13 =	sadd.s32 $0x8280, s1;
	s14 =	sand.u32 $0x1FFFFFF0, s6;
	s4 =	sadd.s32 s0, s4  }
0x4f6: {  	[tilespmem:s13], [sflag:$0x2] =	stream.linear.gather [hbm4b:s4+s2], $0x80, $0x38;
	[tilespmem:$0x10200] =	vst v63  }
0x4f7: {  	s15 =	sadd.s32 $0x8300, s1;
	s4 =	sadd.s32 s0, s14  }
0x4f8: {  	[tilespmem:s15], [sflag:$0x2] =	stream.linear.gather [hbm4b:s4+s2], $0x80, $0x38;
	[tilespmem:$0x10200] =	vst v63  }
0x4f9: {  	s4 =	sand.u32 $0x1FFFFFF0, s16  }
0x4fa: {  	s17 =	sadd.s32 $0x8380, s1;
	s4 =	sadd.s32 s0, s4;
	s20 =	spop (v2sf);
	(v2sf) =	vpush v0, $0x9  }
0x4fb: {  	[tilespmem:s17], [sflag:$0x2] =	stream.linear.gather [hbm4b:s4+s2], $0x80, $0x38;
	[tilespmem:$0x10200] =	vst v63  }
0x4fc: {  	s4 =	sand.u32 $0x1FFFFFF0, s18;
	s22 =	spop (v2sf);
	(v2sf) =	vpush v0, $0xA  }
0x4fd: {  	s19 =	sadd.s32 $0x8400, s1;
	s4 =	sadd.s32 s0, s4  }
0x4fe: {  	[tilespmem:s19], [sflag:$0x2] =	stream.linear.gather [hbm4b:s4+s2], $0x80, $0x38;
	[tilespmem:$0x10200] =	vst v63  }
0x4ff: {  	s4 =	sand.u32 $0x1FFFFFF0, s20;
	s5 =	spop (v2sf);
	(v2sf) =	vpush v0, $0xB  }
0x500: {  	s21 =	sadd.s32 $0x8480, s1;
	s4 =	sadd.s32 s0, s4  }
0x501: {  	[tilespmem:s21], [sflag:$0x2] =	stream.linear.gather [hbm4b:s4+s2], $0x80, $0x38;
	[tilespmem:$0x10200] =	vst v63  }
0x502: {  	s4 =	sand.u32 $0x1FFFFFF0, s22  }
0x503: {  	s31 =	sadd.s32 $0x8500, s1;
	s4 =	sadd.s32 s0, s4;
	s7 =	spop (v2sf)  }
0x504: {  	(v2sf) =	vpush v0, $0xC;
	[tilespmem:s31], [sflag:$0x2] =	stream.linear.gather [hbm4b:s4+s2], $0x80, $0x38;
	[tilespmem:$0x10200] =	vst v63  }
0x505: {  	s4 =	sand.u32 $0x1FFFFFF0, s5  }
0x506: {  	s6 =	sadd.s32 $0x8580, s1;
	s4 =	sadd.s32 s0, s4  }
0x507: {  	[tilespmem:s6], [sflag:$0x2] =	stream.linear.gather [hbm4b:s4+s2], $0x80, $0x38;
	[tilespmem:$0x10200] =	vst v63  }
0x508: {  	s4 =	sand.u32 $0x1FFFFFF0, s7  }
0x509: {  	s8 =	sadd.s32 $0x8600, s1;
	s4 =	sadd.s32 s0, s4;
	s9 =	spop (v2sf);
	(v2sf) =	vpush v0, $0xD  }
0x50a: {  	[tilespmem:s8], [sflag:$0x2] =	stream.linear.gather [hbm4b:s4+s2], $0x80, $0x38;
	[tilespmem:$0x10200] =	vst v63  }
0x50b: {  	s4 =	sand.u32 $0x1FFFFFF0, s9;
	s11 =	spop (v2sf);
	(v2sf) =	vpush v0, $0xE  }
0x50c: {  	s10 =	sadd.s32 $0x8680, s1;
	s4 =	sadd.s32 s0, s4  }
0x50d: {  	[tilespmem:s10], [sflag:$0x2] =	stream.linear.gather [hbm4b:s4+s2], $0x80, $0x38;
	[tilespmem:$0x10200] =	vst v63  }
0x50e: {  	s13 =	spop (v2sf);
	(v2sf) =	vpush v0, $0xF  }
0x50f: {  	s4 =	sand.u32 $0x1FFFFFF0, s11  }
0x510: {  	s12 =	sadd.s32 $0x8700, s1;
	s4 =	sadd.s32 s0, s4  }
0x511: {  	[tilespmem:s12], [sflag:$0x2] =	stream.linear.gather [hbm4b:s4+s2], $0x80, $0x38;
	[tilespmem:$0x10200] =	vst v63  }
0x512: {  	s4 =	sand.u32 $0x1FFFFFF0, s13  }
0x513: {  	s14 =	sadd.s32 $0x8780, s1;
	s15 =	spop (v2sf);
	s4 =	sadd.s32 s0, s4  }
0x514: {  	[tilespmem:s14], [sflag:$0x2] =	stream.linear.gather [hbm4b:s4+s2], $0x80, $0x38;
	[tilespmem:$0x10200] =	vst v63  }
0x515: {  	s4 =	sand.u32 $0x1FFFFFF0, s15  }
0x516: {  	s16 =	sadd.s32 $0x8800, s1;
	s4 =	sadd.s32 s0, s4  }
0x517: {  	[tilespmem:s16], [sflag:$0x2] =	stream.linear.gather [hbm4b:s4+s2], $0x80, $0x38;
	[tilespmem:$0x10200] =	vst v63  }
0x518: {  	s17 =	spop (v2sf)  }
0x519: {  	s4 =	sand.u32 $0x1FFFFFF0, s17  }
0x51a: {  	s18 =	sadd.s32 $0x8880, s1;
	s19 =	spop (v2sf);
	s4 =	sadd.s32 s0, s4  }
0x51b: {  	[tilespmem:s18], [sflag:$0x2] =	stream.linear.gather [hbm4b:s4+s2], $0x80, $0x38;
	[tilespmem:$0x10200] =	vst v63  }
0x51c: {  	s4 =	sand.u32 $0x1FFFFFF0, s19  }
0x51d: {  	s20 =	sadd.s32 $0x8900, s1;
	s21 =	spop (v2sf);
	s4 =	sadd.s32 s0, s4  }
0x51e: {  	[tilespmem:s20], [sflag:$0x2] =	stream.linear.gather [hbm4b:s4+s2], $0x80, $0x38;
	[tilespmem:$0x10200] =	vst v63  }
0x51f: {  	s4 =	sand.u32 $0x1FFFFFF0, s21  }
0x520: {  	s1 =	sadd.s32 $0x8980, s1;
	s4 =	sadd.s32 s0, s4  }
0x521: {  	[tilespmem:s1], [sflag:$0x2] =	stream.linear.gather [hbm4b:s4+s2], $0x80, $0x38;
	[tilespmem:$0x10200] =	vst v63  }
0x522: {  	_ =	swait.ge [sflag:s25], $0x8000  }
0x523: {  	[sflag:s25] =	ssyncset.done $0x0  }
0x524: {  	s22 =	rddreg [dreg:$0x19];
	[sflag:s25] =	ssyncadd.s32 $0xFFFF8000  }
0x525: {  	[hbm4b:s22+s2] =	stream.linear.scatter [tilespmem:s26], [sflag:$0x3], $0x8000, $0x38;
	[tilespmem:$0x10200] =	vst v63  }
0x526: {  	_ =	swait.ge [sflag:s24], $0x8000  }
0x527: {  	[sflag:s24] =	ssyncset.done $0x0  }
0x528: {  	[sflag:s24] =	ssyncadd.s32 $0xFFFF8000  }
0x529: {  	s30 =	sadd.s32 $0x1, s30;
	_ =	swait.ge [sflag:s28], $0x8000  }
0x52a: {  	p0 =	sne.s32 s30, s23;
	[sflag:s28] =	ssyncset.done $0x0  }
.Ltmp12:
0x52b: {  	s31 =	rddreg [dreg:$0x1a];
	[sflag:s28] =	ssyncadd.s32 $0xFFFF8000;
	(pc) =	sbr.rel @p0 .LBB2_1-.Ltmp12, $4  }
0x52c: {  	[hbm4b:s31+s2] =	stream.linear.scatter [tilespmem:s29], [sflag:$0x3], $0x8000, $0x38;
	[tilespmem:$0x10200] =	vst v63  }
0x52d: {  	_ =	swait.ge [sflag:s24], $0x8000  }
0x52e: {  	[sflag:s24] =	ssyncset.done $0x0  }
0x52f: {  	[sflag:s24] =	ssyncadd.s32 $0xFFFF8000  }
0x530: {  	_ =	sfence.sel $0x180000  }
0x531: {  	[bflag:$0x0] =	sbarrier.arrive $0xFFFF  }
0x532: {  	_ =	strace $0x90000047  }
0x533: {  	s0 =	stileid.u32;
	[bflag:$0x2] =	sbarrier.arrive $0xFFFF  }
0x534: {  	p0 =	sne.s32 s0, $0x0;
	s0 =	rddreg [dreg:$0x8]  }
0x535: {  	s0 =	sadd.s32 @!p0 $0x100000, s0  }
0x536: {  	[sflag:s0] =	ssyncadd.tile.s32 @!p0 $0x1;
	_ =	shalt  }
.Lfunc_end2:
_tile_overlayer_lowered:
.L_overlay_start_2:
0x537: {  	(tag) =	ssettag $0x2  }
0x538: {  	s0 =	rddreg [dreg:$0x0];
	s2 =	stileid.u32  }
0x539: {  	s1 =	rddreg [dreg:$0x1];
	p0 =	sne.s32 s2, $0x0  }
0x53a: {  	s3 =	rddreg [dreg:$0x2];
	[bflag:$0x3] =	sbarrier.arrive $0xFFFF;
	s2 =	simm.s32 @!p0 $0x1C03  }
0x53b: {  	[timem:s3], [sflag:s2] =	dma.local @!p0 [hbm:s0], s1  }
0x53c: {  	s0 =	simm.s32 @!p0 $0x3  }
0x53d: {  	_ =	swait.ge @!p0 [sflag:s0], s1  }
0x53e: {  	s1 =	ssub.s32 @!p0 $0x0, s1;
	[sflag:s0] =	ssyncset.done @!p0 $0x0  }
0x53f: {  	[sflag:s0] =	ssyncadd.s32 @!p0 s1  }
0x540: {  	[bflag:$0x3] =	sbarrier.arrive $0xFFFF  }
0x541: {  	_ =	shalt  }

</sc_bundles>
